<compile_context>
chip_gen: v7x
topology: tpu7x:2x2x1
jax: 0.10.2.dev20260603
libtpu: 0.0.44.dev20260713+nightly
codegen_flags: <defaults>
</compile_context>

<pallas_src>
import jax
import jax.numpy as jnp
import numpy as np
from jax import lax
from jax.experimental import pallas as pl
from jax.experimental.pallas import tpu as pltpu
from jax.experimental.pallas import tpu_sc as plsc

_TOPK = 64
_N = 32768
_ROWS = 16 * 16 * 4
_L = 16
_NVEC = _N // _L
_NW = 32
_ROWS_PER_W = _ROWS // _NW
_NBKT = 256
_INT_MIN = np.int32(-(2 ** 31))


def _srl(x, k):
    return lax.shift_right_logical(x, jnp.full_like(x, k))


def _ukey(v):
    b = plsc.bitcast(v, jnp.int32)
    return b ^ (lax.shift_right_arithmetic(b, jnp.full_like(b, 31))
                | _INT_MIN)


def _skey(v):
    b = plsc.bitcast(v, jnp.int32)
    return b ^ (lax.shift_right_arithmetic(b, jnp.full_like(b, 31))
                & np.int32(0x7FFFFFFF))


def _body(x_hbm, out_hbm, rowa_v, rowb_v, ca_v, hist_v, sfx_v,
          sema, semb, semo):
    nc = 2
    wid = lax.axis_index("s") * nc + lax.axis_index("c")
    lanes = lax.iota(jnp.int32, _L)
    ones = jnp.ones((_L,), jnp.int32)
    zeros_i = jnp.zeros((_L,), jnp.int32)

    def io_slice(ref, row):
        return ref.at[row >> 6, (row >> 2) & 15, row & 3]

    def scan_bucket(r, beta):
        @plsc.parallel_loop(0, _NBKT, unroll=4, carry=zeros_i)
        def _cum(j, acc):
            b = beta(j)
            acc = acc + hist_v[pl.ds(b * _L, _L)]
            hist_v[pl.ds(b * _L, _L)] = zeros_i
            sfx_v[pl.ds(j * _L, _L)] = acc
            return acc

        def cum_at(o):
            return jnp.sum(sfx_v[pl.ds(o * _L, _L)])

        idx = jnp.int32(0)
        for step in (128, 64, 32, 16, 8, 4, 2, 1):
            t = idx + jnp.int32(step)
            idx = jnp.where(cum_at(t - 1) < r, t, idx)
        above = jnp.where(idx > 0, cum_at(jnp.maximum(idx - 1, 0)), 0)
        return idx, r - above

    def beta_raw(j):
        return jnp.where(j < 128, 127 - j, j)

    def beta_key(j):
        return _NBKT - 1 - j

    def process_row(li, row, buf, nbuf, sem_cur, sem_nxt):
        @pl.when(li + 1 < _ROWS_PER_W)
        def _():
            pltpu.async_copy(io_slice(x_hbm, row + 1), nbuf, sem_nxt)

        o1, r = scan_bucket(jnp.int32(_TOPK), beta_raw)
        b1_raw = beta_raw(o1)
        b1u = jnp.where(b1_raw < 128, b1_raw + 128, 255 - b1_raw)

        @pl.when(li > 0)
        def _():
            pltpu.make_async_copy(ca_v.at[pl.ds(0, _N)],
                                  io_slice(out_hbm, row - 1), semo).wait()

        @plsc.parallel_loop(0, _NVEC, unroll=8, carry=jnp.int32(0))
        def n1(i, w):
            v = buf[pl.ds(i * _L, _L)]
            u = _ukey(v)
            msk_ge = _srl(u, 24) >= b1u
            plsc.store_compressed(ca_v.at[pl.ds(w, _L)],
                                  plsc.bitcast(u, jnp.float32), mask=msk_ge)
            return w + plsc.all_reduce_population_count(msk_ge)[0]

        nv1 = jnp.right_shift(n1 + _L - 1, 4)

        @plsc.parallel_loop(0, nv1)
        def _(i):
            u = plsc.bitcast(ca_v[pl.ds(i * _L, _L)], jnp.int32)
            valid = (i * _L + lanes) < n1
            msk = valid & (_srl(u, 24) == b1u)
            bk16 = _srl(u, 12) & 0xFF0
            plsc.addupdate_scatter(hist_v, [bk16 + lanes], ones, mask=msk)

        o2, r = scan_bucket(r, beta_key)
        b2 = beta_key(o2)
        hi16 = (b1u << 8) | b2

        @plsc.parallel_loop(0, nv1)
        def _(i):
            u = plsc.bitcast(ca_v[pl.ds(i * _L, _L)], jnp.int32)
            valid = (i * _L + lanes) < n1
            msk = valid & (_srl(u, 16) == hi16)
            bk16 = _srl(u, 4) & 0xFF0
            plsc.addupdate_scatter(hist_v, [bk16 + lanes], ones, mask=msk)

        o3, r = scan_bucket(r, beta_key)
        b3 = beta_key(o3)
        hi24 = (hi16 << 8) | b3

        @plsc.parallel_loop(0, nv1)
        def _(i):
            u = plsc.bitcast(ca_v[pl.ds(i * _L, _L)], jnp.int32)
            valid = (i * _L + lanes) < n1
            msk = valid & (_srl(u, 8) == hi24)
            plsc.addupdate_scatter(hist_v, [((u & 0xFF) << 4) + lanes], ones,
                                   mask=msk)

        o4, _unused = scan_bucket(r, beta_key)
        b4 = beta_key(o4)

        t_s = ((b1u << 24) | (b2 << 16) | (b3 << 8) | b4) ^ _INT_MIN

        def inv_key(u):
            ks = u ^ _INT_MIN
            bits = jnp.where(ks >= 0, ks, ks ^ 0x7FFFFFFF)
            return plsc.bitcast(bits, jnp.float32), ks

        @plsc.parallel_loop(0, nv1,
                            carry=jnp.full((_L,), -jnp.inf, jnp.float32))
        def mx(i, acc):
            u = plsc.bitcast(ca_v[pl.ds(i * _L, _L)], jnp.int32)
            valid = (i * _L + lanes) < n1
            v, _ = inv_key(u)
            return jnp.maximum(acc, jnp.where(valid, v, -jnp.inf))
        m = jnp.max(mx)

        @plsc.parallel_loop(0, nv1, carry=jnp.zeros((_L,), jnp.float32))
        def sv(i, acc):
            u = plsc.bitcast(ca_v[pl.ds(i * _L, _L)], jnp.int32)
            valid = (i * _L + lanes) < n1
            v, ks = inv_key(u)
            return acc + jnp.where(valid & (ks >= t_s), jnp.exp(v - m), 0.0)
        inv = jnp.ones((_L,), jnp.float32) / jnp.broadcast_to(jnp.sum(sv),
                                                              (_L,))

        @pl.when(li + 1 < _ROWS_PER_W)
        def _():
            pltpu.make_async_copy(io_slice(x_hbm, row + 1), nbuf,
                                  sem_nxt).wait()

        for c in range(4):
            @plsc.parallel_loop(c * (_NVEC // 4), (c + 1) * (_NVEC // 4),
                                unroll=8)
            def _(i):
                v = buf[pl.ds(i * _L, _L)]
                ks = _skey(v)
                ca_v[pl.ds(i * _L, _L)] = jnp.where(ks >= t_s,
                                                    jnp.exp(v - m) * inv, 0.0)
                nv = nbuf[pl.ds(i * _L, _L)]
                bk16 = _srl(plsc.bitcast(nv, jnp.int32), 20) & 0xFF0
                plsc.addupdate_scatter(hist_v, [bk16 + lanes], ones)

            pltpu.async_copy(
                ca_v.at[pl.ds(c * (_N // 4), _N // 4)],
                out_hbm.at[row >> 6, (row >> 2) & 15, row & 3,
                           pl.ds(c * (_N // 4), _N // 4)], semo)

    row0 = wid * _ROWS_PER_W
    pltpu.async_copy(io_slice(x_hbm, row0), rowa_v, sema)

    @plsc.parallel_loop(0, _NBKT, unroll=8)
    def _(i):
        hist_v[pl.ds(i * _L, _L)] = zeros_i

    pltpu.make_async_copy(io_slice(x_hbm, row0), rowa_v, sema).wait()

    @plsc.parallel_loop(0, _NVEC, unroll=8)
    def _(i):
        v = rowa_v[pl.ds(i * _L, _L)]
        bk16 = _srl(plsc.bitcast(v, jnp.int32), 20) & 0xFF0
        plsc.addupdate_scatter(hist_v, [bk16 + lanes], ones)

    def pair_loop(p, c):
        process_row(2 * p, row0 + 2 * p, rowa_v, rowb_v, sema, semb)
        process_row(2 * p + 1, row0 + 2 * p + 1, rowb_v, rowa_v, semb, sema)
        return c
    lax.fori_loop(0, _ROWS_PER_W // 2, pair_loop, 0)

    last = row0 + _ROWS_PER_W - 1
    pltpu.make_async_copy(ca_v.at[pl.ds(0, _N)],
                          io_slice(out_hbm, last), semo).wait()


def kernel(qk_dots):
    call = pl.kernel(
        _body,
        out_type=jax.ShapeDtypeStruct(qk_dots.shape, jnp.float32),
        mesh=plsc.VectorSubcoreMesh(core_axis_name="c", subcore_axis_name="s"),
        compiler_params=pltpu.CompilerParams(needs_layout_passes=False),
        scratch_types=[
            pltpu.VMEM((_N,), jnp.float32),
            pltpu.VMEM((_N,), jnp.float32),
            pltpu.VMEM((_N + _L,), jnp.float32),
            pltpu.VMEM((_NBKT * _L,), jnp.int32),
            pltpu.VMEM((_NBKT * _L,), jnp.int32),
            pltpu.SemaphoreType.DMA,
            pltpu.SemaphoreType.DMA,
            pltpu.SemaphoreType.DMA,
        ],
    )
    return call(qk_dots)

# --- scband reference (transcript-rebuilt; emitter-appended) ---
"""Pipeline reference for scband-top-kstrategy-15350213116216 (READ-ONLY COPY).

The authoritative reference and input builder live on the scoring server;
editing this copy changes nothing except your own understanding.
"""

import jax, jax.numpy as jnp
import numpy as np

TOPK = 64

def setup_inputs(seed: int = 0) -> dict:
    key = jax.random.key(seed)
    qk_dots = jax.random.normal(key, (16, 16, 4, 32768), dtype=jnp.float32)
    return {"qk_dots": qk_dots}

def reference(qk_dots):
    top, _ = jax.lax.top_k(qk_dots, TOPK)
    vk = top[..., -1:]
    mask = qk_dots < vk
    masked = jnp.where(mask, -jnp.inf, qk_dots)
    return jax.nn.softmax(masked, axis=-1)

if __name__ == "__main__":
    import jax
    _d = setup_inputs()
    print(jax.jit(kernel)(*tuple(_d.values())))

</pallas_src>

<mosaic_0001>
#map = affine_map<(d0, d1) -> (0, 0, 0, 0)>
module attributes {stable_mosaic.version = 14 : i64} {
  func.func @_body(%arg0: i32, %arg1: i32, %arg2: memref<16x16x4x32768xf32, #tpu.memory_space<hbm>>, %arg3: memref<16x16x4x32768xf32, #tpu.memory_space<hbm>>, %arg4: memref<32768xf32, #tpu.memory_space<vmem>>, %arg5: memref<32768xf32, #tpu.memory_space<vmem>>, %arg6: memref<32784xf32, #tpu.memory_space<vmem>>, %arg7: memref<4096xi32, #tpu.memory_space<vmem>>, %arg8: memref<4096xi32, #tpu.memory_space<vmem>>, %arg9: memref<!tpu.dma_semaphore, #tpu.memory_space<semaphore_mem>>, %arg10: memref<!tpu.dma_semaphore, #tpu.memory_space<semaphore_mem>>, %arg11: memref<!tpu.dma_semaphore, #tpu.memory_space<semaphore_mem>>) attributes {dimension_semantics = [#tpu.dimension_semantics<core_parallel>, #tpu.dimension_semantics<subcore_parallel>], iteration_bounds = array<i64: 2, 16>, scalar_prefetch = 0 : i64, scratch_operands = 8 : i64, tpu.core_type = #tpu.core_type<sc_vector_subcore>, window_params = [{transform_indices = #map}, {transform_indices = #map}]} {
    %mul3A = arith.constant 2 : i32
    %mul3A_0 = arith.muli %arg1, %mul3A : i32
    %add3A = arith.addi %mul3A_0, %arg0 : i32
    %iota3A = tpu.iota {dimensions = array<i32: 0>} : vector<16xi32>
    %broadcast_in_dim3A = arith.constant 1 : i32
    %broadcast_in_dim3A_1 = vector.broadcast %broadcast_in_dim3A : i32 to vector<16xi32>
    %broadcast_in_dim3A_2 = arith.constant 0 : i32
    %broadcast_in_dim3A_3 = vector.broadcast %broadcast_in_dim3A_2 : i32 to vector<16xi32>
    %mul3A_4 = arith.constant 32 : i32
    %mul3A_5 = arith.muli %add3A, %mul3A_4 : i32
    %shift_right_arithmetic3A = arith.constant 6 : i32
    %shift_right_arithmetic3A_6 = arith.shrsi %mul3A_5, %shift_right_arithmetic3A : i32
    %shift_right_arithmetic3A_7 = arith.constant 2 : i32
    %shift_right_arithmetic3A_8 = arith.shrsi %mul3A_5, %shift_right_arithmetic3A_7 : i32
    %and3A = arith.constant 15 : i32
    %and3A_9 = arith.andi %shift_right_arithmetic3A_8, %and3A : i32
    %and3A_10 = arith.constant 3 : i32
    %and3A_11 = arith.andi %mul3A_5, %and3A_10 : i32
    %dma_start3A = arith.constant 0 : i32
    %dma_start3A_12 = tpu.memref_slice %arg2[%shift_right_arithmetic3A_6, %and3A_9, %and3A_11, %dma_start3A] : memref<16x16x4x32768xf32, #tpu.memory_space<hbm>> -> memref<1x1x1x32768xf32, #tpu.memory_space<hbm>>
    %dma_start3A_13 = tpu.memref_squeeze %dma_start3A_12 : memref<1x1x1x32768xf32, #tpu.memory_space<hbm>> -> memref<32768xf32, #tpu.memory_space<hbm>>
    %dma_start3A_14 = arith.constant 0 : i32
    %dma_start3A_15 = tpu.memref_slice %arg2[%shift_right_arithmetic3A_6, %and3A_9, %and3A_11, %dma_start3A_14] : memref<16x16x4x32768xf32, #tpu.memory_space<hbm>> -> memref<1x1x1x32768xf32, #tpu.memory_space<hbm>>
    %dma_start3A_16 = tpu.memref_squeeze %dma_start3A_15 : memref<1x1x1x32768xf32, #tpu.memory_space<hbm>> -> memref<32768xf32, #tpu.memory_space<hbm>>
    tpu.enqueue_dma source(%dma_start3A_16 : memref<32768xf32, #tpu.memory_space<hbm>>) target(%arg4 : memref<32768xf32, #tpu.memory_space<vmem>>) target_semaphore(%arg9 : memref<!tpu.dma_semaphore, #tpu.memory_space<semaphore_mem>>)
    %parallel_loop3A = arith.constant 0 : i32
    %parallel_loop3A_17 = arith.constant 256 : i32
    %parallel_loop3A_18 = arith.constant 1 : i32
    scf.for %parallel_loop3A_61 = %parallel_loop3A to %parallel_loop3A_17 step %parallel_loop3A_18  : i32 {
      %parallel_loop3A_62 = arith.constant 16 : i32
      %parallel_loop3A_63 = arith.muli %parallel_loop3A_61, %parallel_loop3A_62 : i32
      %parallel_loop3A_64 = arith.index_cast %parallel_loop3A_63 : i32 to index
      %parallel_loop3A_65 = tpu.vector_load %arg7[%parallel_loop3A_64] {strides = array<i32>} : memref<4096xi32, #tpu.memory_space<vmem>>, vector<16xi32>,
      tpu.vector_store %arg7[%parallel_loop3A_64], %broadcast_in_dim3A_3 {strides = array<i32>} : memref<4096xi32, #tpu.memory_space<vmem>>, vector<16xi32>,
    } {sc.loop_unroll_factor = 8 : i64, sc.parallel_access}
    %shift_right_arithmetic3A_19 = arith.constant 6 : i32
    %shift_right_arithmetic3A_20 = arith.shrsi %mul3A_5, %shift_right_arithmetic3A_19 : i32
    %shift_right_arithmetic3A_21 = arith.constant 2 : i32
    %shift_right_arithmetic3A_22 = arith.shrsi %mul3A_5, %shift_right_arithmetic3A_21 : i32
    %and3A_23 = arith.constant 15 : i32
    %and3A_24 = arith.andi %shift_right_arithmetic3A_22, %and3A_23 : i32
    %and3A_25 = arith.constant 3 : i32
    %and3A_26 = arith.andi %mul3A_5, %and3A_25 : i32
    %dma_wait3A = arith.constant 0 : i32
    %dma_wait3A_27 = tpu.memref_slice %arg2[%shift_right_arithmetic3A_20, %and3A_24, %and3A_26, %dma_wait3A] : memref<16x16x4x32768xf32, #tpu.memory_space<hbm>> -> memref<1x1x1x32768xf32, #tpu.memory_space<hbm>>
    %dma_wait3A_28 = tpu.memref_squeeze %dma_wait3A_27 : memref<1x1x1x32768xf32, #tpu.memory_space<hbm>> -> memref<32768xf32, #tpu.memory_space<hbm>>
    %dma_wait3A_29 = arith.constant 0 : i32
    %dma_wait3A_30 = tpu.memref_slice %arg2[%shift_right_arithmetic3A_20, %and3A_24, %and3A_26, %dma_wait3A_29] : memref<16x16x4x32768xf32, #tpu.memory_space<hbm>> -> memref<1x1x1x32768xf32, #tpu.memory_space<hbm>>
    %dma_wait3A_31 = tpu.memref_squeeze %dma_wait3A_30 : memref<1x1x1x32768xf32, #tpu.memory_space<hbm>> -> memref<32768xf32, #tpu.memory_space<hbm>>
    tpu.wait_dma2 semaphore(%arg9 : memref<!tpu.dma_semaphore, #tpu.memory_space<semaphore_mem>>) src(%dma_wait3A_31 : memref<32768xf32, #tpu.memory_space<hbm>>) dst(%arg4 : memref<32768xf32, #tpu.memory_space<vmem>>)
    %parallel_loop3A_32 = arith.constant 0 : i32
    %parallel_loop3A_33 = arith.constant 2048 : i32
    %parallel_loop3A_34 = arith.constant 1 : i32
    scf.for %parallel_loop3A_61 = %parallel_loop3A_32 to %parallel_loop3A_33 step %parallel_loop3A_34  : i32 {
      %parallel_loop3A_62 = arith.constant 16 : i32
      %parallel_loop3A_63 = arith.muli %parallel_loop3A_61, %parallel_loop3A_62 : i32
      %parallel_loop3A_64 = arith.index_cast %parallel_loop3A_63 : i32 to index
      %parallel_loop3A_65 = tpu.vector_load %arg4[%parallel_loop3A_64] {strides = array<i32>} : memref<32768xf32, #tpu.memory_space<vmem>>, vector<16xf32>,
      %parallel_loop3A_66 = vector.bitcast %parallel_loop3A_65 : vector<16xf32> to vector<16xi32>
      %parallel_loop3A_67 = arith.constant 20 : i32
      %parallel_loop3A_68 = vector.broadcast %parallel_loop3A_67 : i32 to vector<16xi32>
      %parallel_loop3A_69 = arith.shrui %parallel_loop3A_66, %parallel_loop3A_68 : vector<16xi32>
      %parallel_loop3A_70 = arith.constant 4080 : i32
      %parallel_loop3A_71 = vector.broadcast %parallel_loop3A_70 : i32 to vector<16xi32>
      %parallel_loop3A_72 = arith.andi %parallel_loop3A_69, %parallel_loop3A_71 : vector<16xi32>
      %parallel_loop3A_73 = arith.addi %parallel_loop3A_72, %iota3A : vector<16xi32>
      tpu.vector_store_idx %arg7[%parallel_loop3A_73], %broadcast_in_dim3A_1 {add = true} : memref<4096xi32, #tpu.memory_space<vmem>>[vector<16xi32>], vector<16xi32>,
    } {sc.loop_unroll_factor = 8 : i64, sc.parallel_access}
    %scan3A = arith.constant 0 : i32
    %scan3A_35 = arith.constant 0 : i32
    %scan3A_36 = arith.constant 16 : i32
    %scan3A_37 = arith.addi %scan3A_35, %scan3A_36 : i32
    %scan3A_38 = arith.constant 1 : i32
    scf.for %scan3A_61 = %scan3A_35 to %scan3A_37 step %scan3A_38  : i32 {
      %mul3A_62 = arith.constant 2 : i32
      %mul3A_63 = arith.muli %mul3A_62, %scan3A_61 : i32
      %mul3A_64 = arith.constant 2 : i32
      %mul3A_65 = arith.muli %mul3A_64, %scan3A_61 : i32
      %add3A_66 = arith.addi %mul3A_5, %mul3A_65 : i32
      %add3A_67 = arith.constant 1 : i32
      %add3A_68 = arith.addi %mul3A_63, %add3A_67 : i32
      %lt3A = arith.constant 32 : i32
      %lt3A_69 = arith.cmpi slt, %add3A_68, %lt3A : i32
      %convert_element_type3A = arith.extui %lt3A_69 : i1 to i32
      %cond3A = arith.constant 0 : i32
      %cond3A_70 = arith.cmpi ne, %convert_element_type3A, %cond3A : i32
      scf.if %cond3A_70 {
        %add3A_1514 = arith.constant 1 : i32
        %add3A_1515 = arith.addi %add3A_66, %add3A_1514 : i32
        %shift_right_arithmetic3A_1516 = arith.constant 6 : i32
        %shift_right_arithmetic3A_1517 = arith.shrsi %add3A_1515, %shift_right_arithmetic3A_1516 : i32
        %shift_right_arithmetic3A_1518 = arith.constant 2 : i32
        %shift_right_arithmetic3A_1519 = arith.shrsi %add3A_1515, %shift_right_arithmetic3A_1518 : i32
        %and3A_1520 = arith.constant 15 : i32
        %and3A_1521 = arith.andi %shift_right_arithmetic3A_1519, %and3A_1520 : i32
        %and3A_1522 = arith.constant 3 : i32
        %and3A_1523 = arith.andi %add3A_1515, %and3A_1522 : i32
        %dma_start3A_1524 = arith.constant 0 : i32
        %dma_start3A_1525 = tpu.memref_slice %arg2[%shift_right_arithmetic3A_1517, %and3A_1521, %and3A_1523, %dma_start3A_1524] : memref<16x16x4x32768xf32, #tpu.memory_space<hbm>> -> memref<1x1x1x32768xf32, #tpu.memory_space<hbm>>
        %dma_start3A_1526 = tpu.memref_squeeze %dma_start3A_1525 : memref<1x1x1x32768xf32, #tpu.memory_space<hbm>> -> memref<32768xf32, #tpu.memory_space<hbm>>
        %dma_start3A_1527 = arith.constant 0 : i32
        %dma_start3A_1528 = tpu.memref_slice %arg2[%shift_right_arithmetic3A_1517, %and3A_1521, %and3A_1523, %dma_start3A_1527] : memref<16x16x4x32768xf32, #tpu.memory_space<hbm>> -> memref<1x1x1x32768xf32, #tpu.memory_space<hbm>>
        %dma_start3A_1529 = tpu.memref_squeeze %dma_start3A_1528 : memref<1x1x1x32768xf32, #tpu.memory_space<hbm>> -> memref<32768xf32, #tpu.memory_space<hbm>>
        tpu.enqueue_dma source(%dma_start3A_1529 : memref<32768xf32, #tpu.memory_space<hbm>>) target(%arg5 : memref<32768xf32, #tpu.memory_space<vmem>>) target_semaphore(%arg10 : memref<!tpu.dma_semaphore, #tpu.memory_space<semaphore_mem>>)
      } else {
      }
      %parallel_loop3A_71 = arith.constant 0 : i32
      %parallel_loop3A_72 = arith.constant 256 : i32
      %parallel_loop3A_73 = arith.constant 1 : i32
      %parallel_loop3A_74 = scf.for %parallel_loop3A_1514 = %parallel_loop3A_71 to %parallel_loop3A_72 step %parallel_loop3A_73 iter_args(%parallel_loop3A_1515 = %broadcast_in_dim3A_3) -> (vector<16xi32>)  : i32 {
        %parallel_loop3A_1516 = arith.constant 128 : i32
        %parallel_loop3A_1517 = arith.cmpi slt, %parallel_loop3A_1514, %parallel_loop3A_1516 : i32
        %parallel_loop3A_1518 = arith.constant 127 : i32
        %parallel_loop3A_1519 = arith.subi %parallel_loop3A_1518, %parallel_loop3A_1514 : i32
        %parallel_loop3A_1520 = arith.select %parallel_loop3A_1517, %parallel_loop3A_1519, %parallel_loop3A_1514 : i32
        %parallel_loop3A_1521 = arith.constant 16 : i32
        %parallel_loop3A_1522 = arith.muli %parallel_loop3A_1520, %parallel_loop3A_1521 : i32
        %parallel_loop3A_1523 = arith.index_cast %parallel_loop3A_1522 : i32 to index
        %parallel_loop3A_1524 = tpu.vector_load %arg7[%parallel_loop3A_1523] {strides = array<i32>} : memref<4096xi32, #tpu.memory_space<vmem>>, vector<16xi32>,
        %parallel_loop3A_1525 = arith.addi %parallel_loop3A_1515, %parallel_loop3A_1524 : vector<16xi32>
        %parallel_loop3A_1526 = arith.constant 16 : i32
        %parallel_loop3A_1527 = arith.muli %parallel_loop3A_1520, %parallel_loop3A_1526 : i32
        %parallel_loop3A_1528 = arith.index_cast %parallel_loop3A_1527 : i32 to index
        %parallel_loop3A_1529 = tpu.vector_load %arg7[%parallel_loop3A_1528] {strides = array<i32>} : memref<4096xi32, #tpu.memory_space<vmem>>, vector<16xi32>,
        tpu.vector_store %arg7[%parallel_loop3A_1528], %broadcast_in_dim3A_3 {strides = array<i32>} : memref<4096xi32, #tpu.memory_space<vmem>>, vector<16xi32>,
        %parallel_loop3A_1530 = arith.constant 16 : i32
        %parallel_loop3A_1531 = arith.muli %parallel_loop3A_1514, %parallel_loop3A_1530 : i32
        %parallel_loop3A_1532 = arith.index_cast %parallel_loop3A_1531 : i32 to index
        %parallel_loop3A_1533 = tpu.vector_load %arg8[%parallel_loop3A_1532] {strides = array<i32>} : memref<4096xi32, #tpu.memory_space<vmem>>, vector<16xi32>,
        tpu.vector_store %arg8[%parallel_loop3A_1532], %parallel_loop3A_1525 {strides = array<i32>} : memref<4096xi32, #tpu.memory_space<vmem>>, vector<16xi32>,
        scf.yield %parallel_loop3A_1525 : vector<16xi32>
      } {sc.loop_unroll_factor = 4 : i64, sc.parallel_access}
      %add3A_75 = arith.constant 0 : i32
      %add3A_76 = arith.constant 128 : i32
      %add3A_77 = arith.addi %add3A_75, %add3A_76 : i32
      %sub3A_78 = arith.constant 1 : i32
      %sub3A_79 = arith.subi %add3A_77, %sub3A_78 : i32
      %mul3A_80 = arith.constant 16 : i32
      %mul3A_81 = arith.muli %sub3A_79, %mul3A_80 : i32
      %get3A = arith.index_cast %mul3A_81 : i32 to index
      %get3A_82 = tpu.vector_load %arg8[%get3A] {strides = array<i32>} : memref<4096xi32, #tpu.memory_space<vmem>>, vector<16xi32>,
      %reduce_sum3A = arith.constant true
      %reduce_sum3A_83 = vector.broadcast %reduce_sum3A : i1 to vector<16xi1>
      %reduce_sum3A_84 = tpu.scan <sum>, %get3A_82 masked %reduce_sum3A_83 : vector<16xi32>, vector<16xi1> -> vector<16xi32>
      %reduce_sum3A_85 = vector.extract %reduce_sum3A_84[15] : i32 from vector<16xi32>
      %lt3A_86 = arith.constant 64 : i32
      %lt3A_87 = arith.cmpi slt, %reduce_sum3A_85, %lt3A_86 : i32
      %jit3A = arith.constant 0 : i32
      %select_n3A = arith.select %lt3A_87, %add3A_77, %jit3A : i32
      %add3A_88 = arith.constant 64 : i32
      %add3A_89 = arith.addi %select_n3A, %add3A_88 : i32
      %sub3A_90 = arith.constant 1 : i32
      %sub3A_91 = arith.subi %add3A_89, %sub3A_90 : i32
      %mul3A_92 = arith.constant 16 : i32
      %mul3A_93 = arith.muli %sub3A_91, %mul3A_92 : i32
      %get3A_94 = arith.index_cast %mul3A_93 : i32 to index
      %get3A_95 = tpu.vector_load %arg8[%get3A_94] {strides = array<i32>} : memref<4096xi32, #tpu.memory_space<vmem>>, vector<16xi32>,
      %reduce_sum3A_96 = arith.constant true
      %reduce_sum3A_97 = vector.broadcast %reduce_sum3A_96 : i1 to vector<16xi1>
      %reduce_sum3A_98 = tpu.scan <sum>, %get3A_95 masked %reduce_sum3A_97 : vector<16xi32>, vector<16xi1> -> vector<16xi32>
      %reduce_sum3A_99 = vector.extract %reduce_sum3A_98[15] : i32 from vector<16xi32>
      %lt3A_100 = arith.constant 64 : i32
      %lt3A_101 = arith.cmpi slt, %reduce_sum3A_99, %lt3A_100 : i32
      %select_n3A_102 = arith.select %lt3A_101, %add3A_89, %select_n3A : i32
      %add3A_103 = arith.constant 32 : i32
      %add3A_104 = arith.addi %select_n3A_102, %add3A_103 : i32
      %sub3A_105 = arith.constant 1 : i32
      %sub3A_106 = arith.subi %add3A_104, %sub3A_105 : i32
      %mul3A_107 = arith.constant 16 : i32
      %mul3A_108 = arith.muli %sub3A_106, %mul3A_107 : i32
      %get3A_109 = arith.index_cast %mul3A_108 : i32 to index
      %get3A_110 = tpu.vector_load %arg8[%get3A_109] {strides = array<i32>} : memref<4096xi32, #tpu.memory_space<vmem>>, vector<16xi32>,
      %reduce_sum3A_111 = arith.constant true
      %reduce_sum3A_112 = vector.broadcast %reduce_sum3A_111 : i1 to vector<16xi1>
      %reduce_sum3A_113 = tpu.scan <sum>, %get3A_110 masked %reduce_sum3A_112 : vector<16xi32>, vector<16xi1> -> vector<16xi32>
      %reduce_sum3A_114 = vector.extract %reduce_sum3A_113[15] : i32 from vector<16xi32>
      %lt3A_115 = arith.constant 64 : i32
      %lt3A_116 = arith.cmpi slt, %reduce_sum3A_114, %lt3A_115 : i32
      %select_n3A_117 = arith.select %lt3A_116, %add3A_104, %select_n3A_102 : i32
      %add3A_118 = arith.constant 16 : i32
      %add3A_119 = arith.addi %select_n3A_117, %add3A_118 : i32
      %sub3A_120 = arith.constant 1 : i32
      %sub3A_121 = arith.subi %add3A_119, %sub3A_120 : i32
      %mul3A_122 = arith.constant 16 : i32
      %mul3A_123 = arith.muli %sub3A_121, %mul3A_122 : i32
      %get3A_124 = arith.index_cast %mul3A_123 : i32 to index
      %get3A_125 = tpu.vector_load %arg8[%get3A_124] {strides = array<i32>} : memref<4096xi32, #tpu.memory_space<vmem>>, vector<16xi32>,
      %reduce_sum3A_126 = arith.constant true
      %reduce_sum3A_127 = vector.broadcast %reduce_sum3A_126 : i1 to vector<16xi1>
      %reduce_sum3A_128 = tpu.scan <sum>, %get3A_125 masked %reduce_sum3A_127 : vector<16xi32>, vector<16xi1> -> vector<16xi32>
      %reduce_sum3A_129 = vector.extract %reduce_sum3A_128[15] : i32 from vector<16xi32>
      %lt3A_130 = arith.constant 64 : i32
      %lt3A_131 = arith.cmpi slt, %reduce_sum3A_129, %lt3A_130 : i32
      %select_n3A_132 = arith.select %lt3A_131, %add3A_119, %select_n3A_117 : i32
      %add3A_133 = arith.constant 8 : i32
      %add3A_134 = arith.addi %select_n3A_132, %add3A_133 : i32
      %sub3A_135 = arith.constant 1 : i32
      %sub3A_136 = arith.subi %add3A_134, %sub3A_135 : i32
      %mul3A_137 = arith.constant 16 : i32
      %mul3A_138 = arith.muli %sub3A_136, %mul3A_137 : i32
      %get3A_139 = arith.index_cast %mul3A_138 : i32 to index
      %get3A_140 = tpu.vector_load %arg8[%get3A_139] {strides = array<i32>} : memref<4096xi32, #tpu.memory_space<vmem>>, vector<16xi32>,
      %reduce_sum3A_141 = arith.constant true
      %reduce_sum3A_142 = vector.broadcast %reduce_sum3A_141 : i1 to vector<16xi1>
      %reduce_sum3A_143 = tpu.scan <sum>, %get3A_140 masked %reduce_sum3A_142 : vector<16xi32>, vector<16xi1> -> vector<16xi32>
      %reduce_sum3A_144 = vector.extract %reduce_sum3A_143[15] : i32 from vector<16xi32>
      %lt3A_145 = arith.constant 64 : i32
      %lt3A_146 = arith.cmpi slt, %reduce_sum3A_144, %lt3A_145 : i32
      %select_n3A_147 = arith.select %lt3A_146, %add3A_134, %select_n3A_132 : i32
      %add3A_148 = arith.constant 4 : i32
      %add3A_149 = arith.addi %select_n3A_147, %add3A_148 : i32
      %sub3A_150 = arith.constant 1 : i32
      %sub3A_151 = arith.subi %add3A_149, %sub3A_150 : i32
      %mul3A_152 = arith.constant 16 : i32
      %mul3A_153 = arith.muli %sub3A_151, %mul3A_152 : i32
      %get3A_154 = arith.index_cast %mul3A_153 : i32 to index
      %get3A_155 = tpu.vector_load %arg8[%get3A_154] {strides = array<i32>} : memref<4096xi32, #tpu.memory_space<vmem>>, vector<16xi32>,
      %reduce_sum3A_156 = arith.constant true
      %reduce_sum3A_157 = vector.broadcast %reduce_sum3A_156 : i1 to vector<16xi1>
      %reduce_sum3A_158 = tpu.scan <sum>, %get3A_155 masked %reduce_sum3A_157 : vector<16xi32>, vector<16xi1> -> vector<16xi32>
      %reduce_sum3A_159 = vector.extract %reduce_sum3A_158[15] : i32 from vector<16xi32>
      %lt3A_160 = arith.constant 64 : i32
      %lt3A_161 = arith.cmpi slt, %reduce_sum3A_159, %lt3A_160 : i32
      %select_n3A_162 = arith.select %lt3A_161, %add3A_149, %select_n3A_147 : i32
      %add3A_163 = arith.constant 2 : i32
      %add3A_164 = arith.addi %select_n3A_162, %add3A_163 : i32
      %sub3A_165 = arith.constant 1 : i32
      %sub3A_166 = arith.subi %add3A_164, %sub3A_165 : i32
      %mul3A_167 = arith.constant 16 : i32
      %mul3A_168 = arith.muli %sub3A_166, %mul3A_167 : i32
      %get3A_169 = arith.index_cast %mul3A_168 : i32 to index
      %get3A_170 = tpu.vector_load %arg8[%get3A_169] {strides = array<i32>} : memref<4096xi32, #tpu.memory_space<vmem>>, vector<16xi32>,
      %reduce_sum3A_171 = arith.constant true
      %reduce_sum3A_172 = vector.broadcast %reduce_sum3A_171 : i1 to vector<16xi1>
      %reduce_sum3A_173 = tpu.scan <sum>, %get3A_170 masked %reduce_sum3A_172 : vector<16xi32>, vector<16xi1> -> vector<16xi32>
      %reduce_sum3A_174 = vector.extract %reduce_sum3A_173[15] : i32 from vector<16xi32>
      %lt3A_175 = arith.constant 64 : i32
      %lt3A_176 = arith.cmpi slt, %reduce_sum3A_174, %lt3A_175 : i32
      %select_n3A_177 = arith.select %lt3A_176, %add3A_164, %select_n3A_162 : i32
      %add3A_178 = arith.constant 1 : i32
      %add3A_179 = arith.addi %select_n3A_177, %add3A_178 : i32
      %sub3A_180 = arith.constant 1 : i32
      %sub3A_181 = arith.subi %add3A_179, %sub3A_180 : i32
      %mul3A_182 = arith.constant 16 : i32
      %mul3A_183 = arith.muli %sub3A_181, %mul3A_182 : i32
      %get3A_184 = arith.index_cast %mul3A_183 : i32 to index
      %get3A_185 = tpu.vector_load %arg8[%get3A_184] {strides = array<i32>} : memref<4096xi32, #tpu.memory_space<vmem>>, vector<16xi32>,
      %reduce_sum3A_186 = arith.constant true
      %reduce_sum3A_187 = vector.broadcast %reduce_sum3A_186 : i1 to vector<16xi1>
      %reduce_sum3A_188 = tpu.scan <sum>, %get3A_185 masked %reduce_sum3A_187 : vector<16xi32>, vector<16xi1> -> vector<16xi32>
      %reduce_sum3A_189 = vector.extract %reduce_sum3A_188[15] : i32 from vector<16xi32>
      %lt3A_190 = arith.constant 64 : i32
      %lt3A_191 = arith.cmpi slt, %reduce_sum3A_189, %lt3A_190 : i32
      %select_n3A_192 = arith.select %lt3A_191, %add3A_179, %select_n3A_177 : i32
      %gt3A = arith.constant 0 : i32
      %gt3A_193 = arith.cmpi sgt, %select_n3A_192, %gt3A : i32
      %sub3A_194 = arith.constant 1 : i32
      %sub3A_195 = arith.subi %select_n3A_192, %sub3A_194 : i32
      %max3A = arith.constant 0 : i32
      %max3A_196 = arith.maxsi %sub3A_195, %max3A : i32
      %mul3A_197 = arith.constant 16 : i32
      %mul3A_198 = arith.muli %max3A_196, %mul3A_197 : i32
      %get3A_199 = arith.index_cast %mul3A_198 : i32 to index
      %get3A_200 = tpu.vector_load %arg8[%get3A_199] {strides = array<i32>} : memref<4096xi32, #tpu.memory_space<vmem>>, vector<16xi32>,
      %reduce_sum3A_201 = arith.constant true
      %reduce_sum3A_202 = vector.broadcast %reduce_sum3A_201 : i1 to vector<16xi1>
      %reduce_sum3A_203 = tpu.scan <sum>, %get3A_200 masked %reduce_sum3A_202 : vector<16xi32>, vector<16xi1> -> vector<16xi32>
      %reduce_sum3A_204 = vector.extract %reduce_sum3A_203[15] : i32 from vector<16xi32>
      %jit3A_205 = arith.constant 0 : i32
      %select_n3A_206 = arith.select %gt3A_193, %reduce_sum3A_204, %jit3A_205 : i32
      %sub3A_207 = arith.constant 64 : i32
      %sub3A_208 = arith.subi %sub3A_207, %select_n3A_206 : i32
      %lt3A_209 = arith.constant 128 : i32
      %lt3A_210 = arith.cmpi slt, %select_n3A_192, %lt3A_209 : i32
      %sub3A_211 = arith.constant 127 : i32
      %sub3A_212 = arith.subi %sub3A_211, %select_n3A_192 : i32
      %select_n3A_213 = arith.select %lt3A_210, %sub3A_212, %select_n3A_192 : i32
      %lt3A_214 = arith.constant 128 : i32
      %lt3A_215 = arith.cmpi slt, %select_n3A_213, %lt3A_214 : i32
      %add3A_216 = arith.constant 128 : i32
      %add3A_217 = arith.addi %select_n3A_213, %add3A_216 : i32
      %sub3A_218 = arith.constant 255 : i32
      %sub3A_219 = arith.subi %sub3A_218, %select_n3A_213 : i32
      %select_n3A_220 = arith.select %lt3A_215, %add3A_217, %sub3A_219 : i32
      %gt3A_221 = arith.constant 0 : i32
      %gt3A_222 = arith.cmpi sgt, %mul3A_63, %gt3A_221 : i32
      %convert_element_type3A_223 = arith.extui %gt3A_222 : i1 to i32
      %cond3A_224 = arith.constant 0 : i32
      %cond3A_225 = arith.cmpi ne, %convert_element_type3A_223, %cond3A_224 : i32
      scf.if %cond3A_225 {
        %sub3A_1514 = arith.constant 1 : i32
        %sub3A_1515 = arith.subi %add3A_66, %sub3A_1514 : i32
        %shift_right_arithmetic3A_1516 = arith.constant 6 : i32
        %shift_right_arithmetic3A_1517 = arith.shrsi %sub3A_1515, %shift_right_arithmetic3A_1516 : i32
        %shift_right_arithmetic3A_1518 = arith.constant 2 : i32
        %shift_right_arithmetic3A_1519 = arith.shrsi %sub3A_1515, %shift_right_arithmetic3A_1518 : i32
        %and3A_1520 = arith.constant 15 : i32
        %and3A_1521 = arith.andi %shift_right_arithmetic3A_1519, %and3A_1520 : i32
        %and3A_1522 = arith.constant 3 : i32
        %and3A_1523 = arith.andi %sub3A_1515, %and3A_1522 : i32
        %dma_wait3A_1524 = arith.constant 0 : i32
        %dma_wait3A_1525 = tpu.memref_slice %arg6[%dma_wait3A_1524] : memref<32784xf32, #tpu.memory_space<vmem>> -> memref<32768xf32, #tpu.memory_space<vmem>>
        %dma_wait3A_1526 = arith.constant 0 : i32
        %dma_wait3A_1527 = tpu.memref_slice %arg3[%shift_right_arithmetic3A_1517, %and3A_1521, %and3A_1523, %dma_wait3A_1526] : memref<16x16x4x32768xf32, #tpu.memory_space<hbm>> -> memref<1x1x1x32768xf32, #tpu.memory_space<hbm>>
        %dma_wait3A_1528 = tpu.memref_squeeze %dma_wait3A_1527 : memref<1x1x1x32768xf32, #tpu.memory_space<hbm>> -> memref<32768xf32, #tpu.memory_space<hbm>>
        %dma_wait3A_1529 = arith.constant 0 : i32
        %dma_wait3A_1530 = tpu.memref_slice %arg3[%shift_right_arithmetic3A_1517, %and3A_1521, %and3A_1523, %dma_wait3A_1529] : memref<16x16x4x32768xf32, #tpu.memory_space<hbm>> -> memref<1x1x1x32768xf32, #tpu.memory_space<hbm>>
        %dma_wait3A_1531 = tpu.memref_squeeze %dma_wait3A_1530 : memref<1x1x1x32768xf32, #tpu.memory_space<hbm>> -> memref<32768xf32, #tpu.memory_space<hbm>>
        %dma_wait3A_1532 = arith.constant 0 : i32
        %dma_wait3A_1533 = tpu.memref_slice %arg6[%dma_wait3A_1532] : memref<32784xf32, #tpu.memory_space<vmem>> -> memref<32768xf32, #tpu.memory_space<vmem>>
        tpu.wait_dma2 semaphore(%arg11 : memref<!tpu.dma_semaphore, #tpu.memory_space<semaphore_mem>>) src(%dma_wait3A_1533 : memref<32768xf32, #tpu.memory_space<vmem>>) dst(%dma_wait3A_1531 : memref<32768xf32, #tpu.memory_space<hbm>>)
      } else {
      }
      %parallel_loop3A_226 = arith.constant 0 : i32
      %parallel_loop3A_227 = arith.constant 2048 : i32
      %parallel_loop3A_228 = arith.constant 1 : i32
      %parallel_loop3A_229 = arith.constant 0 : i32
      %parallel_loop3A_230 = scf.for %parallel_loop3A_1514 = %parallel_loop3A_226 to %parallel_loop3A_227 step %parallel_loop3A_228 iter_args(%parallel_loop3A_1515 = %parallel_loop3A_229) -> (i32)  : i32 {
        %parallel_loop3A_1516 = arith.constant 16 : i32
        %parallel_loop3A_1517 = arith.muli %parallel_loop3A_1514, %parallel_loop3A_1516 : i32
        %parallel_loop3A_1518 = arith.index_cast %parallel_loop3A_1517 : i32 to index
        %parallel_loop3A_1519 = tpu.vector_load %arg4[%parallel_loop3A_1518] {strides = array<i32>} : memref<32768xf32, #tpu.memory_space<vmem>>, vector<16xf32>,
        %parallel_loop3A_1520 = vector.bitcast %parallel_loop3A_1519 : vector<16xf32> to vector<16xi32>
        %parallel_loop3A_1521 = arith.constant 31 : i32
        %parallel_loop3A_1522 = vector.broadcast %parallel_loop3A_1521 : i32 to vector<16xi32>
        %parallel_loop3A_1523 = arith.shrsi %parallel_loop3A_1520, %parallel_loop3A_1522 : vector<16xi32>
        %parallel_loop3A_1524 = arith.constant -2147483648 : i32
        %parallel_loop3A_1525 = vector.broadcast %parallel_loop3A_1524 : i32 to vector<16xi32>
        %parallel_loop3A_1526 = arith.ori %parallel_loop3A_1523, %parallel_loop3A_1525 : vector<16xi32>
        %parallel_loop3A_1527 = arith.xori %parallel_loop3A_1520, %parallel_loop3A_1526 : vector<16xi32>
        %parallel_loop3A_1528 = arith.constant 24 : i32
        %parallel_loop3A_1529 = vector.broadcast %parallel_loop3A_1528 : i32 to vector<16xi32>
        %parallel_loop3A_1530 = arith.shrui %parallel_loop3A_1527, %parallel_loop3A_1529 : vector<16xi32>
        %parallel_loop3A_1531 = vector.broadcast %select_n3A_220 : i32 to vector<16xi32>
        %parallel_loop3A_1532 = arith.cmpi sge, %parallel_loop3A_1530, %parallel_loop3A_1531 : vector<16xi32>
        %parallel_loop3A_1533 = vector.bitcast %parallel_loop3A_1527 : vector<16xi32> to vector<16xf32>
        %parallel_loop3A_1534 = arith.index_cast %parallel_loop3A_1515 : i32 to index
        %parallel_loop3A_1535 = tpu.vector_load %arg6[%parallel_loop3A_1534] masked %parallel_loop3A_1532 {strides = array<i32>} : memref<32784xf32, #tpu.memory_space<vmem>>, vector<16xf32>, vector<16xi1>
        tpu.vector_store %arg6[%parallel_loop3A_1534], %parallel_loop3A_1533 masked %parallel_loop3A_1532 {strides = array<i32>} : memref<32784xf32, #tpu.memory_space<vmem>>, vector<16xf32>, vector<16xi1>
        %parallel_loop3A_1536 = tpu.all_reduce %parallel_loop3A_1532 {dim = 0 : i64, kind = #tpu.reduction_kind<sum>} : vector<16xi1> -> vector<16xi32>
        %parallel_loop3A_1537 = vector.extract_strided_slice %parallel_loop3A_1536 {offsets = [0], sizes = [1], strides = [1]} : vector<16xi32> to vector<1xi32>
        %parallel_loop3A_1538 = vector.extract %parallel_loop3A_1537[0] : i32 from vector<1xi32>
        %parallel_loop3A_1539 = arith.addi %parallel_loop3A_1515, %parallel_loop3A_1538 : i32
        scf.yield %parallel_loop3A_1539 : i32
      } {sc.loop_unroll_factor = 8 : i64, sc.parallel_access}
      %add3A_231 = arith.constant 16 : i32
      %add3A_232 = arith.addi %parallel_loop3A_230, %add3A_231 : i32
      %sub3A_233 = arith.constant 1 : i32
      %sub3A_234 = arith.subi %add3A_232, %sub3A_233 : i32
      %shift_right_arithmetic3A_235 = arith.constant 4 : i32
      %shift_right_arithmetic3A_236 = arith.shrsi %sub3A_234, %shift_right_arithmetic3A_235 : i32
      %parallel_loop3A_237 = arith.constant 0 : i32
      %parallel_loop3A_238 = arith.constant 1 : i32
      scf.for %parallel_loop3A_1514 = %parallel_loop3A_237 to %shift_right_arithmetic3A_236 step %parallel_loop3A_238  : i32 {
        %parallel_loop3A_1515 = arith.constant 16 : i32
        %parallel_loop3A_1516 = arith.muli %parallel_loop3A_1514, %parallel_loop3A_1515 : i32
        %parallel_loop3A_1517 = arith.index_cast %parallel_loop3A_1516 : i32 to index
        %parallel_loop3A_1518 = tpu.vector_load %arg6[%parallel_loop3A_1517] {strides = array<i32>} : memref<32784xf32, #tpu.memory_space<vmem>>, vector<16xf32>,
        %parallel_loop3A_1519 = vector.bitcast %parallel_loop3A_1518 : vector<16xf32> to vector<16xi32>
        %parallel_loop3A_1520 = arith.constant 16 : i32
        %parallel_loop3A_1521 = arith.muli %parallel_loop3A_1514, %parallel_loop3A_1520 : i32
        %parallel_loop3A_1522 = vector.broadcast %parallel_loop3A_1521 : i32 to vector<16xi32>
        %parallel_loop3A_1523 = arith.addi %parallel_loop3A_1522, %iota3A : vector<16xi32>
        %parallel_loop3A_1524 = vector.broadcast %parallel_loop3A_230 : i32 to vector<16xi32>
        %parallel_loop3A_1525 = arith.cmpi slt, %parallel_loop3A_1523, %parallel_loop3A_1524 : vector<16xi32>
        %parallel_loop3A_1526 = arith.constant 24 : i32
        %parallel_loop3A_1527 = vector.broadcast %parallel_loop3A_1526 : i32 to vector<16xi32>
        %parallel_loop3A_1528 = arith.shrui %parallel_loop3A_1519, %parallel_loop3A_1527 : vector<16xi32>
        %parallel_loop3A_1529 = vector.broadcast %select_n3A_220 : i32 to vector<16xi32>
        %parallel_loop3A_1530 = arith.cmpi eq, %parallel_loop3A_1528, %parallel_loop3A_1529 : vector<16xi32>
        %parallel_loop3A_1531 = arith.andi %parallel_loop3A_1525, %parallel_loop3A_1530 : vector<16xi1>
        %parallel_loop3A_1532 = arith.constant 12 : i32
        %parallel_loop3A_1533 = vector.broadcast %parallel_loop3A_1532 : i32 to vector<16xi32>
        %parallel_loop3A_1534 = arith.shrui %parallel_loop3A_1519, %parallel_loop3A_1533 : vector<16xi32>
        %parallel_loop3A_1535 = arith.constant 4080 : i32
        %parallel_loop3A_1536 = vector.broadcast %parallel_loop3A_1535 : i32 to vector<16xi32>
        %parallel_loop3A_1537 = arith.andi %parallel_loop3A_1534, %parallel_loop3A_1536 : vector<16xi32>
        %parallel_loop3A_1538 = arith.addi %parallel_loop3A_1537, %iota3A : vector<16xi32>
        tpu.vector_store_idx %arg7[%parallel_loop3A_1538], %broadcast_in_dim3A_1 masked %parallel_loop3A_1531 {add = true} : memref<4096xi32, #tpu.memory_space<vmem>>[vector<16xi32>], vector<16xi32>, vector<16xi1>
      } {sc.loop_unroll_factor = 1 : i64, sc.parallel_access}
      %parallel_loop3A_239 = arith.constant 0 : i32
      %parallel_loop3A_240 = arith.constant 256 : i32
      %parallel_loop3A_241 = arith.constant 1 : i32
      %parallel_loop3A_242 = scf.for %parallel_loop3A_1514 = %parallel_loop3A_239 to %parallel_loop3A_240 step %parallel_loop3A_241 iter_args(%parallel_loop3A_1515 = %broadcast_in_dim3A_3) -> (vector<16xi32>)  : i32 {
        %parallel_loop3A_1516 = arith.constant 255 : i32
        %parallel_loop3A_1517 = arith.subi %parallel_loop3A_1516, %parallel_loop3A_1514 : i32
        %parallel_loop3A_1518 = arith.constant 16 : i32
        %parallel_loop3A_1519 = arith.muli %parallel_loop3A_1517, %parallel_loop3A_1518 : i32
        %parallel_loop3A_1520 = arith.index_cast %parallel_loop3A_1519 : i32 to index
        %parallel_loop3A_1521 = tpu.vector_load %arg7[%parallel_loop3A_1520] {strides = array<i32>} : memref<4096xi32, #tpu.memory_space<vmem>>, vector<16xi32>,
        %parallel_loop3A_1522 = arith.addi %parallel_loop3A_1515, %parallel_loop3A_1521 : vector<16xi32>
        %parallel_loop3A_1523 = arith.constant 16 : i32
        %parallel_loop3A_1524 = arith.muli %parallel_loop3A_1517, %parallel_loop3A_1523 : i32
        %parallel_loop3A_1525 = arith.index_cast %parallel_loop3A_1524 : i32 to index
        %parallel_loop3A_1526 = tpu.vector_load %arg7[%parallel_loop3A_1525] {strides = array<i32>} : memref<4096xi32, #tpu.memory_space<vmem>>, vector<16xi32>,
        tpu.vector_store %arg7[%parallel_loop3A_1525], %broadcast_in_dim3A_3 {strides = array<i32>} : memref<4096xi32, #tpu.memory_space<vmem>>, vector<16xi32>,
        %parallel_loop3A_1527 = arith.constant 16 : i32
        %parallel_loop3A_1528 = arith.muli %parallel_loop3A_1514, %parallel_loop3A_1527 : i32
        %parallel_loop3A_1529 = arith.index_cast %parallel_loop3A_1528 : i32 to index
        %parallel_loop3A_1530 = tpu.vector_load %arg8[%parallel_loop3A_1529] {strides = array<i32>} : memref<4096xi32, #tpu.memory_space<vmem>>, vector<16xi32>,
        tpu.vector_store %arg8[%parallel_loop3A_1529], %parallel_loop3A_1522 {strides = array<i32>} : memref<4096xi32, #tpu.memory_space<vmem>>, vector<16xi32>,
        scf.yield %parallel_loop3A_1522 : vector<16xi32>
      } {sc.loop_unroll_factor = 4 : i64, sc.parallel_access}
      %add3A_243 = arith.constant 0 : i32
      %add3A_244 = arith.constant 128 : i32
      %add3A_245 = arith.addi %add3A_243, %add3A_244 : i32
      %sub3A_246 = arith.constant 1 : i32
      %sub3A_247 = arith.subi %add3A_245, %sub3A_246 : i32
      %mul3A_248 = arith.constant 16 : i32
      %mul3A_249 = arith.muli %sub3A_247, %mul3A_248 : i32
      %get3A_250 = arith.index_cast %mul3A_249 : i32 to index
      %get3A_251 = tpu.vector_load %arg8[%get3A_250] {strides = array<i32>} : memref<4096xi32, #tpu.memory_space<vmem>>, vector<16xi32>,
      %reduce_sum3A_252 = arith.constant true
      %reduce_sum3A_253 = vector.broadcast %reduce_sum3A_252 : i1 to vector<16xi1>
      %reduce_sum3A_254 = tpu.scan <sum>, %get3A_251 masked %reduce_sum3A_253 : vector<16xi32>, vector<16xi1> -> vector<16xi32>
      %reduce_sum3A_255 = vector.extract %reduce_sum3A_254[15] : i32 from vector<16xi32>
      %lt3A_256 = arith.cmpi slt, %reduce_sum3A_255, %sub3A_208 : i32
      %jit3A_257 = arith.constant 0 : i32
      %select_n3A_258 = arith.select %lt3A_256, %add3A_245, %jit3A_257 : i32
      %add3A_259 = arith.constant 64 : i32
      %add3A_260 = arith.addi %select_n3A_258, %add3A_259 : i32
      %sub3A_261 = arith.constant 1 : i32
      %sub3A_262 = arith.subi %add3A_260, %sub3A_261 : i32
      %mul3A_263 = arith.constant 16 : i32
      %mul3A_264 = arith.muli %sub3A_262, %mul3A_263 : i32
      %get3A_265 = arith.index_cast %mul3A_264 : i32 to index
      %get3A_266 = tpu.vector_load %arg8[%get3A_265] {strides = array<i32>} : memref<4096xi32, #tpu.memory_space<vmem>>, vector<16xi32>,
      %reduce_sum3A_267 = arith.constant true
      %reduce_sum3A_268 = vector.broadcast %reduce_sum3A_267 : i1 to vector<16xi1>
      %reduce_sum3A_269 = tpu.scan <sum>, %get3A_266 masked %reduce_sum3A_268 : vector<16xi32>, vector<16xi1> -> vector<16xi32>
      %reduce_sum3A_270 = vector.extract %reduce_sum3A_269[15] : i32 from vector<16xi32>
      %lt3A_271 = arith.cmpi slt, %reduce_sum3A_270, %sub3A_208 : i32
      %select_n3A_272 = arith.select %lt3A_271, %add3A_260, %select_n3A_258 : i32
      %add3A_273 = arith.constant 32 : i32
      %add3A_274 = arith.addi %select_n3A_272, %add3A_273 : i32
      %sub3A_275 = arith.constant 1 : i32
      %sub3A_276 = arith.subi %add3A_274, %sub3A_275 : i32
      %mul3A_277 = arith.constant 16 : i32
      %mul3A_278 = arith.muli %sub3A_276, %mul3A_277 : i32
      %get3A_279 = arith.index_cast %mul3A_278 : i32 to index
      %get3A_280 = tpu.vector_load %arg8[%get3A_279] {strides = array<i32>} : memref<4096xi32, #tpu.memory_space<vmem>>, vector<16xi32>,
      %reduce_sum3A_281 = arith.constant true
      %reduce_sum3A_282 = vector.broadcast %reduce_sum3A_281 : i1 to vector<16xi1>
      %reduce_sum3A_283 = tpu.scan <sum>, %get3A_280 masked %reduce_sum3A_282 : vector<16xi32>, vector<16xi1> -> vector<16xi32>
      %reduce_sum3A_284 = vector.extract %reduce_sum3A_283[15] : i32 from vector<16xi32>
      %lt3A_285 = arith.cmpi slt, %reduce_sum3A_284, %sub3A_208 : i32
      %select_n3A_286 = arith.select %lt3A_285, %add3A_274, %select_n3A_272 : i32
      %add3A_287 = arith.constant 16 : i32
      %add3A_288 = arith.addi %select_n3A_286, %add3A_287 : i32
      %sub3A_289 = arith.constant 1 : i32
      %sub3A_290 = arith.subi %add3A_288, %sub3A_289 : i32
      %mul3A_291 = arith.constant 16 : i32
      %mul3A_292 = arith.muli %sub3A_290, %mul3A_291 : i32
      %get3A_293 = arith.index_cast %mul3A_292 : i32 to index
      %get3A_294 = tpu.vector_load %arg8[%get3A_293] {strides = array<i32>} : memref<4096xi32, #tpu.memory_space<vmem>>, vector<16xi32>,
      %reduce_sum3A_295 = arith.constant true
      %reduce_sum3A_296 = vector.broadcast %reduce_sum3A_295 : i1 to vector<16xi1>
      %reduce_sum3A_297 = tpu.scan <sum>, %get3A_294 masked %reduce_sum3A_296 : vector<16xi32>, vector<16xi1> -> vector<16xi32>
      %reduce_sum3A_298 = vector.extract %reduce_sum3A_297[15] : i32 from vector<16xi32>
      %lt3A_299 = arith.cmpi slt, %reduce_sum3A_298, %sub3A_208 : i32
      %select_n3A_300 = arith.select %lt3A_299, %add3A_288, %select_n3A_286 : i32
      %add3A_301 = arith.constant 8 : i32
      %add3A_302 = arith.addi %select_n3A_300, %add3A_301 : i32
      %sub3A_303 = arith.constant 1 : i32
      %sub3A_304 = arith.subi %add3A_302, %sub3A_303 : i32
      %mul3A_305 = arith.constant 16 : i32
      %mul3A_306 = arith.muli %sub3A_304, %mul3A_305 : i32
      %get3A_307 = arith.index_cast %mul3A_306 : i32 to index
      %get3A_308 = tpu.vector_load %arg8[%get3A_307] {strides = array<i32>} : memref<4096xi32, #tpu.memory_space<vmem>>, vector<16xi32>,
      %reduce_sum3A_309 = arith.constant true
      %reduce_sum3A_310 = vector.broadcast %reduce_sum3A_309 : i1 to vector<16xi1>
      %reduce_sum3A_311 = tpu.scan <sum>, %get3A_308 masked %reduce_sum3A_310 : vector<16xi32>, vector<16xi1> -> vector<16xi32>
      %reduce_sum3A_312 = vector.extract %reduce_sum3A_311[15] : i32 from vector<16xi32>
      %lt3A_313 = arith.cmpi slt, %reduce_sum3A_312, %sub3A_208 : i32
      %select_n3A_314 = arith.select %lt3A_313, %add3A_302, %select_n3A_300 : i32
      %add3A_315 = arith.constant 4 : i32
      %add3A_316 = arith.addi %select_n3A_314, %add3A_315 : i32
      %sub3A_317 = arith.constant 1 : i32
      %sub3A_318 = arith.subi %add3A_316, %sub3A_317 : i32
      %mul3A_319 = arith.constant 16 : i32
      %mul3A_320 = arith.muli %sub3A_318, %mul3A_319 : i32
      %get3A_321 = arith.index_cast %mul3A_320 : i32 to index
      %get3A_322 = tpu.vector_load %arg8[%get3A_321] {strides = array<i32>} : memref<4096xi32, #tpu.memory_space<vmem>>, vector<16xi32>,
      %reduce_sum3A_323 = arith.constant true
      %reduce_sum3A_324 = vector.broadcast %reduce_sum3A_323 : i1 to vector<16xi1>
      %reduce_sum3A_325 = tpu.scan <sum>, %get3A_322 masked %reduce_sum3A_324 : vector<16xi32>, vector<16xi1> -> vector<16xi32>
      %reduce_sum3A_326 = vector.extract %reduce_sum3A_325[15] : i32 from vector<16xi32>
      %lt3A_327 = arith.cmpi slt, %reduce_sum3A_326, %sub3A_208 : i32
      %select_n3A_328 = arith.select %lt3A_327, %add3A_316, %select_n3A_314 : i32
      %add3A_329 = arith.constant 2 : i32
      %add3A_330 = arith.addi %select_n3A_328, %add3A_329 : i32
      %sub3A_331 = arith.constant 1 : i32
      %sub3A_332 = arith.subi %add3A_330, %sub3A_331 : i32
      %mul3A_333 = arith.constant 16 : i32
      %mul3A_334 = arith.muli %sub3A_332, %mul3A_333 : i32
      %get3A_335 = arith.index_cast %mul3A_334 : i32 to index
      %get3A_336 = tpu.vector_load %arg8[%get3A_335] {strides = array<i32>} : memref<4096xi32, #tpu.memory_space<vmem>>, vector<16xi32>,
      %reduce_sum3A_337 = arith.constant true
      %reduce_sum3A_338 = vector.broadcast %reduce_sum3A_337 : i1 to vector<16xi1>
      %reduce_sum3A_339 = tpu.scan <sum>, %get3A_336 masked %reduce_sum3A_338 : vector<16xi32>, vector<16xi1> -> vector<16xi32>
      %reduce_sum3A_340 = vector.extract %reduce_sum3A_339[15] : i32 from vector<16xi32>
      %lt3A_341 = arith.cmpi slt, %reduce_sum3A_340, %sub3A_208 : i32
      %select_n3A_342 = arith.select %lt3A_341, %add3A_330, %select_n3A_328 : i32
      %add3A_343 = arith.constant 1 : i32
      %add3A_344 = arith.addi %select_n3A_342, %add3A_343 : i32
      %sub3A_345 = arith.constant 1 : i32
      %sub3A_346 = arith.subi %add3A_344, %sub3A_345 : i32
      %mul3A_347 = arith.constant 16 : i32
      %mul3A_348 = arith.muli %sub3A_346, %mul3A_347 : i32
      %get3A_349 = arith.index_cast %mul3A_348 : i32 to index
      %get3A_350 = tpu.vector_load %arg8[%get3A_349] {strides = array<i32>} : memref<4096xi32, #tpu.memory_space<vmem>>, vector<16xi32>,
      %reduce_sum3A_351 = arith.constant true
      %reduce_sum3A_352 = vector.broadcast %reduce_sum3A_351 : i1 to vector<16xi1>
      %reduce_sum3A_353 = tpu.scan <sum>, %get3A_350 masked %reduce_sum3A_352 : vector<16xi32>, vector<16xi1> -> vector<16xi32>
      %reduce_sum3A_354 = vector.extract %reduce_sum3A_353[15] : i32 from vector<16xi32>
      %lt3A_355 = arith.cmpi slt, %reduce_sum3A_354, %sub3A_208 : i32
      %select_n3A_356 = arith.select %lt3A_355, %add3A_344, %select_n3A_342 : i32
      %gt3A_357 = arith.constant 0 : i32
      %gt3A_358 = arith.cmpi sgt, %select_n3A_356, %gt3A_357 : i32
      %sub3A_359 = arith.constant 1 : i32
      %sub3A_360 = arith.subi %select_n3A_356, %sub3A_359 : i32
      %max3A_361 = arith.constant 0 : i32
      %max3A_362 = arith.maxsi %sub3A_360, %max3A_361 : i32
      %mul3A_363 = arith.constant 16 : i32
      %mul3A_364 = arith.muli %max3A_362, %mul3A_363 : i32
      %get3A_365 = arith.index_cast %mul3A_364 : i32 to index
      %get3A_366 = tpu.vector_load %arg8[%get3A_365] {strides = array<i32>} : memref<4096xi32, #tpu.memory_space<vmem>>, vector<16xi32>,
      %reduce_sum3A_367 = arith.constant true
      %reduce_sum3A_368 = vector.broadcast %reduce_sum3A_367 : i1 to vector<16xi1>
      %reduce_sum3A_369 = tpu.scan <sum>, %get3A_366 masked %reduce_sum3A_368 : vector<16xi32>, vector<16xi1> -> vector<16xi32>
      %reduce_sum3A_370 = vector.extract %reduce_sum3A_369[15] : i32 from vector<16xi32>
      %jit3A_371 = arith.constant 0 : i32
      %select_n3A_372 = arith.select %gt3A_358, %reduce_sum3A_370, %jit3A_371 : i32
      %sub3A_373 = arith.subi %sub3A_208, %select_n3A_372 : i32
      %sub3A_374 = arith.constant 255 : i32
      %sub3A_375 = arith.subi %sub3A_374, %select_n3A_356 : i32
      %shift_left3A = arith.constant 8 : i32
      %shift_left3A_376 = arith.shli %select_n3A_220, %shift_left3A : i32
      %or3A = arith.ori %shift_left3A_376, %sub3A_375 : i32
      %parallel_loop3A_377 = arith.constant 0 : i32
      %parallel_loop3A_378 = arith.constant 1 : i32
      scf.for %parallel_loop3A_1514 = %parallel_loop3A_377 to %shift_right_arithmetic3A_236 step %parallel_loop3A_378  : i32 {
        %parallel_loop3A_1515 = arith.constant 16 : i32
        %parallel_loop3A_1516 = arith.muli %parallel_loop3A_1514, %parallel_loop3A_1515 : i32
        %parallel_loop3A_1517 = arith.index_cast %parallel_loop3A_1516 : i32 to index
        %parallel_loop3A_1518 = tpu.vector_load %arg6[%parallel_loop3A_1517] {strides = array<i32>} : memref<32784xf32, #tpu.memory_space<vmem>>, vector<16xf32>,
        %parallel_loop3A_1519 = vector.bitcast %parallel_loop3A_1518 : vector<16xf32> to vector<16xi32>
        %parallel_loop3A_1520 = arith.constant 16 : i32
        %parallel_loop3A_1521 = arith.muli %parallel_loop3A_1514, %parallel_loop3A_1520 : i32
        %parallel_loop3A_1522 = vector.broadcast %parallel_loop3A_1521 : i32 to vector<16xi32>
        %parallel_loop3A_1523 = arith.addi %parallel_loop3A_1522, %iota3A : vector<16xi32>
        %parallel_loop3A_1524 = vector.broadcast %parallel_loop3A_230 : i32 to vector<16xi32>
        %parallel_loop3A_1525 = arith.cmpi slt, %parallel_loop3A_1523, %parallel_loop3A_1524 : vector<16xi32>
        %parallel_loop3A_1526 = arith.constant 16 : i32
        %parallel_loop3A_1527 = vector.broadcast %parallel_loop3A_1526 : i32 to vector<16xi32>
        %parallel_loop3A_1528 = arith.shrui %parallel_loop3A_1519, %parallel_loop3A_1527 : vector<16xi32>
        %parallel_loop3A_1529 = vector.broadcast %or3A : i32 to vector<16xi32>
        %parallel_loop3A_1530 = arith.cmpi eq, %parallel_loop3A_1528, %parallel_loop3A_1529 : vector<16xi32>
        %parallel_loop3A_1531 = arith.andi %parallel_loop3A_1525, %parallel_loop3A_1530 : vector<16xi1>
        %parallel_loop3A_1532 = arith.constant 4 : i32
        %parallel_loop3A_1533 = vector.broadcast %parallel_loop3A_1532 : i32 to vector<16xi32>
        %parallel_loop3A_1534 = arith.shrui %parallel_loop3A_1519, %parallel_loop3A_1533 : vector<16xi32>
        %parallel_loop3A_1535 = arith.constant 4080 : i32
        %parallel_loop3A_1536 = vector.broadcast %parallel_loop3A_1535 : i32 to vector<16xi32>
        %parallel_loop3A_1537 = arith.andi %parallel_loop3A_1534, %parallel_loop3A_1536 : vector<16xi32>
        %parallel_loop3A_1538 = arith.addi %parallel_loop3A_1537, %iota3A : vector<16xi32>
        tpu.vector_store_idx %arg7[%parallel_loop3A_1538], %broadcast_in_dim3A_1 masked %parallel_loop3A_1531 {add = true} : memref<4096xi32, #tpu.memory_space<vmem>>[vector<16xi32>], vector<16xi32>, vector<16xi1>
      } {sc.loop_unroll_factor = 1 : i64, sc.parallel_access}
      %parallel_loop3A_379 = arith.constant 0 : i32
      %parallel_loop3A_380 = arith.constant 256 : i32
      %parallel_loop3A_381 = arith.constant 1 : i32
      %parallel_loop3A_382 = scf.for %parallel_loop3A_1514 = %parallel_loop3A_379 to %parallel_loop3A_380 step %parallel_loop3A_381 iter_args(%parallel_loop3A_1515 = %broadcast_in_dim3A_3) -> (vector<16xi32>)  : i32 {
        %parallel_loop3A_1516 = arith.constant 255 : i32
        %parallel_loop3A_1517 = arith.subi %parallel_loop3A_1516, %parallel_loop3A_1514 : i32
        %parallel_loop3A_1518 = arith.constant 16 : i32
        %parallel_loop3A_1519 = arith.muli %parallel_loop3A_1517, %parallel_loop3A_1518 : i32
        %parallel_loop3A_1520 = arith.index_cast %parallel_loop3A_1519 : i32 to index
        %parallel_loop3A_1521 = tpu.vector_load %arg7[%parallel_loop3A_1520] {strides = array<i32>} : memref<4096xi32, #tpu.memory_space<vmem>>, vector<16xi32>,
        %parallel_loop3A_1522 = arith.addi %parallel_loop3A_1515, %parallel_loop3A_1521 : vector<16xi32>
        %parallel_loop3A_1523 = arith.constant 16 : i32
        %parallel_loop3A_1524 = arith.muli %parallel_loop3A_1517, %parallel_loop3A_1523 : i32
        %parallel_loop3A_1525 = arith.index_cast %parallel_loop3A_1524 : i32 to index
        %parallel_loop3A_1526 = tpu.vector_load %arg7[%parallel_loop3A_1525] {strides = array<i32>} : memref<4096xi32, #tpu.memory_space<vmem>>, vector<16xi32>,
        tpu.vector_store %arg7[%parallel_loop3A_1525], %broadcast_in_dim3A_3 {strides = array<i32>} : memref<4096xi32, #tpu.memory_space<vmem>>, vector<16xi32>,
        %parallel_loop3A_1527 = arith.constant 16 : i32
        %parallel_loop3A_1528 = arith.muli %parallel_loop3A_1514, %parallel_loop3A_1527 : i32
        %parallel_loop3A_1529 = arith.index_cast %parallel_loop3A_1528 : i32 to index
        %parallel_loop3A_1530 = tpu.vector_load %arg8[%parallel_loop3A_1529] {strides = array<i32>} : memref<4096xi32, #tpu.memory_space<vmem>>, vector<16xi32>,
        tpu.vector_store %arg8[%parallel_loop3A_1529], %parallel_loop3A_1522 {strides = array<i32>} : memref<4096xi32, #tpu.memory_space<vmem>>, vector<16xi32>,
        scf.yield %parallel_loop3A_1522 : vector<16xi32>
      } {sc.loop_unroll_factor = 4 : i64, sc.parallel_access}
      %add3A_383 = arith.constant 0 : i32
      %add3A_384 = arith.constant 128 : i32
      %add3A_385 = arith.addi %add3A_383, %add3A_384 : i32
      %sub3A_386 = arith.constant 1 : i32
      %sub3A_387 = arith.subi %add3A_385, %sub3A_386 : i32
      %mul3A_388 = arith.constant 16 : i32
      %mul3A_389 = arith.muli %sub3A_387, %mul3A_388 : i32
      %get3A_390 = arith.index_cast %mul3A_389 : i32 to index
      %get3A_391 = tpu.vector_load %arg8[%get3A_390] {strides = array<i32>} : memref<4096xi32, #tpu.memory_space<vmem>>, vector<16xi32>,
      %reduce_sum3A_392 = arith.constant true
      %reduce_sum3A_393 = vector.broadcast %reduce_sum3A_392 : i1 to vector<16xi1>
      %reduce_sum3A_394 = tpu.scan <sum>, %get3A_391 masked %reduce_sum3A_393 : vector<16xi32>, vector<16xi1> -> vector<16xi32>
      %reduce_sum3A_395 = vector.extract %reduce_sum3A_394[15] : i32 from vector<16xi32>
      %lt3A_396 = arith.cmpi slt, %reduce_sum3A_395, %sub3A_373 : i32
      %jit3A_397 = arith.constant 0 : i32
      %select_n3A_398 = arith.select %lt3A_396, %add3A_385, %jit3A_397 : i32
      %add3A_399 = arith.constant 64 : i32
      %add3A_400 = arith.addi %select_n3A_398, %add3A_399 : i32
      %sub3A_401 = arith.constant 1 : i32
      %sub3A_402 = arith.subi %add3A_400, %sub3A_401 : i32
      %mul3A_403 = arith.constant 16 : i32
      %mul3A_404 = arith.muli %sub3A_402, %mul3A_403 : i32
      %get3A_405 = arith.index_cast %mul3A_404 : i32 to index
      %get3A_406 = tpu.vector_load %arg8[%get3A_405] {strides = array<i32>} : memref<4096xi32, #tpu.memory_space<vmem>>, vector<16xi32>,
      %reduce_sum3A_407 = arith.constant true
      %reduce_sum3A_408 = vector.broadcast %reduce_sum3A_407 : i1 to vector<16xi1>
      %reduce_sum3A_409 = tpu.scan <sum>, %get3A_406 masked %reduce_sum3A_408 : vector<16xi32>, vector<16xi1> -> vector<16xi32>
      %reduce_sum3A_410 = vector.extract %reduce_sum3A_409[15] : i32 from vector<16xi32>
      %lt3A_411 = arith.cmpi slt, %reduce_sum3A_410, %sub3A_373 : i32
      %select_n3A_412 = arith.select %lt3A_411, %add3A_400, %select_n3A_398 : i32
      %add3A_413 = arith.constant 32 : i32
      %add3A_414 = arith.addi %select_n3A_412, %add3A_413 : i32
      %sub3A_415 = arith.constant 1 : i32
      %sub3A_416 = arith.subi %add3A_414, %sub3A_415 : i32
      %mul3A_417 = arith.constant 16 : i32
      %mul3A_418 = arith.muli %sub3A_416, %mul3A_417 : i32
      %get3A_419 = arith.index_cast %mul3A_418 : i32 to index
      %get3A_420 = tpu.vector_load %arg8[%get3A_419] {strides = array<i32>} : memref<4096xi32, #tpu.memory_space<vmem>>, vector<16xi32>,
      %reduce_sum3A_421 = arith.constant true
      %reduce_sum3A_422 = vector.broadcast %reduce_sum3A_421 : i1 to vector<16xi1>
      %reduce_sum3A_423 = tpu.scan <sum>, %get3A_420 masked %reduce_sum3A_422 : vector<16xi32>, vector<16xi1> -> vector<16xi32>
      %reduce_sum3A_424 = vector.extract %reduce_sum3A_423[15] : i32 from vector<16xi32>
      %lt3A_425 = arith.cmpi slt, %reduce_sum3A_424, %sub3A_373 : i32
      %select_n3A_426 = arith.select %lt3A_425, %add3A_414, %select_n3A_412 : i32
      %add3A_427 = arith.constant 16 : i32
      %add3A_428 = arith.addi %select_n3A_426, %add3A_427 : i32
      %sub3A_429 = arith.constant 1 : i32
      %sub3A_430 = arith.subi %add3A_428, %sub3A_429 : i32
      %mul3A_431 = arith.constant 16 : i32
      %mul3A_432 = arith.muli %sub3A_430, %mul3A_431 : i32
      %get3A_433 = arith.index_cast %mul3A_432 : i32 to index
      %get3A_434 = tpu.vector_load %arg8[%get3A_433] {strides = array<i32>} : memref<4096xi32, #tpu.memory_space<vmem>>, vector<16xi32>,
      %reduce_sum3A_435 = arith.constant true
      %reduce_sum3A_436 = vector.broadcast %reduce_sum3A_435 : i1 to vector<16xi1>
      %reduce_sum3A_437 = tpu.scan <sum>, %get3A_434 masked %reduce_sum3A_436 : vector<16xi32>, vector<16xi1> -> vector<16xi32>
      %reduce_sum3A_438 = vector.extract %reduce_sum3A_437[15] : i32 from vector<16xi32>
      %lt3A_439 = arith.cmpi slt, %reduce_sum3A_438, %sub3A_373 : i32
      %select_n3A_440 = arith.select %lt3A_439, %add3A_428, %select_n3A_426 : i32
      %add3A_441 = arith.constant 8 : i32
      %add3A_442 = arith.addi %select_n3A_440, %add3A_441 : i32
      %sub3A_443 = arith.constant 1 : i32
      %sub3A_444 = arith.subi %add3A_442, %sub3A_443 : i32
      %mul3A_445 = arith.constant 16 : i32
      %mul3A_446 = arith.muli %sub3A_444, %mul3A_445 : i32
      %get3A_447 = arith.index_cast %mul3A_446 : i32 to index
      %get3A_448 = tpu.vector_load %arg8[%get3A_447] {strides = array<i32>} : memref<4096xi32, #tpu.memory_space<vmem>>, vector<16xi32>,
      %reduce_sum3A_449 = arith.constant true
      %reduce_sum3A_450 = vector.broadcast %reduce_sum3A_449 : i1 to vector<16xi1>
      %reduce_sum3A_451 = tpu.scan <sum>, %get3A_448 masked %reduce_sum3A_450 : vector<16xi32>, vector<16xi1> -> vector<16xi32>
      %reduce_sum3A_452 = vector.extract %reduce_sum3A_451[15] : i32 from vector<16xi32>
      %lt3A_453 = arith.cmpi slt, %reduce_sum3A_452, %sub3A_373 : i32
      %select_n3A_454 = arith.select %lt3A_453, %add3A_442, %select_n3A_440 : i32
      %add3A_455 = arith.constant 4 : i32
      %add3A_456 = arith.addi %select_n3A_454, %add3A_455 : i32
      %sub3A_457 = arith.constant 1 : i32
      %sub3A_458 = arith.subi %add3A_456, %sub3A_457 : i32
      %mul3A_459 = arith.constant 16 : i32
      %mul3A_460 = arith.muli %sub3A_458, %mul3A_459 : i32
      %get3A_461 = arith.index_cast %mul3A_460 : i32 to index
      %get3A_462 = tpu.vector_load %arg8[%get3A_461] {strides = array<i32>} : memref<4096xi32, #tpu.memory_space<vmem>>, vector<16xi32>,
      %reduce_sum3A_463 = arith.constant true
      %reduce_sum3A_464 = vector.broadcast %reduce_sum3A_463 : i1 to vector<16xi1>
      %reduce_sum3A_465 = tpu.scan <sum>, %get3A_462 masked %reduce_sum3A_464 : vector<16xi32>, vector<16xi1> -> vector<16xi32>
      %reduce_sum3A_466 = vector.extract %reduce_sum3A_465[15] : i32 from vector<16xi32>
      %lt3A_467 = arith.cmpi slt, %reduce_sum3A_466, %sub3A_373 : i32
      %select_n3A_468 = arith.select %lt3A_467, %add3A_456, %select_n3A_454 : i32
      %add3A_469 = arith.constant 2 : i32
      %add3A_470 = arith.addi %select_n3A_468, %add3A_469 : i32
      %sub3A_471 = arith.constant 1 : i32
      %sub3A_472 = arith.subi %add3A_470, %sub3A_471 : i32
      %mul3A_473 = arith.constant 16 : i32
      %mul3A_474 = arith.muli %sub3A_472, %mul3A_473 : i32
      %get3A_475 = arith.index_cast %mul3A_474 : i32 to index
      %get3A_476 = tpu.vector_load %arg8[%get3A_475] {strides = array<i32>} : memref<4096xi32, #tpu.memory_space<vmem>>, vector<16xi32>,
      %reduce_sum3A_477 = arith.constant true
      %reduce_sum3A_478 = vector.broadcast %reduce_sum3A_477 : i1 to vector<16xi1>
      %reduce_sum3A_479 = tpu.scan <sum>, %get3A_476 masked %reduce_sum3A_478 : vector<16xi32>, vector<16xi1> -> vector<16xi32>
      %reduce_sum3A_480 = vector.extract %reduce_sum3A_479[15] : i32 from vector<16xi32>
      %lt3A_481 = arith.cmpi slt, %reduce_sum3A_480, %sub3A_373 : i32
      %select_n3A_482 = arith.select %lt3A_481, %add3A_470, %select_n3A_468 : i32
      %add3A_483 = arith.constant 1 : i32
      %add3A_484 = arith.addi %select_n3A_482, %add3A_483 : i32
      %sub3A_485 = arith.constant 1 : i32
      %sub3A_486 = arith.subi %add3A_484, %sub3A_485 : i32
      %mul3A_487 = arith.constant 16 : i32
      %mul3A_488 = arith.muli %sub3A_486, %mul3A_487 : i32
      %get3A_489 = arith.index_cast %mul3A_488 : i32 to index
      %get3A_490 = tpu.vector_load %arg8[%get3A_489] {strides = array<i32>} : memref<4096xi32, #tpu.memory_space<vmem>>, vector<16xi32>,
      %reduce_sum3A_491 = arith.constant true
      %reduce_sum3A_492 = vector.broadcast %reduce_sum3A_491 : i1 to vector<16xi1>
      %reduce_sum3A_493 = tpu.scan <sum>, %get3A_490 masked %reduce_sum3A_492 : vector<16xi32>, vector<16xi1> -> vector<16xi32>
      %reduce_sum3A_494 = vector.extract %reduce_sum3A_493[15] : i32 from vector<16xi32>
      %lt3A_495 = arith.cmpi slt, %reduce_sum3A_494, %sub3A_373 : i32
      %select_n3A_496 = arith.select %lt3A_495, %add3A_484, %select_n3A_482 : i32
      %gt3A_497 = arith.constant 0 : i32
      %gt3A_498 = arith.cmpi sgt, %select_n3A_496, %gt3A_497 : i32
      %sub3A_499 = arith.constant 1 : i32
      %sub3A_500 = arith.subi %select_n3A_496, %sub3A_499 : i32
      %max3A_501 = arith.constant 0 : i32
      %max3A_502 = arith.maxsi %sub3A_500, %max3A_501 : i32
      %mul3A_503 = arith.constant 16 : i32
      %mul3A_504 = arith.muli %max3A_502, %mul3A_503 : i32
      %get3A_505 = arith.index_cast %mul3A_504 : i32 to index
      %get3A_506 = tpu.vector_load %arg8[%get3A_505] {strides = array<i32>} : memref<4096xi32, #tpu.memory_space<vmem>>, vector<16xi32>,
      %reduce_sum3A_507 = arith.constant true
      %reduce_sum3A_508 = vector.broadcast %reduce_sum3A_507 : i1 to vector<16xi1>
      %reduce_sum3A_509 = tpu.scan <sum>, %get3A_506 masked %reduce_sum3A_508 : vector<16xi32>, vector<16xi1> -> vector<16xi32>
      %reduce_sum3A_510 = vector.extract %reduce_sum3A_509[15] : i32 from vector<16xi32>
      %jit3A_511 = arith.constant 0 : i32
      %select_n3A_512 = arith.select %gt3A_498, %reduce_sum3A_510, %jit3A_511 : i32
      %sub3A_513 = arith.subi %sub3A_373, %select_n3A_512 : i32
      %sub3A_514 = arith.constant 255 : i32
      %sub3A_515 = arith.subi %sub3A_514, %select_n3A_496 : i32
      %shift_left3A_516 = arith.constant 8 : i32
      %shift_left3A_517 = arith.shli %or3A, %shift_left3A_516 : i32
      %or3A_518 = arith.ori %shift_left3A_517, %sub3A_515 : i32
      %parallel_loop3A_519 = arith.constant 0 : i32
      %parallel_loop3A_520 = arith.constant 1 : i32
      scf.for %parallel_loop3A_1514 = %parallel_loop3A_519 to %shift_right_arithmetic3A_236 step %parallel_loop3A_520  : i32 {
        %parallel_loop3A_1515 = arith.constant 16 : i32
        %parallel_loop3A_1516 = arith.muli %parallel_loop3A_1514, %parallel_loop3A_1515 : i32
        %parallel_loop3A_1517 = arith.index_cast %parallel_loop3A_1516 : i32 to index
        %parallel_loop3A_1518 = tpu.vector_load %arg6[%parallel_loop3A_1517] {strides = array<i32>} : memref<32784xf32, #tpu.memory_space<vmem>>, vector<16xf32>,
        %parallel_loop3A_1519 = vector.bitcast %parallel_loop3A_1518 : vector<16xf32> to vector<16xi32>
        %parallel_loop3A_1520 = arith.constant 16 : i32
        %parallel_loop3A_1521 = arith.muli %parallel_loop3A_1514, %parallel_loop3A_1520 : i32
        %parallel_loop3A_1522 = vector.broadcast %parallel_loop3A_1521 : i32 to vector<16xi32>
        %parallel_loop3A_1523 = arith.addi %parallel_loop3A_1522, %iota3A : vector<16xi32>
        %parallel_loop3A_1524 = vector.broadcast %parallel_loop3A_230 : i32 to vector<16xi32>
        %parallel_loop3A_1525 = arith.cmpi slt, %parallel_loop3A_1523, %parallel_loop3A_1524 : vector<16xi32>
        %parallel_loop3A_1526 = arith.constant 8 : i32
        %parallel_loop3A_1527 = vector.broadcast %parallel_loop3A_1526 : i32 to vector<16xi32>
        %parallel_loop3A_1528 = arith.shrui %parallel_loop3A_1519, %parallel_loop3A_1527 : vector<16xi32>
        %parallel_loop3A_1529 = vector.broadcast %or3A_518 : i32 to vector<16xi32>
        %parallel_loop3A_1530 = arith.cmpi eq, %parallel_loop3A_1528, %parallel_loop3A_1529 : vector<16xi32>
        %parallel_loop3A_1531 = arith.andi %parallel_loop3A_1525, %parallel_loop3A_1530 : vector<16xi1>
        %parallel_loop3A_1532 = arith.constant 255 : i32
        %parallel_loop3A_1533 = vector.broadcast %parallel_loop3A_1532 : i32 to vector<16xi32>
        %parallel_loop3A_1534 = arith.andi %parallel_loop3A_1519, %parallel_loop3A_1533 : vector<16xi32>
        %parallel_loop3A_1535 = arith.constant 4 : i32
        %parallel_loop3A_1536 = vector.broadcast %parallel_loop3A_1535 : i32 to vector<16xi32>
        %parallel_loop3A_1537 = arith.shli %parallel_loop3A_1534, %parallel_loop3A_1536 : vector<16xi32>
        %parallel_loop3A_1538 = arith.addi %parallel_loop3A_1537, %iota3A : vector<16xi32>
        tpu.vector_store_idx %arg7[%parallel_loop3A_1538], %broadcast_in_dim3A_1 masked %parallel_loop3A_1531 {add = true} : memref<4096xi32, #tpu.memory_space<vmem>>[vector<16xi32>], vector<16xi32>, vector<16xi1>
      } {sc.loop_unroll_factor = 1 : i64, sc.parallel_access}
      %parallel_loop3A_521 = arith.constant 0 : i32
      %parallel_loop3A_522 = arith.constant 256 : i32
      %parallel_loop3A_523 = arith.constant 1 : i32
      %parallel_loop3A_524 = scf.for %parallel_loop3A_1514 = %parallel_loop3A_521 to %parallel_loop3A_522 step %parallel_loop3A_523 iter_args(%parallel_loop3A_1515 = %broadcast_in_dim3A_3) -> (vector<16xi32>)  : i32 {
        %parallel_loop3A_1516 = arith.constant 255 : i32
        %parallel_loop3A_1517 = arith.subi %parallel_loop3A_1516, %parallel_loop3A_1514 : i32
        %parallel_loop3A_1518 = arith.constant 16 : i32
        %parallel_loop3A_1519 = arith.muli %parallel_loop3A_1517, %parallel_loop3A_1518 : i32
        %parallel_loop3A_1520 = arith.index_cast %parallel_loop3A_1519 : i32 to index
        %parallel_loop3A_1521 = tpu.vector_load %arg7[%parallel_loop3A_1520] {strides = array<i32>} : memref<4096xi32, #tpu.memory_space<vmem>>, vector<16xi32>,
        %parallel_loop3A_1522 = arith.addi %parallel_loop3A_1515, %parallel_loop3A_1521 : vector<16xi32>
        %parallel_loop3A_1523 = arith.constant 16 : i32
        %parallel_loop3A_1524 = arith.muli %parallel_loop3A_1517, %parallel_loop3A_1523 : i32
        %parallel_loop3A_1525 = arith.index_cast %parallel_loop3A_1524 : i32 to index
        %parallel_loop3A_1526 = tpu.vector_load %arg7[%parallel_loop3A_1525] {strides = array<i32>} : memref<4096xi32, #tpu.memory_space<vmem>>, vector<16xi32>,
        tpu.vector_store %arg7[%parallel_loop3A_1525], %broadcast_in_dim3A_3 {strides = array<i32>} : memref<4096xi32, #tpu.memory_space<vmem>>, vector<16xi32>,
        %parallel_loop3A_1527 = arith.constant 16 : i32
        %parallel_loop3A_1528 = arith.muli %parallel_loop3A_1514, %parallel_loop3A_1527 : i32
        %parallel_loop3A_1529 = arith.index_cast %parallel_loop3A_1528 : i32 to index
        %parallel_loop3A_1530 = tpu.vector_load %arg8[%parallel_loop3A_1529] {strides = array<i32>} : memref<4096xi32, #tpu.memory_space<vmem>>, vector<16xi32>,
        tpu.vector_store %arg8[%parallel_loop3A_1529], %parallel_loop3A_1522 {strides = array<i32>} : memref<4096xi32, #tpu.memory_space<vmem>>, vector<16xi32>,
        scf.yield %parallel_loop3A_1522 : vector<16xi32>
      } {sc.loop_unroll_factor = 4 : i64, sc.parallel_access}
      %add3A_525 = arith.constant 0 : i32
      %add3A_526 = arith.constant 128 : i32
      %add3A_527 = arith.addi %add3A_525, %add3A_526 : i32
      %sub3A_528 = arith.constant 1 : i32
      %sub3A_529 = arith.subi %add3A_527, %sub3A_528 : i32
      %mul3A_530 = arith.constant 16 : i32
      %mul3A_531 = arith.muli %sub3A_529, %mul3A_530 : i32
      %get3A_532 = arith.index_cast %mul3A_531 : i32 to index
      %get3A_533 = tpu.vector_load %arg8[%get3A_532] {strides = array<i32>} : memref<4096xi32, #tpu.memory_space<vmem>>, vector<16xi32>,
      %reduce_sum3A_534 = arith.constant true
      %reduce_sum3A_535 = vector.broadcast %reduce_sum3A_534 : i1 to vector<16xi1>
      %reduce_sum3A_536 = tpu.scan <sum>, %get3A_533 masked %reduce_sum3A_535 : vector<16xi32>, vector<16xi1> -> vector<16xi32>
      %reduce_sum3A_537 = vector.extract %reduce_sum3A_536[15] : i32 from vector<16xi32>
      %lt3A_538 = arith.cmpi slt, %reduce_sum3A_537, %sub3A_513 : i32
      %jit3A_539 = arith.constant 0 : i32
      %select_n3A_540 = arith.select %lt3A_538, %add3A_527, %jit3A_539 : i32
      %add3A_541 = arith.constant 64 : i32
      %add3A_542 = arith.addi %select_n3A_540, %add3A_541 : i32
      %sub3A_543 = arith.constant 1 : i32
      %sub3A_544 = arith.subi %add3A_542, %sub3A_543 : i32
      %mul3A_545 = arith.constant 16 : i32
      %mul3A_546 = arith.muli %sub3A_544, %mul3A_545 : i32
      %get3A_547 = arith.index_cast %mul3A_546 : i32 to index
      %get3A_548 = tpu.vector_load %arg8[%get3A_547] {strides = array<i32>} : memref<4096xi32, #tpu.memory_space<vmem>>, vector<16xi32>,
      %reduce_sum3A_549 = arith.constant true
      %reduce_sum3A_550 = vector.broadcast %reduce_sum3A_549 : i1 to vector<16xi1>
      %reduce_sum3A_551 = tpu.scan <sum>, %get3A_548 masked %reduce_sum3A_550 : vector<16xi32>, vector<16xi1> -> vector<16xi32>
      %reduce_sum3A_552 = vector.extract %reduce_sum3A_551[15] : i32 from vector<16xi32>
      %lt3A_553 = arith.cmpi slt, %reduce_sum3A_552, %sub3A_513 : i32
      %select_n3A_554 = arith.select %lt3A_553, %add3A_542, %select_n3A_540 : i32
      %add3A_555 = arith.constant 32 : i32
      %add3A_556 = arith.addi %select_n3A_554, %add3A_555 : i32
      %sub3A_557 = arith.constant 1 : i32
      %sub3A_558 = arith.subi %add3A_556, %sub3A_557 : i32
      %mul3A_559 = arith.constant 16 : i32
      %mul3A_560 = arith.muli %sub3A_558, %mul3A_559 : i32
      %get3A_561 = arith.index_cast %mul3A_560 : i32 to index
      %get3A_562 = tpu.vector_load %arg8[%get3A_561] {strides = array<i32>} : memref<4096xi32, #tpu.memory_space<vmem>>, vector<16xi32>,
      %reduce_sum3A_563 = arith.constant true
      %reduce_sum3A_564 = vector.broadcast %reduce_sum3A_563 : i1 to vector<16xi1>
      %reduce_sum3A_565 = tpu.scan <sum>, %get3A_562 masked %reduce_sum3A_564 : vector<16xi32>, vector<16xi1> -> vector<16xi32>
      %reduce_sum3A_566 = vector.extract %reduce_sum3A_565[15] : i32 from vector<16xi32>
      %lt3A_567 = arith.cmpi slt, %reduce_sum3A_566, %sub3A_513 : i32
      %select_n3A_568 = arith.select %lt3A_567, %add3A_556, %select_n3A_554 : i32
      %add3A_569 = arith.constant 16 : i32
      %add3A_570 = arith.addi %select_n3A_568, %add3A_569 : i32
      %sub3A_571 = arith.constant 1 : i32
      %sub3A_572 = arith.subi %add3A_570, %sub3A_571 : i32
      %mul3A_573 = arith.constant 16 : i32
      %mul3A_574 = arith.muli %sub3A_572, %mul3A_573 : i32
      %get3A_575 = arith.index_cast %mul3A_574 : i32 to index
      %get3A_576 = tpu.vector_load %arg8[%get3A_575] {strides = array<i32>} : memref<4096xi32, #tpu.memory_space<vmem>>, vector<16xi32>,
      %reduce_sum3A_577 = arith.constant true
      %reduce_sum3A_578 = vector.broadcast %reduce_sum3A_577 : i1 to vector<16xi1>
      %reduce_sum3A_579 = tpu.scan <sum>, %get3A_576 masked %reduce_sum3A_578 : vector<16xi32>, vector<16xi1> -> vector<16xi32>
      %reduce_sum3A_580 = vector.extract %reduce_sum3A_579[15] : i32 from vector<16xi32>
      %lt3A_581 = arith.cmpi slt, %reduce_sum3A_580, %sub3A_513 : i32
      %select_n3A_582 = arith.select %lt3A_581, %add3A_570, %select_n3A_568 : i32
      %add3A_583 = arith.constant 8 : i32
      %add3A_584 = arith.addi %select_n3A_582, %add3A_583 : i32
      %sub3A_585 = arith.constant 1 : i32
      %sub3A_586 = arith.subi %add3A_584, %sub3A_585 : i32
      %mul3A_587 = arith.constant 16 : i32
      %mul3A_588 = arith.muli %sub3A_586, %mul3A_587 : i32
      %get3A_589 = arith.index_cast %mul3A_588 : i32 to index
      %get3A_590 = tpu.vector_load %arg8[%get3A_589] {strides = array<i32>} : memref<4096xi32, #tpu.memory_space<vmem>>, vector<16xi32>,
      %reduce_sum3A_591 = arith.constant true
      %reduce_sum3A_592 = vector.broadcast %reduce_sum3A_591 : i1 to vector<16xi1>
      %reduce_sum3A_593 = tpu.scan <sum>, %get3A_590 masked %reduce_sum3A_592 : vector<16xi32>, vector<16xi1> -> vector<16xi32>
      %reduce_sum3A_594 = vector.extract %reduce_sum3A_593[15] : i32 from vector<16xi32>
      %lt3A_595 = arith.cmpi slt, %reduce_sum3A_594, %sub3A_513 : i32
      %select_n3A_596 = arith.select %lt3A_595, %add3A_584, %select_n3A_582 : i32
      %add3A_597 = arith.constant 4 : i32
      %add3A_598 = arith.addi %select_n3A_596, %add3A_597 : i32
      %sub3A_599 = arith.constant 1 : i32
      %sub3A_600 = arith.subi %add3A_598, %sub3A_599 : i32
      %mul3A_601 = arith.constant 16 : i32
      %mul3A_602 = arith.muli %sub3A_600, %mul3A_601 : i32
      %get3A_603 = arith.index_cast %mul3A_602 : i32 to index
      %get3A_604 = tpu.vector_load %arg8[%get3A_603] {strides = array<i32>} : memref<4096xi32, #tpu.memory_space<vmem>>, vector<16xi32>,
      %reduce_sum3A_605 = arith.constant true
      %reduce_sum3A_606 = vector.broadcast %reduce_sum3A_605 : i1 to vector<16xi1>
      %reduce_sum3A_607 = tpu.scan <sum>, %get3A_604 masked %reduce_sum3A_606 : vector<16xi32>, vector<16xi1> -> vector<16xi32>
      %reduce_sum3A_608 = vector.extract %reduce_sum3A_607[15] : i32 from vector<16xi32>
      %lt3A_609 = arith.cmpi slt, %reduce_sum3A_608, %sub3A_513 : i32
      %select_n3A_610 = arith.select %lt3A_609, %add3A_598, %select_n3A_596 : i32
      %add3A_611 = arith.constant 2 : i32
      %add3A_612 = arith.addi %select_n3A_610, %add3A_611 : i32
      %sub3A_613 = arith.constant 1 : i32
      %sub3A_614 = arith.subi %add3A_612, %sub3A_613 : i32
      %mul3A_615 = arith.constant 16 : i32
      %mul3A_616 = arith.muli %sub3A_614, %mul3A_615 : i32
      %get3A_617 = arith.index_cast %mul3A_616 : i32 to index
      %get3A_618 = tpu.vector_load %arg8[%get3A_617] {strides = array<i32>} : memref<4096xi32, #tpu.memory_space<vmem>>, vector<16xi32>,
      %reduce_sum3A_619 = arith.constant true
      %reduce_sum3A_620 = vector.broadcast %reduce_sum3A_619 : i1 to vector<16xi1>
      %reduce_sum3A_621 = tpu.scan <sum>, %get3A_618 masked %reduce_sum3A_620 : vector<16xi32>, vector<16xi1> -> vector<16xi32>
      %reduce_sum3A_622 = vector.extract %reduce_sum3A_621[15] : i32 from vector<16xi32>
      %lt3A_623 = arith.cmpi slt, %reduce_sum3A_622, %sub3A_513 : i32
      %select_n3A_624 = arith.select %lt3A_623, %add3A_612, %select_n3A_610 : i32
      %add3A_625 = arith.constant 1 : i32
      %add3A_626 = arith.addi %select_n3A_624, %add3A_625 : i32
      %sub3A_627 = arith.constant 1 : i32
      %sub3A_628 = arith.subi %add3A_626, %sub3A_627 : i32
      %mul3A_629 = arith.constant 16 : i32
      %mul3A_630 = arith.muli %sub3A_628, %mul3A_629 : i32
      %get3A_631 = arith.index_cast %mul3A_630 : i32 to index
      %get3A_632 = tpu.vector_load %arg8[%get3A_631] {strides = array<i32>} : memref<4096xi32, #tpu.memory_space<vmem>>, vector<16xi32>,
      %reduce_sum3A_633 = arith.constant true
      %reduce_sum3A_634 = vector.broadcast %reduce_sum3A_633 : i1 to vector<16xi1>
      %reduce_sum3A_635 = tpu.scan <sum>, %get3A_632 masked %reduce_sum3A_634 : vector<16xi32>, vector<16xi1> -> vector<16xi32>
      %reduce_sum3A_636 = vector.extract %reduce_sum3A_635[15] : i32 from vector<16xi32>
      %lt3A_637 = arith.cmpi slt, %reduce_sum3A_636, %sub3A_513 : i32
      %select_n3A_638 = arith.select %lt3A_637, %add3A_626, %select_n3A_624 : i32
      %gt3A_639 = arith.constant 0 : i32
      %gt3A_640 = arith.cmpi sgt, %select_n3A_638, %gt3A_639 : i32
      %sub3A_641 = arith.constant 1 : i32
      %sub3A_642 = arith.subi %select_n3A_638, %sub3A_641 : i32
      %max3A_643 = arith.constant 0 : i32
      %max3A_644 = arith.maxsi %sub3A_642, %max3A_643 : i32
      %mul3A_645 = arith.constant 16 : i32
      %mul3A_646 = arith.muli %max3A_644, %mul3A_645 : i32
      %get3A_647 = arith.index_cast %mul3A_646 : i32 to index
      %get3A_648 = tpu.vector_load %arg8[%get3A_647] {strides = array<i32>} : memref<4096xi32, #tpu.memory_space<vmem>>, vector<16xi32>,
      %reduce_sum3A_649 = arith.constant true
      %reduce_sum3A_650 = vector.broadcast %reduce_sum3A_649 : i1 to vector<16xi1>
      %reduce_sum3A_651 = tpu.scan <sum>, %get3A_648 masked %reduce_sum3A_650 : vector<16xi32>, vector<16xi1> -> vector<16xi32>
      %reduce_sum3A_652 = vector.extract %reduce_sum3A_651[15] : i32 from vector<16xi32>
      %jit3A_653 = arith.constant 0 : i32
      %select_n3A_654 = arith.select %gt3A_640, %reduce_sum3A_652, %jit3A_653 : i32
      %sub3A_655 = arith.subi %sub3A_513, %select_n3A_654 : i32
      %sub3A_656 = arith.constant 255 : i32
      %sub3A_657 = arith.subi %sub3A_656, %select_n3A_638 : i32
      %shift_left3A_658 = arith.constant 24 : i32
      %shift_left3A_659 = arith.shli %select_n3A_220, %shift_left3A_658 : i32
      %shift_left3A_660 = arith.constant 16 : i32
      %shift_left3A_661 = arith.shli %sub3A_375, %shift_left3A_660 : i32
      %or3A_662 = arith.ori %shift_left3A_659, %shift_left3A_661 : i32
      %shift_left3A_663 = arith.constant 8 : i32
      %shift_left3A_664 = arith.shli %sub3A_515, %shift_left3A_663 : i32
      %or3A_665 = arith.ori %or3A_662, %shift_left3A_664 : i32
      %or3A_666 = arith.ori %or3A_665, %sub3A_657 : i32
      %xor3A = arith.constant -2147483648 : i32
      %xor3A_667 = arith.xori %or3A_666, %xor3A : i32
      %broadcast_in_dim3A_668 = arith.constant 0xFF800000 : f32
      %broadcast_in_dim3A_669 = vector.broadcast %broadcast_in_dim3A_668 : f32 to vector<16xf32>
      %parallel_loop3A_670 = arith.constant 0 : i32
      %parallel_loop3A_671 = arith.constant 1 : i32
      %parallel_loop3A_672 = scf.for %parallel_loop3A_1514 = %parallel_loop3A_670 to %shift_right_arithmetic3A_236 step %parallel_loop3A_671 iter_args(%parallel_loop3A_1515 = %broadcast_in_dim3A_669) -> (vector<16xf32>)  : i32 {
        %parallel_loop3A_1516 = arith.constant 16 : i32
        %parallel_loop3A_1517 = arith.muli %parallel_loop3A_1514, %parallel_loop3A_1516 : i32
        %parallel_loop3A_1518 = arith.index_cast %parallel_loop3A_1517 : i32 to index
        %parallel_loop3A_1519 = tpu.vector_load %arg6[%parallel_loop3A_1518] {strides = array<i32>} : memref<32784xf32, #tpu.memory_space<vmem>>, vector<16xf32>,
        %parallel_loop3A_1520 = vector.bitcast %parallel_loop3A_1519 : vector<16xf32> to vector<16xi32>
        %parallel_loop3A_1521 = arith.constant 16 : i32
        %parallel_loop3A_1522 = arith.muli %parallel_loop3A_1514, %parallel_loop3A_1521 : i32
        %parallel_loop3A_1523 = vector.broadcast %parallel_loop3A_1522 : i32 to vector<16xi32>
        %parallel_loop3A_1524 = arith.addi %parallel_loop3A_1523, %iota3A : vector<16xi32>
        %parallel_loop3A_1525 = vector.broadcast %parallel_loop3A_230 : i32 to vector<16xi32>
        %parallel_loop3A_1526 = arith.cmpi slt, %parallel_loop3A_1524, %parallel_loop3A_1525 : vector<16xi32>
        %parallel_loop3A_1527 = arith.constant -2147483648 : i32
        %parallel_loop3A_1528 = vector.broadcast %parallel_loop3A_1527 : i32 to vector<16xi32>
        %parallel_loop3A_1529 = arith.xori %parallel_loop3A_1520, %parallel_loop3A_1528 : vector<16xi32>
        %parallel_loop3A_1530 = arith.constant 0 : i32
        %parallel_loop3A_1531 = vector.broadcast %parallel_loop3A_1530 : i32 to vector<16xi32>
        %parallel_loop3A_1532 = arith.cmpi sge, %parallel_loop3A_1529, %parallel_loop3A_1531 : vector<16xi32>
        %parallel_loop3A_1533 = arith.constant 2147483647 : i32
        %parallel_loop3A_1534 = vector.broadcast %parallel_loop3A_1533 : i32 to vector<16xi32>
        %parallel_loop3A_1535 = arith.xori %parallel_loop3A_1529, %parallel_loop3A_1534 : vector<16xi32>
        %parallel_loop3A_1536 = arith.select %parallel_loop3A_1532, %parallel_loop3A_1529, %parallel_loop3A_1535 : vector<16xi1>, vector<16xi32>
        %parallel_loop3A_1537 = vector.bitcast %parallel_loop3A_1536 : vector<16xi32> to vector<16xf32>
        %parallel_loop3A_1538 = arith.constant 0xFF800000 : f32
        %parallel_loop3A_1539 = vector.broadcast %parallel_loop3A_1538 : f32 to vector<16xf32>
        %parallel_loop3A_1540 = arith.select %parallel_loop3A_1526, %parallel_loop3A_1537, %parallel_loop3A_1539 : vector<16xi1>, vector<16xf32>
        %parallel_loop3A_1541 = arith.maximumf %parallel_loop3A_1515, %parallel_loop3A_1540 : vector<16xf32>
        scf.yield %parallel_loop3A_1541 : vector<16xf32>
      } {sc.loop_unroll_factor = 1 : i64, sc.parallel_access}
      %reduce_max3A = arith.constant true
      %reduce_max3A_673 = vector.broadcast %reduce_max3A : i1 to vector<16xi1>
      %reduce_max3A_674 = tpu.scan <max>, %parallel_loop3A_672 masked %reduce_max3A_673 : vector<16xf32>, vector<16xi1> -> vector<16xf32>
      %reduce_max3A_675 = vector.extract %reduce_max3A_674[15] : f32 from vector<16xf32>
      %broadcast_in_dim3A_676 = arith.constant 0.000000e+00 : f32
      %broadcast_in_dim3A_677 = vector.broadcast %broadcast_in_dim3A_676 : f32 to vector<16xf32>
      %parallel_loop3A_678 = arith.constant 0 : i32
      %parallel_loop3A_679 = arith.constant 1 : i32
      %parallel_loop3A_680 = scf.for %parallel_loop3A_1514 = %parallel_loop3A_678 to %shift_right_arithmetic3A_236 step %parallel_loop3A_679 iter_args(%parallel_loop3A_1515 = %broadcast_in_dim3A_677) -> (vector<16xf32>)  : i32 {
        %parallel_loop3A_1516 = arith.constant 16 : i32
        %parallel_loop3A_1517 = arith.muli %parallel_loop3A_1514, %parallel_loop3A_1516 : i32
        %parallel_loop3A_1518 = arith.index_cast %parallel_loop3A_1517 : i32 to index
        %parallel_loop3A_1519 = tpu.vector_load %arg6[%parallel_loop3A_1518] {strides = array<i32>} : memref<32784xf32, #tpu.memory_space<vmem>>, vector<16xf32>,
        %parallel_loop3A_1520 = vector.bitcast %parallel_loop3A_1519 : vector<16xf32> to vector<16xi32>
        %parallel_loop3A_1521 = arith.constant 16 : i32
        %parallel_loop3A_1522 = arith.muli %parallel_loop3A_1514, %parallel_loop3A_1521 : i32
        %parallel_loop3A_1523 = vector.broadcast %parallel_loop3A_1522 : i32 to vector<16xi32>
        %parallel_loop3A_1524 = arith.addi %parallel_loop3A_1523, %iota3A : vector<16xi32>
        %parallel_loop3A_1525 = vector.broadcast %parallel_loop3A_230 : i32 to vector<16xi32>
        %parallel_loop3A_1526 = arith.cmpi slt, %parallel_loop3A_1524, %parallel_loop3A_1525 : vector<16xi32>
        %parallel_loop3A_1527 = arith.constant -2147483648 : i32
        %parallel_loop3A_1528 = vector.broadcast %parallel_loop3A_1527 : i32 to vector<16xi32>
        %parallel_loop3A_1529 = arith.xori %parallel_loop3A_1520, %parallel_loop3A_1528 : vector<16xi32>
        %parallel_loop3A_1530 = arith.constant 0 : i32
        %parallel_loop3A_1531 = vector.broadcast %parallel_loop3A_1530 : i32 to vector<16xi32>
        %parallel_loop3A_1532 = arith.cmpi sge, %parallel_loop3A_1529, %parallel_loop3A_1531 : vector<16xi32>
        %parallel_loop3A_1533 = arith.constant 2147483647 : i32
        %parallel_loop3A_1534 = vector.broadcast %parallel_loop3A_1533 : i32 to vector<16xi32>
        %parallel_loop3A_1535 = arith.xori %parallel_loop3A_1529, %parallel_loop3A_1534 : vector<16xi32>
        %parallel_loop3A_1536 = arith.select %parallel_loop3A_1532, %parallel_loop3A_1529, %parallel_loop3A_1535 : vector<16xi1>, vector<16xi32>
        %parallel_loop3A_1537 = vector.bitcast %parallel_loop3A_1536 : vector<16xi32> to vector<16xf32>
        %parallel_loop3A_1538 = vector.broadcast %xor3A_667 : i32 to vector<16xi32>
        %parallel_loop3A_1539 = arith.cmpi sge, %parallel_loop3A_1529, %parallel_loop3A_1538 : vector<16xi32>
        %parallel_loop3A_1540 = arith.andi %parallel_loop3A_1526, %parallel_loop3A_1539 : vector<16xi1>
        %parallel_loop3A_1541 = vector.broadcast %reduce_max3A_675 : f32 to vector<16xf32>
        %parallel_loop3A_1542 = arith.subf %parallel_loop3A_1537, %parallel_loop3A_1541 : vector<16xf32>
        %parallel_loop3A_1543 = math.exp %parallel_loop3A_1542 : vector<16xf32>
        %parallel_loop3A_1544 = arith.constant 0.000000e+00 : f32
        %parallel_loop3A_1545 = vector.broadcast %parallel_loop3A_1544 : f32 to vector<16xf32>
        %parallel_loop3A_1546 = arith.select %parallel_loop3A_1540, %parallel_loop3A_1543, %parallel_loop3A_1545 : vector<16xi1>, vector<16xf32>
        %parallel_loop3A_1547 = arith.addf %parallel_loop3A_1515, %parallel_loop3A_1546 : vector<16xf32>
        scf.yield %parallel_loop3A_1547 : vector<16xf32>
      } {sc.loop_unroll_factor = 1 : i64, sc.parallel_access}
      %broadcast_in_dim3A_681 = arith.constant 1.000000e+00 : f32
      %broadcast_in_dim3A_682 = vector.broadcast %broadcast_in_dim3A_681 : f32 to vector<16xf32>
      %reduce_sum3A_683 = arith.constant true
      %reduce_sum3A_684 = vector.broadcast %reduce_sum3A_683 : i1 to vector<16xi1>
      %reduce_sum3A_685 = tpu.scan <sum>, %parallel_loop3A_680 masked %reduce_sum3A_684 : vector<16xf32>, vector<16xi1> -> vector<16xf32>
      %reduce_sum3A_686 = vector.extract %reduce_sum3A_685[15] : f32 from vector<16xf32>
      %broadcast_in_dim3A_687 = vector.broadcast %reduce_sum3A_686 : f32 to vector<16xf32>
      %div3A = arith.divf %broadcast_in_dim3A_682, %broadcast_in_dim3A_687 : vector<16xf32>
      %add3A_688 = arith.constant 1 : i32
      %add3A_689 = arith.addi %mul3A_63, %add3A_688 : i32
      %lt3A_690 = arith.constant 32 : i32
      %lt3A_691 = arith.cmpi slt, %add3A_689, %lt3A_690 : i32
      %convert_element_type3A_692 = arith.extui %lt3A_691 : i1 to i32
      %cond3A_693 = arith.constant 0 : i32
      %cond3A_694 = arith.cmpi ne, %convert_element_type3A_692, %cond3A_693 : i32
      scf.if %cond3A_694 {
        %add3A_1514 = arith.constant 1 : i32
        %add3A_1515 = arith.addi %add3A_66, %add3A_1514 : i32
        %shift_right_arithmetic3A_1516 = arith.constant 6 : i32
        %shift_right_arithmetic3A_1517 = arith.shrsi %add3A_1515, %shift_right_arithmetic3A_1516 : i32
        %shift_right_arithmetic3A_1518 = arith.constant 2 : i32
        %shift_right_arithmetic3A_1519 = arith.shrsi %add3A_1515, %shift_right_arithmetic3A_1518 : i32
        %and3A_1520 = arith.constant 15 : i32
        %and3A_1521 = arith.andi %shift_right_arithmetic3A_1519, %and3A_1520 : i32
        %and3A_1522 = arith.constant 3 : i32
        %and3A_1523 = arith.andi %add3A_1515, %and3A_1522 : i32
        %dma_wait3A_1524 = arith.constant 0 : i32
        %dma_wait3A_1525 = tpu.memref_slice %arg2[%shift_right_arithmetic3A_1517, %and3A_1521, %and3A_1523, %dma_wait3A_1524] : memref<16x16x4x32768xf32, #tpu.memory_space<hbm>> -> memref<1x1x1x32768xf32, #tpu.memory_space<hbm>>
        %dma_wait3A_1526 = tpu.memref_squeeze %dma_wait3A_1525 : memref<1x1x1x32768xf32, #tpu.memory_space<hbm>> -> memref<32768xf32, #tpu.memory_space<hbm>>
        %dma_wait3A_1527 = arith.constant 0 : i32
        %dma_wait3A_1528 = tpu.memref_slice %arg2[%shift_right_arithmetic3A_1517, %and3A_1521, %and3A_1523, %dma_wait3A_1527] : memref<16x16x4x32768xf32, #tpu.memory_space<hbm>> -> memref<1x1x1x32768xf32, #tpu.memory_space<hbm>>
        %dma_wait3A_1529 = tpu.memref_squeeze %dma_wait3A_1528 : memref<1x1x1x32768xf32, #tpu.memory_space<hbm>> -> memref<32768xf32, #tpu.memory_space<hbm>>
        tpu.wait_dma2 semaphore(%arg10 : memref<!tpu.dma_semaphore, #tpu.memory_space<semaphore_mem>>) src(%dma_wait3A_1529 : memref<32768xf32, #tpu.memory_space<hbm>>) dst(%arg5 : memref<32768xf32, #tpu.memory_space<vmem>>)
      } else {
      }
      %parallel_loop3A_695 = arith.constant 0 : i32
      %parallel_loop3A_696 = arith.constant 512 : i32
      %parallel_loop3A_697 = arith.constant 1 : i32
      scf.for %parallel_loop3A_1514 = %parallel_loop3A_695 to %parallel_loop3A_696 step %parallel_loop3A_697  : i32 {
        %parallel_loop3A_1515 = arith.constant 16 : i32
        %parallel_loop3A_1516 = arith.muli %parallel_loop3A_1514, %parallel_loop3A_1515 : i32
        %parallel_loop3A_1517 = arith.index_cast %parallel_loop3A_1516 : i32 to index
        %parallel_loop3A_1518 = tpu.vector_load %arg4[%parallel_loop3A_1517] {strides = array<i32>} : memref<32768xf32, #tpu.memory_space<vmem>>, vector<16xf32>,
        %parallel_loop3A_1519 = vector.bitcast %parallel_loop3A_1518 : vector<16xf32> to vector<16xi32>
        %parallel_loop3A_1520 = arith.constant 31 : i32
        %parallel_loop3A_1521 = vector.broadcast %parallel_loop3A_1520 : i32 to vector<16xi32>
        %parallel_loop3A_1522 = arith.shrsi %parallel_loop3A_1519, %parallel_loop3A_1521 : vector<16xi32>
        %parallel_loop3A_1523 = arith.constant 2147483647 : i32
        %parallel_loop3A_1524 = vector.broadcast %parallel_loop3A_1523 : i32 to vector<16xi32>
        %parallel_loop3A_1525 = arith.andi %parallel_loop3A_1522, %parallel_loop3A_1524 : vector<16xi32>
        %parallel_loop3A_1526 = arith.xori %parallel_loop3A_1519, %parallel_loop3A_1525 : vector<16xi32>
        %parallel_loop3A_1527 = vector.broadcast %xor3A_667 : i32 to vector<16xi32>
        %parallel_loop3A_1528 = arith.cmpi sge, %parallel_loop3A_1526, %parallel_loop3A_1527 : vector<16xi32>
        %parallel_loop3A_1529 = vector.broadcast %reduce_max3A_675 : f32 to vector<16xf32>
        %parallel_loop3A_1530 = arith.subf %parallel_loop3A_1518, %parallel_loop3A_1529 : vector<16xf32>
        %parallel_loop3A_1531 = math.exp %parallel_loop3A_1530 : vector<16xf32>
        %parallel_loop3A_1532 = arith.mulf %parallel_loop3A_1531, %div3A : vector<16xf32>
        %parallel_loop3A_1533 = arith.constant 0.000000e+00 : f32
        %parallel_loop3A_1534 = vector.broadcast %parallel_loop3A_1533 : f32 to vector<16xf32>
        %parallel_loop3A_1535 = arith.select %parallel_loop3A_1528, %parallel_loop3A_1532, %parallel_loop3A_1534 : vector<16xi1>, vector<16xf32>
        %parallel_loop3A_1536 = arith.constant 16 : i32
        %parallel_loop3A_1537 = arith.muli %parallel_loop3A_1514, %parallel_loop3A_1536 : i32
        %parallel_loop3A_1538 = arith.index_cast %parallel_loop3A_1537 : i32 to index
        %parallel_loop3A_1539 = tpu.vector_load %arg6[%parallel_loop3A_1538] {strides = array<i32>} : memref<32784xf32, #tpu.memory_space<vmem>>, vector<16xf32>,
        tpu.vector_store %arg6[%parallel_loop3A_1538], %parallel_loop3A_1535 {strides = array<i32>} : memref<32784xf32, #tpu.memory_space<vmem>>, vector<16xf32>,
        %parallel_loop3A_1540 = arith.constant 16 : i32
        %parallel_loop3A_1541 = arith.muli %parallel_loop3A_1514, %parallel_loop3A_1540 : i32
        %parallel_loop3A_1542 = arith.index_cast %parallel_loop3A_1541 : i32 to index
        %parallel_loop3A_1543 = tpu.vector_load %arg5[%parallel_loop3A_1542] {strides = array<i32>} : memref<32768xf32, #tpu.memory_space<vmem>>, vector<16xf32>,
        %parallel_loop3A_1544 = vector.bitcast %parallel_loop3A_1543 : vector<16xf32> to vector<16xi32>
        %parallel_loop3A_1545 = arith.constant 20 : i32
        %parallel_loop3A_1546 = vector.broadcast %parallel_loop3A_1545 : i32 to vector<16xi32>
        %parallel_loop3A_1547 = arith.shrui %parallel_loop3A_1544, %parallel_loop3A_1546 : vector<16xi32>
        %parallel_loop3A_1548 = arith.constant 4080 : i32
        %parallel_loop3A_1549 = vector.broadcast %parallel_loop3A_1548 : i32 to vector<16xi32>
        %parallel_loop3A_1550 = arith.andi %parallel_loop3A_1547, %parallel_loop3A_1549 : vector<16xi32>
        %parallel_loop3A_1551 = arith.addi %parallel_loop3A_1550, %iota3A : vector<16xi32>
        tpu.vector_store_idx %arg7[%parallel_loop3A_1551], %broadcast_in_dim3A_1 {add = true} : memref<4096xi32, #tpu.memory_space<vmem>>[vector<16xi32>], vector<16xi32>,
      } {sc.loop_unroll_factor = 8 : i64, sc.parallel_access}
      %shift_right_arithmetic3A_698 = arith.constant 6 : i32
      %shift_right_arithmetic3A_699 = arith.shrsi %add3A_66, %shift_right_arithmetic3A_698 : i32
      %shift_right_arithmetic3A_700 = arith.constant 2 : i32
      %shift_right_arithmetic3A_701 = arith.shrsi %add3A_66, %shift_right_arithmetic3A_700 : i32
      %and3A_702 = arith.constant 15 : i32
      %and3A_703 = arith.andi %shift_right_arithmetic3A_701, %and3A_702 : i32
      %and3A_704 = arith.constant 3 : i32
      %and3A_705 = arith.andi %add3A_66, %and3A_704 : i32
      %dma_start3A_706 = arith.constant 0 : i32
      %dma_start3A_707 = tpu.memref_slice %arg6[%dma_start3A_706] : memref<32784xf32, #tpu.memory_space<vmem>> -> memref<8192xf32, #tpu.memory_space<vmem>>
      %dma_start3A_708 = arith.constant 0 : i32
      %dma_start3A_709 = tpu.memref_slice %arg3[%shift_right_arithmetic3A_699, %and3A_703, %and3A_705, %dma_start3A_708] : memref<16x16x4x32768xf32, #tpu.memory_space<hbm>> -> memref<1x1x1x8192xf32, #tpu.memory_space<hbm>>
      %dma_start3A_710 = tpu.memref_squeeze %dma_start3A_709 : memref<1x1x1x8192xf32, #tpu.memory_space<hbm>> -> memref<8192xf32, #tpu.memory_space<hbm>>
      %dma_start3A_711 = arith.constant 0 : i32
      %dma_start3A_712 = tpu.memref_slice %arg3[%shift_right_arithmetic3A_699, %and3A_703, %and3A_705, %dma_start3A_711] : memref<16x16x4x32768xf32, #tpu.memory_space<hbm>> -> memref<1x1x1x8192xf32, #tpu.memory_space<hbm>>
      %dma_start3A_713 = tpu.memref_squeeze %dma_start3A_712 : memref<1x1x1x8192xf32, #tpu.memory_space<hbm>> -> memref<8192xf32, #tpu.memory_space<hbm>>
      %dma_start3A_714 = arith.constant 0 : i32
      %dma_start3A_715 = tpu.memref_slice %arg6[%dma_start3A_714] : memref<32784xf32, #tpu.memory_space<vmem>> -> memref<8192xf32, #tpu.memory_space<vmem>>
      tpu.enqueue_dma source(%dma_start3A_715 : memref<8192xf32, #tpu.memory_space<vmem>>) target(%dma_start3A_713 : memref<8192xf32, #tpu.memory_space<hbm>>) target_semaphore(%arg11 : memref<!tpu.dma_semaphore, #tpu.memory_space<semaphore_mem>>)
      %parallel_loop3A_716 = arith.constant 512 : i32
      %parallel_loop3A_717 = arith.constant 1024 : i32
      %parallel_loop3A_718 = arith.constant 1 : i32
      scf.for %parallel_loop3A_1514 = %parallel_loop3A_716 to %parallel_loop3A_717 step %parallel_loop3A_718  : i32 {
        %parallel_loop3A_1515 = arith.constant 16 : i32
        %parallel_loop3A_1516 = arith.muli %parallel_loop3A_1514, %parallel_loop3A_1515 : i32
        %parallel_loop3A_1517 = arith.index_cast %parallel_loop3A_1516 : i32 to index
        %parallel_loop3A_1518 = tpu.vector_load %arg4[%parallel_loop3A_1517] {strides = array<i32>} : memref<32768xf32, #tpu.memory_space<vmem>>, vector<16xf32>,
        %parallel_loop3A_1519 = vector.bitcast %parallel_loop3A_1518 : vector<16xf32> to vector<16xi32>
        %parallel_loop3A_1520 = arith.constant 31 : i32
        %parallel_loop3A_1521 = vector.broadcast %parallel_loop3A_1520 : i32 to vector<16xi32>
        %parallel_loop3A_1522 = arith.shrsi %parallel_loop3A_1519, %parallel_loop3A_1521 : vector<16xi32>
        %parallel_loop3A_1523 = arith.constant 2147483647 : i32
        %parallel_loop3A_1524 = vector.broadcast %parallel_loop3A_1523 : i32 to vector<16xi32>
        %parallel_loop3A_1525 = arith.andi %parallel_loop3A_1522, %parallel_loop3A_1524 : vector<16xi32>
        %parallel_loop3A_1526 = arith.xori %parallel_loop3A_1519, %parallel_loop3A_1525 : vector<16xi32>
        %parallel_loop3A_1527 = vector.broadcast %xor3A_667 : i32 to vector<16xi32>
        %parallel_loop3A_1528 = arith.cmpi sge, %parallel_loop3A_1526, %parallel_loop3A_1527 : vector<16xi32>
        %parallel_loop3A_1529 = vector.broadcast %reduce_max3A_675 : f32 to vector<16xf32>
        %parallel_loop3A_1530 = arith.subf %parallel_loop3A_1518, %parallel_loop3A_1529 : vector<16xf32>
        %parallel_loop3A_1531 = math.exp %parallel_loop3A_1530 : vector<16xf32>
        %parallel_loop3A_1532 = arith.mulf %parallel_loop3A_1531, %div3A : vector<16xf32>
        %parallel_loop3A_1533 = arith.constant 0.000000e+00 : f32
        %parallel_loop3A_1534 = vector.broadcast %parallel_loop3A_1533 : f32 to vector<16xf32>
        %parallel_loop3A_1535 = arith.select %parallel_loop3A_1528, %parallel_loop3A_1532, %parallel_loop3A_1534 : vector<16xi1>, vector<16xf32>
        %parallel_loop3A_1536 = arith.constant 16 : i32
        %parallel_loop3A_1537 = arith.muli %parallel_loop3A_1514, %parallel_loop3A_1536 : i32
        %parallel_loop3A_1538 = arith.index_cast %parallel_loop3A_1537 : i32 to index
        %parallel_loop3A_1539 = tpu.vector_load %arg6[%parallel_loop3A_1538] {strides = array<i32>} : memref<32784xf32, #tpu.memory_space<vmem>>, vector<16xf32>,
        tpu.vector_store %arg6[%parallel_loop3A_1538], %parallel_loop3A_1535 {strides = array<i32>} : memref<32784xf32, #tpu.memory_space<vmem>>, vector<16xf32>,
        %parallel_loop3A_1540 = arith.constant 16 : i32
        %parallel_loop3A_1541 = arith.muli %parallel_loop3A_1514, %parallel_loop3A_1540 : i32
        %parallel_loop3A_1542 = arith.index_cast %parallel_loop3A_1541 : i32 to index
        %parallel_loop3A_1543 = tpu.vector_load %arg5[%parallel_loop3A_1542] {strides = array<i32>} : memref<32768xf32, #tpu.memory_space<vmem>>, vector<16xf32>,
        %parallel_loop3A_1544 = vector.bitcast %parallel_loop3A_1543 : vector<16xf32> to vector<16xi32>
        %parallel_loop3A_1545 = arith.constant 20 : i32
        %parallel_loop3A_1546 = vector.broadcast %parallel_loop3A_1545 : i32 to vector<16xi32>
        %parallel_loop3A_1547 = arith.shrui %parallel_loop3A_1544, %parallel_loop3A_1546 : vector<16xi32>
        %parallel_loop3A_1548 = arith.constant 4080 : i32
        %parallel_loop3A_1549 = vector.broadcast %parallel_loop3A_1548 : i32 to vector<16xi32>
        %parallel_loop3A_1550 = arith.andi %parallel_loop3A_1547, %parallel_loop3A_1549 : vector<16xi32>
        %parallel_loop3A_1551 = arith.addi %parallel_loop3A_1550, %iota3A : vector<16xi32>
        tpu.vector_store_idx %arg7[%parallel_loop3A_1551], %broadcast_in_dim3A_1 {add = true} : memref<4096xi32, #tpu.memory_space<vmem>>[vector<16xi32>], vector<16xi32>,
      } {sc.loop_unroll_factor = 8 : i64, sc.parallel_access}
      %shift_right_arithmetic3A_719 = arith.constant 6 : i32
      %shift_right_arithmetic3A_720 = arith.shrsi %add3A_66, %shift_right_arithmetic3A_719 : i32
      %shift_right_arithmetic3A_721 = arith.constant 2 : i32
      %shift_right_arithmetic3A_722 = arith.shrsi %add3A_66, %shift_right_arithmetic3A_721 : i32
      %and3A_723 = arith.constant 15 : i32
      %and3A_724 = arith.andi %shift_right_arithmetic3A_722, %and3A_723 : i32
      %and3A_725 = arith.constant 3 : i32
      %and3A_726 = arith.andi %add3A_66, %and3A_725 : i32
      %dma_start3A_727 = arith.constant 8192 : i32
      %dma_start3A_728 = tpu.memref_slice %arg6[%dma_start3A_727] : memref<32784xf32, #tpu.memory_space<vmem>> -> memref<8192xf32, #tpu.memory_space<vmem>>
      %dma_start3A_729 = arith.constant 8192 : i32
      %dma_start3A_730 = tpu.memref_slice %arg3[%shift_right_arithmetic3A_720, %and3A_724, %and3A_726, %dma_start3A_729] : memref<16x16x4x32768xf32, #tpu.memory_space<hbm>> -> memref<1x1x1x8192xf32, #tpu.memory_space<hbm>>
      %dma_start3A_731 = tpu.memref_squeeze %dma_start3A_730 : memref<1x1x1x8192xf32, #tpu.memory_space<hbm>> -> memref<8192xf32, #tpu.memory_space<hbm>>
      %dma_start3A_732 = arith.constant 8192 : i32
      %dma_start3A_733 = tpu.memref_slice %arg3[%shift_right_arithmetic3A_720, %and3A_724, %and3A_726, %dma_start3A_732] : memref<16x16x4x32768xf32, #tpu.memory_space<hbm>> -> memref<1x1x1x8192xf32, #tpu.memory_space<hbm>>
      %dma_start3A_734 = tpu.memref_squeeze %dma_start3A_733 : memref<1x1x1x8192xf32, #tpu.memory_space<hbm>> -> memref<8192xf32, #tpu.memory_space<hbm>>
      %dma_start3A_735 = arith.constant 8192 : i32
      %dma_start3A_736 = tpu.memref_slice %arg6[%dma_start3A_735] : memref<32784xf32, #tpu.memory_space<vmem>> -> memref<8192xf32, #tpu.memory_space<vmem>>
      tpu.enqueue_dma source(%dma_start3A_736 : memref<8192xf32, #tpu.memory_space<vmem>>) target(%dma_start3A_734 : memref<8192xf32, #tpu.memory_space<hbm>>) target_semaphore(%arg11 : memref<!tpu.dma_semaphore, #tpu.memory_space<semaphore_mem>>)
      %parallel_loop3A_737 = arith.constant 1024 : i32
      %parallel_loop3A_738 = arith.constant 1536 : i32
      %parallel_loop3A_739 = arith.constant 1 : i32
      scf.for %parallel_loop3A_1514 = %parallel_loop3A_737 to %parallel_loop3A_738 step %parallel_loop3A_739  : i32 {
        %parallel_loop3A_1515 = arith.constant 16 : i32
        %parallel_loop3A_1516 = arith.muli %parallel_loop3A_1514, %parallel_loop3A_1515 : i32
        %parallel_loop3A_1517 = arith.index_cast %parallel_loop3A_1516 : i32 to index
        %parallel_loop3A_1518 = tpu.vector_load %arg4[%parallel_loop3A_1517] {strides = array<i32>} : memref<32768xf32, #tpu.memory_space<vmem>>, vector<16xf32>,
        %parallel_loop3A_1519 = vector.bitcast %parallel_loop3A_1518 : vector<16xf32> to vector<16xi32>
        %parallel_loop3A_1520 = arith.constant 31 : i32
        %parallel_loop3A_1521 = vector.broadcast %parallel_loop3A_1520 : i32 to vector<16xi32>
        %parallel_loop3A_1522 = arith.shrsi %parallel_loop3A_1519, %parallel_loop3A_1521 : vector<16xi32>
        %parallel_loop3A_1523 = arith.constant 2147483647 : i32
        %parallel_loop3A_1524 = vector.broadcast %parallel_loop3A_1523 : i32 to vector<16xi32>
        %parallel_loop3A_1525 = arith.andi %parallel_loop3A_1522, %parallel_loop3A_1524 : vector<16xi32>
        %parallel_loop3A_1526 = arith.xori %parallel_loop3A_1519, %parallel_loop3A_1525 : vector<16xi32>
        %parallel_loop3A_1527 = vector.broadcast %xor3A_667 : i32 to vector<16xi32>
        %parallel_loop3A_1528 = arith.cmpi sge, %parallel_loop3A_1526, %parallel_loop3A_1527 : vector<16xi32>
        %parallel_loop3A_1529 = vector.broadcast %reduce_max3A_675 : f32 to vector<16xf32>
        %parallel_loop3A_1530 = arith.subf %parallel_loop3A_1518, %parallel_loop3A_1529 : vector<16xf32>
        %parallel_loop3A_1531 = math.exp %parallel_loop3A_1530 : vector<16xf32>
        %parallel_loop3A_1532 = arith.mulf %parallel_loop3A_1531, %div3A : vector<16xf32>
        %parallel_loop3A_1533 = arith.constant 0.000000e+00 : f32
        %parallel_loop3A_1534 = vector.broadcast %parallel_loop3A_1533 : f32 to vector<16xf32>
        %parallel_loop3A_1535 = arith.select %parallel_loop3A_1528, %parallel_loop3A_1532, %parallel_loop3A_1534 : vector<16xi1>, vector<16xf32>
        %parallel_loop3A_1536 = arith.constant 16 : i32
        %parallel_loop3A_1537 = arith.muli %parallel_loop3A_1514, %parallel_loop3A_1536 : i32
        %parallel_loop3A_1538 = arith.index_cast %parallel_loop3A_1537 : i32 to index
        %parallel_loop3A_1539 = tpu.vector_load %arg6[%parallel_loop3A_1538] {strides = array<i32>} : memref<32784xf32, #tpu.memory_space<vmem>>, vector<16xf32>,
        tpu.vector_store %arg6[%parallel_loop3A_1538], %parallel_loop3A_1535 {strides = array<i32>} : memref<32784xf32, #tpu.memory_space<vmem>>, vector<16xf32>,
        %parallel_loop3A_1540 = arith.constant 16 : i32
        %parallel_loop3A_1541 = arith.muli %parallel_loop3A_1514, %parallel_loop3A_1540 : i32
        %parallel_loop3A_1542 = arith.index_cast %parallel_loop3A_1541 : i32 to index
        %parallel_loop3A_1543 = tpu.vector_load %arg5[%parallel_loop3A_1542] {strides = array<i32>} : memref<32768xf32, #tpu.memory_space<vmem>>, vector<16xf32>,
        %parallel_loop3A_1544 = vector.bitcast %parallel_loop3A_1543 : vector<16xf32> to vector<16xi32>
        %parallel_loop3A_1545 = arith.constant 20 : i32
        %parallel_loop3A_1546 = vector.broadcast %parallel_loop3A_1545 : i32 to vector<16xi32>
        %parallel_loop3A_1547 = arith.shrui %parallel_loop3A_1544, %parallel_loop3A_1546 : vector<16xi32>
        %parallel_loop3A_1548 = arith.constant 4080 : i32
        %parallel_loop3A_1549 = vector.broadcast %parallel_loop3A_1548 : i32 to vector<16xi32>
        %parallel_loop3A_1550 = arith.andi %parallel_loop3A_1547, %parallel_loop3A_1549 : vector<16xi32>
        %parallel_loop3A_1551 = arith.addi %parallel_loop3A_1550, %iota3A : vector<16xi32>
        tpu.vector_store_idx %arg7[%parallel_loop3A_1551], %broadcast_in_dim3A_1 {add = true} : memref<4096xi32, #tpu.memory_space<vmem>>[vector<16xi32>], vector<16xi32>,
      } {sc.loop_unroll_factor = 8 : i64, sc.parallel_access}
      %shift_right_arithmetic3A_740 = arith.constant 6 : i32
      %shift_right_arithmetic3A_741 = arith.shrsi %add3A_66, %shift_right_arithmetic3A_740 : i32
      %shift_right_arithmetic3A_742 = arith.constant 2 : i32
      %shift_right_arithmetic3A_743 = arith.shrsi %add3A_66, %shift_right_arithmetic3A_742 : i32
      %and3A_744 = arith.constant 15 : i32
      %and3A_745 = arith.andi %shift_right_arithmetic3A_743, %and3A_744 : i32
      %and3A_746 = arith.constant 3 : i32
      %and3A_747 = arith.andi %add3A_66, %and3A_746 : i32
      %dma_start3A_748 = arith.constant 16384 : i32
      %dma_start3A_749 = tpu.memref_slice %arg6[%dma_start3A_748] : memref<32784xf32, #tpu.memory_space<vmem>> -> memref<8192xf32, #tpu.memory_space<vmem>>
      %dma_start3A_750 = arith.constant 16384 : i32
      %dma_start3A_751 = tpu.memref_slice %arg3[%shift_right_arithmetic3A_741, %and3A_745, %and3A_747, %dma_start3A_750] : memref<16x16x4x32768xf32, #tpu.memory_space<hbm>> -> memref<1x1x1x8192xf32, #tpu.memory_space<hbm>>
      %dma_start3A_752 = tpu.memref_squeeze %dma_start3A_751 : memref<1x1x1x8192xf32, #tpu.memory_space<hbm>> -> memref<8192xf32, #tpu.memory_space<hbm>>
      %dma_start3A_753 = arith.constant 16384 : i32
      %dma_start3A_754 = tpu.memref_slice %arg3[%shift_right_arithmetic3A_741, %and3A_745, %and3A_747, %dma_start3A_753] : memref<16x16x4x32768xf32, #tpu.memory_space<hbm>> -> memref<1x1x1x8192xf32, #tpu.memory_space<hbm>>
      %dma_start3A_755 = tpu.memref_squeeze %dma_start3A_754 : memref<1x1x1x8192xf32, #tpu.memory_space<hbm>> -> memref<8192xf32, #tpu.memory_space<hbm>>
      %dma_start3A_756 = arith.constant 16384 : i32
      %dma_start3A_757 = tpu.memref_slice %arg6[%dma_start3A_756] : memref<32784xf32, #tpu.memory_space<vmem>> -> memref<8192xf32, #tpu.memory_space<vmem>>
      tpu.enqueue_dma source(%dma_start3A_757 : memref<8192xf32, #tpu.memory_space<vmem>>) target(%dma_start3A_755 : memref<8192xf32, #tpu.memory_space<hbm>>) target_semaphore(%arg11 : memref<!tpu.dma_semaphore, #tpu.memory_space<semaphore_mem>>)
      %parallel_loop3A_758 = arith.constant 1536 : i32
      %parallel_loop3A_759 = arith.constant 2048 : i32
      %parallel_loop3A_760 = arith.constant 1 : i32
      scf.for %parallel_loop3A_1514 = %parallel_loop3A_758 to %parallel_loop3A_759 step %parallel_loop3A_760  : i32 {
        %parallel_loop3A_1515 = arith.constant 16 : i32
        %parallel_loop3A_1516 = arith.muli %parallel_loop3A_1514, %parallel_loop3A_1515 : i32
        %parallel_loop3A_1517 = arith.index_cast %parallel_loop3A_1516 : i32 to index
        %parallel_loop3A_1518 = tpu.vector_load %arg4[%parallel_loop3A_1517] {strides = array<i32>} : memref<32768xf32, #tpu.memory_space<vmem>>, vector<16xf32>,
        %parallel_loop3A_1519 = vector.bitcast %parallel_loop3A_1518 : vector<16xf32> to vector<16xi32>
        %parallel_loop3A_1520 = arith.constant 31 : i32
        %parallel_loop3A_1521 = vector.broadcast %parallel_loop3A_1520 : i32 to vector<16xi32>
        %parallel_loop3A_1522 = arith.shrsi %parallel_loop3A_1519, %parallel_loop3A_1521 : vector<16xi32>
        %parallel_loop3A_1523 = arith.constant 2147483647 : i32
        %parallel_loop3A_1524 = vector.broadcast %parallel_loop3A_1523 : i32 to vector<16xi32>
        %parallel_loop3A_1525 = arith.andi %parallel_loop3A_1522, %parallel_loop3A_1524 : vector<16xi32>
        %parallel_loop3A_1526 = arith.xori %parallel_loop3A_1519, %parallel_loop3A_1525 : vector<16xi32>
        %parallel_loop3A_1527 = vector.broadcast %xor3A_667 : i32 to vector<16xi32>
        %parallel_loop3A_1528 = arith.cmpi sge, %parallel_loop3A_1526, %parallel_loop3A_1527 : vector<16xi32>
        %parallel_loop3A_1529 = vector.broadcast %reduce_max3A_675 : f32 to vector<16xf32>
        %parallel_loop3A_1530 = arith.subf %parallel_loop3A_1518, %parallel_loop3A_1529 : vector<16xf32>
        %parallel_loop3A_1531 = math.exp %parallel_loop3A_1530 : vector<16xf32>
        %parallel_loop3A_1532 = arith.mulf %parallel_loop3A_1531, %div3A : vector<16xf32>
        %parallel_loop3A_1533 = arith.constant 0.000000e+00 : f32
        %parallel_loop3A_1534 = vector.broadcast %parallel_loop3A_1533 : f32 to vector<16xf32>
        %parallel_loop3A_1535 = arith.select %parallel_loop3A_1528, %parallel_loop3A_1532, %parallel_loop3A_1534 : vector<16xi1>, vector<16xf32>
        %parallel_loop3A_1536 = arith.constant 16 : i32
        %parallel_loop3A_1537 = arith.muli %parallel_loop3A_1514, %parallel_loop3A_1536 : i32
        %parallel_loop3A_1538 = arith.index_cast %parallel_loop3A_1537 : i32 to index
        %parallel_loop3A_1539 = tpu.vector_load %arg6[%parallel_loop3A_1538] {strides = array<i32>} : memref<32784xf32, #tpu.memory_space<vmem>>, vector<16xf32>,
        tpu.vector_store %arg6[%parallel_loop3A_1538], %parallel_loop3A_1535 {strides = array<i32>} : memref<32784xf32, #tpu.memory_space<vmem>>, vector<16xf32>,
        %parallel_loop3A_1540 = arith.constant 16 : i32
        %parallel_loop3A_1541 = arith.muli %parallel_loop3A_1514, %parallel_loop3A_1540 : i32
        %parallel_loop3A_1542 = arith.index_cast %parallel_loop3A_1541 : i32 to index
        %parallel_loop3A_1543 = tpu.vector_load %arg5[%parallel_loop3A_1542] {strides = array<i32>} : memref<32768xf32, #tpu.memory_space<vmem>>, vector<16xf32>,
        %parallel_loop3A_1544 = vector.bitcast %parallel_loop3A_1543 : vector<16xf32> to vector<16xi32>
        %parallel_loop3A_1545 = arith.constant 20 : i32
        %parallel_loop3A_1546 = vector.broadcast %parallel_loop3A_1545 : i32 to vector<16xi32>
        %parallel_loop3A_1547 = arith.shrui %parallel_loop3A_1544, %parallel_loop3A_1546 : vector<16xi32>
        %parallel_loop3A_1548 = arith.constant 4080 : i32
        %parallel_loop3A_1549 = vector.broadcast %parallel_loop3A_1548 : i32 to vector<16xi32>
        %parallel_loop3A_1550 = arith.andi %parallel_loop3A_1547, %parallel_loop3A_1549 : vector<16xi32>
        %parallel_loop3A_1551 = arith.addi %parallel_loop3A_1550, %iota3A : vector<16xi32>
        tpu.vector_store_idx %arg7[%parallel_loop3A_1551], %broadcast_in_dim3A_1 {add = true} : memref<4096xi32, #tpu.memory_space<vmem>>[vector<16xi32>], vector<16xi32>,
      } {sc.loop_unroll_factor = 8 : i64, sc.parallel_access}
      %shift_right_arithmetic3A_761 = arith.constant 6 : i32
      %shift_right_arithmetic3A_762 = arith.shrsi %add3A_66, %shift_right_arithmetic3A_761 : i32
      %shift_right_arithmetic3A_763 = arith.constant 2 : i32
      %shift_right_arithmetic3A_764 = arith.shrsi %add3A_66, %shift_right_arithmetic3A_763 : i32
      %and3A_765 = arith.constant 15 : i32
      %and3A_766 = arith.andi %shift_right_arithmetic3A_764, %and3A_765 : i32
      %and3A_767 = arith.constant 3 : i32
      %and3A_768 = arith.andi %add3A_66, %and3A_767 : i32
      %dma_start3A_769 = arith.constant 24576 : i32
      %dma_start3A_770 = tpu.memref_slice %arg6[%dma_start3A_769] : memref<32784xf32, #tpu.memory_space<vmem>> -> memref<8192xf32, #tpu.memory_space<vmem>>
      %dma_start3A_771 = arith.constant 24576 : i32
      %dma_start3A_772 = tpu.memref_slice %arg3[%shift_right_arithmetic3A_762, %and3A_766, %and3A_768, %dma_start3A_771] : memref<16x16x4x32768xf32, #tpu.memory_space<hbm>> -> memref<1x1x1x8192xf32, #tpu.memory_space<hbm>>
      %dma_start3A_773 = tpu.memref_squeeze %dma_start3A_772 : memref<1x1x1x8192xf32, #tpu.memory_space<hbm>> -> memref<8192xf32, #tpu.memory_space<hbm>>
      %dma_start3A_774 = arith.constant 24576 : i32
      %dma_start3A_775 = tpu.memref_slice %arg3[%shift_right_arithmetic3A_762, %and3A_766, %and3A_768, %dma_start3A_774] : memref<16x16x4x32768xf32, #tpu.memory_space<hbm>> -> memref<1x1x1x8192xf32, #tpu.memory_space<hbm>>
      %dma_start3A_776 = tpu.memref_squeeze %dma_start3A_775 : memref<1x1x1x8192xf32, #tpu.memory_space<hbm>> -> memref<8192xf32, #tpu.memory_space<hbm>>
      %dma_start3A_777 = arith.constant 24576 : i32
      %dma_start3A_778 = tpu.memref_slice %arg6[%dma_start3A_777] : memref<32784xf32, #tpu.memory_space<vmem>> -> memref<8192xf32, #tpu.memory_space<vmem>>
      tpu.enqueue_dma source(%dma_start3A_778 : memref<8192xf32, #tpu.memory_space<vmem>>) target(%dma_start3A_776 : memref<8192xf32, #tpu.memory_space<hbm>>) target_semaphore(%arg11 : memref<!tpu.dma_semaphore, #tpu.memory_space<semaphore_mem>>)
      %mul3A_779 = arith.constant 2 : i32
      %mul3A_780 = arith.muli %mul3A_779, %scan3A_61 : i32
      %add3A_781 = arith.constant 1 : i32
      %add3A_782 = arith.addi %mul3A_780, %add3A_781 : i32
      %mul3A_783 = arith.constant 2 : i32
      %mul3A_784 = arith.muli %mul3A_783, %scan3A_61 : i32
      %add3A_785 = arith.addi %mul3A_5, %mul3A_784 : i32
      %add3A_786 = arith.constant 1 : i32
      %add3A_787 = arith.addi %add3A_785, %add3A_786 : i32
      %add3A_788 = arith.constant 1 : i32
      %add3A_789 = arith.addi %add3A_782, %add3A_788 : i32
      %lt3A_790 = arith.constant 32 : i32
      %lt3A_791 = arith.cmpi slt, %add3A_789, %lt3A_790 : i32
      %convert_element_type3A_792 = arith.extui %lt3A_791 : i1 to i32
      %cond3A_793 = arith.constant 0 : i32
      %cond3A_794 = arith.cmpi ne, %convert_element_type3A_792, %cond3A_793 : i32
      scf.if %cond3A_794 {
        %add3A_1514 = arith.constant 1 : i32
        %add3A_1515 = arith.addi %add3A_787, %add3A_1514 : i32
        %shift_right_arithmetic3A_1516 = arith.constant 6 : i32
        %shift_right_arithmetic3A_1517 = arith.shrsi %add3A_1515, %shift_right_arithmetic3A_1516 : i32
        %shift_right_arithmetic3A_1518 = arith.constant 2 : i32
        %shift_right_arithmetic3A_1519 = arith.shrsi %add3A_1515, %shift_right_arithmetic3A_1518 : i32
        %and3A_1520 = arith.constant 15 : i32
        %and3A_1521 = arith.andi %shift_right_arithmetic3A_1519, %and3A_1520 : i32
        %and3A_1522 = arith.constant 3 : i32
        %and3A_1523 = arith.andi %add3A_1515, %and3A_1522 : i32
        %dma_start3A_1524 = arith.constant 0 : i32
        %dma_start3A_1525 = tpu.memref_slice %arg2[%shift_right_arithmetic3A_1517, %and3A_1521, %and3A_1523, %dma_start3A_1524] : memref<16x16x4x32768xf32, #tpu.memory_space<hbm>> -> memref<1x1x1x32768xf32, #tpu.memory_space<hbm>>
        %dma_start3A_1526 = tpu.memref_squeeze %dma_start3A_1525 : memref<1x1x1x32768xf32, #tpu.memory_space<hbm>> -> memref<32768xf32, #tpu.memory_space<hbm>>
        %dma_start3A_1527 = arith.constant 0 : i32
        %dma_start3A_1528 = tpu.memref_slice %arg2[%shift_right_arithmetic3A_1517, %and3A_1521, %and3A_1523, %dma_start3A_1527] : memref<16x16x4x32768xf32, #tpu.memory_space<hbm>> -> memref<1x1x1x32768xf32, #tpu.memory_space<hbm>>
        %dma_start3A_1529 = tpu.memref_squeeze %dma_start3A_1528 : memref<1x1x1x32768xf32, #tpu.memory_space<hbm>> -> memref<32768xf32, #tpu.memory_space<hbm>>
        tpu.enqueue_dma source(%dma_start3A_1529 : memref<32768xf32, #tpu.memory_space<hbm>>) target(%arg4 : memref<32768xf32, #tpu.memory_space<vmem>>) target_semaphore(%arg9 : memref<!tpu.dma_semaphore, #tpu.memory_space<semaphore_mem>>)
      } else {
      }
      %parallel_loop3A_795 = arith.constant 0 : i32
      %parallel_loop3A_796 = arith.constant 256 : i32
      %parallel_loop3A_797 = arith.constant 1 : i32
      %parallel_loop3A_798 = scf.for %parallel_loop3A_1514 = %parallel_loop3A_795 to %parallel_loop3A_796 step %parallel_loop3A_797 iter_args(%parallel_loop3A_1515 = %broadcast_in_dim3A_3) -> (vector<16xi32>)  : i32 {
        %parallel_loop3A_1516 = arith.constant 128 : i32
        %parallel_loop3A_1517 = arith.cmpi slt, %parallel_loop3A_1514, %parallel_loop3A_1516 : i32
        %parallel_loop3A_1518 = arith.constant 127 : i32
        %parallel_loop3A_1519 = arith.subi %parallel_loop3A_1518, %parallel_loop3A_1514 : i32
        %parallel_loop3A_1520 = arith.select %parallel_loop3A_1517, %parallel_loop3A_1519, %parallel_loop3A_1514 : i32
        %parallel_loop3A_1521 = arith.constant 16 : i32
        %parallel_loop3A_1522 = arith.muli %parallel_loop3A_1520, %parallel_loop3A_1521 : i32
        %parallel_loop3A_1523 = arith.index_cast %parallel_loop3A_1522 : i32 to index
        %parallel_loop3A_1524 = tpu.vector_load %arg7[%parallel_loop3A_1523] {strides = array<i32>} : memref<4096xi32, #tpu.memory_space<vmem>>, vector<16xi32>,
        %parallel_loop3A_1525 = arith.addi %parallel_loop3A_1515, %parallel_loop3A_1524 : vector<16xi32>
        %parallel_loop3A_1526 = arith.constant 16 : i32
        %parallel_loop3A_1527 = arith.muli %parallel_loop3A_1520, %parallel_loop3A_1526 : i32
        %parallel_loop3A_1528 = arith.index_cast %parallel_loop3A_1527 : i32 to index
        %parallel_loop3A_1529 = tpu.vector_load %arg7[%parallel_loop3A_1528] {strides = array<i32>} : memref<4096xi32, #tpu.memory_space<vmem>>, vector<16xi32>,
        tpu.vector_store %arg7[%parallel_loop3A_1528], %broadcast_in_dim3A_3 {strides = array<i32>} : memref<4096xi32, #tpu.memory_space<vmem>>, vector<16xi32>,
        %parallel_loop3A_1530 = arith.constant 16 : i32
        %parallel_loop3A_1531 = arith.muli %parallel_loop3A_1514, %parallel_loop3A_1530 : i32
        %parallel_loop3A_1532 = arith.index_cast %parallel_loop3A_1531 : i32 to index
        %parallel_loop3A_1533 = tpu.vector_load %arg8[%parallel_loop3A_1532] {strides = array<i32>} : memref<4096xi32, #tpu.memory_space<vmem>>, vector<16xi32>,
        tpu.vector_store %arg8[%parallel_loop3A_1532], %parallel_loop3A_1525 {strides = array<i32>} : memref<4096xi32, #tpu.memory_space<vmem>>, vector<16xi32>,
        scf.yield %parallel_loop3A_1525 : vector<16xi32>
      } {sc.loop_unroll_factor = 4 : i64, sc.parallel_access}
      %add3A_799 = arith.constant 0 : i32
      %add3A_800 = arith.constant 128 : i32
      %add3A_801 = arith.addi %add3A_799, %add3A_800 : i32
      %sub3A_802 = arith.constant 1 : i32
      %sub3A_803 = arith.subi %add3A_801, %sub3A_802 : i32
      %mul3A_804 = arith.constant 16 : i32
      %mul3A_805 = arith.muli %sub3A_803, %mul3A_804 : i32
      %get3A_806 = arith.index_cast %mul3A_805 : i32 to index
      %get3A_807 = tpu.vector_load %arg8[%get3A_806] {strides = array<i32>} : memref<4096xi32, #tpu.memory_space<vmem>>, vector<16xi32>,
      %reduce_sum3A_808 = arith.constant true
      %reduce_sum3A_809 = vector.broadcast %reduce_sum3A_808 : i1 to vector<16xi1>
      %reduce_sum3A_810 = tpu.scan <sum>, %get3A_807 masked %reduce_sum3A_809 : vector<16xi32>, vector<16xi1> -> vector<16xi32>
      %reduce_sum3A_811 = vector.extract %reduce_sum3A_810[15] : i32 from vector<16xi32>
      %lt3A_812 = arith.constant 64 : i32
      %lt3A_813 = arith.cmpi slt, %reduce_sum3A_811, %lt3A_812 : i32
      %jit3A_814 = arith.constant 0 : i32
      %select_n3A_815 = arith.select %lt3A_813, %add3A_801, %jit3A_814 : i32
      %add3A_816 = arith.constant 64 : i32
      %add3A_817 = arith.addi %select_n3A_815, %add3A_816 : i32
      %sub3A_818 = arith.constant 1 : i32
      %sub3A_819 = arith.subi %add3A_817, %sub3A_818 : i32
      %mul3A_820 = arith.constant 16 : i32
      %mul3A_821 = arith.muli %sub3A_819, %mul3A_820 : i32
      %get3A_822 = arith.index_cast %mul3A_821 : i32 to index
      %get3A_823 = tpu.vector_load %arg8[%get3A_822] {strides = array<i32>} : memref<4096xi32, #tpu.memory_space<vmem>>, vector<16xi32>,
      %reduce_sum3A_824 = arith.constant true
      %reduce_sum3A_825 = vector.broadcast %reduce_sum3A_824 : i1 to vector<16xi1>
      %reduce_sum3A_826 = tpu.scan <sum>, %get3A_823 masked %reduce_sum3A_825 : vector<16xi32>, vector<16xi1> -> vector<16xi32>
      %reduce_sum3A_827 = vector.extract %reduce_sum3A_826[15] : i32 from vector<16xi32>
      %lt3A_828 = arith.constant 64 : i32
      %lt3A_829 = arith.cmpi slt, %reduce_sum3A_827, %lt3A_828 : i32
      %select_n3A_830 = arith.select %lt3A_829, %add3A_817, %select_n3A_815 : i32
      %add3A_831 = arith.constant 32 : i32
      %add3A_832 = arith.addi %select_n3A_830, %add3A_831 : i32
      %sub3A_833 = arith.constant 1 : i32
      %sub3A_834 = arith.subi %add3A_832, %sub3A_833 : i32
      %mul3A_835 = arith.constant 16 : i32
      %mul3A_836 = arith.muli %sub3A_834, %mul3A_835 : i32
      %get3A_837 = arith.index_cast %mul3A_836 : i32 to index
      %get3A_838 = tpu.vector_load %arg8[%get3A_837] {strides = array<i32>} : memref<4096xi32, #tpu.memory_space<vmem>>, vector<16xi32>,
      %reduce_sum3A_839 = arith.constant true
      %reduce_sum3A_840 = vector.broadcast %reduce_sum3A_839 : i1 to vector<16xi1>
      %reduce_sum3A_841 = tpu.scan <sum>, %get3A_838 masked %reduce_sum3A_840 : vector<16xi32>, vector<16xi1> -> vector<16xi32>
      %reduce_sum3A_842 = vector.extract %reduce_sum3A_841[15] : i32 from vector<16xi32>
      %lt3A_843 = arith.constant 64 : i32
      %lt3A_844 = arith.cmpi slt, %reduce_sum3A_842, %lt3A_843 : i32
      %select_n3A_845 = arith.select %lt3A_844, %add3A_832, %select_n3A_830 : i32
      %add3A_846 = arith.constant 16 : i32
      %add3A_847 = arith.addi %select_n3A_845, %add3A_846 : i32
      %sub3A_848 = arith.constant 1 : i32
      %sub3A_849 = arith.subi %add3A_847, %sub3A_848 : i32
      %mul3A_850 = arith.constant 16 : i32
      %mul3A_851 = arith.muli %sub3A_849, %mul3A_850 : i32
      %get3A_852 = arith.index_cast %mul3A_851 : i32 to index
      %get3A_853 = tpu.vector_load %arg8[%get3A_852] {strides = array<i32>} : memref<4096xi32, #tpu.memory_space<vmem>>, vector<16xi32>,
      %reduce_sum3A_854 = arith.constant true
      %reduce_sum3A_855 = vector.broadcast %reduce_sum3A_854 : i1 to vector<16xi1>
      %reduce_sum3A_856 = tpu.scan <sum>, %get3A_853 masked %reduce_sum3A_855 : vector<16xi32>, vector<16xi1> -> vector<16xi32>
      %reduce_sum3A_857 = vector.extract %reduce_sum3A_856[15] : i32 from vector<16xi32>
      %lt3A_858 = arith.constant 64 : i32
      %lt3A_859 = arith.cmpi slt, %reduce_sum3A_857, %lt3A_858 : i32
      %select_n3A_860 = arith.select %lt3A_859, %add3A_847, %select_n3A_845 : i32
      %add3A_861 = arith.constant 8 : i32
      %add3A_862 = arith.addi %select_n3A_860, %add3A_861 : i32
      %sub3A_863 = arith.constant 1 : i32
      %sub3A_864 = arith.subi %add3A_862, %sub3A_863 : i32
      %mul3A_865 = arith.constant 16 : i32
      %mul3A_866 = arith.muli %sub3A_864, %mul3A_865 : i32
      %get3A_867 = arith.index_cast %mul3A_866 : i32 to index
      %get3A_868 = tpu.vector_load %arg8[%get3A_867] {strides = array<i32>} : memref<4096xi32, #tpu.memory_space<vmem>>, vector<16xi32>,
      %reduce_sum3A_869 = arith.constant true
      %reduce_sum3A_870 = vector.broadcast %reduce_sum3A_869 : i1 to vector<16xi1>
      %reduce_sum3A_871 = tpu.scan <sum>, %get3A_868 masked %reduce_sum3A_870 : vector<16xi32>, vector<16xi1> -> vector<16xi32>
      %reduce_sum3A_872 = vector.extract %reduce_sum3A_871[15] : i32 from vector<16xi32>
      %lt3A_873 = arith.constant 64 : i32
      %lt3A_874 = arith.cmpi slt, %reduce_sum3A_872, %lt3A_873 : i32
      %select_n3A_875 = arith.select %lt3A_874, %add3A_862, %select_n3A_860 : i32
      %add3A_876 = arith.constant 4 : i32
      %add3A_877 = arith.addi %select_n3A_875, %add3A_876 : i32
      %sub3A_878 = arith.constant 1 : i32
      %sub3A_879 = arith.subi %add3A_877, %sub3A_878 : i32
      %mul3A_880 = arith.constant 16 : i32
      %mul3A_881 = arith.muli %sub3A_879, %mul3A_880 : i32
      %get3A_882 = arith.index_cast %mul3A_881 : i32 to index
      %get3A_883 = tpu.vector_load %arg8[%get3A_882] {strides = array<i32>} : memref<4096xi32, #tpu.memory_space<vmem>>, vector<16xi32>,
      %reduce_sum3A_884 = arith.constant true
      %reduce_sum3A_885 = vector.broadcast %reduce_sum3A_884 : i1 to vector<16xi1>
      %reduce_sum3A_886 = tpu.scan <sum>, %get3A_883 masked %reduce_sum3A_885 : vector<16xi32>, vector<16xi1> -> vector<16xi32>
      %reduce_sum3A_887 = vector.extract %reduce_sum3A_886[15] : i32 from vector<16xi32>
      %lt3A_888 = arith.constant 64 : i32
      %lt3A_889 = arith.cmpi slt, %reduce_sum3A_887, %lt3A_888 : i32
      %select_n3A_890 = arith.select %lt3A_889, %add3A_877, %select_n3A_875 : i32
      %add3A_891 = arith.constant 2 : i32
      %add3A_892 = arith.addi %select_n3A_890, %add3A_891 : i32
      %sub3A_893 = arith.constant 1 : i32
      %sub3A_894 = arith.subi %add3A_892, %sub3A_893 : i32
      %mul3A_895 = arith.constant 16 : i32
      %mul3A_896 = arith.muli %sub3A_894, %mul3A_895 : i32
      %get3A_897 = arith.index_cast %mul3A_896 : i32 to index
      %get3A_898 = tpu.vector_load %arg8[%get3A_897] {strides = array<i32>} : memref<4096xi32, #tpu.memory_space<vmem>>, vector<16xi32>,
      %reduce_sum3A_899 = arith.constant true
      %reduce_sum3A_900 = vector.broadcast %reduce_sum3A_899 : i1 to vector<16xi1>
      %reduce_sum3A_901 = tpu.scan <sum>, %get3A_898 masked %reduce_sum3A_900 : vector<16xi32>, vector<16xi1> -> vector<16xi32>
      %reduce_sum3A_902 = vector.extract %reduce_sum3A_901[15] : i32 from vector<16xi32>
      %lt3A_903 = arith.constant 64 : i32
      %lt3A_904 = arith.cmpi slt, %reduce_sum3A_902, %lt3A_903 : i32
      %select_n3A_905 = arith.select %lt3A_904, %add3A_892, %select_n3A_890 : i32
      %add3A_906 = arith.constant 1 : i32
      %add3A_907 = arith.addi %select_n3A_905, %add3A_906 : i32
      %sub3A_908 = arith.constant 1 : i32
      %sub3A_909 = arith.subi %add3A_907, %sub3A_908 : i32
      %mul3A_910 = arith.constant 16 : i32
      %mul3A_911 = arith.muli %sub3A_909, %mul3A_910 : i32
      %get3A_912 = arith.index_cast %mul3A_911 : i32 to index
      %get3A_913 = tpu.vector_load %arg8[%get3A_912] {strides = array<i32>} : memref<4096xi32, #tpu.memory_space<vmem>>, vector<16xi32>,
      %reduce_sum3A_914 = arith.constant true
      %reduce_sum3A_915 = vector.broadcast %reduce_sum3A_914 : i1 to vector<16xi1>
      %reduce_sum3A_916 = tpu.scan <sum>, %get3A_913 masked %reduce_sum3A_915 : vector<16xi32>, vector<16xi1> -> vector<16xi32>
      %reduce_sum3A_917 = vector.extract %reduce_sum3A_916[15] : i32 from vector<16xi32>
      %lt3A_918 = arith.constant 64 : i32
      %lt3A_919 = arith.cmpi slt, %reduce_sum3A_917, %lt3A_918 : i32
      %select_n3A_920 = arith.select %lt3A_919, %add3A_907, %select_n3A_905 : i32
      %gt3A_921 = arith.constant 0 : i32
      %gt3A_922 = arith.cmpi sgt, %select_n3A_920, %gt3A_921 : i32
      %sub3A_923 = arith.constant 1 : i32
      %sub3A_924 = arith.subi %select_n3A_920, %sub3A_923 : i32
      %max3A_925 = arith.constant 0 : i32
      %max3A_926 = arith.maxsi %sub3A_924, %max3A_925 : i32
      %mul3A_927 = arith.constant 16 : i32
      %mul3A_928 = arith.muli %max3A_926, %mul3A_927 : i32
      %get3A_929 = arith.index_cast %mul3A_928 : i32 to index
      %get3A_930 = tpu.vector_load %arg8[%get3A_929] {strides = array<i32>} : memref<4096xi32, #tpu.memory_space<vmem>>, vector<16xi32>,
      %reduce_sum3A_931 = arith.constant true
      %reduce_sum3A_932 = vector.broadcast %reduce_sum3A_931 : i1 to vector<16xi1>
      %reduce_sum3A_933 = tpu.scan <sum>, %get3A_930 masked %reduce_sum3A_932 : vector<16xi32>, vector<16xi1> -> vector<16xi32>
      %reduce_sum3A_934 = vector.extract %reduce_sum3A_933[15] : i32 from vector<16xi32>
      %jit3A_935 = arith.constant 0 : i32
      %select_n3A_936 = arith.select %gt3A_922, %reduce_sum3A_934, %jit3A_935 : i32
      %sub3A_937 = arith.constant 64 : i32
      %sub3A_938 = arith.subi %sub3A_937, %select_n3A_936 : i32
      %lt3A_939 = arith.constant 128 : i32
      %lt3A_940 = arith.cmpi slt, %select_n3A_920, %lt3A_939 : i32
      %sub3A_941 = arith.constant 127 : i32
      %sub3A_942 = arith.subi %sub3A_941, %select_n3A_920 : i32
      %select_n3A_943 = arith.select %lt3A_940, %sub3A_942, %select_n3A_920 : i32
      %lt3A_944 = arith.constant 128 : i32
      %lt3A_945 = arith.cmpi slt, %select_n3A_943, %lt3A_944 : i32
      %add3A_946 = arith.constant 128 : i32
      %add3A_947 = arith.addi %select_n3A_943, %add3A_946 : i32
      %sub3A_948 = arith.constant 255 : i32
      %sub3A_949 = arith.subi %sub3A_948, %select_n3A_943 : i32
      %select_n3A_950 = arith.select %lt3A_945, %add3A_947, %sub3A_949 : i32
      %gt3A_951 = arith.constant 0 : i32
      %gt3A_952 = arith.cmpi sgt, %add3A_782, %gt3A_951 : i32
      %convert_element_type3A_953 = arith.extui %gt3A_952 : i1 to i32
      %cond3A_954 = arith.constant 0 : i32
      %cond3A_955 = arith.cmpi ne, %convert_element_type3A_953, %cond3A_954 : i32
      scf.if %cond3A_955 {
        %sub3A_1514 = arith.constant 1 : i32
        %sub3A_1515 = arith.subi %add3A_787, %sub3A_1514 : i32
        %shift_right_arithmetic3A_1516 = arith.constant 6 : i32
        %shift_right_arithmetic3A_1517 = arith.shrsi %sub3A_1515, %shift_right_arithmetic3A_1516 : i32
        %shift_right_arithmetic3A_1518 = arith.constant 2 : i32
        %shift_right_arithmetic3A_1519 = arith.shrsi %sub3A_1515, %shift_right_arithmetic3A_1518 : i32
        %and3A_1520 = arith.constant 15 : i32
        %and3A_1521 = arith.andi %shift_right_arithmetic3A_1519, %and3A_1520 : i32
        %and3A_1522 = arith.constant 3 : i32
        %and3A_1523 = arith.andi %sub3A_1515, %and3A_1522 : i32
        %dma_wait3A_1524 = arith.constant 0 : i32
        %dma_wait3A_1525 = tpu.memref_slice %arg6[%dma_wait3A_1524] : memref<32784xf32, #tpu.memory_space<vmem>> -> memref<32768xf32, #tpu.memory_space<vmem>>
        %dma_wait3A_1526 = arith.constant 0 : i32
        %dma_wait3A_1527 = tpu.memref_slice %arg3[%shift_right_arithmetic3A_1517, %and3A_1521, %and3A_1523, %dma_wait3A_1526] : memref<16x16x4x32768xf32, #tpu.memory_space<hbm>> -> memref<1x1x1x32768xf32, #tpu.memory_space<hbm>>
        %dma_wait3A_1528 = tpu.memref_squeeze %dma_wait3A_1527 : memref<1x1x1x32768xf32, #tpu.memory_space<hbm>> -> memref<32768xf32, #tpu.memory_space<hbm>>
        %dma_wait3A_1529 = arith.constant 0 : i32
        %dma_wait3A_1530 = tpu.memref_slice %arg3[%shift_right_arithmetic3A_1517, %and3A_1521, %and3A_1523, %dma_wait3A_1529] : memref<16x16x4x32768xf32, #tpu.memory_space<hbm>> -> memref<1x1x1x32768xf32, #tpu.memory_space<hbm>>
        %dma_wait3A_1531 = tpu.memref_squeeze %dma_wait3A_1530 : memref<1x1x1x32768xf32, #tpu.memory_space<hbm>> -> memref<32768xf32, #tpu.memory_space<hbm>>
        %dma_wait3A_1532 = arith.constant 0 : i32
        %dma_wait3A_1533 = tpu.memref_slice %arg6[%dma_wait3A_1532] : memref<32784xf32, #tpu.memory_space<vmem>> -> memref<32768xf32, #tpu.memory_space<vmem>>
        tpu.wait_dma2 semaphore(%arg11 : memref<!tpu.dma_semaphore, #tpu.memory_space<semaphore_mem>>) src(%dma_wait3A_1533 : memref<32768xf32, #tpu.memory_space<vmem>>) dst(%dma_wait3A_1531 : memref<32768xf32, #tpu.memory_space<hbm>>)
      } else {
      }
      %parallel_loop3A_956 = arith.constant 0 : i32
      %parallel_loop3A_957 = arith.constant 2048 : i32
      %parallel_loop3A_958 = arith.constant 1 : i32
      %parallel_loop3A_959 = arith.constant 0 : i32
      %parallel_loop3A_960 = scf.for %parallel_loop3A_1514 = %parallel_loop3A_956 to %parallel_loop3A_957 step %parallel_loop3A_958 iter_args(%parallel_loop3A_1515 = %parallel_loop3A_959) -> (i32)  : i32 {
        %parallel_loop3A_1516 = arith.constant 16 : i32
        %parallel_loop3A_1517 = arith.muli %parallel_loop3A_1514, %parallel_loop3A_1516 : i32
        %parallel_loop3A_1518 = arith.index_cast %parallel_loop3A_1517 : i32 to index
        %parallel_loop3A_1519 = tpu.vector_load %arg5[%parallel_loop3A_1518] {strides = array<i32>} : memref<32768xf32, #tpu.memory_space<vmem>>, vector<16xf32>,
        %parallel_loop3A_1520 = vector.bitcast %parallel_loop3A_1519 : vector<16xf32> to vector<16xi32>
        %parallel_loop3A_1521 = arith.constant 31 : i32
        %parallel_loop3A_1522 = vector.broadcast %parallel_loop3A_1521 : i32 to vector<16xi32>
        %parallel_loop3A_1523 = arith.shrsi %parallel_loop3A_1520, %parallel_loop3A_1522 : vector<16xi32>
        %parallel_loop3A_1524 = arith.constant -2147483648 : i32
        %parallel_loop3A_1525 = vector.broadcast %parallel_loop3A_1524 : i32 to vector<16xi32>
        %parallel_loop3A_1526 = arith.ori %parallel_loop3A_1523, %parallel_loop3A_1525 : vector<16xi32>
        %parallel_loop3A_1527 = arith.xori %parallel_loop3A_1520, %parallel_loop3A_1526 : vector<16xi32>
        %parallel_loop3A_1528 = arith.constant 24 : i32
        %parallel_loop3A_1529 = vector.broadcast %parallel_loop3A_1528 : i32 to vector<16xi32>
        %parallel_loop3A_1530 = arith.shrui %parallel_loop3A_1527, %parallel_loop3A_1529 : vector<16xi32>
        %parallel_loop3A_1531 = vector.broadcast %select_n3A_950 : i32 to vector<16xi32>
        %parallel_loop3A_1532 = arith.cmpi sge, %parallel_loop3A_1530, %parallel_loop3A_1531 : vector<16xi32>
        %parallel_loop3A_1533 = vector.bitcast %parallel_loop3A_1527 : vector<16xi32> to vector<16xf32>
        %parallel_loop3A_1534 = arith.index_cast %parallel_loop3A_1515 : i32 to index
        %parallel_loop3A_1535 = tpu.vector_load %arg6[%parallel_loop3A_1534] masked %parallel_loop3A_1532 {strides = array<i32>} : memref<32784xf32, #tpu.memory_space<vmem>>, vector<16xf32>, vector<16xi1>
        tpu.vector_store %arg6[%parallel_loop3A_1534], %parallel_loop3A_1533 masked %parallel_loop3A_1532 {strides = array<i32>} : memref<32784xf32, #tpu.memory_space<vmem>>, vector<16xf32>, vector<16xi1>
        %parallel_loop3A_1536 = tpu.all_reduce %parallel_loop3A_1532 {dim = 0 : i64, kind = #tpu.reduction_kind<sum>} : vector<16xi1> -> vector<16xi32>
        %parallel_loop3A_1537 = vector.extract_strided_slice %parallel_loop3A_1536 {offsets = [0], sizes = [1], strides = [1]} : vector<16xi32> to vector<1xi32>
        %parallel_loop3A_1538 = vector.extract %parallel_loop3A_1537[0] : i32 from vector<1xi32>
        %parallel_loop3A_1539 = arith.addi %parallel_loop3A_1515, %parallel_loop3A_1538 : i32
        scf.yield %parallel_loop3A_1539 : i32
      } {sc.loop_unroll_factor = 8 : i64, sc.parallel_access}
      %add3A_961 = arith.constant 16 : i32
      %add3A_962 = arith.addi %parallel_loop3A_960, %add3A_961 : i32
      %sub3A_963 = arith.constant 1 : i32
      %sub3A_964 = arith.subi %add3A_962, %sub3A_963 : i32
      %shift_right_arithmetic3A_965 = arith.constant 4 : i32
      %shift_right_arithmetic3A_966 = arith.shrsi %sub3A_964, %shift_right_arithmetic3A_965 : i32
      %parallel_loop3A_967 = arith.constant 0 : i32
      %parallel_loop3A_968 = arith.constant 1 : i32
      scf.for %parallel_loop3A_1514 = %parallel_loop3A_967 to %shift_right_arithmetic3A_966 step %parallel_loop3A_968  : i32 {
        %parallel_loop3A_1515 = arith.constant 16 : i32
        %parallel_loop3A_1516 = arith.muli %parallel_loop3A_1514, %parallel_loop3A_1515 : i32
        %parallel_loop3A_1517 = arith.index_cast %parallel_loop3A_1516 : i32 to index
        %parallel_loop3A_1518 = tpu.vector_load %arg6[%parallel_loop3A_1517] {strides = array<i32>} : memref<32784xf32, #tpu.memory_space<vmem>>, vector<16xf32>,
        %parallel_loop3A_1519 = vector.bitcast %parallel_loop3A_1518 : vector<16xf32> to vector<16xi32>
        %parallel_loop3A_1520 = arith.constant 16 : i32
        %parallel_loop3A_1521 = arith.muli %parallel_loop3A_1514, %parallel_loop3A_1520 : i32
        %parallel_loop3A_1522 = vector.broadcast %parallel_loop3A_1521 : i32 to vector<16xi32>
        %parallel_loop3A_1523 = arith.addi %parallel_loop3A_1522, %iota3A : vector<16xi32>
        %parallel_loop3A_1524 = vector.broadcast %parallel_loop3A_960 : i32 to vector<16xi32>
        %parallel_loop3A_1525 = arith.cmpi slt, %parallel_loop3A_1523, %parallel_loop3A_1524 : vector<16xi32>
        %parallel_loop3A_1526 = arith.constant 24 : i32
        %parallel_loop3A_1527 = vector.broadcast %parallel_loop3A_1526 : i32 to vector<16xi32>
        %parallel_loop3A_1528 = arith.shrui %parallel_loop3A_1519, %parallel_loop3A_1527 : vector<16xi32>
        %parallel_loop3A_1529 = vector.broadcast %select_n3A_950 : i32 to vector<16xi32>
        %parallel_loop3A_1530 = arith.cmpi eq, %parallel_loop3A_1528, %parallel_loop3A_1529 : vector<16xi32>
        %parallel_loop3A_1531 = arith.andi %parallel_loop3A_1525, %parallel_loop3A_1530 : vector<16xi1>
        %parallel_loop3A_1532 = arith.constant 12 : i32
        %parallel_loop3A_1533 = vector.broadcast %parallel_loop3A_1532 : i32 to vector<16xi32>
        %parallel_loop3A_1534 = arith.shrui %parallel_loop3A_1519, %parallel_loop3A_1533 : vector<16xi32>
        %parallel_loop3A_1535 = arith.constant 4080 : i32
        %parallel_loop3A_1536 = vector.broadcast %parallel_loop3A_1535 : i32 to vector<16xi32>
        %parallel_loop3A_1537 = arith.andi %parallel_loop3A_1534, %parallel_loop3A_1536 : vector<16xi32>
        %parallel_loop3A_1538 = arith.addi %parallel_loop3A_1537, %iota3A : vector<16xi32>
        tpu.vector_store_idx %arg7[%parallel_loop3A_1538], %broadcast_in_dim3A_1 masked %parallel_loop3A_1531 {add = true} : memref<4096xi32, #tpu.memory_space<vmem>>[vector<16xi32>], vector<16xi32>, vector<16xi1>
      } {sc.loop_unroll_factor = 1 : i64, sc.parallel_access}
      %parallel_loop3A_969 = arith.constant 0 : i32
      %parallel_loop3A_970 = arith.constant 256 : i32
      %parallel_loop3A_971 = arith.constant 1 : i32
      %parallel_loop3A_972 = scf.for %parallel_loop3A_1514 = %parallel_loop3A_969 to %parallel_loop3A_970 step %parallel_loop3A_971 iter_args(%parallel_loop3A_1515 = %broadcast_in_dim3A_3) -> (vector<16xi32>)  : i32 {
        %parallel_loop3A_1516 = arith.constant 255 : i32
        %parallel_loop3A_1517 = arith.subi %parallel_loop3A_1516, %parallel_loop3A_1514 : i32
        %parallel_loop3A_1518 = arith.constant 16 : i32
        %parallel_loop3A_1519 = arith.muli %parallel_loop3A_1517, %parallel_loop3A_1518 : i32
        %parallel_loop3A_1520 = arith.index_cast %parallel_loop3A_1519 : i32 to index
        %parallel_loop3A_1521 = tpu.vector_load %arg7[%parallel_loop3A_1520] {strides = array<i32>} : memref<4096xi32, #tpu.memory_space<vmem>>, vector<16xi32>,
        %parallel_loop3A_1522 = arith.addi %parallel_loop3A_1515, %parallel_loop3A_1521 : vector<16xi32>
        %parallel_loop3A_1523 = arith.constant 16 : i32
        %parallel_loop3A_1524 = arith.muli %parallel_loop3A_1517, %parallel_loop3A_1523 : i32
        %parallel_loop3A_1525 = arith.index_cast %parallel_loop3A_1524 : i32 to index
        %parallel_loop3A_1526 = tpu.vector_load %arg7[%parallel_loop3A_1525] {strides = array<i32>} : memref<4096xi32, #tpu.memory_space<vmem>>, vector<16xi32>,
        tpu.vector_store %arg7[%parallel_loop3A_1525], %broadcast_in_dim3A_3 {strides = array<i32>} : memref<4096xi32, #tpu.memory_space<vmem>>, vector<16xi32>,
        %parallel_loop3A_1527 = arith.constant 16 : i32
        %parallel_loop3A_1528 = arith.muli %parallel_loop3A_1514, %parallel_loop3A_1527 : i32
        %parallel_loop3A_1529 = arith.index_cast %parallel_loop3A_1528 : i32 to index
        %parallel_loop3A_1530 = tpu.vector_load %arg8[%parallel_loop3A_1529] {strides = array<i32>} : memref<4096xi32, #tpu.memory_space<vmem>>, vector<16xi32>,
        tpu.vector_store %arg8[%parallel_loop3A_1529], %parallel_loop3A_1522 {strides = array<i32>} : memref<4096xi32, #tpu.memory_space<vmem>>, vector<16xi32>,
        scf.yield %parallel_loop3A_1522 : vector<16xi32>
      } {sc.loop_unroll_factor = 4 : i64, sc.parallel_access}
      %add3A_973 = arith.constant 0 : i32
      %add3A_974 = arith.constant 128 : i32
      %add3A_975 = arith.addi %add3A_973, %add3A_974 : i32
      %sub3A_976 = arith.constant 1 : i32
      %sub3A_977 = arith.subi %add3A_975, %sub3A_976 : i32
      %mul3A_978 = arith.constant 16 : i32
      %mul3A_979 = arith.muli %sub3A_977, %mul3A_978 : i32
      %get3A_980 = arith.index_cast %mul3A_979 : i32 to index
      %get3A_981 = tpu.vector_load %arg8[%get3A_980] {strides = array<i32>} : memref<4096xi32, #tpu.memory_space<vmem>>, vector<16xi32>,
      %reduce_sum3A_982 = arith.constant true
      %reduce_sum3A_983 = vector.broadcast %reduce_sum3A_982 : i1 to vector<16xi1>
      %reduce_sum3A_984 = tpu.scan <sum>, %get3A_981 masked %reduce_sum3A_983 : vector<16xi32>, vector<16xi1> -> vector<16xi32>
      %reduce_sum3A_985 = vector.extract %reduce_sum3A_984[15] : i32 from vector<16xi32>
      %lt3A_986 = arith.cmpi slt, %reduce_sum3A_985, %sub3A_938 : i32
      %jit3A_987 = arith.constant 0 : i32
      %select_n3A_988 = arith.select %lt3A_986, %add3A_975, %jit3A_987 : i32
      %add3A_989 = arith.constant 64 : i32
      %add3A_990 = arith.addi %select_n3A_988, %add3A_989 : i32
      %sub3A_991 = arith.constant 1 : i32
      %sub3A_992 = arith.subi %add3A_990, %sub3A_991 : i32
      %mul3A_993 = arith.constant 16 : i32
      %mul3A_994 = arith.muli %sub3A_992, %mul3A_993 : i32
      %get3A_995 = arith.index_cast %mul3A_994 : i32 to index
      %get3A_996 = tpu.vector_load %arg8[%get3A_995] {strides = array<i32>} : memref<4096xi32, #tpu.memory_space<vmem>>, vector<16xi32>,
      %reduce_sum3A_997 = arith.constant true
      %reduce_sum3A_998 = vector.broadcast %reduce_sum3A_997 : i1 to vector<16xi1>
      %reduce_sum3A_999 = tpu.scan <sum>, %get3A_996 masked %reduce_sum3A_998 : vector<16xi32>, vector<16xi1> -> vector<16xi32>
      %reduce_sum3A_1000 = vector.extract %reduce_sum3A_999[15] : i32 from vector<16xi32>
      %lt3A_1001 = arith.cmpi slt, %reduce_sum3A_1000, %sub3A_938 : i32
      %select_n3A_1002 = arith.select %lt3A_1001, %add3A_990, %select_n3A_988 : i32
      %add3A_1003 = arith.constant 32 : i32
      %add3A_1004 = arith.addi %select_n3A_1002, %add3A_1003 : i32
      %sub3A_1005 = arith.constant 1 : i32
      %sub3A_1006 = arith.subi %add3A_1004, %sub3A_1005 : i32
      %mul3A_1007 = arith.constant 16 : i32
      %mul3A_1008 = arith.muli %sub3A_1006, %mul3A_1007 : i32
      %get3A_1009 = arith.index_cast %mul3A_1008 : i32 to index
      %get3A_1010 = tpu.vector_load %arg8[%get3A_1009] {strides = array<i32>} : memref<4096xi32, #tpu.memory_space<vmem>>, vector<16xi32>,
      %reduce_sum3A_1011 = arith.constant true
      %reduce_sum3A_1012 = vector.broadcast %reduce_sum3A_1011 : i1 to vector<16xi1>
      %reduce_sum3A_1013 = tpu.scan <sum>, %get3A_1010 masked %reduce_sum3A_1012 : vector<16xi32>, vector<16xi1> -> vector<16xi32>
      %reduce_sum3A_1014 = vector.extract %reduce_sum3A_1013[15] : i32 from vector<16xi32>
      %lt3A_1015 = arith.cmpi slt, %reduce_sum3A_1014, %sub3A_938 : i32
      %select_n3A_1016 = arith.select %lt3A_1015, %add3A_1004, %select_n3A_1002 : i32
      %add3A_1017 = arith.constant 16 : i32
      %add3A_1018 = arith.addi %select_n3A_1016, %add3A_1017 : i32
      %sub3A_1019 = arith.constant 1 : i32
      %sub3A_1020 = arith.subi %add3A_1018, %sub3A_1019 : i32
      %mul3A_1021 = arith.constant 16 : i32
      %mul3A_1022 = arith.muli %sub3A_1020, %mul3A_1021 : i32
      %get3A_1023 = arith.index_cast %mul3A_1022 : i32 to index
      %get3A_1024 = tpu.vector_load %arg8[%get3A_1023] {strides = array<i32>} : memref<4096xi32, #tpu.memory_space<vmem>>, vector<16xi32>,
      %reduce_sum3A_1025 = arith.constant true
      %reduce_sum3A_1026 = vector.broadcast %reduce_sum3A_1025 : i1 to vector<16xi1>
      %reduce_sum3A_1027 = tpu.scan <sum>, %get3A_1024 masked %reduce_sum3A_1026 : vector<16xi32>, vector<16xi1> -> vector<16xi32>
      %reduce_sum3A_1028 = vector.extract %reduce_sum3A_1027[15] : i32 from vector<16xi32>
      %lt3A_1029 = arith.cmpi slt, %reduce_sum3A_1028, %sub3A_938 : i32
      %select_n3A_1030 = arith.select %lt3A_1029, %add3A_1018, %select_n3A_1016 : i32
      %add3A_1031 = arith.constant 8 : i32
      %add3A_1032 = arith.addi %select_n3A_1030, %add3A_1031 : i32
      %sub3A_1033 = arith.constant 1 : i32
      %sub3A_1034 = arith.subi %add3A_1032, %sub3A_1033 : i32
      %mul3A_1035 = arith.constant 16 : i32
      %mul3A_1036 = arith.muli %sub3A_1034, %mul3A_1035 : i32
      %get3A_1037 = arith.index_cast %mul3A_1036 : i32 to index
      %get3A_1038 = tpu.vector_load %arg8[%get3A_1037] {strides = array<i32>} : memref<4096xi32, #tpu.memory_space<vmem>>, vector<16xi32>,
      %reduce_sum3A_1039 = arith.constant true
      %reduce_sum3A_1040 = vector.broadcast %reduce_sum3A_1039 : i1 to vector<16xi1>
      %reduce_sum3A_1041 = tpu.scan <sum>, %get3A_1038 masked %reduce_sum3A_1040 : vector<16xi32>, vector<16xi1> -> vector<16xi32>
      %reduce_sum3A_1042 = vector.extract %reduce_sum3A_1041[15] : i32 from vector<16xi32>
      %lt3A_1043 = arith.cmpi slt, %reduce_sum3A_1042, %sub3A_938 : i32
      %select_n3A_1044 = arith.select %lt3A_1043, %add3A_1032, %select_n3A_1030 : i32
      %add3A_1045 = arith.constant 4 : i32
      %add3A_1046 = arith.addi %select_n3A_1044, %add3A_1045 : i32
      %sub3A_1047 = arith.constant 1 : i32
      %sub3A_1048 = arith.subi %add3A_1046, %sub3A_1047 : i32
      %mul3A_1049 = arith.constant 16 : i32
      %mul3A_1050 = arith.muli %sub3A_1048, %mul3A_1049 : i32
      %get3A_1051 = arith.index_cast %mul3A_1050 : i32 to index
      %get3A_1052 = tpu.vector_load %arg8[%get3A_1051] {strides = array<i32>} : memref<4096xi32, #tpu.memory_space<vmem>>, vector<16xi32>,
      %reduce_sum3A_1053 = arith.constant true
      %reduce_sum3A_1054 = vector.broadcast %reduce_sum3A_1053 : i1 to vector<16xi1>
      %reduce_sum3A_1055 = tpu.scan <sum>, %get3A_1052 masked %reduce_sum3A_1054 : vector<16xi32>, vector<16xi1> -> vector<16xi32>
      %reduce_sum3A_1056 = vector.extract %reduce_sum3A_1055[15] : i32 from vector<16xi32>
      %lt3A_1057 = arith.cmpi slt, %reduce_sum3A_1056, %sub3A_938 : i32
      %select_n3A_1058 = arith.select %lt3A_1057, %add3A_1046, %select_n3A_1044 : i32
      %add3A_1059 = arith.constant 2 : i32
      %add3A_1060 = arith.addi %select_n3A_1058, %add3A_1059 : i32
      %sub3A_1061 = arith.constant 1 : i32
      %sub3A_1062 = arith.subi %add3A_1060, %sub3A_1061 : i32
      %mul3A_1063 = arith.constant 16 : i32
      %mul3A_1064 = arith.muli %sub3A_1062, %mul3A_1063 : i32
      %get3A_1065 = arith.index_cast %mul3A_1064 : i32 to index
      %get3A_1066 = tpu.vector_load %arg8[%get3A_1065] {strides = array<i32>} : memref<4096xi32, #tpu.memory_space<vmem>>, vector<16xi32>,
      %reduce_sum3A_1067 = arith.constant true
      %reduce_sum3A_1068 = vector.broadcast %reduce_sum3A_1067 : i1 to vector<16xi1>
      %reduce_sum3A_1069 = tpu.scan <sum>, %get3A_1066 masked %reduce_sum3A_1068 : vector<16xi32>, vector<16xi1> -> vector<16xi32>
      %reduce_sum3A_1070 = vector.extract %reduce_sum3A_1069[15] : i32 from vector<16xi32>
      %lt3A_1071 = arith.cmpi slt, %reduce_sum3A_1070, %sub3A_938 : i32
      %select_n3A_1072 = arith.select %lt3A_1071, %add3A_1060, %select_n3A_1058 : i32
      %add3A_1073 = arith.constant 1 : i32
      %add3A_1074 = arith.addi %select_n3A_1072, %add3A_1073 : i32
      %sub3A_1075 = arith.constant 1 : i32
      %sub3A_1076 = arith.subi %add3A_1074, %sub3A_1075 : i32
      %mul3A_1077 = arith.constant 16 : i32
      %mul3A_1078 = arith.muli %sub3A_1076, %mul3A_1077 : i32
      %get3A_1079 = arith.index_cast %mul3A_1078 : i32 to index
      %get3A_1080 = tpu.vector_load %arg8[%get3A_1079] {strides = array<i32>} : memref<4096xi32, #tpu.memory_space<vmem>>, vector<16xi32>,
      %reduce_sum3A_1081 = arith.constant true
      %reduce_sum3A_1082 = vector.broadcast %reduce_sum3A_1081 : i1 to vector<16xi1>
      %reduce_sum3A_1083 = tpu.scan <sum>, %get3A_1080 masked %reduce_sum3A_1082 : vector<16xi32>, vector<16xi1> -> vector<16xi32>
      %reduce_sum3A_1084 = vector.extract %reduce_sum3A_1083[15] : i32 from vector<16xi32>
      %lt3A_1085 = arith.cmpi slt, %reduce_sum3A_1084, %sub3A_938 : i32
      %select_n3A_1086 = arith.select %lt3A_1085, %add3A_1074, %select_n3A_1072 : i32
      %gt3A_1087 = arith.constant 0 : i32
      %gt3A_1088 = arith.cmpi sgt, %select_n3A_1086, %gt3A_1087 : i32
      %sub3A_1089 = arith.constant 1 : i32
      %sub3A_1090 = arith.subi %select_n3A_1086, %sub3A_1089 : i32
      %max3A_1091 = arith.constant 0 : i32
      %max3A_1092 = arith.maxsi %sub3A_1090, %max3A_1091 : i32
      %mul3A_1093 = arith.constant 16 : i32
      %mul3A_1094 = arith.muli %max3A_1092, %mul3A_1093 : i32
      %get3A_1095 = arith.index_cast %mul3A_1094 : i32 to index
      %get3A_1096 = tpu.vector_load %arg8[%get3A_1095] {strides = array<i32>} : memref<4096xi32, #tpu.memory_space<vmem>>, vector<16xi32>,
      %reduce_sum3A_1097 = arith.constant true
      %reduce_sum3A_1098 = vector.broadcast %reduce_sum3A_1097 : i1 to vector<16xi1>
      %reduce_sum3A_1099 = tpu.scan <sum>, %get3A_1096 masked %reduce_sum3A_1098 : vector<16xi32>, vector<16xi1> -> vector<16xi32>
      %reduce_sum3A_1100 = vector.extract %reduce_sum3A_1099[15] : i32 from vector<16xi32>
      %jit3A_1101 = arith.constant 0 : i32
      %select_n3A_1102 = arith.select %gt3A_1088, %reduce_sum3A_1100, %jit3A_1101 : i32
      %sub3A_1103 = arith.subi %sub3A_938, %select_n3A_1102 : i32
      %sub3A_1104 = arith.constant 255 : i32
      %sub3A_1105 = arith.subi %sub3A_1104, %select_n3A_1086 : i32
      %shift_left3A_1106 = arith.constant 8 : i32
      %shift_left3A_1107 = arith.shli %select_n3A_950, %shift_left3A_1106 : i32
      %or3A_1108 = arith.ori %shift_left3A_1107, %sub3A_1105 : i32
      %parallel_loop3A_1109 = arith.constant 0 : i32
      %parallel_loop3A_1110 = arith.constant 1 : i32
      scf.for %parallel_loop3A_1514 = %parallel_loop3A_1109 to %shift_right_arithmetic3A_966 step %parallel_loop3A_1110  : i32 {
        %parallel_loop3A_1515 = arith.constant 16 : i32
        %parallel_loop3A_1516 = arith.muli %parallel_loop3A_1514, %parallel_loop3A_1515 : i32
        %parallel_loop3A_1517 = arith.index_cast %parallel_loop3A_1516 : i32 to index
        %parallel_loop3A_1518 = tpu.vector_load %arg6[%parallel_loop3A_1517] {strides = array<i32>} : memref<32784xf32, #tpu.memory_space<vmem>>, vector<16xf32>,
        %parallel_loop3A_1519 = vector.bitcast %parallel_loop3A_1518 : vector<16xf32> to vector<16xi32>
        %parallel_loop3A_1520 = arith.constant 16 : i32
        %parallel_loop3A_1521 = arith.muli %parallel_loop3A_1514, %parallel_loop3A_1520 : i32
        %parallel_loop3A_1522 = vector.broadcast %parallel_loop3A_1521 : i32 to vector<16xi32>
        %parallel_loop3A_1523 = arith.addi %parallel_loop3A_1522, %iota3A : vector<16xi32>
        %parallel_loop3A_1524 = vector.broadcast %parallel_loop3A_960 : i32 to vector<16xi32>
        %parallel_loop3A_1525 = arith.cmpi slt, %parallel_loop3A_1523, %parallel_loop3A_1524 : vector<16xi32>
        %parallel_loop3A_1526 = arith.constant 16 : i32
        %parallel_loop3A_1527 = vector.broadcast %parallel_loop3A_1526 : i32 to vector<16xi32>
        %parallel_loop3A_1528 = arith.shrui %parallel_loop3A_1519, %parallel_loop3A_1527 : vector<16xi32>
        %parallel_loop3A_1529 = vector.broadcast %or3A_1108 : i32 to vector<16xi32>
        %parallel_loop3A_1530 = arith.cmpi eq, %parallel_loop3A_1528, %parallel_loop3A_1529 : vector<16xi32>
        %parallel_loop3A_1531 = arith.andi %parallel_loop3A_1525, %parallel_loop3A_1530 : vector<16xi1>
        %parallel_loop3A_1532 = arith.constant 4 : i32
        %parallel_loop3A_1533 = vector.broadcast %parallel_loop3A_1532 : i32 to vector<16xi32>
        %parallel_loop3A_1534 = arith.shrui %parallel_loop3A_1519, %parallel_loop3A_1533 : vector<16xi32>
        %parallel_loop3A_1535 = arith.constant 4080 : i32
        %parallel_loop3A_1536 = vector.broadcast %parallel_loop3A_1535 : i32 to vector<16xi32>
        %parallel_loop3A_1537 = arith.andi %parallel_loop3A_1534, %parallel_loop3A_1536 : vector<16xi32>
        %parallel_loop3A_1538 = arith.addi %parallel_loop3A_1537, %iota3A : vector<16xi32>
        tpu.vector_store_idx %arg7[%parallel_loop3A_1538], %broadcast_in_dim3A_1 masked %parallel_loop3A_1531 {add = true} : memref<4096xi32, #tpu.memory_space<vmem>>[vector<16xi32>], vector<16xi32>, vector<16xi1>
      } {sc.loop_unroll_factor = 1 : i64, sc.parallel_access}
      %parallel_loop3A_1111 = arith.constant 0 : i32
      %parallel_loop3A_1112 = arith.constant 256 : i32
      %parallel_loop3A_1113 = arith.constant 1 : i32
      %parallel_loop3A_1114 = scf.for %parallel_loop3A_1514 = %parallel_loop3A_1111 to %parallel_loop3A_1112 step %parallel_loop3A_1113 iter_args(%parallel_loop3A_1515 = %broadcast_in_dim3A_3) -> (vector<16xi32>)  : i32 {
        %parallel_loop3A_1516 = arith.constant 255 : i32
        %parallel_loop3A_1517 = arith.subi %parallel_loop3A_1516, %parallel_loop3A_1514 : i32
        %parallel_loop3A_1518 = arith.constant 16 : i32
        %parallel_loop3A_1519 = arith.muli %parallel_loop3A_1517, %parallel_loop3A_1518 : i32
        %parallel_loop3A_1520 = arith.index_cast %parallel_loop3A_1519 : i32 to index
        %parallel_loop3A_1521 = tpu.vector_load %arg7[%parallel_loop3A_1520] {strides = array<i32>} : memref<4096xi32, #tpu.memory_space<vmem>>, vector<16xi32>,
        %parallel_loop3A_1522 = arith.addi %parallel_loop3A_1515, %parallel_loop3A_1521 : vector<16xi32>
        %parallel_loop3A_1523 = arith.constant 16 : i32
        %parallel_loop3A_1524 = arith.muli %parallel_loop3A_1517, %parallel_loop3A_1523 : i32
        %parallel_loop3A_1525 = arith.index_cast %parallel_loop3A_1524 : i32 to index
        %parallel_loop3A_1526 = tpu.vector_load %arg7[%parallel_loop3A_1525] {strides = array<i32>} : memref<4096xi32, #tpu.memory_space<vmem>>, vector<16xi32>,
        tpu.vector_store %arg7[%parallel_loop3A_1525], %broadcast_in_dim3A_3 {strides = array<i32>} : memref<4096xi32, #tpu.memory_space<vmem>>, vector<16xi32>,
        %parallel_loop3A_1527 = arith.constant 16 : i32
        %parallel_loop3A_1528 = arith.muli %parallel_loop3A_1514, %parallel_loop3A_1527 : i32
        %parallel_loop3A_1529 = arith.index_cast %parallel_loop3A_1528 : i32 to index
        %parallel_loop3A_1530 = tpu.vector_load %arg8[%parallel_loop3A_1529] {strides = array<i32>} : memref<4096xi32, #tpu.memory_space<vmem>>, vector<16xi32>,
        tpu.vector_store %arg8[%parallel_loop3A_1529], %parallel_loop3A_1522 {strides = array<i32>} : memref<4096xi32, #tpu.memory_space<vmem>>, vector<16xi32>,
        scf.yield %parallel_loop3A_1522 : vector<16xi32>
      } {sc.loop_unroll_factor = 4 : i64, sc.parallel_access}
      %add3A_1115 = arith.constant 0 : i32
      %add3A_1116 = arith.constant 128 : i32
      %add3A_1117 = arith.addi %add3A_1115, %add3A_1116 : i32
      %sub3A_1118 = arith.constant 1 : i32
      %sub3A_1119 = arith.subi %add3A_1117, %sub3A_1118 : i32
      %mul3A_1120 = arith.constant 16 : i32
      %mul3A_1121 = arith.muli %sub3A_1119, %mul3A_1120 : i32
      %get3A_1122 = arith.index_cast %mul3A_1121 : i32 to index
      %get3A_1123 = tpu.vector_load %arg8[%get3A_1122] {strides = array<i32>} : memref<4096xi32, #tpu.memory_space<vmem>>, vector<16xi32>,
      %reduce_sum3A_1124 = arith.constant true
      %reduce_sum3A_1125 = vector.broadcast %reduce_sum3A_1124 : i1 to vector<16xi1>
      %reduce_sum3A_1126 = tpu.scan <sum>, %get3A_1123 masked %reduce_sum3A_1125 : vector<16xi32>, vector<16xi1> -> vector<16xi32>
      %reduce_sum3A_1127 = vector.extract %reduce_sum3A_1126[15] : i32 from vector<16xi32>
      %lt3A_1128 = arith.cmpi slt, %reduce_sum3A_1127, %sub3A_1103 : i32
      %jit3A_1129 = arith.constant 0 : i32
      %select_n3A_1130 = arith.select %lt3A_1128, %add3A_1117, %jit3A_1129 : i32
      %add3A_1131 = arith.constant 64 : i32
      %add3A_1132 = arith.addi %select_n3A_1130, %add3A_1131 : i32
      %sub3A_1133 = arith.constant 1 : i32
      %sub3A_1134 = arith.subi %add3A_1132, %sub3A_1133 : i32
      %mul3A_1135 = arith.constant 16 : i32
      %mul3A_1136 = arith.muli %sub3A_1134, %mul3A_1135 : i32
      %get3A_1137 = arith.index_cast %mul3A_1136 : i32 to index
      %get3A_1138 = tpu.vector_load %arg8[%get3A_1137] {strides = array<i32>} : memref<4096xi32, #tpu.memory_space<vmem>>, vector<16xi32>,
      %reduce_sum3A_1139 = arith.constant true
      %reduce_sum3A_1140 = vector.broadcast %reduce_sum3A_1139 : i1 to vector<16xi1>
      %reduce_sum3A_1141 = tpu.scan <sum>, %get3A_1138 masked %reduce_sum3A_1140 : vector<16xi32>, vector<16xi1> -> vector<16xi32>
      %reduce_sum3A_1142 = vector.extract %reduce_sum3A_1141[15] : i32 from vector<16xi32>
      %lt3A_1143 = arith.cmpi slt, %reduce_sum3A_1142, %sub3A_1103 : i32
      %select_n3A_1144 = arith.select %lt3A_1143, %add3A_1132, %select_n3A_1130 : i32
      %add3A_1145 = arith.constant 32 : i32
      %add3A_1146 = arith.addi %select_n3A_1144, %add3A_1145 : i32
      %sub3A_1147 = arith.constant 1 : i32
      %sub3A_1148 = arith.subi %add3A_1146, %sub3A_1147 : i32
      %mul3A_1149 = arith.constant 16 : i32
      %mul3A_1150 = arith.muli %sub3A_1148, %mul3A_1149 : i32
      %get3A_1151 = arith.index_cast %mul3A_1150 : i32 to index
      %get3A_1152 = tpu.vector_load %arg8[%get3A_1151] {strides = array<i32>} : memref<4096xi32, #tpu.memory_space<vmem>>, vector<16xi32>,
      %reduce_sum3A_1153 = arith.constant true
      %reduce_sum3A_1154 = vector.broadcast %reduce_sum3A_1153 : i1 to vector<16xi1>
      %reduce_sum3A_1155 = tpu.scan <sum>, %get3A_1152 masked %reduce_sum3A_1154 : vector<16xi32>, vector<16xi1> -> vector<16xi32>
      %reduce_sum3A_1156 = vector.extract %reduce_sum3A_1155[15] : i32 from vector<16xi32>
      %lt3A_1157 = arith.cmpi slt, %reduce_sum3A_1156, %sub3A_1103 : i32
      %select_n3A_1158 = arith.select %lt3A_1157, %add3A_1146, %select_n3A_1144 : i32
      %add3A_1159 = arith.constant 16 : i32
      %add3A_1160 = arith.addi %select_n3A_1158, %add3A_1159 : i32
      %sub3A_1161 = arith.constant 1 : i32
      %sub3A_1162 = arith.subi %add3A_1160, %sub3A_1161 : i32
      %mul3A_1163 = arith.constant 16 : i32
      %mul3A_1164 = arith.muli %sub3A_1162, %mul3A_1163 : i32
      %get3A_1165 = arith.index_cast %mul3A_1164 : i32 to index
      %get3A_1166 = tpu.vector_load %arg8[%get3A_1165] {strides = array<i32>} : memref<4096xi32, #tpu.memory_space<vmem>>, vector<16xi32>,
      %reduce_sum3A_1167 = arith.constant true
      %reduce_sum3A_1168 = vector.broadcast %reduce_sum3A_1167 : i1 to vector<16xi1>
      %reduce_sum3A_1169 = tpu.scan <sum>, %get3A_1166 masked %reduce_sum3A_1168 : vector<16xi32>, vector<16xi1> -> vector<16xi32>
      %reduce_sum3A_1170 = vector.extract %reduce_sum3A_1169[15] : i32 from vector<16xi32>
      %lt3A_1171 = arith.cmpi slt, %reduce_sum3A_1170, %sub3A_1103 : i32
      %select_n3A_1172 = arith.select %lt3A_1171, %add3A_1160, %select_n3A_1158 : i32
      %add3A_1173 = arith.constant 8 : i32
      %add3A_1174 = arith.addi %select_n3A_1172, %add3A_1173 : i32
      %sub3A_1175 = arith.constant 1 : i32
      %sub3A_1176 = arith.subi %add3A_1174, %sub3A_1175 : i32
      %mul3A_1177 = arith.constant 16 : i32
      %mul3A_1178 = arith.muli %sub3A_1176, %mul3A_1177 : i32
      %get3A_1179 = arith.index_cast %mul3A_1178 : i32 to index
      %get3A_1180 = tpu.vector_load %arg8[%get3A_1179] {strides = array<i32>} : memref<4096xi32, #tpu.memory_space<vmem>>, vector<16xi32>,
      %reduce_sum3A_1181 = arith.constant true
      %reduce_sum3A_1182 = vector.broadcast %reduce_sum3A_1181 : i1 to vector<16xi1>
      %reduce_sum3A_1183 = tpu.scan <sum>, %get3A_1180 masked %reduce_sum3A_1182 : vector<16xi32>, vector<16xi1> -> vector<16xi32>
      %reduce_sum3A_1184 = vector.extract %reduce_sum3A_1183[15] : i32 from vector<16xi32>
      %lt3A_1185 = arith.cmpi slt, %reduce_sum3A_1184, %sub3A_1103 : i32
      %select_n3A_1186 = arith.select %lt3A_1185, %add3A_1174, %select_n3A_1172 : i32
      %add3A_1187 = arith.constant 4 : i32
      %add3A_1188 = arith.addi %select_n3A_1186, %add3A_1187 : i32
      %sub3A_1189 = arith.constant 1 : i32
      %sub3A_1190 = arith.subi %add3A_1188, %sub3A_1189 : i32
      %mul3A_1191 = arith.constant 16 : i32
      %mul3A_1192 = arith.muli %sub3A_1190, %mul3A_1191 : i32
      %get3A_1193 = arith.index_cast %mul3A_1192 : i32 to index
      %get3A_1194 = tpu.vector_load %arg8[%get3A_1193] {strides = array<i32>} : memref<4096xi32, #tpu.memory_space<vmem>>, vector<16xi32>,
      %reduce_sum3A_1195 = arith.constant true
      %reduce_sum3A_1196 = vector.broadcast %reduce_sum3A_1195 : i1 to vector<16xi1>
      %reduce_sum3A_1197 = tpu.scan <sum>, %get3A_1194 masked %reduce_sum3A_1196 : vector<16xi32>, vector<16xi1> -> vector<16xi32>
      %reduce_sum3A_1198 = vector.extract %reduce_sum3A_1197[15] : i32 from vector<16xi32>
      %lt3A_1199 = arith.cmpi slt, %reduce_sum3A_1198, %sub3A_1103 : i32
      %select_n3A_1200 = arith.select %lt3A_1199, %add3A_1188, %select_n3A_1186 : i32
      %add3A_1201 = arith.constant 2 : i32
      %add3A_1202 = arith.addi %select_n3A_1200, %add3A_1201 : i32
      %sub3A_1203 = arith.constant 1 : i32
      %sub3A_1204 = arith.subi %add3A_1202, %sub3A_1203 : i32
      %mul3A_1205 = arith.constant 16 : i32
      %mul3A_1206 = arith.muli %sub3A_1204, %mul3A_1205 : i32
      %get3A_1207 = arith.index_cast %mul3A_1206 : i32 to index
      %get3A_1208 = tpu.vector_load %arg8[%get3A_1207] {strides = array<i32>} : memref<4096xi32, #tpu.memory_space<vmem>>, vector<16xi32>,
      %reduce_sum3A_1209 = arith.constant true
      %reduce_sum3A_1210 = vector.broadcast %reduce_sum3A_1209 : i1 to vector<16xi1>
      %reduce_sum3A_1211 = tpu.scan <sum>, %get3A_1208 masked %reduce_sum3A_1210 : vector<16xi32>, vector<16xi1> -> vector<16xi32>
      %reduce_sum3A_1212 = vector.extract %reduce_sum3A_1211[15] : i32 from vector<16xi32>
      %lt3A_1213 = arith.cmpi slt, %reduce_sum3A_1212, %sub3A_1103 : i32
      %select_n3A_1214 = arith.select %lt3A_1213, %add3A_1202, %select_n3A_1200 : i32
      %add3A_1215 = arith.constant 1 : i32
      %add3A_1216 = arith.addi %select_n3A_1214, %add3A_1215 : i32
      %sub3A_1217 = arith.constant 1 : i32
      %sub3A_1218 = arith.subi %add3A_1216, %sub3A_1217 : i32
      %mul3A_1219 = arith.constant 16 : i32
      %mul3A_1220 = arith.muli %sub3A_1218, %mul3A_1219 : i32
      %get3A_1221 = arith.index_cast %mul3A_1220 : i32 to index
      %get3A_1222 = tpu.vector_load %arg8[%get3A_1221] {strides = array<i32>} : memref<4096xi32, #tpu.memory_space<vmem>>, vector<16xi32>,
      %reduce_sum3A_1223 = arith.constant true
      %reduce_sum3A_1224 = vector.broadcast %reduce_sum3A_1223 : i1 to vector<16xi1>
      %reduce_sum3A_1225 = tpu.scan <sum>, %get3A_1222 masked %reduce_sum3A_1224 : vector<16xi32>, vector<16xi1> -> vector<16xi32>
      %reduce_sum3A_1226 = vector.extract %reduce_sum3A_1225[15] : i32 from vector<16xi32>
      %lt3A_1227 = arith.cmpi slt, %reduce_sum3A_1226, %sub3A_1103 : i32
      %select_n3A_1228 = arith.select %lt3A_1227, %add3A_1216, %select_n3A_1214 : i32
      %gt3A_1229 = arith.constant 0 : i32
      %gt3A_1230 = arith.cmpi sgt, %select_n3A_1228, %gt3A_1229 : i32
      %sub3A_1231 = arith.constant 1 : i32
      %sub3A_1232 = arith.subi %select_n3A_1228, %sub3A_1231 : i32
      %max3A_1233 = arith.constant 0 : i32
      %max3A_1234 = arith.maxsi %sub3A_1232, %max3A_1233 : i32
      %mul3A_1235 = arith.constant 16 : i32
      %mul3A_1236 = arith.muli %max3A_1234, %mul3A_1235 : i32
      %get3A_1237 = arith.index_cast %mul3A_1236 : i32 to index
      %get3A_1238 = tpu.vector_load %arg8[%get3A_1237] {strides = array<i32>} : memref<4096xi32, #tpu.memory_space<vmem>>, vector<16xi32>,
      %reduce_sum3A_1239 = arith.constant true
      %reduce_sum3A_1240 = vector.broadcast %reduce_sum3A_1239 : i1 to vector<16xi1>
      %reduce_sum3A_1241 = tpu.scan <sum>, %get3A_1238 masked %reduce_sum3A_1240 : vector<16xi32>, vector<16xi1> -> vector<16xi32>
      %reduce_sum3A_1242 = vector.extract %reduce_sum3A_1241[15] : i32 from vector<16xi32>
      %jit3A_1243 = arith.constant 0 : i32
      %select_n3A_1244 = arith.select %gt3A_1230, %reduce_sum3A_1242, %jit3A_1243 : i32
      %sub3A_1245 = arith.subi %sub3A_1103, %select_n3A_1244 : i32
      %sub3A_1246 = arith.constant 255 : i32
      %sub3A_1247 = arith.subi %sub3A_1246, %select_n3A_1228 : i32
      %shift_left3A_1248 = arith.constant 8 : i32
      %shift_left3A_1249 = arith.shli %or3A_1108, %shift_left3A_1248 : i32
      %or3A_1250 = arith.ori %shift_left3A_1249, %sub3A_1247 : i32
      %parallel_loop3A_1251 = arith.constant 0 : i32
      %parallel_loop3A_1252 = arith.constant 1 : i32
      scf.for %parallel_loop3A_1514 = %parallel_loop3A_1251 to %shift_right_arithmetic3A_966 step %parallel_loop3A_1252  : i32 {
        %parallel_loop3A_1515 = arith.constant 16 : i32
        %parallel_loop3A_1516 = arith.muli %parallel_loop3A_1514, %parallel_loop3A_1515 : i32
        %parallel_loop3A_1517 = arith.index_cast %parallel_loop3A_1516 : i32 to index
        %parallel_loop3A_1518 = tpu.vector_load %arg6[%parallel_loop3A_1517] {strides = array<i32>} : memref<32784xf32, #tpu.memory_space<vmem>>, vector<16xf32>,
        %parallel_loop3A_1519 = vector.bitcast %parallel_loop3A_1518 : vector<16xf32> to vector<16xi32>
        %parallel_loop3A_1520 = arith.constant 16 : i32
        %parallel_loop3A_1521 = arith.muli %parallel_loop3A_1514, %parallel_loop3A_1520 : i32
        %parallel_loop3A_1522 = vector.broadcast %parallel_loop3A_1521 : i32 to vector<16xi32>
        %parallel_loop3A_1523 = arith.addi %parallel_loop3A_1522, %iota3A : vector<16xi32>
        %parallel_loop3A_1524 = vector.broadcast %parallel_loop3A_960 : i32 to vector<16xi32>
        %parallel_loop3A_1525 = arith.cmpi slt, %parallel_loop3A_1523, %parallel_loop3A_1524 : vector<16xi32>
        %parallel_loop3A_1526 = arith.constant 8 : i32
        %parallel_loop3A_1527 = vector.broadcast %parallel_loop3A_1526 : i32 to vector<16xi32>
        %parallel_loop3A_1528 = arith.shrui %parallel_loop3A_1519, %parallel_loop3A_1527 : vector<16xi32>
        %parallel_loop3A_1529 = vector.broadcast %or3A_1250 : i32 to vector<16xi32>
        %parallel_loop3A_1530 = arith.cmpi eq, %parallel_loop3A_1528, %parallel_loop3A_1529 : vector<16xi32>
        %parallel_loop3A_1531 = arith.andi %parallel_loop3A_1525, %parallel_loop3A_1530 : vector<16xi1>
        %parallel_loop3A_1532 = arith.constant 255 : i32
        %parallel_loop3A_1533 = vector.broadcast %parallel_loop3A_1532 : i32 to vector<16xi32>
        %parallel_loop3A_1534 = arith.andi %parallel_loop3A_1519, %parallel_loop3A_1533 : vector<16xi32>
        %parallel_loop3A_1535 = arith.constant 4 : i32
        %parallel_loop3A_1536 = vector.broadcast %parallel_loop3A_1535 : i32 to vector<16xi32>
        %parallel_loop3A_1537 = arith.shli %parallel_loop3A_1534, %parallel_loop3A_1536 : vector<16xi32>
        %parallel_loop3A_1538 = arith.addi %parallel_loop3A_1537, %iota3A : vector<16xi32>
        tpu.vector_store_idx %arg7[%parallel_loop3A_1538], %broadcast_in_dim3A_1 masked %parallel_loop3A_1531 {add = true} : memref<4096xi32, #tpu.memory_space<vmem>>[vector<16xi32>], vector<16xi32>, vector<16xi1>
      } {sc.loop_unroll_factor = 1 : i64, sc.parallel_access}
      %parallel_loop3A_1253 = arith.constant 0 : i32
      %parallel_loop3A_1254 = arith.constant 256 : i32
      %parallel_loop3A_1255 = arith.constant 1 : i32
      %parallel_loop3A_1256 = scf.for %parallel_loop3A_1514 = %parallel_loop3A_1253 to %parallel_loop3A_1254 step %parallel_loop3A_1255 iter_args(%parallel_loop3A_1515 = %broadcast_in_dim3A_3) -> (vector<16xi32>)  : i32 {
        %parallel_loop3A_1516 = arith.constant 255 : i32
        %parallel_loop3A_1517 = arith.subi %parallel_loop3A_1516, %parallel_loop3A_1514 : i32
        %parallel_loop3A_1518 = arith.constant 16 : i32
        %parallel_loop3A_1519 = arith.muli %parallel_loop3A_1517, %parallel_loop3A_1518 : i32
        %parallel_loop3A_1520 = arith.index_cast %parallel_loop3A_1519 : i32 to index
        %parallel_loop3A_1521 = tpu.vector_load %arg7[%parallel_loop3A_1520] {strides = array<i32>} : memref<4096xi32, #tpu.memory_space<vmem>>, vector<16xi32>,
        %parallel_loop3A_1522 = arith.addi %parallel_loop3A_1515, %parallel_loop3A_1521 : vector<16xi32>
        %parallel_loop3A_1523 = arith.constant 16 : i32
        %parallel_loop3A_1524 = arith.muli %parallel_loop3A_1517, %parallel_loop3A_1523 : i32
        %parallel_loop3A_1525 = arith.index_cast %parallel_loop3A_1524 : i32 to index
        %parallel_loop3A_1526 = tpu.vector_load %arg7[%parallel_loop3A_1525] {strides = array<i32>} : memref<4096xi32, #tpu.memory_space<vmem>>, vector<16xi32>,
        tpu.vector_store %arg7[%parallel_loop3A_1525], %broadcast_in_dim3A_3 {strides = array<i32>} : memref<4096xi32, #tpu.memory_space<vmem>>, vector<16xi32>,
        %parallel_loop3A_1527 = arith.constant 16 : i32
        %parallel_loop3A_1528 = arith.muli %parallel_loop3A_1514, %parallel_loop3A_1527 : i32
        %parallel_loop3A_1529 = arith.index_cast %parallel_loop3A_1528 : i32 to index
        %parallel_loop3A_1530 = tpu.vector_load %arg8[%parallel_loop3A_1529] {strides = array<i32>} : memref<4096xi32, #tpu.memory_space<vmem>>, vector<16xi32>,
        tpu.vector_store %arg8[%parallel_loop3A_1529], %parallel_loop3A_1522 {strides = array<i32>} : memref<4096xi32, #tpu.memory_space<vmem>>, vector<16xi32>,
        scf.yield %parallel_loop3A_1522 : vector<16xi32>
      } {sc.loop_unroll_factor = 4 : i64, sc.parallel_access}
      %add3A_1257 = arith.constant 0 : i32
      %add3A_1258 = arith.constant 128 : i32
      %add3A_1259 = arith.addi %add3A_1257, %add3A_1258 : i32
      %sub3A_1260 = arith.constant 1 : i32
      %sub3A_1261 = arith.subi %add3A_1259, %sub3A_1260 : i32
      %mul3A_1262 = arith.constant 16 : i32
      %mul3A_1263 = arith.muli %sub3A_1261, %mul3A_1262 : i32
      %get3A_1264 = arith.index_cast %mul3A_1263 : i32 to index
      %get3A_1265 = tpu.vector_load %arg8[%get3A_1264] {strides = array<i32>} : memref<4096xi32, #tpu.memory_space<vmem>>, vector<16xi32>,
      %reduce_sum3A_1266 = arith.constant true
      %reduce_sum3A_1267 = vector.broadcast %reduce_sum3A_1266 : i1 to vector<16xi1>
      %reduce_sum3A_1268 = tpu.scan <sum>, %get3A_1265 masked %reduce_sum3A_1267 : vector<16xi32>, vector<16xi1> -> vector<16xi32>
      %reduce_sum3A_1269 = vector.extract %reduce_sum3A_1268[15] : i32 from vector<16xi32>
      %lt3A_1270 = arith.cmpi slt, %reduce_sum3A_1269, %sub3A_1245 : i32
      %jit3A_1271 = arith.constant 0 : i32
      %select_n3A_1272 = arith.select %lt3A_1270, %add3A_1259, %jit3A_1271 : i32
      %add3A_1273 = arith.constant 64 : i32
      %add3A_1274 = arith.addi %select_n3A_1272, %add3A_1273 : i32
      %sub3A_1275 = arith.constant 1 : i32
      %sub3A_1276 = arith.subi %add3A_1274, %sub3A_1275 : i32
      %mul3A_1277 = arith.constant 16 : i32
      %mul3A_1278 = arith.muli %sub3A_1276, %mul3A_1277 : i32
      %get3A_1279 = arith.index_cast %mul3A_1278 : i32 to index
      %get3A_1280 = tpu.vector_load %arg8[%get3A_1279] {strides = array<i32>} : memref<4096xi32, #tpu.memory_space<vmem>>, vector<16xi32>,
      %reduce_sum3A_1281 = arith.constant true
      %reduce_sum3A_1282 = vector.broadcast %reduce_sum3A_1281 : i1 to vector<16xi1>
      %reduce_sum3A_1283 = tpu.scan <sum>, %get3A_1280 masked %reduce_sum3A_1282 : vector<16xi32>, vector<16xi1> -> vector<16xi32>
      %reduce_sum3A_1284 = vector.extract %reduce_sum3A_1283[15] : i32 from vector<16xi32>
      %lt3A_1285 = arith.cmpi slt, %reduce_sum3A_1284, %sub3A_1245 : i32
      %select_n3A_1286 = arith.select %lt3A_1285, %add3A_1274, %select_n3A_1272 : i32
      %add3A_1287 = arith.constant 32 : i32
      %add3A_1288 = arith.addi %select_n3A_1286, %add3A_1287 : i32
      %sub3A_1289 = arith.constant 1 : i32
      %sub3A_1290 = arith.subi %add3A_1288, %sub3A_1289 : i32
      %mul3A_1291 = arith.constant 16 : i32
      %mul3A_1292 = arith.muli %sub3A_1290, %mul3A_1291 : i32
      %get3A_1293 = arith.index_cast %mul3A_1292 : i32 to index
      %get3A_1294 = tpu.vector_load %arg8[%get3A_1293] {strides = array<i32>} : memref<4096xi32, #tpu.memory_space<vmem>>, vector<16xi32>,
      %reduce_sum3A_1295 = arith.constant true
      %reduce_sum3A_1296 = vector.broadcast %reduce_sum3A_1295 : i1 to vector<16xi1>
      %reduce_sum3A_1297 = tpu.scan <sum>, %get3A_1294 masked %reduce_sum3A_1296 : vector<16xi32>, vector<16xi1> -> vector<16xi32>
      %reduce_sum3A_1298 = vector.extract %reduce_sum3A_1297[15] : i32 from vector<16xi32>
      %lt3A_1299 = arith.cmpi slt, %reduce_sum3A_1298, %sub3A_1245 : i32
      %select_n3A_1300 = arith.select %lt3A_1299, %add3A_1288, %select_n3A_1286 : i32
      %add3A_1301 = arith.constant 16 : i32
      %add3A_1302 = arith.addi %select_n3A_1300, %add3A_1301 : i32
      %sub3A_1303 = arith.constant 1 : i32
      %sub3A_1304 = arith.subi %add3A_1302, %sub3A_1303 : i32
      %mul3A_1305 = arith.constant 16 : i32
      %mul3A_1306 = arith.muli %sub3A_1304, %mul3A_1305 : i32
      %get3A_1307 = arith.index_cast %mul3A_1306 : i32 to index
      %get3A_1308 = tpu.vector_load %arg8[%get3A_1307] {strides = array<i32>} : memref<4096xi32, #tpu.memory_space<vmem>>, vector<16xi32>,
      %reduce_sum3A_1309 = arith.constant true
      %reduce_sum3A_1310 = vector.broadcast %reduce_sum3A_1309 : i1 to vector<16xi1>
      %reduce_sum3A_1311 = tpu.scan <sum>, %get3A_1308 masked %reduce_sum3A_1310 : vector<16xi32>, vector<16xi1> -> vector<16xi32>
      %reduce_sum3A_1312 = vector.extract %reduce_sum3A_1311[15] : i32 from vector<16xi32>
      %lt3A_1313 = arith.cmpi slt, %reduce_sum3A_1312, %sub3A_1245 : i32
      %select_n3A_1314 = arith.select %lt3A_1313, %add3A_1302, %select_n3A_1300 : i32
      %add3A_1315 = arith.constant 8 : i32
      %add3A_1316 = arith.addi %select_n3A_1314, %add3A_1315 : i32
      %sub3A_1317 = arith.constant 1 : i32
      %sub3A_1318 = arith.subi %add3A_1316, %sub3A_1317 : i32
      %mul3A_1319 = arith.constant 16 : i32
      %mul3A_1320 = arith.muli %sub3A_1318, %mul3A_1319 : i32
      %get3A_1321 = arith.index_cast %mul3A_1320 : i32 to index
      %get3A_1322 = tpu.vector_load %arg8[%get3A_1321] {strides = array<i32>} : memref<4096xi32, #tpu.memory_space<vmem>>, vector<16xi32>,
      %reduce_sum3A_1323 = arith.constant true
      %reduce_sum3A_1324 = vector.broadcast %reduce_sum3A_1323 : i1 to vector<16xi1>
      %reduce_sum3A_1325 = tpu.scan <sum>, %get3A_1322 masked %reduce_sum3A_1324 : vector<16xi32>, vector<16xi1> -> vector<16xi32>
      %reduce_sum3A_1326 = vector.extract %reduce_sum3A_1325[15] : i32 from vector<16xi32>
      %lt3A_1327 = arith.cmpi slt, %reduce_sum3A_1326, %sub3A_1245 : i32
      %select_n3A_1328 = arith.select %lt3A_1327, %add3A_1316, %select_n3A_1314 : i32
      %add3A_1329 = arith.constant 4 : i32
      %add3A_1330 = arith.addi %select_n3A_1328, %add3A_1329 : i32
      %sub3A_1331 = arith.constant 1 : i32
      %sub3A_1332 = arith.subi %add3A_1330, %sub3A_1331 : i32
      %mul3A_1333 = arith.constant 16 : i32
      %mul3A_1334 = arith.muli %sub3A_1332, %mul3A_1333 : i32
      %get3A_1335 = arith.index_cast %mul3A_1334 : i32 to index
      %get3A_1336 = tpu.vector_load %arg8[%get3A_1335] {strides = array<i32>} : memref<4096xi32, #tpu.memory_space<vmem>>, vector<16xi32>,
      %reduce_sum3A_1337 = arith.constant true
      %reduce_sum3A_1338 = vector.broadcast %reduce_sum3A_1337 : i1 to vector<16xi1>
      %reduce_sum3A_1339 = tpu.scan <sum>, %get3A_1336 masked %reduce_sum3A_1338 : vector<16xi32>, vector<16xi1> -> vector<16xi32>
      %reduce_sum3A_1340 = vector.extract %reduce_sum3A_1339[15] : i32 from vector<16xi32>
      %lt3A_1341 = arith.cmpi slt, %reduce_sum3A_1340, %sub3A_1245 : i32
      %select_n3A_1342 = arith.select %lt3A_1341, %add3A_1330, %select_n3A_1328 : i32
      %add3A_1343 = arith.constant 2 : i32
      %add3A_1344 = arith.addi %select_n3A_1342, %add3A_1343 : i32
      %sub3A_1345 = arith.constant 1 : i32
      %sub3A_1346 = arith.subi %add3A_1344, %sub3A_1345 : i32
      %mul3A_1347 = arith.constant 16 : i32
      %mul3A_1348 = arith.muli %sub3A_1346, %mul3A_1347 : i32
      %get3A_1349 = arith.index_cast %mul3A_1348 : i32 to index
      %get3A_1350 = tpu.vector_load %arg8[%get3A_1349] {strides = array<i32>} : memref<4096xi32, #tpu.memory_space<vmem>>, vector<16xi32>,
      %reduce_sum3A_1351 = arith.constant true
      %reduce_sum3A_1352 = vector.broadcast %reduce_sum3A_1351 : i1 to vector<16xi1>
      %reduce_sum3A_1353 = tpu.scan <sum>, %get3A_1350 masked %reduce_sum3A_1352 : vector<16xi32>, vector<16xi1> -> vector<16xi32>
      %reduce_sum3A_1354 = vector.extract %reduce_sum3A_1353[15] : i32 from vector<16xi32>
      %lt3A_1355 = arith.cmpi slt, %reduce_sum3A_1354, %sub3A_1245 : i32
      %select_n3A_1356 = arith.select %lt3A_1355, %add3A_1344, %select_n3A_1342 : i32
      %add3A_1357 = arith.constant 1 : i32
      %add3A_1358 = arith.addi %select_n3A_1356, %add3A_1357 : i32
      %sub3A_1359 = arith.constant 1 : i32
      %sub3A_1360 = arith.subi %add3A_1358, %sub3A_1359 : i32
      %mul3A_1361 = arith.constant 16 : i32
      %mul3A_1362 = arith.muli %sub3A_1360, %mul3A_1361 : i32
      %get3A_1363 = arith.index_cast %mul3A_1362 : i32 to index
      %get3A_1364 = tpu.vector_load %arg8[%get3A_1363] {strides = array<i32>} : memref<4096xi32, #tpu.memory_space<vmem>>, vector<16xi32>,
      %reduce_sum3A_1365 = arith.constant true
      %reduce_sum3A_1366 = vector.broadcast %reduce_sum3A_1365 : i1 to vector<16xi1>
      %reduce_sum3A_1367 = tpu.scan <sum>, %get3A_1364 masked %reduce_sum3A_1366 : vector<16xi32>, vector<16xi1> -> vector<16xi32>
      %reduce_sum3A_1368 = vector.extract %reduce_sum3A_1367[15] : i32 from vector<16xi32>
      %lt3A_1369 = arith.cmpi slt, %reduce_sum3A_1368, %sub3A_1245 : i32
      %select_n3A_1370 = arith.select %lt3A_1369, %add3A_1358, %select_n3A_1356 : i32
      %gt3A_1371 = arith.constant 0 : i32
      %gt3A_1372 = arith.cmpi sgt, %select_n3A_1370, %gt3A_1371 : i32
      %sub3A_1373 = arith.constant 1 : i32
      %sub3A_1374 = arith.subi %select_n3A_1370, %sub3A_1373 : i32
      %max3A_1375 = arith.constant 0 : i32
      %max3A_1376 = arith.maxsi %sub3A_1374, %max3A_1375 : i32
      %mul3A_1377 = arith.constant 16 : i32
      %mul3A_1378 = arith.muli %max3A_1376, %mul3A_1377 : i32
      %get3A_1379 = arith.index_cast %mul3A_1378 : i32 to index
      %get3A_1380 = tpu.vector_load %arg8[%get3A_1379] {strides = array<i32>} : memref<4096xi32, #tpu.memory_space<vmem>>, vector<16xi32>,
      %reduce_sum3A_1381 = arith.constant true
      %reduce_sum3A_1382 = vector.broadcast %reduce_sum3A_1381 : i1 to vector<16xi1>
      %reduce_sum3A_1383 = tpu.scan <sum>, %get3A_1380 masked %reduce_sum3A_1382 : vector<16xi32>, vector<16xi1> -> vector<16xi32>
      %reduce_sum3A_1384 = vector.extract %reduce_sum3A_1383[15] : i32 from vector<16xi32>
      %jit3A_1385 = arith.constant 0 : i32
      %select_n3A_1386 = arith.select %gt3A_1372, %reduce_sum3A_1384, %jit3A_1385 : i32
      %sub3A_1387 = arith.subi %sub3A_1245, %select_n3A_1386 : i32
      %sub3A_1388 = arith.constant 255 : i32
      %sub3A_1389 = arith.subi %sub3A_1388, %select_n3A_1370 : i32
      %shift_left3A_1390 = arith.constant 24 : i32
      %shift_left3A_1391 = arith.shli %select_n3A_950, %shift_left3A_1390 : i32
      %shift_left3A_1392 = arith.constant 16 : i32
      %shift_left3A_1393 = arith.shli %sub3A_1105, %shift_left3A_1392 : i32
      %or3A_1394 = arith.ori %shift_left3A_1391, %shift_left3A_1393 : i32
      %shift_left3A_1395 = arith.constant 8 : i32
      %shift_left3A_1396 = arith.shli %sub3A_1247, %shift_left3A_1395 : i32
      %or3A_1397 = arith.ori %or3A_1394, %shift_left3A_1396 : i32
      %or3A_1398 = arith.ori %or3A_1397, %sub3A_1389 : i32
      %xor3A_1399 = arith.constant -2147483648 : i32
      %xor3A_1400 = arith.xori %or3A_1398, %xor3A_1399 : i32
      %broadcast_in_dim3A_1401 = arith.constant 0xFF800000 : f32
      %broadcast_in_dim3A_1402 = vector.broadcast %broadcast_in_dim3A_1401 : f32 to vector<16xf32>
      %parallel_loop3A_1403 = arith.constant 0 : i32
      %parallel_loop3A_1404 = arith.constant 1 : i32
      %parallel_loop3A_1405 = scf.for %parallel_loop3A_1514 = %parallel_loop3A_1403 to %shift_right_arithmetic3A_966 step %parallel_loop3A_1404 iter_args(%parallel_loop3A_1515 = %broadcast_in_dim3A_1402) -> (vector<16xf32>)  : i32 {
        %parallel_loop3A_1516 = arith.constant 16 : i32
        %parallel_loop3A_1517 = arith.muli %parallel_loop3A_1514, %parallel_loop3A_1516 : i32
        %parallel_loop3A_1518 = arith.index_cast %parallel_loop3A_1517 : i32 to index
        %parallel_loop3A_1519 = tpu.vector_load %arg6[%parallel_loop3A_1518] {strides = array<i32>} : memref<32784xf32, #tpu.memory_space<vmem>>, vector<16xf32>,
        %parallel_loop3A_1520 = vector.bitcast %parallel_loop3A_1519 : vector<16xf32> to vector<16xi32>
        %parallel_loop3A_1521 = arith.constant 16 : i32
        %parallel_loop3A_1522 = arith.muli %parallel_loop3A_1514, %parallel_loop3A_1521 : i32
        %parallel_loop3A_1523 = vector.broadcast %parallel_loop3A_1522 : i32 to vector<16xi32>
        %parallel_loop3A_1524 = arith.addi %parallel_loop3A_1523, %iota3A : vector<16xi32>
        %parallel_loop3A_1525 = vector.broadcast %parallel_loop3A_960 : i32 to vector<16xi32>
        %parallel_loop3A_1526 = arith.cmpi slt, %parallel_loop3A_1524, %parallel_loop3A_1525 : vector<16xi32>
        %parallel_loop3A_1527 = arith.constant -2147483648 : i32
        %parallel_loop3A_1528 = vector.broadcast %parallel_loop3A_1527 : i32 to vector<16xi32>
        %parallel_loop3A_1529 = arith.xori %parallel_loop3A_1520, %parallel_loop3A_1528 : vector<16xi32>
        %parallel_loop3A_1530 = arith.constant 0 : i32
        %parallel_loop3A_1531 = vector.broadcast %parallel_loop3A_1530 : i32 to vector<16xi32>
        %parallel_loop3A_1532 = arith.cmpi sge, %parallel_loop3A_1529, %parallel_loop3A_1531 : vector<16xi32>
        %parallel_loop3A_1533 = arith.constant 2147483647 : i32
        %parallel_loop3A_1534 = vector.broadcast %parallel_loop3A_1533 : i32 to vector<16xi32>
        %parallel_loop3A_1535 = arith.xori %parallel_loop3A_1529, %parallel_loop3A_1534 : vector<16xi32>
        %parallel_loop3A_1536 = arith.select %parallel_loop3A_1532, %parallel_loop3A_1529, %parallel_loop3A_1535 : vector<16xi1>, vector<16xi32>
        %parallel_loop3A_1537 = vector.bitcast %parallel_loop3A_1536 : vector<16xi32> to vector<16xf32>
        %parallel_loop3A_1538 = arith.constant 0xFF800000 : f32
        %parallel_loop3A_1539 = vector.broadcast %parallel_loop3A_1538 : f32 to vector<16xf32>
        %parallel_loop3A_1540 = arith.select %parallel_loop3A_1526, %parallel_loop3A_1537, %parallel_loop3A_1539 : vector<16xi1>, vector<16xf32>
        %parallel_loop3A_1541 = arith.maximumf %parallel_loop3A_1515, %parallel_loop3A_1540 : vector<16xf32>
        scf.yield %parallel_loop3A_1541 : vector<16xf32>
      } {sc.loop_unroll_factor = 1 : i64, sc.parallel_access}
      %reduce_max3A_1406 = arith.constant true
      %reduce_max3A_1407 = vector.broadcast %reduce_max3A_1406 : i1 to vector<16xi1>
      %reduce_max3A_1408 = tpu.scan <max>, %parallel_loop3A_1405 masked %reduce_max3A_1407 : vector<16xf32>, vector<16xi1> -> vector<16xf32>
      %reduce_max3A_1409 = vector.extract %reduce_max3A_1408[15] : f32 from vector<16xf32>
      %broadcast_in_dim3A_1410 = arith.constant 0.000000e+00 : f32
      %broadcast_in_dim3A_1411 = vector.broadcast %broadcast_in_dim3A_1410 : f32 to vector<16xf32>
      %parallel_loop3A_1412 = arith.constant 0 : i32
      %parallel_loop3A_1413 = arith.constant 1 : i32
      %parallel_loop3A_1414 = scf.for %parallel_loop3A_1514 = %parallel_loop3A_1412 to %shift_right_arithmetic3A_966 step %parallel_loop3A_1413 iter_args(%parallel_loop3A_1515 = %broadcast_in_dim3A_1411) -> (vector<16xf32>)  : i32 {
        %parallel_loop3A_1516 = arith.constant 16 : i32
        %parallel_loop3A_1517 = arith.muli %parallel_loop3A_1514, %parallel_loop3A_1516 : i32
        %parallel_loop3A_1518 = arith.index_cast %parallel_loop3A_1517 : i32 to index
        %parallel_loop3A_1519 = tpu.vector_load %arg6[%parallel_loop3A_1518] {strides = array<i32>} : memref<32784xf32, #tpu.memory_space<vmem>>, vector<16xf32>,
        %parallel_loop3A_1520 = vector.bitcast %parallel_loop3A_1519 : vector<16xf32> to vector<16xi32>
        %parallel_loop3A_1521 = arith.constant 16 : i32
        %parallel_loop3A_1522 = arith.muli %parallel_loop3A_1514, %parallel_loop3A_1521 : i32
        %parallel_loop3A_1523 = vector.broadcast %parallel_loop3A_1522 : i32 to vector<16xi32>
        %parallel_loop3A_1524 = arith.addi %parallel_loop3A_1523, %iota3A : vector<16xi32>
        %parallel_loop3A_1525 = vector.broadcast %parallel_loop3A_960 : i32 to vector<16xi32>
        %parallel_loop3A_1526 = arith.cmpi slt, %parallel_loop3A_1524, %parallel_loop3A_1525 : vector<16xi32>
        %parallel_loop3A_1527 = arith.constant -2147483648 : i32
        %parallel_loop3A_1528 = vector.broadcast %parallel_loop3A_1527 : i32 to vector<16xi32>
        %parallel_loop3A_1529 = arith.xori %parallel_loop3A_1520, %parallel_loop3A_1528 : vector<16xi32>
        %parallel_loop3A_1530 = arith.constant 0 : i32
        %parallel_loop3A_1531 = vector.broadcast %parallel_loop3A_1530 : i32 to vector<16xi32>
        %parallel_loop3A_1532 = arith.cmpi sge, %parallel_loop3A_1529, %parallel_loop3A_1531 : vector<16xi32>
        %parallel_loop3A_1533 = arith.constant 2147483647 : i32
        %parallel_loop3A_1534 = vector.broadcast %parallel_loop3A_1533 : i32 to vector<16xi32>
        %parallel_loop3A_1535 = arith.xori %parallel_loop3A_1529, %parallel_loop3A_1534 : vector<16xi32>
        %parallel_loop3A_1536 = arith.select %parallel_loop3A_1532, %parallel_loop3A_1529, %parallel_loop3A_1535 : vector<16xi1>, vector<16xi32>
        %parallel_loop3A_1537 = vector.bitcast %parallel_loop3A_1536 : vector<16xi32> to vector<16xf32>
        %parallel_loop3A_1538 = vector.broadcast %xor3A_1400 : i32 to vector<16xi32>
        %parallel_loop3A_1539 = arith.cmpi sge, %parallel_loop3A_1529, %parallel_loop3A_1538 : vector<16xi32>
        %parallel_loop3A_1540 = arith.andi %parallel_loop3A_1526, %parallel_loop3A_1539 : vector<16xi1>
        %parallel_loop3A_1541 = vector.broadcast %reduce_max3A_1409 : f32 to vector<16xf32>
        %parallel_loop3A_1542 = arith.subf %parallel_loop3A_1537, %parallel_loop3A_1541 : vector<16xf32>
        %parallel_loop3A_1543 = math.exp %parallel_loop3A_1542 : vector<16xf32>
        %parallel_loop3A_1544 = arith.constant 0.000000e+00 : f32
        %parallel_loop3A_1545 = vector.broadcast %parallel_loop3A_1544 : f32 to vector<16xf32>
        %parallel_loop3A_1546 = arith.select %parallel_loop3A_1540, %parallel_loop3A_1543, %parallel_loop3A_1545 : vector<16xi1>, vector<16xf32>
        %parallel_loop3A_1547 = arith.addf %parallel_loop3A_1515, %parallel_loop3A_1546 : vector<16xf32>
        scf.yield %parallel_loop3A_1547 : vector<16xf32>
      } {sc.loop_unroll_factor = 1 : i64, sc.parallel_access}
      %broadcast_in_dim3A_1415 = arith.constant 1.000000e+00 : f32
      %broadcast_in_dim3A_1416 = vector.broadcast %broadcast_in_dim3A_1415 : f32 to vector<16xf32>
      %reduce_sum3A_1417 = arith.constant true
      %reduce_sum3A_1418 = vector.broadcast %reduce_sum3A_1417 : i1 to vector<16xi1>
      %reduce_sum3A_1419 = tpu.scan <sum>, %parallel_loop3A_1414 masked %reduce_sum3A_1418 : vector<16xf32>, vector<16xi1> -> vector<16xf32>
      %reduce_sum3A_1420 = vector.extract %reduce_sum3A_1419[15] : f32 from vector<16xf32>
      %broadcast_in_dim3A_1421 = vector.broadcast %reduce_sum3A_1420 : f32 to vector<16xf32>
      %div3A_1422 = arith.divf %broadcast_in_dim3A_1416, %broadcast_in_dim3A_1421 : vector<16xf32>
      %add3A_1423 = arith.constant 1 : i32
      %add3A_1424 = arith.addi %add3A_782, %add3A_1423 : i32
      %lt3A_1425 = arith.constant 32 : i32
      %lt3A_1426 = arith.cmpi slt, %add3A_1424, %lt3A_1425 : i32
      %convert_element_type3A_1427 = arith.extui %lt3A_1426 : i1 to i32
      %cond3A_1428 = arith.constant 0 : i32
      %cond3A_1429 = arith.cmpi ne, %convert_element_type3A_1427, %cond3A_1428 : i32
      scf.if %cond3A_1429 {
        %add3A_1514 = arith.constant 1 : i32
        %add3A_1515 = arith.addi %add3A_787, %add3A_1514 : i32
        %shift_right_arithmetic3A_1516 = arith.constant 6 : i32
        %shift_right_arithmetic3A_1517 = arith.shrsi %add3A_1515, %shift_right_arithmetic3A_1516 : i32
        %shift_right_arithmetic3A_1518 = arith.constant 2 : i32
        %shift_right_arithmetic3A_1519 = arith.shrsi %add3A_1515, %shift_right_arithmetic3A_1518 : i32
        %and3A_1520 = arith.constant 15 : i32
        %and3A_1521 = arith.andi %shift_right_arithmetic3A_1519, %and3A_1520 : i32
        %and3A_1522 = arith.constant 3 : i32
        %and3A_1523 = arith.andi %add3A_1515, %and3A_1522 : i32
        %dma_wait3A_1524 = arith.constant 0 : i32
        %dma_wait3A_1525 = tpu.memref_slice %arg2[%shift_right_arithmetic3A_1517, %and3A_1521, %and3A_1523, %dma_wait3A_1524] : memref<16x16x4x32768xf32, #tpu.memory_space<hbm>> -> memref<1x1x1x32768xf32, #tpu.memory_space<hbm>>
        %dma_wait3A_1526 = tpu.memref_squeeze %dma_wait3A_1525 : memref<1x1x1x32768xf32, #tpu.memory_space<hbm>> -> memref<32768xf32, #tpu.memory_space<hbm>>
        %dma_wait3A_1527 = arith.constant 0 : i32
        %dma_wait3A_1528 = tpu.memref_slice %arg2[%shift_right_arithmetic3A_1517, %and3A_1521, %and3A_1523, %dma_wait3A_1527] : memref<16x16x4x32768xf32, #tpu.memory_space<hbm>> -> memref<1x1x1x32768xf32, #tpu.memory_space<hbm>>
        %dma_wait3A_1529 = tpu.memref_squeeze %dma_wait3A_1528 : memref<1x1x1x32768xf32, #tpu.memory_space<hbm>> -> memref<32768xf32, #tpu.memory_space<hbm>>
        tpu.wait_dma2 semaphore(%arg9 : memref<!tpu.dma_semaphore, #tpu.memory_space<semaphore_mem>>) src(%dma_wait3A_1529 : memref<32768xf32, #tpu.memory_space<hbm>>) dst(%arg4 : memref<32768xf32, #tpu.memory_space<vmem>>)
      } else {
      }
      %parallel_loop3A_1430 = arith.constant 0 : i32
      %parallel_loop3A_1431 = arith.constant 512 : i32
      %parallel_loop3A_1432 = arith.constant 1 : i32
      scf.for %parallel_loop3A_1514 = %parallel_loop3A_1430 to %parallel_loop3A_1431 step %parallel_loop3A_1432  : i32 {
        %parallel_loop3A_1515 = arith.constant 16 : i32
        %parallel_loop3A_1516 = arith.muli %parallel_loop3A_1514, %parallel_loop3A_1515 : i32
        %parallel_loop3A_1517 = arith.index_cast %parallel_loop3A_1516 : i32 to index
        %parallel_loop3A_1518 = tpu.vector_load %arg5[%parallel_loop3A_1517] {strides = array<i32>} : memref<32768xf32, #tpu.memory_space<vmem>>, vector<16xf32>,
        %parallel_loop3A_1519 = vector.bitcast %parallel_loop3A_1518 : vector<16xf32> to vector<16xi32>
        %parallel_loop3A_1520 = arith.constant 31 : i32
        %parallel_loop3A_1521 = vector.broadcast %parallel_loop3A_1520 : i32 to vector<16xi32>
        %parallel_loop3A_1522 = arith.shrsi %parallel_loop3A_1519, %parallel_loop3A_1521 : vector<16xi32>
        %parallel_loop3A_1523 = arith.constant 2147483647 : i32
        %parallel_loop3A_1524 = vector.broadcast %parallel_loop3A_1523 : i32 to vector<16xi32>
        %parallel_loop3A_1525 = arith.andi %parallel_loop3A_1522, %parallel_loop3A_1524 : vector<16xi32>
        %parallel_loop3A_1526 = arith.xori %parallel_loop3A_1519, %parallel_loop3A_1525 : vector<16xi32>
        %parallel_loop3A_1527 = vector.broadcast %xor3A_1400 : i32 to vector<16xi32>
        %parallel_loop3A_1528 = arith.cmpi sge, %parallel_loop3A_1526, %parallel_loop3A_1527 : vector<16xi32>
        %parallel_loop3A_1529 = vector.broadcast %reduce_max3A_1409 : f32 to vector<16xf32>
        %parallel_loop3A_1530 = arith.subf %parallel_loop3A_1518, %parallel_loop3A_1529 : vector<16xf32>
        %parallel_loop3A_1531 = math.exp %parallel_loop3A_1530 : vector<16xf32>
        %parallel_loop3A_1532 = arith.mulf %parallel_loop3A_1531, %div3A_1422 : vector<16xf32>
        %parallel_loop3A_1533 = arith.constant 0.000000e+00 : f32
        %parallel_loop3A_1534 = vector.broadcast %parallel_loop3A_1533 : f32 to vector<16xf32>
        %parallel_loop3A_1535 = arith.select %parallel_loop3A_1528, %parallel_loop3A_1532, %parallel_loop3A_1534 : vector<16xi1>, vector<16xf32>
        %parallel_loop3A_1536 = arith.constant 16 : i32
        %parallel_loop3A_1537 = arith.muli %parallel_loop3A_1514, %parallel_loop3A_1536 : i32
        %parallel_loop3A_1538 = arith.index_cast %parallel_loop3A_1537 : i32 to index
        %parallel_loop3A_1539 = tpu.vector_load %arg6[%parallel_loop3A_1538] {strides = array<i32>} : memref<32784xf32, #tpu.memory_space<vmem>>, vector<16xf32>,
        tpu.vector_store %arg6[%parallel_loop3A_1538], %parallel_loop3A_1535 {strides = array<i32>} : memref<32784xf32, #tpu.memory_space<vmem>>, vector<16xf32>,
        %parallel_loop3A_1540 = arith.constant 16 : i32
        %parallel_loop3A_1541 = arith.muli %parallel_loop3A_1514, %parallel_loop3A_1540 : i32
        %parallel_loop3A_1542 = arith.index_cast %parallel_loop3A_1541 : i32 to index
        %parallel_loop3A_1543 = tpu.vector_load %arg4[%parallel_loop3A_1542] {strides = array<i32>} : memref<32768xf32, #tpu.memory_space<vmem>>, vector<16xf32>,
        %parallel_loop3A_1544 = vector.bitcast %parallel_loop3A_1543 : vector<16xf32> to vector<16xi32>
        %parallel_loop3A_1545 = arith.constant 20 : i32
        %parallel_loop3A_1546 = vector.broadcast %parallel_loop3A_1545 : i32 to vector<16xi32>
        %parallel_loop3A_1547 = arith.shrui %parallel_loop3A_1544, %parallel_loop3A_1546 : vector<16xi32>
        %parallel_loop3A_1548 = arith.constant 4080 : i32
        %parallel_loop3A_1549 = vector.broadcast %parallel_loop3A_1548 : i32 to vector<16xi32>
        %parallel_loop3A_1550 = arith.andi %parallel_loop3A_1547, %parallel_loop3A_1549 : vector<16xi32>
        %parallel_loop3A_1551 = arith.addi %parallel_loop3A_1550, %iota3A : vector<16xi32>
        tpu.vector_store_idx %arg7[%parallel_loop3A_1551], %broadcast_in_dim3A_1 {add = true} : memref<4096xi32, #tpu.memory_space<vmem>>[vector<16xi32>], vector<16xi32>,
      } {sc.loop_unroll_factor = 8 : i64, sc.parallel_access}
      %shift_right_arithmetic3A_1433 = arith.constant 6 : i32
      %shift_right_arithmetic3A_1434 = arith.shrsi %add3A_787, %shift_right_arithmetic3A_1433 : i32
      %shift_right_arithmetic3A_1435 = arith.constant 2 : i32
      %shift_right_arithmetic3A_1436 = arith.shrsi %add3A_787, %shift_right_arithmetic3A_1435 : i32
      %and3A_1437 = arith.constant 15 : i32
      %and3A_1438 = arith.andi %shift_right_arithmetic3A_1436, %and3A_1437 : i32
      %and3A_1439 = arith.constant 3 : i32
      %and3A_1440 = arith.andi %add3A_787, %and3A_1439 : i32
      %dma_start3A_1441 = arith.constant 0 : i32
      %dma_start3A_1442 = tpu.memref_slice %arg6[%dma_start3A_1441] : memref<32784xf32, #tpu.memory_space<vmem>> -> memref<8192xf32, #tpu.memory_space<vmem>>
      %dma_start3A_1443 = arith.constant 0 : i32
      %dma_start3A_1444 = tpu.memref_slice %arg3[%shift_right_arithmetic3A_1434, %and3A_1438, %and3A_1440, %dma_start3A_1443] : memref<16x16x4x32768xf32, #tpu.memory_space<hbm>> -> memref<1x1x1x8192xf32, #tpu.memory_space<hbm>>
      %dma_start3A_1445 = tpu.memref_squeeze %dma_start3A_1444 : memref<1x1x1x8192xf32, #tpu.memory_space<hbm>> -> memref<8192xf32, #tpu.memory_space<hbm>>
      %dma_start3A_1446 = arith.constant 0 : i32
      %dma_start3A_1447 = tpu.memref_slice %arg3[%shift_right_arithmetic3A_1434, %and3A_1438, %and3A_1440, %dma_start3A_1446] : memref<16x16x4x32768xf32, #tpu.memory_space<hbm>> -> memref<1x1x1x8192xf32, #tpu.memory_space<hbm>>
      %dma_start3A_1448 = tpu.memref_squeeze %dma_start3A_1447 : memref<1x1x1x8192xf32, #tpu.memory_space<hbm>> -> memref<8192xf32, #tpu.memory_space<hbm>>
      %dma_start3A_1449 = arith.constant 0 : i32
      %dma_start3A_1450 = tpu.memref_slice %arg6[%dma_start3A_1449] : memref<32784xf32, #tpu.memory_space<vmem>> -> memref<8192xf32, #tpu.memory_space<vmem>>
      tpu.enqueue_dma source(%dma_start3A_1450 : memref<8192xf32, #tpu.memory_space<vmem>>) target(%dma_start3A_1448 : memref<8192xf32, #tpu.memory_space<hbm>>) target_semaphore(%arg11 : memref<!tpu.dma_semaphore, #tpu.memory_space<semaphore_mem>>)
      %parallel_loop3A_1451 = arith.constant 512 : i32
      %parallel_loop3A_1452 = arith.constant 1024 : i32
      %parallel_loop3A_1453 = arith.constant 1 : i32
      scf.for %parallel_loop3A_1514 = %parallel_loop3A_1451 to %parallel_loop3A_1452 step %parallel_loop3A_1453  : i32 {
        %parallel_loop3A_1515 = arith.constant 16 : i32
        %parallel_loop3A_1516 = arith.muli %parallel_loop3A_1514, %parallel_loop3A_1515 : i32
        %parallel_loop3A_1517 = arith.index_cast %parallel_loop3A_1516 : i32 to index
        %parallel_loop3A_1518 = tpu.vector_load %arg5[%parallel_loop3A_1517] {strides = array<i32>} : memref<32768xf32, #tpu.memory_space<vmem>>, vector<16xf32>,
        %parallel_loop3A_1519 = vector.bitcast %parallel_loop3A_1518 : vector<16xf32> to vector<16xi32>
        %parallel_loop3A_1520 = arith.constant 31 : i32
        %parallel_loop3A_1521 = vector.broadcast %parallel_loop3A_1520 : i32 to vector<16xi32>
        %parallel_loop3A_1522 = arith.shrsi %parallel_loop3A_1519, %parallel_loop3A_1521 : vector<16xi32>
        %parallel_loop3A_1523 = arith.constant 2147483647 : i32
        %parallel_loop3A_1524 = vector.broadcast %parallel_loop3A_1523 : i32 to vector<16xi32>
        %parallel_loop3A_1525 = arith.andi %parallel_loop3A_1522, %parallel_loop3A_1524 : vector<16xi32>
        %parallel_loop3A_1526 = arith.xori %parallel_loop3A_1519, %parallel_loop3A_1525 : vector<16xi32>
        %parallel_loop3A_1527 = vector.broadcast %xor3A_1400 : i32 to vector<16xi32>
        %parallel_loop3A_1528 = arith.cmpi sge, %parallel_loop3A_1526, %parallel_loop3A_1527 : vector<16xi32>
        %parallel_loop3A_1529 = vector.broadcast %reduce_max3A_1409 : f32 to vector<16xf32>
        %parallel_loop3A_1530 = arith.subf %parallel_loop3A_1518, %parallel_loop3A_1529 : vector<16xf32>
        %parallel_loop3A_1531 = math.exp %parallel_loop3A_1530 : vector<16xf32>
        %parallel_loop3A_1532 = arith.mulf %parallel_loop3A_1531, %div3A_1422 : vector<16xf32>
        %parallel_loop3A_1533 = arith.constant 0.000000e+00 : f32
        %parallel_loop3A_1534 = vector.broadcast %parallel_loop3A_1533 : f32 to vector<16xf32>
        %parallel_loop3A_1535 = arith.select %parallel_loop3A_1528, %parallel_loop3A_1532, %parallel_loop3A_1534 : vector<16xi1>, vector<16xf32>
        %parallel_loop3A_1536 = arith.constant 16 : i32
        %parallel_loop3A_1537 = arith.muli %parallel_loop3A_1514, %parallel_loop3A_1536 : i32
        %parallel_loop3A_1538 = arith.index_cast %parallel_loop3A_1537 : i32 to index
        %parallel_loop3A_1539 = tpu.vector_load %arg6[%parallel_loop3A_1538] {strides = array<i32>} : memref<32784xf32, #tpu.memory_space<vmem>>, vector<16xf32>,
        tpu.vector_store %arg6[%parallel_loop3A_1538], %parallel_loop3A_1535 {strides = array<i32>} : memref<32784xf32, #tpu.memory_space<vmem>>, vector<16xf32>,
        %parallel_loop3A_1540 = arith.constant 16 : i32
        %parallel_loop3A_1541 = arith.muli %parallel_loop3A_1514, %parallel_loop3A_1540 : i32
        %parallel_loop3A_1542 = arith.index_cast %parallel_loop3A_1541 : i32 to index
        %parallel_loop3A_1543 = tpu.vector_load %arg4[%parallel_loop3A_1542] {strides = array<i32>} : memref<32768xf32, #tpu.memory_space<vmem>>, vector<16xf32>,
        %parallel_loop3A_1544 = vector.bitcast %parallel_loop3A_1543 : vector<16xf32> to vector<16xi32>
        %parallel_loop3A_1545 = arith.constant 20 : i32
        %parallel_loop3A_1546 = vector.broadcast %parallel_loop3A_1545 : i32 to vector<16xi32>
        %parallel_loop3A_1547 = arith.shrui %parallel_loop3A_1544, %parallel_loop3A_1546 : vector<16xi32>
        %parallel_loop3A_1548 = arith.constant 4080 : i32
        %parallel_loop3A_1549 = vector.broadcast %parallel_loop3A_1548 : i32 to vector<16xi32>
        %parallel_loop3A_1550 = arith.andi %parallel_loop3A_1547, %parallel_loop3A_1549 : vector<16xi32>
        %parallel_loop3A_1551 = arith.addi %parallel_loop3A_1550, %iota3A : vector<16xi32>
        tpu.vector_store_idx %arg7[%parallel_loop3A_1551], %broadcast_in_dim3A_1 {add = true} : memref<4096xi32, #tpu.memory_space<vmem>>[vector<16xi32>], vector<16xi32>,
      } {sc.loop_unroll_factor = 8 : i64, sc.parallel_access}
      %shift_right_arithmetic3A_1454 = arith.constant 6 : i32
      %shift_right_arithmetic3A_1455 = arith.shrsi %add3A_787, %shift_right_arithmetic3A_1454 : i32
      %shift_right_arithmetic3A_1456 = arith.constant 2 : i32
      %shift_right_arithmetic3A_1457 = arith.shrsi %add3A_787, %shift_right_arithmetic3A_1456 : i32
      %and3A_1458 = arith.constant 15 : i32
      %and3A_1459 = arith.andi %shift_right_arithmetic3A_1457, %and3A_1458 : i32
      %and3A_1460 = arith.constant 3 : i32
      %and3A_1461 = arith.andi %add3A_787, %and3A_1460 : i32
      %dma_start3A_1462 = arith.constant 8192 : i32
      %dma_start3A_1463 = tpu.memref_slice %arg6[%dma_start3A_1462] : memref<32784xf32, #tpu.memory_space<vmem>> -> memref<8192xf32, #tpu.memory_space<vmem>>
      %dma_start3A_1464 = arith.constant 8192 : i32
      %dma_start3A_1465 = tpu.memref_slice %arg3[%shift_right_arithmetic3A_1455, %and3A_1459, %and3A_1461, %dma_start3A_1464] : memref<16x16x4x32768xf32, #tpu.memory_space<hbm>> -> memref<1x1x1x8192xf32, #tpu.memory_space<hbm>>
      %dma_start3A_1466 = tpu.memref_squeeze %dma_start3A_1465 : memref<1x1x1x8192xf32, #tpu.memory_space<hbm>> -> memref<8192xf32, #tpu.memory_space<hbm>>
      %dma_start3A_1467 = arith.constant 8192 : i32
      %dma_start3A_1468 = tpu.memref_slice %arg3[%shift_right_arithmetic3A_1455, %and3A_1459, %and3A_1461, %dma_start3A_1467] : memref<16x16x4x32768xf32, #tpu.memory_space<hbm>> -> memref<1x1x1x8192xf32, #tpu.memory_space<hbm>>
      %dma_start3A_1469 = tpu.memref_squeeze %dma_start3A_1468 : memref<1x1x1x8192xf32, #tpu.memory_space<hbm>> -> memref<8192xf32, #tpu.memory_space<hbm>>
      %dma_start3A_1470 = arith.constant 8192 : i32
      %dma_start3A_1471 = tpu.memref_slice %arg6[%dma_start3A_1470] : memref<32784xf32, #tpu.memory_space<vmem>> -> memref<8192xf32, #tpu.memory_space<vmem>>
      tpu.enqueue_dma source(%dma_start3A_1471 : memref<8192xf32, #tpu.memory_space<vmem>>) target(%dma_start3A_1469 : memref<8192xf32, #tpu.memory_space<hbm>>) target_semaphore(%arg11 : memref<!tpu.dma_semaphore, #tpu.memory_space<semaphore_mem>>)
      %parallel_loop3A_1472 = arith.constant 1024 : i32
      %parallel_loop3A_1473 = arith.constant 1536 : i32
      %parallel_loop3A_1474 = arith.constant 1 : i32
      scf.for %parallel_loop3A_1514 = %parallel_loop3A_1472 to %parallel_loop3A_1473 step %parallel_loop3A_1474  : i32 {
        %parallel_loop3A_1515 = arith.constant 16 : i32
        %parallel_loop3A_1516 = arith.muli %parallel_loop3A_1514, %parallel_loop3A_1515 : i32
        %parallel_loop3A_1517 = arith.index_cast %parallel_loop3A_1516 : i32 to index
        %parallel_loop3A_1518 = tpu.vector_load %arg5[%parallel_loop3A_1517] {strides = array<i32>} : memref<32768xf32, #tpu.memory_space<vmem>>, vector<16xf32>,
        %parallel_loop3A_1519 = vector.bitcast %parallel_loop3A_1518 : vector<16xf32> to vector<16xi32>
        %parallel_loop3A_1520 = arith.constant 31 : i32
        %parallel_loop3A_1521 = vector.broadcast %parallel_loop3A_1520 : i32 to vector<16xi32>
        %parallel_loop3A_1522 = arith.shrsi %parallel_loop3A_1519, %parallel_loop3A_1521 : vector<16xi32>
        %parallel_loop3A_1523 = arith.constant 2147483647 : i32
        %parallel_loop3A_1524 = vector.broadcast %parallel_loop3A_1523 : i32 to vector<16xi32>
        %parallel_loop3A_1525 = arith.andi %parallel_loop3A_1522, %parallel_loop3A_1524 : vector<16xi32>
        %parallel_loop3A_1526 = arith.xori %parallel_loop3A_1519, %parallel_loop3A_1525 : vector<16xi32>
        %parallel_loop3A_1527 = vector.broadcast %xor3A_1400 : i32 to vector<16xi32>
        %parallel_loop3A_1528 = arith.cmpi sge, %parallel_loop3A_1526, %parallel_loop3A_1527 : vector<16xi32>
        %parallel_loop3A_1529 = vector.broadcast %reduce_max3A_1409 : f32 to vector<16xf32>
        %parallel_loop3A_1530 = arith.subf %parallel_loop3A_1518, %parallel_loop3A_1529 : vector<16xf32>
        %parallel_loop3A_1531 = math.exp %parallel_loop3A_1530 : vector<16xf32>
        %parallel_loop3A_1532 = arith.mulf %parallel_loop3A_1531, %div3A_1422 : vector<16xf32>
        %parallel_loop3A_1533 = arith.constant 0.000000e+00 : f32
        %parallel_loop3A_1534 = vector.broadcast %parallel_loop3A_1533 : f32 to vector<16xf32>
        %parallel_loop3A_1535 = arith.select %parallel_loop3A_1528, %parallel_loop3A_1532, %parallel_loop3A_1534 : vector<16xi1>, vector<16xf32>
        %parallel_loop3A_1536 = arith.constant 16 : i32
        %parallel_loop3A_1537 = arith.muli %parallel_loop3A_1514, %parallel_loop3A_1536 : i32
        %parallel_loop3A_1538 = arith.index_cast %parallel_loop3A_1537 : i32 to index
        %parallel_loop3A_1539 = tpu.vector_load %arg6[%parallel_loop3A_1538] {strides = array<i32>} : memref<32784xf32, #tpu.memory_space<vmem>>, vector<16xf32>,
        tpu.vector_store %arg6[%parallel_loop3A_1538], %parallel_loop3A_1535 {strides = array<i32>} : memref<32784xf32, #tpu.memory_space<vmem>>, vector<16xf32>,
        %parallel_loop3A_1540 = arith.constant 16 : i32
        %parallel_loop3A_1541 = arith.muli %parallel_loop3A_1514, %parallel_loop3A_1540 : i32
        %parallel_loop3A_1542 = arith.index_cast %parallel_loop3A_1541 : i32 to index
        %parallel_loop3A_1543 = tpu.vector_load %arg4[%parallel_loop3A_1542] {strides = array<i32>} : memref<32768xf32, #tpu.memory_space<vmem>>, vector<16xf32>,
        %parallel_loop3A_1544 = vector.bitcast %parallel_loop3A_1543 : vector<16xf32> to vector<16xi32>
        %parallel_loop3A_1545 = arith.constant 20 : i32
        %parallel_loop3A_1546 = vector.broadcast %parallel_loop3A_1545 : i32 to vector<16xi32>
        %parallel_loop3A_1547 = arith.shrui %parallel_loop3A_1544, %parallel_loop3A_1546 : vector<16xi32>
        %parallel_loop3A_1548 = arith.constant 4080 : i32
        %parallel_loop3A_1549 = vector.broadcast %parallel_loop3A_1548 : i32 to vector<16xi32>
        %parallel_loop3A_1550 = arith.andi %parallel_loop3A_1547, %parallel_loop3A_1549 : vector<16xi32>
        %parallel_loop3A_1551 = arith.addi %parallel_loop3A_1550, %iota3A : vector<16xi32>
        tpu.vector_store_idx %arg7[%parallel_loop3A_1551], %broadcast_in_dim3A_1 {add = true} : memref<4096xi32, #tpu.memory_space<vmem>>[vector<16xi32>], vector<16xi32>,
      } {sc.loop_unroll_factor = 8 : i64, sc.parallel_access}
      %shift_right_arithmetic3A_1475 = arith.constant 6 : i32
      %shift_right_arithmetic3A_1476 = arith.shrsi %add3A_787, %shift_right_arithmetic3A_1475 : i32
      %shift_right_arithmetic3A_1477 = arith.constant 2 : i32
      %shift_right_arithmetic3A_1478 = arith.shrsi %add3A_787, %shift_right_arithmetic3A_1477 : i32
      %and3A_1479 = arith.constant 15 : i32
      %and3A_1480 = arith.andi %shift_right_arithmetic3A_1478, %and3A_1479 : i32
      %and3A_1481 = arith.constant 3 : i32
      %and3A_1482 = arith.andi %add3A_787, %and3A_1481 : i32
      %dma_start3A_1483 = arith.constant 16384 : i32
      %dma_start3A_1484 = tpu.memref_slice %arg6[%dma_start3A_1483] : memref<32784xf32, #tpu.memory_space<vmem>> -> memref<8192xf32, #tpu.memory_space<vmem>>
      %dma_start3A_1485 = arith.constant 16384 : i32
      %dma_start3A_1486 = tpu.memref_slice %arg3[%shift_right_arithmetic3A_1476, %and3A_1480, %and3A_1482, %dma_start3A_1485] : memref<16x16x4x32768xf32, #tpu.memory_space<hbm>> -> memref<1x1x1x8192xf32, #tpu.memory_space<hbm>>
      %dma_start3A_1487 = tpu.memref_squeeze %dma_start3A_1486 : memref<1x1x1x8192xf32, #tpu.memory_space<hbm>> -> memref<8192xf32, #tpu.memory_space<hbm>>
      %dma_start3A_1488 = arith.constant 16384 : i32
      %dma_start3A_1489 = tpu.memref_slice %arg3[%shift_right_arithmetic3A_1476, %and3A_1480, %and3A_1482, %dma_start3A_1488] : memref<16x16x4x32768xf32, #tpu.memory_space<hbm>> -> memref<1x1x1x8192xf32, #tpu.memory_space<hbm>>
      %dma_start3A_1490 = tpu.memref_squeeze %dma_start3A_1489 : memref<1x1x1x8192xf32, #tpu.memory_space<hbm>> -> memref<8192xf32, #tpu.memory_space<hbm>>
      %dma_start3A_1491 = arith.constant 16384 : i32
      %dma_start3A_1492 = tpu.memref_slice %arg6[%dma_start3A_1491] : memref<32784xf32, #tpu.memory_space<vmem>> -> memref<8192xf32, #tpu.memory_space<vmem>>
      tpu.enqueue_dma source(%dma_start3A_1492 : memref<8192xf32, #tpu.memory_space<vmem>>) target(%dma_start3A_1490 : memref<8192xf32, #tpu.memory_space<hbm>>) target_semaphore(%arg11 : memref<!tpu.dma_semaphore, #tpu.memory_space<semaphore_mem>>)
      %parallel_loop3A_1493 = arith.constant 1536 : i32
      %parallel_loop3A_1494 = arith.constant 2048 : i32
      %parallel_loop3A_1495 = arith.constant 1 : i32
      scf.for %parallel_loop3A_1514 = %parallel_loop3A_1493 to %parallel_loop3A_1494 step %parallel_loop3A_1495  : i32 {
        %parallel_loop3A_1515 = arith.constant 16 : i32
        %parallel_loop3A_1516 = arith.muli %parallel_loop3A_1514, %parallel_loop3A_1515 : i32
        %parallel_loop3A_1517 = arith.index_cast %parallel_loop3A_1516 : i32 to index
        %parallel_loop3A_1518 = tpu.vector_load %arg5[%parallel_loop3A_1517] {strides = array<i32>} : memref<32768xf32, #tpu.memory_space<vmem>>, vector<16xf32>,
        %parallel_loop3A_1519 = vector.bitcast %parallel_loop3A_1518 : vector<16xf32> to vector<16xi32>
        %parallel_loop3A_1520 = arith.constant 31 : i32
        %parallel_loop3A_1521 = vector.broadcast %parallel_loop3A_1520 : i32 to vector<16xi32>
        %parallel_loop3A_1522 = arith.shrsi %parallel_loop3A_1519, %parallel_loop3A_1521 : vector<16xi32>
        %parallel_loop3A_1523 = arith.constant 2147483647 : i32
        %parallel_loop3A_1524 = vector.broadcast %parallel_loop3A_1523 : i32 to vector<16xi32>
        %parallel_loop3A_1525 = arith.andi %parallel_loop3A_1522, %parallel_loop3A_1524 : vector<16xi32>
        %parallel_loop3A_1526 = arith.xori %parallel_loop3A_1519, %parallel_loop3A_1525 : vector<16xi32>
        %parallel_loop3A_1527 = vector.broadcast %xor3A_1400 : i32 to vector<16xi32>
        %parallel_loop3A_1528 = arith.cmpi sge, %parallel_loop3A_1526, %parallel_loop3A_1527 : vector<16xi32>
        %parallel_loop3A_1529 = vector.broadcast %reduce_max3A_1409 : f32 to vector<16xf32>
        %parallel_loop3A_1530 = arith.subf %parallel_loop3A_1518, %parallel_loop3A_1529 : vector<16xf32>
        %parallel_loop3A_1531 = math.exp %parallel_loop3A_1530 : vector<16xf32>
        %parallel_loop3A_1532 = arith.mulf %parallel_loop3A_1531, %div3A_1422 : vector<16xf32>
        %parallel_loop3A_1533 = arith.constant 0.000000e+00 : f32
        %parallel_loop3A_1534 = vector.broadcast %parallel_loop3A_1533 : f32 to vector<16xf32>
        %parallel_loop3A_1535 = arith.select %parallel_loop3A_1528, %parallel_loop3A_1532, %parallel_loop3A_1534 : vector<16xi1>, vector<16xf32>
        %parallel_loop3A_1536 = arith.constant 16 : i32
        %parallel_loop3A_1537 = arith.muli %parallel_loop3A_1514, %parallel_loop3A_1536 : i32
        %parallel_loop3A_1538 = arith.index_cast %parallel_loop3A_1537 : i32 to index
        %parallel_loop3A_1539 = tpu.vector_load %arg6[%parallel_loop3A_1538] {strides = array<i32>} : memref<32784xf32, #tpu.memory_space<vmem>>, vector<16xf32>,
        tpu.vector_store %arg6[%parallel_loop3A_1538], %parallel_loop3A_1535 {strides = array<i32>} : memref<32784xf32, #tpu.memory_space<vmem>>, vector<16xf32>,
        %parallel_loop3A_1540 = arith.constant 16 : i32
        %parallel_loop3A_1541 = arith.muli %parallel_loop3A_1514, %parallel_loop3A_1540 : i32
        %parallel_loop3A_1542 = arith.index_cast %parallel_loop3A_1541 : i32 to index
        %parallel_loop3A_1543 = tpu.vector_load %arg4[%parallel_loop3A_1542] {strides = array<i32>} : memref<32768xf32, #tpu.memory_space<vmem>>, vector<16xf32>,
        %parallel_loop3A_1544 = vector.bitcast %parallel_loop3A_1543 : vector<16xf32> to vector<16xi32>
        %parallel_loop3A_1545 = arith.constant 20 : i32
        %parallel_loop3A_1546 = vector.broadcast %parallel_loop3A_1545 : i32 to vector<16xi32>
        %parallel_loop3A_1547 = arith.shrui %parallel_loop3A_1544, %parallel_loop3A_1546 : vector<16xi32>
        %parallel_loop3A_1548 = arith.constant 4080 : i32
        %parallel_loop3A_1549 = vector.broadcast %parallel_loop3A_1548 : i32 to vector<16xi32>
        %parallel_loop3A_1550 = arith.andi %parallel_loop3A_1547, %parallel_loop3A_1549 : vector<16xi32>
        %parallel_loop3A_1551 = arith.addi %parallel_loop3A_1550, %iota3A : vector<16xi32>
        tpu.vector_store_idx %arg7[%parallel_loop3A_1551], %broadcast_in_dim3A_1 {add = true} : memref<4096xi32, #tpu.memory_space<vmem>>[vector<16xi32>], vector<16xi32>,
      } {sc.loop_unroll_factor = 8 : i64, sc.parallel_access}
      %shift_right_arithmetic3A_1496 = arith.constant 6 : i32
      %shift_right_arithmetic3A_1497 = arith.shrsi %add3A_787, %shift_right_arithmetic3A_1496 : i32
      %shift_right_arithmetic3A_1498 = arith.constant 2 : i32
      %shift_right_arithmetic3A_1499 = arith.shrsi %add3A_787, %shift_right_arithmetic3A_1498 : i32
      %and3A_1500 = arith.constant 15 : i32
      %and3A_1501 = arith.andi %shift_right_arithmetic3A_1499, %and3A_1500 : i32
      %and3A_1502 = arith.constant 3 : i32
      %and3A_1503 = arith.andi %add3A_787, %and3A_1502 : i32
      %dma_start3A_1504 = arith.constant 24576 : i32
      %dma_start3A_1505 = tpu.memref_slice %arg6[%dma_start3A_1504] : memref<32784xf32, #tpu.memory_space<vmem>> -> memref<8192xf32, #tpu.memory_space<vmem>>
      %dma_start3A_1506 = arith.constant 24576 : i32
      %dma_start3A_1507 = tpu.memref_slice %arg3[%shift_right_arithmetic3A_1497, %and3A_1501, %and3A_1503, %dma_start3A_1506] : memref<16x16x4x32768xf32, #tpu.memory_space<hbm>> -> memref<1x1x1x8192xf32, #tpu.memory_space<hbm>>
      %dma_start3A_1508 = tpu.memref_squeeze %dma_start3A_1507 : memref<1x1x1x8192xf32, #tpu.memory_space<hbm>> -> memref<8192xf32, #tpu.memory_space<hbm>>
      %dma_start3A_1509 = arith.constant 24576 : i32
      %dma_start3A_1510 = tpu.memref_slice %arg3[%shift_right_arithmetic3A_1497, %and3A_1501, %and3A_1503, %dma_start3A_1509] : memref<16x16x4x32768xf32, #tpu.memory_space<hbm>> -> memref<1x1x1x8192xf32, #tpu.memory_space<hbm>>
      %dma_start3A_1511 = tpu.memref_squeeze %dma_start3A_1510 : memref<1x1x1x8192xf32, #tpu.memory_space<hbm>> -> memref<8192xf32, #tpu.memory_space<hbm>>
      %dma_start3A_1512 = arith.constant 24576 : i32
      %dma_start3A_1513 = tpu.memref_slice %arg6[%dma_start3A_1512] : memref<32784xf32, #tpu.memory_space<vmem>> -> memref<8192xf32, #tpu.memory_space<vmem>>
      tpu.enqueue_dma source(%dma_start3A_1513 : memref<8192xf32, #tpu.memory_space<vmem>>) target(%dma_start3A_1511 : memref<8192xf32, #tpu.memory_space<hbm>>) target_semaphore(%arg11 : memref<!tpu.dma_semaphore, #tpu.memory_space<semaphore_mem>>)
    }
    %scan3A_39 = arith.constant 16 : i32
    %add3A_40 = arith.constant 32 : i32
    %add3A_41 = arith.addi %mul3A_5, %add3A_40 : i32
    %sub3A = arith.constant 1 : i32
    %sub3A_42 = arith.subi %add3A_41, %sub3A : i32
    %shift_right_arithmetic3A_43 = arith.constant 6 : i32
    %shift_right_arithmetic3A_44 = arith.shrsi %sub3A_42, %shift_right_arithmetic3A_43 : i32
    %shift_right_arithmetic3A_45 = arith.constant 2 : i32
    %shift_right_arithmetic3A_46 = arith.shrsi %sub3A_42, %shift_right_arithmetic3A_45 : i32
    %and3A_47 = arith.constant 15 : i32
    %and3A_48 = arith.andi %shift_right_arithmetic3A_46, %and3A_47 : i32
    %and3A_49 = arith.constant 3 : i32
    %and3A_50 = arith.andi %sub3A_42, %and3A_49 : i32
    %dma_wait3A_51 = arith.constant 0 : i32
    %dma_wait3A_52 = tpu.memref_slice %arg6[%dma_wait3A_51] : memref<32784xf32, #tpu.memory_space<vmem>> -> memref<32768xf32, #tpu.memory_space<vmem>>
    %dma_wait3A_53 = arith.constant 0 : i32
    %dma_wait3A_54 = tpu.memref_slice %arg3[%shift_right_arithmetic3A_44, %and3A_48, %and3A_50, %dma_wait3A_53] : memref<16x16x4x32768xf32, #tpu.memory_space<hbm>> -> memref<1x1x1x32768xf32, #tpu.memory_space<hbm>>
    %dma_wait3A_55 = tpu.memref_squeeze %dma_wait3A_54 : memref<1x1x1x32768xf32, #tpu.memory_space<hbm>> -> memref<32768xf32, #tpu.memory_space<hbm>>
    %dma_wait3A_56 = arith.constant 0 : i32
    %dma_wait3A_57 = tpu.memref_slice %arg3[%shift_right_arithmetic3A_44, %and3A_48, %and3A_50, %dma_wait3A_56] : memref<16x16x4x32768xf32, #tpu.memory_space<hbm>> -> memref<1x1x1x32768xf32, #tpu.memory_space<hbm>>
    %dma_wait3A_58 = tpu.memref_squeeze %dma_wait3A_57 : memref<1x1x1x32768xf32, #tpu.memory_space<hbm>> -> memref<32768xf32, #tpu.memory_space<hbm>>
    %dma_wait3A_59 = arith.constant 0 : i32
    %dma_wait3A_60 = tpu.memref_slice %arg6[%dma_wait3A_59] : memref<32784xf32, #tpu.memory_space<vmem>> -> memref<32768xf32, #tpu.memory_space<vmem>>
    tpu.wait_dma2 semaphore(%arg11 : memref<!tpu.dma_semaphore, #tpu.memory_space<semaphore_mem>>) src(%dma_wait3A_60 : memref<32768xf32, #tpu.memory_space<vmem>>) dst(%dma_wait3A_58 : memref<32768xf32, #tpu.memory_space<hbm>>)
    return
  }
}

</mosaic_0001>

<sc_bundles>
// kernel: kernel.3.cloned.1.call-start
scs
__scs_entry_jumppad:
0x0: {  	(pc) =	sbr.rel $0x88, $3  }
0x1: {  	(tag) =	ssettag $0x0;
	lr =	simm.s32 $0x1  }
0x2: {  	[smem:$0x3FA0] =	sst lr;
	_ =	strace $0xD0000000  }
0x3: {  	_ = 	snop  }
0x4: {  	_ = 	snop  }
0x5: {  	_ = 	snop  }
0x6: {  	_ = 	snop  }
0x7: {  	_ = 	snop  }
__scs_overlays_trampoline_lowered:
0x8: {  	[smem:$0x3FAF] =	sst s0  }
0x9: {  	[smem:$0x3FB0] =	sst s1  }
0xa: {  	[smem:$0x3FB1] =	sst s2  }
0xb: {  	[smem:$0x3FB2] =	sst s3  }
0xc: {  	[smem:$0x3FB3] =	sst s4  }
0xd: {  	[smem:$0x3FB4] =	sst s5  }
0xe: {  	[smem:$0x3FB5] =	sst s6  }
0xf: {  	[smem:$0x3FB6] =	sst s7  }
0x10: {  	[smem:$0x3FB7] =	sst s8  }
0x11: {  	[smem:$0x3FB8] =	sst s9;
	s0 =	simm.s32 @!p0 $0x0  }
0x12: {  	s1 =	sld [smem:$0x3F9E];
	s0 =	simm.s32 @p0 $0x1  }
0x13: {  	[smem:$0x3FB9] =	sst s0;
	s0 =	simm.s32 @!p1 $0x0  }
0x14: {  	s2 =	sld [smem:$0x3F9D];
	s0 =	simm.s32 @p1 $0x1  }
0x15: {  	[smem:$0x3FBA] =	sst s0;
	s0 =	simm.s32 @!p2 $0x0  }
0x16: {  	s3 =	sld [smem:$0x3FDB];
	s0 =	simm.s32 @p2 $0x1  }
0x17: {  	s4 =	simm.s32 $0x1BF5;
	[smem:$0x3FBC] =	sst s0  }
0x18: {  	s0 =	sld [smem:$0x3F9F];
	_ =	swait.ge [sflag:s4], $0x0  }
0x19: {  	s7 =	sld [smem:$0x3FA0]  }
0x1a: {  	s8 =	sadd.s32 $0xFFFFE003, lr  }
0x1b: {  	s9 =	sadd.s32 $0xFFFFFEF7, lr;
	s5 =	simm.s32 $0xFFFFFFFF;
	p2 =	slt.u32 s8, $0xFFFFF086  }
0x1c: {  	p1 =	slt.u32 s9, $0xF7A;
	s5 =	simm.s32 @!p2 $0x0  }
0x1d: {  	s5 =	simm.s32 @p1 $0x1;
	p0 =	seq.s32 s7, s2  }
0x1e: {  	s7 =	smul.u32 @!p0 $0xF7A, s2;
	p2 =	seq.s32 @!p0 s5, $0x0  }
0x1f: {  	s9 =	smul.u32 $0xF7A, s1;
	s8 =	simm.s32 @!p0 $0x1BF5;
	p2 =	por !p2, p0  }
0x20: {  	[sflag:s8] =	ssyncset.s32 @!p0 $0xFFFFF086;
	s6 =	sadd.s32 @!p0 s3, s7;
	s7 =	simm.s32 @!p0 $0x108  }
0x21: {  	s3 =	sadd.s32 s3, s9;
	s6 =	sadd.s32 @!p0 $0x88, s6;
	s7 =	simm.s32 @p2 $0x1082  }
0x22: {  	[simem:s7], [sflag:s8] =	dma.local @!p0 [hbm:s6], $0xF7A  }
0x23: {  	s9 =	sor.u32 $0xD0000000, s2;
	s6 =	simm.s32 $0x108;
	_ =	swait.ge @!p0 [sflag:s8], $0x0  }
0x24: {  	s3 =	sadd.s32 $0x88, s3;
	s6 =	simm.s32 @!p1 $0x1082;
	[sflag:s4] =	ssyncset.s32 $0xFFFFF086  }
0x25: {  	[simem:s6], [sflag:s4] =	dma.local [hbm:s3], $0xF7A  }
0x26: {  	[smem:$0x3FA0] =	sst s1;
	(tag) =	ssettag s2;
	_ =	strace s9  }
0x27: {  	s1 =	sld [smem:$0x3FB0]  }
0x28: {  	s2 =	sld [smem:$0x3FB1]  }
0x29: {  	s4 =	sld [smem:$0x3FB3]  }
0x2a: {  	p0 =	seq.s32 s5, $0x0;
	s5 =	sld [smem:$0x3FB4]  }
0x2b: {  	s6 =	sld [smem:$0x3FB5]  }
0x2c: {  	s7 =	sld [smem:$0x3FB6]  }
0x2d: {  	s3 =	simm.s32 $0x108;
	s8 =	sld [smem:$0x3FB7]  }
0x2e: {  	s3 =	simm.s32 @!p0 $0x1082;
	s9 =	sld [smem:$0x3FB8]  }
0x2f: {  	lr =	sadd.s32 s0, s3;
	s0 =	sld [smem:$0x3FAF]  }
0x30: {  	s3 =	sld [smem:$0x3FB2]  }
0x31: {  	[smem:$0x3FBB] =	sst s10  }
0x32: {  	s10 =	sld [smem:$0x3FB9];
	_ =	sdelay $0x3  }
0x33: {  	p0 =	seq.s32 s10, $0x1;
	s10 =	sld [smem:$0x3FBB];
	_ =	sdelay $0x3  }
0x34: {  	[smem:$0x3FBB] =	sst s10  }
0x35: {  	s10 =	sld [smem:$0x3FBA];
	_ =	sdelay $0x3  }
0x36: {  	p1 =	seq.s32 s10, $0x1;
	s10 =	sld [smem:$0x3FBB];
	_ =	sdelay $0x3  }
0x37: {  	[smem:$0x3FBB] =	sst s10  }
0x38: {  	s10 =	sld [smem:$0x3FBC]  }
0x39: {  	_ = 	snop;
	(pc) =	sbr.ind lr, $3  }
0x3a: {  	_ = 	snop  }
0x3b: {  	_ = 	snop  }
0x3c: {  	p2 =	seq.s32 s10, $0x1;
	s10 =	sld [smem:$0x3FBB]  }
0x3d: {  	_ =	shalt  }
0x3e: {  	_ =	shalt  }
0x3f: {  	_ =	shalt  }
0x40: {  	_ =	shalt  }
0x41: {  	_ =	shalt  }
0x42: {  	_ =	shalt  }
0x43: {  	_ =	shalt  }
0x44: {  	_ =	shalt  }
0x45: {  	_ =	shalt  }
0x46: {  	_ =	shalt  }
0x47: {  	_ =	shalt  }
0x48: {  	_ =	shalt  }
0x49: {  	_ =	shalt  }
0x4a: {  	_ =	shalt  }
0x4b: {  	_ =	shalt  }
0x4c: {  	_ =	shalt  }
0x4d: {  	_ =	shalt  }
0x4e: {  	_ =	shalt  }
0x4f: {  	_ =	shalt  }
0x50: {  	_ =	shalt  }
0x51: {  	_ =	shalt  }
0x52: {  	_ =	shalt  }
0x53: {  	_ =	shalt  }
0x54: {  	_ =	shalt  }
0x55: {  	_ =	shalt  }
0x56: {  	_ =	shalt  }
0x57: {  	_ =	shalt  }
0x58: {  	_ =	shalt  }
0x59: {  	_ =	shalt  }
0x5a: {  	_ =	shalt  }
0x5b: {  	_ =	shalt  }
0x5c: {  	_ =	shalt  }
0x5d: {  	_ =	shalt  }
0x5e: {  	_ =	shalt  }
0x5f: {  	_ =	shalt  }
0x60: {  	_ =	shalt  }
0x61: {  	_ =	shalt  }
0x62: {  	_ =	shalt  }
0x63: {  	_ =	shalt  }
0x64: {  	_ =	shalt  }
0x65: {  	_ =	shalt  }
0x66: {  	_ =	shalt  }
0x67: {  	_ =	shalt  }
0x68: {  	_ =	shalt  }
0x69: {  	_ =	shalt  }
0x6a: {  	_ =	shalt  }
0x6b: {  	_ =	shalt  }
0x6c: {  	_ =	shalt  }
0x6d: {  	_ =	shalt  }
0x6e: {  	_ =	shalt  }
0x6f: {  	_ =	shalt  }
0x70: {  	_ =	shalt  }
0x71: {  	_ =	shalt  }
0x72: {  	_ =	shalt  }
0x73: {  	_ =	shalt  }
0x74: {  	_ =	shalt  }
0x75: {  	_ =	shalt  }
0x76: {  	_ =	shalt  }
0x77: {  	_ =	shalt  }
0x78: {  	_ =	shalt  }
0x79: {  	_ =	shalt  }
0x7a: {  	_ =	shalt  }
0x7b: {  	_ =	shalt  }
0x7c: {  	_ =	shalt  }
0x7d: {  	_ =	shalt  }
0x7e: {  	_ =	shalt  }
0x7f: {  	_ =	shalt  }
0x80: {  	_ =	shalt  }
0x81: {  	_ =	shalt  }
0x82: {  	_ =	shalt  }
0x83: {  	_ =	shalt  }
0x84: {  	_ =	shalt  }
0x85: {  	_ =	shalt  }
0x86: {  	_ =	shalt  }
0x87: {  	_ =	shalt  }
.Lfunc_end0:
.L_simem_size_0:
called_computation_lowered:
.L_overlay_start_0:
0x88: {  	s2 =	sld [smem:$0x3FD9]  }
0x89: {  	s3 =	sld [smem:$0x3FFE];
	_ =	sdelay $0x1  }
0x8a: {  	s1 =	srdreg.scid  }
0x8b: {  	s0 =	sand.u32 $0x1, s1  }
0x8c: {  	s18 =	sshll.u32 s0, $0xA;
	s2 =	sadd.s32 s3, s2  }
0x8d: {  	s2 =	sadd.s32 s2, s18  }
0x8e: {  	[smem:$0x3FC7] =	sst s2  }
0x8f: {  	_ = 	snop  }
0x90: {  	s2 =	sld [smem:$0x3FC9]  }
0x91: {  	s19 =	sld [smem:$0x3FD0];
	(tm) =	ssettm $0x1  }
0x92: {  	s4 =	sld [smem:$0x3FFB];
	_ =	sdelay $0x3  }
0x93: {  	_ =	strace s4  }
0x94: {  	s4 =	sld [smem:$0x3FFC];
	_ =	sdelay $0x3  }
0x95: {  	_ =	strace s4  }
0x96: {  	s4 =	sld [smem:$0x3FFD];
	_ =	sdelay $0x3  }
0x97: {  	_ =	strace s4  }
0x98: {  	_ =	strace $0x8FFFFFFF  }
0x99: {  	s20 =	sld [smem:$0x3FDB];
	_ =	sdelay $0x1  }
0x9a: {  	s5 =	simm.s32 $_scs_section_size  }
0x9b: {  	s6 =	simm.s32 $_size__tile_overlayer_lowered;
	s7 =	simm.s32 $_tile_overlayer_lowered  }
0x9c: {  	s23 =	simm.s32 $0x1BFF;
	s22 =	sshll.u32 s7, $0x1;
	s4 =	sadd.s32 s5, s20  }
0x9d: {  	s8 =	simm.s32 $0x0;
	s21 =	sshll.u32 s6, $0x1;
	s6 =	sadd.s32 s22, s4  }
0x9e: {  	[timem:s8], [sflag:s23] =	dma.local [hbm:s6], s21  }
0x9f: {  	_ =	swait.ge [sflag:s23], s21  }
0xa0: {  	s5 =	ssub.s32 $0x0, s21;
	[sflag:s23] =	ssyncset.done $0x0  }
0xa1: {  	[sflag:s23] =	ssyncadd.s32 s5;
	_ =	sdelay $0x1  }
0xa2: {  	s24 =	simm.s32 $0x1B8B  }
0xa3: {  	_ =	swait.ge [sflag:s24], $0x1  }
0xa4: {  	[sflag:s24] =	ssyncset.done $0x0  }
0xa5: {  	s25 =	simm.s32 $0x1B8E;
	[sflag:s24] =	ssyncadd.s32 $0xFFFFFFFF  }
0xa6: {  	s26 =	simm.s32 $execute0_lowered;
	[smem:$0x3FD2] =	sst s25  }
0xa7: {  	s5 =	sshll.u32 s26, $0x1;
	_ =	strace $0x80000046;
	[dreg:$0x1] =	wrdreg $0xFFFFFFFF  }
0xa8: {  	s28 =	simm.s32 $_size_execute0_lowered;
	s4 =	sadd.s32 s4, s5;
	[dreg:$0x0] =	wrdreg $0x0  }
0xa9: {  	s5 =	sshll.u32 s28, $0x1;
	[dreg:$0x2] =	wrdreg s4  }
0xaa: {  	[dreg:$0x3] =	wrdreg s5  }
0xab: {  	[dreg:$0x4] =	wrdreg $0xC0  }
0xac: {  	_ =	task [dreg:s8], $0x5FFFF  }
0xad: {  	[dreg:$0x1] =	wrdreg $0xFFFFFFFF  }
0xae: {  	[dreg:$0x0] =	wrdreg $0x60  }
0xaf: {  	[dreg:$0x2] =	wrdreg s2  }
0xb0: {  	[dreg:$0x3] =	wrdreg s19  }
0xb1: {  	[dreg:$0x4] =	wrdreg $0x9  }
0xb2: {  	_ =	task.clear_ibuf [dreg:s8], $0x5FFFF;
	_ =	strace $0x90000046  }
0xb3: {  	s29 =	simm.s32 $0x9;
	_ =	strace $0x80000048  }
0xb4: {  	_ =	swait.ge [sflag:s29], $0x1  }
0xb5: {  	[sflag:s29] =	ssyncadd.s32 $0xFFFFFFFF  }
0xb6: {  	_ =	strace $0x90000048  }
0xb7: {  	_ =	sfence  }
0xb8: {  	s30 =	sld [smem:$0x0];
	_ =	sdelay $0x2  }
0xb9: {  	s31 =	sshll.u32 s1, $0xD;
	s1 =	sshrl.u32 s1, $0x2  }
0xba: {  	s3 =	sand.u32 $0x4000, s31;
	s1 =	sadd.s32 s1, s30  }
0xbb: {  	s0 =	sor.u32 s3, s0;
	s1 =	sshll.u32 s1, $0x11  }
0xbc: {  	s0 =	sor.u32 s1, s0  }
0xbd: {  	s0 =	sadd.s32 $0x8F2B, s0  }
0xbe: {  	[sflag:s0] =	ssyncadd.remote.s32 $0x1  }
0xbf: {  	_ =	sfence.sel $0xFFFF  }
0xc0: {  	[dreg:$0x0] =	wrdreg $0xFFFFFFFF;
	(pc) =	sbr.abs _section_cstart, $3  }
0xc1: {  	[dreg:$0x1] =	wrdreg $0xFFFFFFFF  }
0xc2: {  	_ =	task.clear_ibuf [dreg:s8], $0x2FFFF;
	_ =	strace $0x9FFFFFFF  }
0xc3: {  	(tm) =	ssettm $0x7FFFFFFF  }
tec
execute0_lowered:
.L_overlay_start_1:
0x0: {  	(tag) =	ssettag $0x1  }
0x1: {  	s1 =	rddreg [dreg:$0x0]  }
0x2: {  	s2 =	rddreg [dreg:$0x1]  }
0x3: {  	s3 =	simm.s32 $0x0;
	s0 =	srdreg.scid;
	s8 =	stileid.u32  }
0x4: {  	s13 =	simm.s32 $0x80;
	s14 =	simm.s32 $0x200;
	s16 =	simm.s32 $0x18080  }
0x5: {  	s18 =	simm.s32 $0x2;
	s19 =	simm.s32 $0x10000;
	[smem:$0x7FF] =	sst s3  }
0x6: {  	v0 =	vimm.f32 $-Inf;
	s20 =	simm.s32 $0x12000;
	s21 =	simm.s32 $0x14000;
	_ =	strace $0x80000047  }
0x7: {  	s22 =	simm.s32 $0x16000;
	s23 =	simm.s32 $0x3;
	s0 =	sand.u32 $0x1, s0;
	(xrf0) =	vmax.scan.msk.f32 $0xffff, v0  }
0x8: {  	s5 =	sshll.u32 s8, $0x6;
	s7 =	sshll.u32 s8, $0x12;
	s17 =	smov.u32 s1  }
0x9: {  	s8 =	sshll.u32 s8, $0x15;
	s9 =	sadd.s32 $0x1000, s2;
	s10 =	sadd.s32 $0x2000, s2  }
.Ltmp0:
0xa: {  	s29 =	ssub.s32 $0x2, s0;
	s6 =	sshll.u32 s0, $0x11;
	(pc) =	sbr.rel .LBB2_1-.Ltmp0, $4  }
0xb: {  	s11 =	sadd.s32 $0x3000, s2;
	s4 =	sshrl.u32 s29, $0x1;
	s6 =	sadd.s32 s1, s6  }
0xc: {  	s0 =	sshll.u32 s0, $0x5;
	s3 =	ssub.s32 s29, s4;
	s30 =	sadd.s32 s7, s6  }
0xd: {  	v2 =	vimm.s32 $0x0;
	v3 =	vlaneseq.u32;
	s5 =	sor.u32 s0, s5;
	[dreg:$0x3] =	wrdreg s30;
	s31 =	smax.u32 s3, $0x1;
	v0, _, _ =	vpop (xrf0)  }
0xe: {  	v4 =	vimm.s32 $0x1;
	v5 =	vimm.s32 $0x80000000;
	s7 =	sadd.s32 s1, s7;
	s1 =	simm.s32 $0x0;
	[dreg:$0x4] =	wrdreg s31;
	v1 =	vbroadcast v0, $0xF  }
.LBB2_112:
0xf: {  	_ =	swait.ge [sflag:s23], $0x8000  }
0x10: {  	s1 =	rddreg [dreg:$0x5]  }
0x11: {  	s0 =	rddreg [dreg:$0x4];
	s1 =	sadd.s32 $0x1, s1  }
0x12: {  	p0 =	sne.s32 s1, s0  }
.Ltmp1:
0x13: {  	_ = 	snop;
	(pc) =	sbr.rel @!p0 .LBB2_113-.Ltmp1, $3  }
0x14: {  	_ =	sdelay $0x1  }
0x15: {  	[sflag:s23] =	ssyncset.done $0x0  }
0x16: {  	[sflag:s23] =	ssyncadd.s32 $0xFFFF8000  }
.LBB2_1:
0x17: {  	s0 =	simm.s32 $0x0;
	s31 =	rddreg [dreg:$0x3]  }
0x18: {  	[tilespmem:s0], [sflag:$0x1] =	stream.strided.gather [hbm4b:s31+s13], $0x8000, s14, s13, $0x38;
	[tilespmem:$0x1A080] =	vst v63  }
0x19: {  	[dreg:$0x5] =	wrdreg s1;
	s0 =	simm.s32 $0x180C0  }
0x1a: {  	[tilespmem:s0+$0xFFFFFFC0] =	vst v2  }
0x1b: {  	[tilespmem:s0+$0x30] =	vst v2  }
0x1c: {  	[tilespmem:s0+$0x20] =	vst v2  }
0x1d: {  	[tilespmem:s0+$0x10] =	vst v2  }
0x1e: {  	[tilespmem:s0+$0x0] =	vst v2  }
0x1f: {  	[tilespmem:s0+$0xFFFFFFF0] =	vst v2  }
0x20: {  	s3 =	simm.s32 $0x0;
	[tilespmem:s0+$0xFFFFFFE0] =	vst v2  }
.LBB2_2:
0x21: {  	s3 =	sadd.s32 $0x8, s3;
	[tilespmem:s0+$0xFFFFFFD0] =	vst v2;
	s0 =	sadd.s32 $0x80, s0  }
0x22: {  	[tilespmem:s0+$0xFFFFFFC0] =	vst v2;
	p0 =	slt.u32 s3, $0xF8  }
0x23: {  	[tilespmem:s0+$0x30] =	vst v2  }
.Ltmp2:
0x24: {  	[tilespmem:s0+$0x20] =	vst v2;
	(pc) =	sbr.rel @p0 .LBB2_2-.Ltmp2, $4  }
0x25: {  	[tilespmem:s0+$0x10] =	vst v2  }
0x26: {  	[tilespmem:s0+$0x0] =	vst v2  }
0x27: {  	[tilespmem:s0+$0xFFFFFFF0] =	vst v2  }
0x28: {  	[tilespmem:s0+$0xFFFFFFE0] =	vst v2  }
0x29: {  	[tilespmem:s0+$0xFFFFFFD0] =	vst v2;
	s30 =	simm.s32 $0x1  }
0x2a: {  	_ =	swait.ge [sflag:s30], $0x8000  }
0x2b: {  	[sflag:s30] =	ssyncset.done $0x0  }
0x2c: {  	s31 =	simm.s32 $0x40;
	[sflag:s30] =	ssyncadd.s32 $0xFFFF8000  }
0x2d: {  	v6 =	vld [tilespmem:s31+$0x30]  }
0x2e: {  	v7 =	vld [tilespmem:s31+$0xFFFFFFD0]  }
0x2f: {  	v8 =	vld [tilespmem:s31+$0xFFFFFFE0]  }
0x30: {  	v9 =	vld [tilespmem:s31+$0xFFFFFFF0];
	_ =	sdelay $0x1  }
0x31: {  	v10 =	vld [tilespmem:s31+$0x0];
	v6 =	vshrl.u32 v6, $0x14  }
0x32: {  	v11 =	vld [tilespmem:s31+$0x10];
	v7 =	vshrl.u32 v7, $0x14;
	v6 =	vand.u32 $0xFF0, v6  }
0x33: {  	v14 =	vld [tilespmem:s31+$0xFFFFFFC0];
	v8 =	vshrl.u32 v8, $0x14;
	v7 =	vand.u32 $0xFF0, v7;
	v13 =	vor.u32 v3, v6  }
0x34: {  	v12 =	vld [tilespmem:s31+$0x20];
	v7 =	vor.u32 v3, v7;
	v6 =	vand.u32 $0xFF0, v8;
	v8 =	vshrl.u32 v9, $0x14  }
0x35: {  	v9 =	vor.u32 v3, v6;
	v6 =	vand.u32 $0xFF0, v8  }
0x36: {  	v8 =	vshrl.u32 v10, $0x14;
	v10 =	vor.u32 v3, v6;
	_ =	sdelay $0x1  }
0x37: {  	v63 =	vshrl.u32 v14, $0x14;
	v6 =	vand.u32 $0xFF0, v8;
	v8 =	vshrl.u32 v11, $0x14;
	[tilespmem:v13+s16+$0x0] =	vst.idx.add.s32.msk $0xffff, v4  }
0x38: {  	v11 =	vshrl.u32 v12, $0x14;
	v6 =	vor.u32 v3, v6;
	v8 =	vand.u32 $0xFF0, v8;
	[tilespmem:v7+s16+$0x0] =	vst.idx.add.s32.msk $0xffff, v4  }
0x39: {  	v7 =	vor.u32 v3, v8;
	v8 =	vand.u32 $0xFF0, v11;
	v11 =	vand.u32 $0xFF0, v63;
	[tilespmem:v9+s16+$0x0] =	vst.idx.add.s32.msk $0xffff, v4  }
0x3a: {  	s0 =	simm.s32 $0x0;
	s3 =	simm.s32 $0xC0;
	v8 =	vor.u32 v3, v8;
	v9 =	vor.u32 v3, v11;
	[tilespmem:v10+s16+$0x0] =	vst.idx.add.s32.msk $0xffff, v4  }
.LBB2_4:
0x3b: {  	v10 =	vld [tilespmem:s3+$0x30];
	s0 =	sadd.s32 $0x8, s0  }
0x3c: {  	v11 =	vld [tilespmem:s3+$0xFFFFFFD0];
	p0 =	slt.u32 s0, $0x7F8  }
0x3d: {  	v12 =	vld [tilespmem:s3+$0xFFFFFFE0]  }
0x3e: {  	v13 =	vld [tilespmem:s3+$0xFFFFFFF0]  }
0x3f: {  	v14 =	vld [tilespmem:s3+$0x0]  }
0x40: {  	v15 =	vld [tilespmem:s3+$0x10];
	v10 =	vshrl.u32 v10, $0x14  }
0x41: {  	v11 =	vshrl.u32 v11, $0x14;
	v16 =	vld [tilespmem:s3+$0x20];
	v10 =	vand.u32 $0xFF0, v10  }
0x42: {  	v17 =	vld [tilespmem:s3+$0xFFFFFFC0];
	v11 =	vand.u32 $0xFF0, v11;
	v12 =	vshrl.u32 v12, $0x14;
	v10 =	vor.u32 v3, v10  }
0x43: {  	v11 =	vor.u32 v3, v11;
	v12 =	vand.u32 $0xFF0, v12;
	v13 =	vshrl.u32 v13, $0x14;
	[tilespmem:v9+s16+$0x0] =	vst.idx.add.s32.msk $0xffff, v4  }
0x44: {  	v12 =	vor.u32 v3, v12;
	v9 =	vand.u32 $0xFF0, v13;
	v13 =	vshrl.u32 v14, $0x14;
	[tilespmem:v6+s16+$0x0] =	vst.idx.add.s32.msk $0xffff, v4  }
0x45: {  	v14 =	vor.u32 v3, v9;
	v6 =	vand.u32 $0xFF0, v13;
	v9 =	vshrl.u32 v15, $0x14;
	[tilespmem:v7+s16+$0x0] =	vst.idx.add.s32.msk $0xffff, v4  }
.Ltmp3:
0x46: {  	v6 =	vor.u32 v3, v6;
	v7 =	vand.u32 $0xFF0, v9;
	v9 =	vshrl.u32 v16, $0x14;
	[tilespmem:v8+s16+$0x0] =	vst.idx.add.s32.msk $0xffff, v4;
	(pc) =	sbr.rel @p0 .LBB2_4-.Ltmp3, $4  }
0x47: {  	s25 =	simm.s32 $0x0;
	v8 =	vshrl.u32 v17, $0x14;
	v7 =	vor.u32 v3, v7;
	v9 =	vand.u32 $0xFF0, v9;
	[tilespmem:v10+s16+$0x0] =	vst.idx.add.s32.msk $0xffff, v4  }
0x48: {  	v10 =	vand.u32 $0xFF0, v8;
	[tilespmem:v11+s16+$0x0] =	vst.idx.add.s32.msk $0xffff, v4;
	v8 =	vor.u32 v3, v9  }
0x49: {  	v9 =	vor.u32 v3, v10;
	[tilespmem:v12+s16+$0x0] =	vst.idx.add.s32.msk $0xffff, v4  }
0x4a: {  	s3 =	sadd.s32 $0x80, s3;
	[tilespmem:v14+s16+$0x0] =	vst.idx.add.s32.msk $0xffff, v4  }
0x4b: {  	_ =	sdelay $0x3  }
0x4c: {  	[tilespmem:v9+s16+$0x0] =	vst.idx.add.s32.msk $0xffff, v4  }
0x4d: {  	[tilespmem:v6+s16+$0x0] =	vst.idx.add.s32.msk $0xffff, v4  }
0x4e: {  	[tilespmem:v7+s16+$0x0] =	vst.idx.add.s32.msk $0xffff, v4  }
0x4f: {  	[tilespmem:v8+s16+$0x0] =	vst.idx.add.s32.msk $0xffff, v4  }
.LBB2_6:
0x50: {  	s0 =	sshll.u32 s25, $0x1  }
0x51: {  	s15 =	sshll.u32 s25, $0x5;
	s1 =	simm.s32 $0x8000;
	s4 =	simm.s32 $0x7E  }
0x52: {  	p0 =	por $0x1, $0x1;
	s6 =	simm.s32 $0x7F;
	s12 =	simm.s32 $0x0  }
0x53: {  	s28 =	simm.s32 $0x2;
	s26 =	sadd.s32 s5, s0;
	s0 =	sand.u32 $0x20, s15  }
0x54: {  	s15 =	simm.s32 $0x1;
	s12 =	smov.u32 @p0 s6;
	s3 =	sshll.u32 s26, $0xC  }
0x55: {  	s0 =	sadd.s32 s0, s7;
	s15 =	smov.u32 @p0 s4;
	s3 =	sand.u32 $0x3C000, s3  }
0x56: {  	s4 =	simm.s32 $0x7D;
	s6 =	sshll.u32 s12, $0x6;
	s0 =	sadd.s32 s3, s0  }
0x57: {  	s24 =	sshll.u32 s15, $0x6;
	s28 =	smov.u32 @p0 s4;
	s0 =	sadd.s32 $0x10, s0  }
0x58: {  	[tilespmem:s1], [sflag:$0x2] =	stream.strided.gather [hbm4b:s0+s13], $0x8000, s14, s13, $0x38;
	[tilespmem:$0x1A080] =	vst v63  }
0x59: {  	s6 =	sshra.s32 s6, $0x2;
	s3 =	simm.s32 $0x3;
	s0 =	simm.s32 $0x7C  }
0x5a: {  	s12 =	sshra.s32 s24, $0x2;
	s4 =	sshll.u32 s28, $0x6;
	v6 =	vld [tilespmem:s6+$0x18080];
	s3 =	smov.u32 @p0 s0  }
0x5b: {  	s29 =	simm.s32 $0x4;
	s31 =	sshra.s32 s4, $0x2;
	v7 =	vld [tilespmem:s12+$0x18080];
	s3 =	sshll.u32 s3, $0x6  }
0x5c: {  	s30 =	simm.s32 $0x7A;
	s15 =	simm.s32 $0x5;
	[tilespmem:s12+$0x18080] =	vst v2;
	v8 =	vld [tilespmem:s31+$0x18080];
	s1 =	sshra.s32 s3, $0x2  }
0x5d: {  	s28 =	simm.s32 $0x7;
	s4 =	simm.s32 $0x8;
	s0 =	simm.s32 $0x190A0;
	[tilespmem:s31+$0x18080] =	vst v2;
	v9 =	vld [tilespmem:s1+$0x18080]  }
0x5e: {  	v10 =	vimm.s32 $0x0;
	p0 =	por $0x1, $0x1;
	s31 =	simm.s32 $0x7B;
	s12 =	simm.s32 $0x6;
	[tilespmem:s6+$0x18080] =	vst v2  }
0x5f: {  	s29 =	smov.u32 @p0 s31;
	s31 =	simm.s32 $0x79;
	s15 =	smov.u32 @p0 s30;
	[tilespmem:s1+$0x18080] =	vst v2;
	v6 =	vadd.s32 v10, v6  }
0x60: {  	s3 =	simm.s32 $0x78;
	s24 =	sshll.u32 s29, $0x6;
	s12 =	smov.u32 @p0 s31;
	[tilespmem:s0+$0xFFFFFFE0] =	vst v6;
	v6 =	vadd.s32 v6, v7  }
0x61: {  	s15 =	sshll.u32 s15, $0x6;
	s6 =	sshra.s32 s24, $0x2;
	s12 =	sshll.u32 s12, $0x6;
	[tilespmem:s0+$0xFFFFFFF0] =	vst v6;
	v7 =	vadd.s32 v6, v8  }
0x62: {  	s30 =	sshra.s32 s15, $0x2;
	s28 =	smov.u32 @p0 s3;
	s29 =	sshra.s32 s12, $0x2;
	v6 =	vld [tilespmem:s6+$0x18080];
	[tilespmem:s0+$0x0] =	vst v7;
	v7 =	vadd.s32 v7, v9  }
.LBB2_7:
0x63: {  	s12 =	sshll.u32 s28, $0x6;
	[tilespmem:s0+$0x10] =	vst v7;
	s0 =	sadd.s32 $0x40, s0;
	s15 =	smov.u32 s4  }
0x64: {  	v8 =	vld [tilespmem:s30+$0x18080];
	s31 =	sadd.s32 $0x4, s4;
	s3 =	sadd.s32 $0xFFFFFFFC, s3;
	s28 =	sadd.s32 $0x3, s15  }
0x65: {  	[tilespmem:s30+$0x18080] =	vst v2;
	v9 =	vld [tilespmem:s29+$0x18080];
	s12 =	sshra.s32 s12, $0x2;
	s30 =	sadd.s32 $0x2, s3;
	s24 =	sadd.s32 $0x1, s15  }
0x66: {  	s1 =	sadd.s32 $0x2, s15;
	p0 =	slt.u32 s15, $0x80;
	[tilespmem:s29+$0x18080] =	vst v2;
	v10 =	vld [tilespmem:s12+$0x18080];
	s29 =	sadd.s32 $0x3, s3  }
0x67: {  	s24 =	smov.u32 @p0 s30;
	s28 =	smov.u32 @p0 s3;
	[tilespmem:s12+$0x18080] =	vst v2;
	s12 =	sadd.s32 $0x1, s3  }
0x68: {  	s15 =	smov.u32 @p0 s29;
	s1 =	smov.u32 @p0 s12;
	p0 =	slt.u32 s4, $0xFC  }
.Ltmp4:
0x69: {  	_ = 	snop;
	(pc) =	sbr.rel @p0 .LBB2_7-.Ltmp4, $4  }
0x6a: {  	v6 =	vadd.s32 v7, v6;
	[tilespmem:s6+$0x18080] =	vst v2  }
0x6b: {  	s6 =	sshll.u32 s15, $0x6;
	s15 =	sshll.u32 s24, $0x6;
	[tilespmem:s0+$0xFFFFFFE0] =	vst v6;
	v6 =	vadd.s32 v6, v8  }
0x6c: {  	s6 =	sshra.s32 s6, $0x2;
	s30 =	sshra.s32 s15, $0x2;
	s1 =	sshll.u32 s1, $0x6;
	[tilespmem:s0+$0xFFFFFFF0] =	vst v6;
	v7 =	vadd.s32 v6, v9  }
0x6d: {  	s4 =	smov.u32 s31;
	s29 =	sshra.s32 s1, $0x2;
	v6 =	vld [tilespmem:s6+$0x18080];
	[tilespmem:s0+$0x0] =	vst v7;
	v7 =	vadd.s32 v7, v10  }
0x6e: {  	v8 =	vld [tilespmem:s30+$0x18080];
	s1 =	sshll.u32 s28, $0x6;
	[tilespmem:s0+$0x10] =	vst v7  }
0x6f: {  	[tilespmem:s30+$0x18080] =	vst v2;
	v9 =	vld [tilespmem:s29+$0x18080];
	s1 =	sshra.s32 s1, $0x2  }
0x70: {  	[tilespmem:s29+$0x18080] =	vst v2;
	v10 =	vld [tilespmem:s1+$0x18080]  }
0x71: {  	[tilespmem:s6+$0x18080] =	vst v2  }
0x72: {  	s4 =	sadd.s32 $0x40, s0;
	[tilespmem:s1+$0x18080] =	vst v2;
	v6 =	vadd.s32 v7, v6  }
0x73: {  	[tilespmem:s4+$0xFFFFFFE0] =	vst v6;
	v6 =	vadd.s32 v6, v8  }
0x74: {  	[tilespmem:s4+$0xFFFFFFF0] =	vst v6;
	v6 =	vadd.s32 v6, v9  }
0x75: {  	[tilespmem:s4+$0x0] =	vst v6;
	v6 =	vadd.s32 v6, v10  }
0x76: {  	[tilespmem:s4+$0x10] =	vst v6  }
0x77: {  	v6 =	vld [tilespmem:$0x19870];
	_ =	sdelay $0x4  }
0x78: {  	(xrf0) =	vadd.scan.msk.s32 $0xffff, v6;
	_ =	sdelay $0x5  }
0x79: {  	v6, _, _ =	vpop (xrf0)  }
0x7a: {  	(v2sf) =	vpush v6, $0xF;
	_ =	sdelay $0xe  }
0x7b: {  	s6 =	spop (v2sf)  }
0x7c: {  	s0 =	simm.s32 $0x80;
	p0 =	slt.s32 s6, $0x40  }
0x7d: {  	s0 =	simm.s32 @!p0 $0x0  }
0x7e: {  	s12 =	sshll.u32 s0, $0x4  }
0x7f: {  	v6 =	vld [tilespmem:s12+$0x19470];
	_ =	sdelay $0x4  }
0x80: {  	(xrf0) =	vadd.scan.msk.s32 $0xffff, v6;
	_ =	sdelay $0x5  }
0x81: {  	v6, _, _ =	vpop (xrf0)  }
0x82: {  	(v2sf) =	vpush v6, $0xF;
	_ =	sdelay $0xe  }
0x83: {  	s15 =	spop (v2sf)  }
0x84: {  	s3 =	sor.u32 $0x40, s0;
	p0 =	slt.s32 s15, $0x40  }
0x85: {  	s0 =	smov.u32 @p0 s3  }
0x86: {  	s24 =	sshll.u32 s0, $0x4  }
0x87: {  	v6 =	vld [tilespmem:s24+$0x19270];
	_ =	sdelay $0x4  }
0x88: {  	(xrf0) =	vadd.scan.msk.s32 $0xffff, v6;
	_ =	sdelay $0x5  }
0x89: {  	v6, _, _ =	vpop (xrf0)  }
0x8a: {  	(v2sf) =	vpush v6, $0xF;
	_ =	sdelay $0xe  }
0x8b: {  	s31 =	spop (v2sf)  }
0x8c: {  	s3 =	sor.u32 $0x20, s0;
	p0 =	slt.s32 s31, $0x40  }
0x8d: {  	s0 =	smov.u32 @p0 s3  }
0x8e: {  	s4 =	sshll.u32 s0, $0x4  }
0x8f: {  	v6 =	vld [tilespmem:s4+$0x19170];
	_ =	sdelay $0x4  }
0x90: {  	(xrf0) =	vadd.scan.msk.s32 $0xffff, v6;
	_ =	sdelay $0x5  }
0x91: {  	v6, _, _ =	vpop (xrf0)  }
0x92: {  	(v2sf) =	vpush v6, $0xF;
	_ =	sdelay $0xe  }
0x93: {  	s6 =	spop (v2sf)  }
0x94: {  	s3 =	sor.u32 $0x10, s0;
	p0 =	slt.s32 s6, $0x40  }
0x95: {  	s0 =	smov.u32 @p0 s3  }
0x96: {  	s12 =	sshll.u32 s0, $0x4  }
0x97: {  	s1 =	sand.u32 $0x3FFFFFF0, s12  }
0x98: {  	v6 =	vld [tilespmem:s1+$0x190F0];
	_ =	sdelay $0x4  }
0x99: {  	(xrf0) =	vadd.scan.msk.s32 $0xffff, v6;
	_ =	sdelay $0x5  }
0x9a: {  	v6, _, _ =	vpop (xrf0)  }
0x9b: {  	(v2sf) =	vpush v6, $0xF;
	_ =	sdelay $0xe  }
0x9c: {  	s15 =	spop (v2sf)  }
0x9d: {  	s3 =	sadd.s32 $0x8, s0;
	p0 =	slt.s32 s15, $0x40  }
0x9e: {  	s0 =	smov.u32 @p0 s3  }
0x9f: {  	s24 =	sshll.u32 s0, $0x4  }
0xa0: {  	s1 =	sand.u32 $0x3FFFFFF0, s24  }
0xa1: {  	v6 =	vld [tilespmem:s1+$0x190B0];
	_ =	sdelay $0x4  }
0xa2: {  	(xrf0) =	vadd.scan.msk.s32 $0xffff, v6;
	_ =	sdelay $0x5  }
0xa3: {  	v6, _, _ =	vpop (xrf0)  }
0xa4: {  	(v2sf) =	vpush v6, $0xF;
	_ =	sdelay $0xe  }
0xa5: {  	s31 =	spop (v2sf)  }
0xa6: {  	s3 =	sadd.s32 $0x4, s0;
	p0 =	slt.s32 s31, $0x40  }
0xa7: {  	s0 =	smov.u32 @p0 s3  }
0xa8: {  	s3 =	sshll.u32 s0, $0x4  }
0xa9: {  	s1 =	sand.u32 $0x3FFFFFF0, s3  }
0xaa: {  	v6 =	vld [tilespmem:s1+$0x19090];
	_ =	sdelay $0x4  }
0xab: {  	(xrf0) =	vadd.scan.msk.s32 $0xffff, v6;
	_ =	sdelay $0x5  }
0xac: {  	v6, _, _ =	vpop (xrf0)  }
0xad: {  	(v2sf) =	vpush v6, $0xF;
	_ =	sdelay $0xe  }
0xae: {  	s4 =	spop (v2sf)  }
0xaf: {  	s3 =	sadd.s32 $0x2, s0;
	p0 =	slt.s32 s4, $0x40  }
0xb0: {  	s0 =	smov.u32 @p0 s3  }
0xb1: {  	s6 =	sshll.u32 s0, $0x4  }
0xb2: {  	s1 =	sand.u32 $0x3FFFFFF0, s6  }
0xb3: {  	v6 =	vld [tilespmem:s1+$0x19080];
	_ =	sdelay $0x4  }
0xb4: {  	(xrf0) =	vadd.scan.msk.s32 $0xffff, v6;
	_ =	sdelay $0x5  }
0xb5: {  	v6, _, _ =	vpop (xrf0)  }
0xb6: {  	(v2sf) =	vpush v6, $0xF;
	_ =	sdelay $0xe  }
0xb7: {  	s12 =	spop (v2sf)  }
0xb8: {  	s1 =	simm.s32 $0x1;
	p0 =	slt.s32 s12, $0x40  }
0xb9: {  	s1 =	simm.s32 @!p0 $0x0  }
0xba: {  	s1 =	sadd.s32 s1, s0  }
0xbb: {  	s0 =	smax.u32 s1, $0x1  }
0xbc: {  	s0 =	sshll.u32 s0, $0x4  }
0xbd: {  	s0 =	sand.u32 $0x3FFFFFF0, s0  }
0xbe: {  	v6 =	vld [tilespmem:s0+$0x19070];
	_ =	sdelay $0x4  }
0xbf: {  	(xrf0) =	vadd.scan.msk.s32 $0xffff, v6;
	_ =	sdelay $0x5  }
0xc0: {  	v6, _, _ =	vpop (xrf0)  }
0xc1: {  	(v2sf) =	vpush v6, $0xF;
	_ =	sdelay $0xd  }
0xc2: {  	p0 =	seq.s32 s25, $0x0  }
0xc3: {  	s3 =	simm.s32 @!p0 $0x3;
	s15 =	spop (v2sf)  }
0xc4: {  	_ =	swait.ge @!p0 [sflag:s3], $0x8000  }
0xc5: {  	[sflag:s3] =	ssyncset.done @!p0 $0x0  }
0xc6: {  	s24 =	simm.s32 $0x40;
	[sflag:s3] =	ssyncadd.s32 @!p0 $0xFFFF8000  }
0xc7: {  	v7 =	vld [tilespmem:s24+$0x30]  }
0xc8: {  	v8 =	vld [tilespmem:s24+$0x20]  }
0xc9: {  	v9 =	vld [tilespmem:s24+$0x10]  }
0xca: {  	v10 =	vld [tilespmem:s24+$0x0]  }
0xcb: {  	v11 =	vld [tilespmem:s24+$0xFFFFFFF0]  }
0xcc: {  	p1 =	slt.u32 s1, $0x80;
	s4 =	ssub.s32 $0x7F, s1;
	v12 =	vld [tilespmem:s24+$0xFFFFFFE0]  }
0xcd: {  	p0 =	seq.s32 s1, $0x0;
	s1 =	smov.u32 @p1 s4;
	v13 =	vld [tilespmem:s24+$0xFFFFFFD0]  }
0xce: {  	p1 =	slt.s32 s1, $0x80;
	s4 =	sadd.s32 $0x80, s1;
	s28 =	ssub.s32 $0xFF, s1;
	v14 =	vld [tilespmem:s24+$0xFFFFFFC0]  }
0xcf: {  	s28 =	smov.u32 @p1 s4  }
0xd0: {  	v6 =	vmov s28;
	v15 =	vshra.s32 v8, $0x1F  }
0xd1: {  	v16 =	vshra.s32 v7, $0x1F;
	v17 =	vshra.s32 v10, $0x1F;
	v18 =	vshra.s32 v9, $0x1F  }
0xd2: {  	v19 =	vshra.s32 v13, $0x1F;
	v20 =	vshra.s32 v12, $0x1F;
	v21 =	vshra.s32 v11, $0x1F  }
0xd3: {  	v22 =	vshra.s32 v14, $0x1F;
	v15 =	vor.u32 $0x80000000, v15;
	v16 =	vor.u32 $0x80000000, v16  }
0xd4: {  	v21 =	vor.u32 $0x80000000, v21;
	v17 =	vor.u32 $0x80000000, v17;
	v18 =	vor.u32 $0x80000000, v18  }
0xd5: {  	v22 =	vor.u32 $0x80000000, v22;
	v19 =	vor.u32 $0x80000000, v19;
	v20 =	vor.u32 $0x80000000, v20  }
0xd6: {  	v9 =	vxor.u32 v9, v18;
	v8 =	vxor.u32 v8, v15;
	v7 =	vxor.u32 v7, v16  }
0xd7: {  	v12 =	vxor.u32 v12, v20;
	v11 =	vxor.u32 v11, v21;
	v10 =	vxor.u32 v10, v17  }
0xd8: {  	v23 =	vxor.u32 v14, v22;
	v13 =	vxor.u32 v13, v19;
	v14 =	vshrl.u32 v7, $0x18  }
0xd9: {  	v15 =	vshrl.u32 v23, $0x18;
	v16 =	vshrl.u32 v9, $0x18;
	v17 =	vshrl.u32 v8, $0x18  }
0xda: {  	s31 =	simm.s32 $0xC0;
	v18 =	vshrl.u32 v10, $0x18;
	vm7 =	vge.s32 v15, v6;
	v15 =	vshrl.u32 v13, $0x18  }
0xdb: {  	v24 =	vld [tilespmem:s31+$0x10];
	v20 =	vmpcnt.ones.xlane vm7;
	vm0 =	vge.s32 v15, v6;
	v15 =	vshrl.u32 v12, $0x18  }
0xdc: {  	v26 =	vld [tilespmem:s31+$0x0];
	v22 =	vmpcnt.ones.xlane vm0;
	vm1 =	vge.s32 v15, v6;
	v15 =	vshrl.u32 v11, $0x18  }
0xdd: {  	v19 =	vld [tilespmem:s31+$0x30];
	v25 =	vmpcnt.ones.xlane vm1;
	vm2 =	vge.s32 v15, v6;
	(v2sf) =	vpush v20, $0x0  }
0xde: {  	v21 =	vld [tilespmem:s31+$0x20];
	vm3 =	vge.s32 v18, v6;
	v15 =	vmpcnt.ones.xlane vm2;
	(v2sf) =	vpush v22, $0x0  }
0xdf: {  	v18 =	vld [tilespmem:s31+$0xFFFFFFE0];
	vm4 =	vge.s32 v16, v6;
	v20 =	vmpcnt.ones.xlane vm3;
	(v2sf) =	vpush v25, $0x0  }
0xe0: {  	vm5 =	vge.s32 v17, v6;
	v16 =	vmpcnt.ones.xlane vm4;
	v22 =	vld [tilespmem:s31+$0xFFFFFFD0];
	(v2sf) =	vpush v15, $0x0  }
0xe1: {  	v17 =	vld [tilespmem:s31+$0xFFFFFFF0];
	vm6 =	vge.s32 v14, v6;
	v15 =	vmpcnt.ones.xlane vm5;
	(v2sf) =	vpush v20, $0x0  }
0xe2: {  	v14 =	vmpcnt.ones.xlane vm6;
	v25 =	vld [tilespmem:s31+$0xFFFFFFC0];
	(v2sf) =	vpush v16, $0x0  }
0xe3: {  	v28 =	vshra.s32 v26, $0x1F;
	v27 =	vshra.s32 v19, $0x1F;
	(v2sf) =	vpush v15, $0x0  }
0xe4: {  	v29 =	vshra.s32 v18, $0x1F;
	v15 =	vshra.s32 v24, $0x1F;
	(v2sf) =	vpush v14, $0x0  }
0xe5: {  	v20 =	vshra.s32 v21, $0x1F;
	v14 =	vshra.s32 v22, $0x1F;
	v15 =	vor.u32 $0x80000000, v15  }
0xe6: {  	v16 =	vxor.u32 v24, v15;
	v24 =	vshra.s32 v17, $0x1F;
	v15 =	vor.u32 $0x80000000, v20  }
0xe7: {  	v20 =	vshra.s32 v25, $0x1F;
	v30 =	vor.u32 $0x80000000, v14;
	v15 =	vxor.u32 v21, v15  }
0xe8: {  	v21 =	vor.u32 $0x80000000, v27;
	v24 =	vor.u32 $0x80000000, v24;
	v27 =	vor.u32 $0x80000000, v28  }
0xe9: {  	v63 =	vor.u32 $0x80000000, v20;
	v20 =	vor.u32 $0x80000000, v29;
	v22 =	vxor.u32 v22, v30  }
0xea: {  	v14 =	vxor.u32 v19, v21;
	v20 =	vxor.u32 v18, v20;
	v19 =	vxor.u32 v17, v24  }
0xeb: {  	s29 =	simm.s32 $0x0;
	s0 =	simm.s32 $0x8;
	s30 =	ssub.s32 $0x40, s15;
	v18 =	vxor.u32 v26, v27;
	v17 =	vxor.u32 v25, v63;
	v24 =	vshrl.u32 v16, $0x18  }
0xec: {  	s30 =	simm.s32 @p0 $0x40;
	s4 =	simm.s32 $0x140;
	[tilespmem:s29+$0x10000] =	vst.msk vm7, v23;
	v23 =	vshrl.u32 v15, $0x18;
	v21 =	vshrl.u32 v14, $0x18;
	v25 =	vshrl.u32 v17, $0x18;
	s3 =	spop (v2sf)  }
.LBB2_9:
0xed: {  	v26 =	vld [tilespmem:s4+$0x30];
	vm7 =	vge.s32 v25, v6;
	v25 =	vshrl.u32 v22, $0x18;
	v27 =	vshrl.u32 v18, $0x18;
	s1 =	sadd.s32 s29, s3;
	s3 =	spop (v2sf)  }
0xee: {  	v30 =	vshrl.u32 v20, $0x18;
	v28 =	vld [tilespmem:s4+$0x20];
	v29 =	vmpcnt.ones.xlane vm7;
	[tilespmem:s1+$0x10000] =	vst.msk vm0, v13;
	vm0 =	vge.s32 v25, v6;
	s1 =	sadd.s32 s1, s3;
	s3 =	spop (v2sf);
	v13 =	vmovc v22  }
0xef: {  	v31 =	vshrl.u32 v19, $0x18;
	v22 =	vld [tilespmem:s4+$0x10];
	v25 =	vmpcnt.ones.xlane vm0;
	[tilespmem:s1+$0x10000] =	vst.msk vm1, v12;
	vm1 =	vge.s32 v30, v6;
	s1 =	sadd.s32 s1, s3;
	s3 =	spop (v2sf);
	v12 =	vmovc v20  }
0xf0: {  	v30 =	vld [tilespmem:s4+$0x0];
	v20 =	vmpcnt.ones.xlane vm1;
	(v2sf) =	vpush v29, $0x0;
	[tilespmem:s1+$0x10000] =	vst.msk vm2, v11;
	vm2 =	vge.s32 v31, v6;
	s1 =	sadd.s32 s1, s3;
	s3 =	spop (v2sf);
	v11 =	vmovc v19  }
0xf1: {  	v19 =	vld [tilespmem:s4+$0xFFFFFFF0];
	v29 =	vmpcnt.ones.xlane vm2;
	(v2sf) =	vpush v25, $0x0;
	[tilespmem:s1+$0x10000] =	vst.msk vm3, v10;
	vm3 =	vge.s32 v27, v6;
	s1 =	sadd.s32 s1, s3;
	s3 =	spop (v2sf);
	v10 =	vmovc v18  }
0xf2: {  	v18 =	vld [tilespmem:s4+$0xFFFFFFE0];
	v25 =	vmpcnt.ones.xlane vm3;
	(v2sf) =	vpush v20, $0x0;
	[tilespmem:s1+$0x10000] =	vst.msk vm4, v9;
	vm4 =	vge.s32 v24, v6;
	s1 =	sadd.s32 s1, s3;
	s3 =	spop (v2sf);
	v9 =	vmovc v16  }
0xf3: {  	v24 =	vld [tilespmem:s4+$0xFFFFFFD0];
	v16 =	vmpcnt.ones.xlane vm4;
	(v2sf) =	vpush v29, $0x0;
	[tilespmem:s1+$0x10000] =	vst.msk vm5, v8;
	vm5 =	vge.s32 v23, v6;
	s1 =	sadd.s32 s1, s3;
	s3 =	spop (v2sf);
	v8 =	vmovc v15  }
0xf4: {  	v23 =	vld [tilespmem:s4+$0xFFFFFFC0];
	v15 =	vmpcnt.ones.xlane vm5;
	(v2sf) =	vpush v25, $0x0;
	[tilespmem:s1+$0x10000] =	vst.msk vm6, v7;
	vm6 =	vge.s32 v21, v6;
	s29 =	sadd.s32 s1, s3;
	v7 =	vmovc v14  }
0xf5: {  	[tilespmem:s29+$0x10000] =	vst.msk vm7, v17;
	v14 =	vmpcnt.ones.xlane vm6;
	(v2sf) =	vpush v16, $0x0  }
0xf6: {  	v16 =	vshra.s32 v28, $0x1F;
	v17 =	vshra.s32 v26, $0x1F;
	(v2sf) =	vpush v15, $0x0  }
0xf7: {  	s0 =	sadd.s32 $0x8, s0;
	v20 =	vshra.s32 v22, $0x1F;
	v15 =	vshra.s32 v30, $0x1F;
	(v2sf) =	vpush v14, $0x0  }
0xf8: {  	p0 =	slt.u32 s0, $0x7F8;
	v25 =	vshra.s32 v19, $0x1F;
	v21 =	vshra.s32 v18, $0x1F;
	v14 =	vshra.s32 v24, $0x1F  }
0xf9: {  	v29 =	vor.u32 $0x80000000, v16;
	v17 =	vor.u32 $0x80000000, v17;
	v27 =	vshra.s32 v23, $0x1F  }
0xfa: {  	v25 =	vor.u32 $0x80000000, v25;
	v31 =	vor.u32 $0x80000000, v15;
	v15 =	vor.u32 $0x80000000, v20  }
.Ltmp5:
0xfb: {  	v20 =	vor.u32 $0x80000000, v21;
	v32 =	vor.u32 $0x80000000, v14;
	v27 =	vor.u32 $0x80000000, v27;
	(pc) =	sbr.rel @p0 .LBB2_9-.Ltmp5, $4  }
0xfc: {  	v16 =	vxor.u32 v22, v15;
	v15 =	vxor.u32 v28, v29;
	v14 =	vxor.u32 v26, v17  }
0xfd: {  	v19 =	vxor.u32 v19, v25;
	v20 =	vxor.u32 v18, v20;
	v18 =	vxor.u32 v30, v31  }
0xfe: {  	v22 =	vxor.u32 v24, v32;
	v21 =	vshrl.u32 v14, $0x18;
	v17 =	vxor.u32 v23, v27  }
0xff: {  	s4 =	sadd.s32 $0x80, s4;
	v24 =	vshrl.u32 v16, $0x18;
	v23 =	vshrl.u32 v15, $0x18;
	v25 =	vshrl.u32 v17, $0x18;
	s3 =	spop (v2sf)  }
0x100: {  	vm8 =	vge.s32 v25, v6;
	v57 =	vshrl.u32 v22, $0x18;
	v58 =	vshrl.u32 v20, $0x18  }
0x101: {  	v27 =	vshrl.u32 v19, $0x18;
	v26 =	vmpcnt.ones.xlane vm8;
	vm9 =	vge.s32 v57, v6  }
0x102: {  	v60 =	vshrl.u32 v18, $0x18;
	vm10 =	vge.s32 v58, v6;
	v59 =	vmpcnt.ones.xlane vm9  }
0x103: {  	vm7 =	vge.s32 v27, v6;
	v61 =	vmpcnt.ones.xlane vm10;
	(v2sf) =	vpush v26, $0x0  }
0x104: {  	vm11 =	vge.s32 v60, v6;
	v62 =	vmpcnt.ones.xlane vm7;
	(v2sf) =	vpush v59, $0x0  }
0x105: {  	vm12 =	vge.s32 v24, v6;
	v63 =	vmpcnt.ones.xlane vm11;
	(v2sf) =	vpush v61, $0x0  }
0x106: {  	vm13 =	vge.s32 v23, v6;
	v24 =	vmpcnt.ones.xlane vm12;
	(v2sf) =	vpush v62, $0x0  }
0x107: {  	vm14 =	vge.s32 v21, v6;
	v23 =	vmpcnt.ones.xlane vm13;
	(v2sf) =	vpush v63, $0x0  }
0x108: {  	v21 =	vmpcnt.ones.xlane vm14;
	(v2sf) =	vpush v24, $0x0  }
0x109: {  	(v2sf) =	vpush v23, $0x0  }
0x10a: {  	(v2sf) =	vpush v21, $0x0  }
0x10b: {  	s0 =	spop (v2sf);
	s1 =	sadd.s32 s29, s3  }
0x10c: {  	s12 =	spop (v2sf);
	s0 =	sadd.s32 s1, s0  }
0x10d: {  	s4 =	spop (v2sf);
	s3 =	sadd.s32 s0, s12  }
0x10e: {  	s6 =	spop (v2sf);
	s4 =	sadd.s32 s3, s4  }
0x10f: {  	s12 =	spop (v2sf);
	s6 =	sadd.s32 s4, s6  }
0x110: {  	s15 =	spop (v2sf);
	s12 =	sadd.s32 s6, s12  }
0x111: {  	[tilespmem:s1+$0x10000] =	vst.msk vm0, v13;
	s24 =	spop (v2sf);
	s1 =	sadd.s32 s12, s15  }
0x112: {  	[tilespmem:s0+$0x10000] =	vst.msk vm1, v12;
	s0 =	sadd.s32 s1, s24;
	s31 =	spop (v2sf)  }
0x113: {  	[tilespmem:s3+$0x10000] =	vst.msk vm2, v11;
	s3 =	sadd.s32 s0, s31;
	s15 =	spop (v2sf)  }
0x114: {  	[tilespmem:s4+$0x10000] =	vst.msk vm3, v10;
	s4 =	sadd.s32 s3, s15;
	s24 =	spop (v2sf)  }
0x115: {  	[tilespmem:s6+$0x10000] =	vst.msk vm4, v9;
	s6 =	sadd.s32 s4, s24;
	s31 =	spop (v2sf)  }
0x116: {  	[tilespmem:s1+$0x10000] =	vst.msk vm6, v7;
	s1 =	sadd.s32 s6, s31;
	s15 =	spop (v2sf)  }
0x117: {  	[tilespmem:s0+$0x10000] =	vst.msk vm8, v17;
	s0 =	sadd.s32 s1, s15;
	s24 =	spop (v2sf)  }
0x118: {  	[tilespmem:s3+$0x10000] =	vst.msk vm9, v22;
	s3 =	sadd.s32 s0, s24;
	s31 =	spop (v2sf)  }
0x119: {  	[tilespmem:s4+$0x10000] =	vst.msk vm10, v20;
	s4 =	sadd.s32 s3, s31;
	s15 =	spop (v2sf)  }
0x11a: {  	s24 =	sadd.s32 s4, s15  }
0x11b: {  	s31 =	sadd.s32 $0xF, s24  }
0x11c: {  	s29 =	sshra.s32 s31, $0x4  }
0x11d: {  	[tilespmem:s12+$0x10000] =	vst.msk vm5, v8;
	p1 =	sgt.s32 s29, $0x0  }
.Ltmp6:
0x11e: {  	[tilespmem:s6+$0x10000] =	vst.msk vm7, v19;
	(pc) =	sbr.rel @!p1 .LBB2_11-.Ltmp6, $4  }
0x11f: {  	[tilespmem:s1+$0x10000] =	vst.msk vm11, v18  }
0x120: {  	[tilespmem:s0+$0x10000] =	vst.msk vm12, v16  }
0x121: {  	[tilespmem:s3+$0x10000] =	vst.msk vm13, v15  }
0x122: {  	[tilespmem:s4+$0x10000] =	vst.msk vm14, v14;
	v8 =	vmov s24;
	p0 =	seq.s32 s29, $0x1  }
0x123: {  	s0 =	simm.s32 $0x10000  }
0x124: {  	v12 =	vld [tilespmem:s0+$0x0]  }
.Ltmp7:
0x125: {  	_ = 	snop;
	(pc) =	sbr.rel @p0 .LBB2_17-.Ltmp7, $3  }
0x126: {  	_ =	sdelay $0x1  }
0x127: {  	s31 =	simm.s32 $0x0  }
0x128: {  	s3 =	sadd.s32 $0xFFFFFFFF, s29;
	p2 =	por $0x0, $0x0;
	v10 =	vor.u32 s31, v3;
	s0 =	simm.s32 $0x10010;
	v11 =	vshrl.u32 v12, $0x18  }
0x129: {  	v9 =	vld [tilespmem:s0+$0x0];
	vm0 =	vlt.s32 v10, v8;
	vm1 =	veq.s32 v11, v6;
	v7 =	vshrl.u32 v12, $0xC;
	p3 =	seq.s32 s3, $0x1  }
.Ltmp8:
0x12a: {  	vm0 =	vmand vm0, vm1;
	v7 =	vand.u32 $0xFF0, v7;
	(pc) =	sbr.rel @p3 .LBB2_19-.Ltmp8, $3  }
0x12b: {  	v7 =	vor.u32 v3, v7;
	_ =	sdelay $0x1  }
0x12c: {  	s0 =	simm.s32 $0x10  }
0x12d: {  	s3 =	sadd.s32 $0xFFFFFFFF, s3;
	s4 =	simm.s32 $0x10020;
	p2 =	por $0x1, $0x1;
	v10 =	vor.u32 s0, v3;
	v11 =	vshrl.u32 v9, $0x18  }
.LBB2_20:
0x12e: {  	p3 =	seq.s32 s3, $0x1;
	s3 =	sadd.s32 $0xFFFFFFFF, s3;
	vm1 =	vlt.s32 v10, v8;
	vm2 =	veq.s32 v11, v6;
	v10 =	vshrl.u32 v9, $0xC;
	v9 =	vld [tilespmem:s4+$0x0]  }
.Ltmp9:
0x12f: {  	v10 =	vand.u32 $0xFF0, v10;
	[tilespmem:v7+s16+$0x0] =	vst.idx.add.s32.msk vm0, v4;
	vm0 =	vmand vm1, vm2;
	(pc) =	sbr.rel @!p3 .LBB2_20-.Ltmp9, $3  }
0x130: {  	v7 =	vor.u32 v3, v10;
	_ =	sdelay $0x1  }
0x131: {  	s0 =	sadd.s32 $0x10, s0  }
0x132: {  	s4 =	sadd.s32 $0x10, s4;
	v10 =	vor.u32 s0, v3;
	v11 =	vshrl.u32 v9, $0x18  }
0x133: {  	v12 =	vmov v9  }
.LBB2_22:
0x134: {  	vm1 =	vlt.s32 v10, v8;
	vm2 =	veq.s32 v11, v6;
	v6 =	vshrl.u32 v12, $0xC  }
0x135: {  	vm1 =	vmand vm1, vm2;
	v6 =	vand.u32 $0xFF0, v6  }
0x136: {  	v6 =	vor.u32 v3, v6;
	_ =	sdelay $0x3  }
0x137: {  	[tilespmem:v7+s16+$0x0] =	vst.idx.add.s32.msk @p2 vm0, v4  }
0x138: {  	[tilespmem:v6+s16+$0x0] =	vst.idx.add.s32.msk vm1, v4  }
.LBB2_11:
0x139: {  	s3 =	simm.s32 $0x19070  }
0x13a: {  	v9 =	vld [tilespmem:s3+$0x0]  }
0x13b: {  	v10 =	vld [tilespmem:s3+$0xFFFFFFF0]  }
0x13c: {  	[tilespmem:s3+$0x0] =	vst v2;
	v11 =	vld [tilespmem:s3+$0xFFFFFFE0]  }
0x13d: {  	[tilespmem:s3+$0xFFFFFFE0] =	vst v2;
	v6 =	vld [tilespmem:s3+$0xFFFFFFD0]  }
0x13e: {  	v7 =	vimm.s32 $0x0;
	[tilespmem:s3+$0xFFFFFFD0] =	vst v2  }
0x13f: {  	s0 =	simm.s32 $0x190A0;
	[tilespmem:s3+$0xFFFFFFF0] =	vst v2;
	v7 =	vadd.s32 v7, v9  }
0x140: {  	[tilespmem:s0+$0xFFFFFFE0] =	vst v7;
	v7 =	vadd.s32 v7, v10  }
0x141: {  	s4 =	simm.s32 $0x19030;
	s3 =	simm.s32 $0x0;
	[tilespmem:s0+$0xFFFFFFF0] =	vst v7;
	v7 =	vadd.s32 v7, v11  }
.LBB2_12:
0x142: {  	v9 =	vld [tilespmem:s4+$0x0];
	s3 =	sadd.s32 $0x4, s3;
	[tilespmem:s0+$0x0] =	vst v7;
	v7 =	vadd.s32 v7, v6  }
0x143: {  	v10 =	vld [tilespmem:s4+$0xFFFFFFF0];
	p2 =	slt.u32 s3, $0xFC;
	[tilespmem:s0+$0x10] =	vst v7  }
0x144: {  	[tilespmem:s4+$0x0] =	vst v2;
	v11 =	vld [tilespmem:s4+$0xFFFFFFE0]  }
.Ltmp10:
0x145: {  	[tilespmem:s4+$0xFFFFFFE0] =	vst v2;
	v6 =	vld [tilespmem:s4+$0xFFFFFFD0];
	(pc) =	sbr.rel @p2 .LBB2_12-.Ltmp10, $4  }
0x146: {  	[tilespmem:s4+$0xFFFFFFD0] =	vst v2  }
0x147: {  	s0 =	sadd.s32 $0x40, s0;
	v7 =	vadd.s32 v7, v9;
	[tilespmem:s4+$0xFFFFFFF0] =	vst v2  }
0x148: {  	[tilespmem:s0+$0xFFFFFFE0] =	vst v7;
	v7 =	vadd.s32 v7, v10  }
0x149: {  	s4 =	sadd.s32 $0xFFFFFFC0, s4;
	[tilespmem:s0+$0xFFFFFFF0] =	vst v7;
	v7 =	vadd.s32 v7, v11  }
0x14a: {  	[tilespmem:s0+$0x0] =	vst v7;
	v6 =	vadd.s32 v7, v6  }
0x14b: {  	[tilespmem:s0+$0x10] =	vst v6  }
0x14c: {  	v6 =	vld [tilespmem:$0x19870];
	_ =	sdelay $0x4  }
0x14d: {  	(xrf0) =	vadd.scan.msk.s32 $0xffff, v6;
	_ =	sdelay $0x5  }
0x14e: {  	v6, _, _ =	vpop (xrf0)  }
0x14f: {  	(v2sf) =	vpush v6, $0xF;
	_ =	sdelay $0xe  }
0x150: {  	s6 =	spop (v2sf)  }
0x151: {  	s0 =	simm.s32 $0x80;
	p2 =	slt.s32 s6, s30  }
0x152: {  	s0 =	simm.s32 @!p2 $0x0  }
0x153: {  	s1 =	sshll.u32 s0, $0x4  }
0x154: {  	v6 =	vld [tilespmem:s1+$0x19470];
	_ =	sdelay $0x4  }
0x155: {  	(xrf0) =	vadd.scan.msk.s32 $0xffff, v6;
	_ =	sdelay $0x5  }
0x156: {  	v6, _, _ =	vpop (xrf0)  }
0x157: {  	(v2sf) =	vpush v6, $0xF;
	_ =	sdelay $0xe  }
0x158: {  	s12 =	spop (v2sf)  }
0x159: {  	s3 =	sor.u32 $0x40, s0;
	p2 =	slt.s32 s12, s30  }
0x15a: {  	s0 =	smov.u32 @p2 s3  }
0x15b: {  	s15 =	sshll.u32 s0, $0x4  }
0x15c: {  	v6 =	vld [tilespmem:s15+$0x19270];
	_ =	sdelay $0x4  }
0x15d: {  	(xrf0) =	vadd.scan.msk.s32 $0xffff, v6;
	_ =	sdelay $0x5  }
0x15e: {  	v6, _, _ =	vpop (xrf0)  }
0x15f: {  	(v2sf) =	vpush v6, $0xF;
	_ =	sdelay $0xe  }
0x160: {  	s24 =	spop (v2sf)  }
0x161: {  	s3 =	sor.u32 $0x20, s0;
	p2 =	slt.s32 s24, s30  }
0x162: {  	s0 =	smov.u32 @p2 s3  }
0x163: {  	s3 =	sshll.u32 s0, $0x4  }
0x164: {  	v6 =	vld [tilespmem:s3+$0x19170];
	_ =	sdelay $0x4  }
0x165: {  	(xrf0) =	vadd.scan.msk.s32 $0xffff, v6;
	_ =	sdelay $0x5  }
0x166: {  	v6, _, _ =	vpop (xrf0)  }
0x167: {  	(v2sf) =	vpush v6, $0xF;
	_ =	sdelay $0xe  }
0x168: {  	s4 =	spop (v2sf)  }
0x169: {  	s3 =	sor.u32 $0x10, s0;
	p2 =	slt.s32 s4, s30  }
0x16a: {  	s0 =	smov.u32 @p2 s3  }
0x16b: {  	s6 =	sshll.u32 s0, $0x4  }
0x16c: {  	s1 =	sand.u32 $0x3FFFFFF0, s6  }
0x16d: {  	v6 =	vld [tilespmem:s1+$0x190F0];
	_ =	sdelay $0x4  }
0x16e: {  	(xrf0) =	vadd.scan.msk.s32 $0xffff, v6;
	_ =	sdelay $0x5  }
0x16f: {  	v6, _, _ =	vpop (xrf0)  }
0x170: {  	(v2sf) =	vpush v6, $0xF;
	_ =	sdelay $0xe  }
0x171: {  	s12 =	spop (v2sf)  }
0x172: {  	s3 =	sadd.s32 $0x8, s0;
	p2 =	slt.s32 s12, s30  }
0x173: {  	s0 =	smov.u32 @p2 s3  }
0x174: {  	s15 =	sshll.u32 s0, $0x4  }
0x175: {  	s1 =	sand.u32 $0x3FFFFFF0, s15  }
0x176: {  	v6 =	vld [tilespmem:s1+$0x190B0];
	_ =	sdelay $0x4  }
0x177: {  	(xrf0) =	vadd.scan.msk.s32 $0xffff, v6;
	_ =	sdelay $0x5  }
0x178: {  	v6, _, _ =	vpop (xrf0)  }
0x179: {  	(v2sf) =	vpush v6, $0xF;
	_ =	sdelay $0xe  }
0x17a: {  	s24 =	spop (v2sf)  }
0x17b: {  	s3 =	sadd.s32 $0x4, s0;
	p2 =	slt.s32 s24, s30  }
0x17c: {  	s0 =	smov.u32 @p2 s3  }
0x17d: {  	s4 =	sshll.u32 s0, $0x4  }
0x17e: {  	s1 =	sand.u32 $0x3FFFFFF0, s4  }
0x17f: {  	v6 =	vld [tilespmem:s1+$0x19090];
	_ =	sdelay $0x4  }
0x180: {  	(xrf0) =	vadd.scan.msk.s32 $0xffff, v6;
	_ =	sdelay $0x5  }
0x181: {  	v6, _, _ =	vpop (xrf0)  }
0x182: {  	(v2sf) =	vpush v6, $0xF;
	_ =	sdelay $0xe  }
0x183: {  	s6 =	spop (v2sf)  }
0x184: {  	s3 =	sadd.s32 $0x2, s0;
	p2 =	slt.s32 s6, s30  }
0x185: {  	s0 =	smov.u32 @p2 s3  }
0x186: {  	s12 =	sshll.u32 s0, $0x4  }
0x187: {  	s1 =	sand.u32 $0x3FFFFFF0, s12  }
0x188: {  	v6 =	vld [tilespmem:s1+$0x19080];
	_ =	sdelay $0x4  }
0x189: {  	(xrf0) =	vadd.scan.msk.s32 $0xffff, v6;
	_ =	sdelay $0x5  }
0x18a: {  	v6, _, _ =	vpop (xrf0)  }
0x18b: {  	(v2sf) =	vpush v6, $0xF;
	_ =	sdelay $0xe  }
0x18c: {  	s15 =	spop (v2sf)  }
0x18d: {  	s1 =	simm.s32 $0x1;
	p2 =	slt.s32 s15, s30  }
0x18e: {  	s1 =	simm.s32 @!p2 $0x0  }
0x18f: {  	s4 =	sadd.s32 s1, s0  }
0x190: {  	s0 =	smax.u32 s4, $0x1  }
0x191: {  	s0 =	sshll.u32 s0, $0x4  }
0x192: {  	s0 =	sand.u32 $0x3FFFFFF0, s0  }
0x193: {  	v6 =	vld [tilespmem:s0+$0x19070];
	_ =	sdelay $0x4  }
0x194: {  	(xrf0) =	vadd.scan.msk.s32 $0xffff, v6;
	_ =	sdelay $0x5  }
0x195: {  	v6, _, _ =	vpop (xrf0)  }
0x196: {  	(v2sf) =	vpush v6, $0xF;
	_ =	sdelay $0xa  }
.Ltmp11:
0x197: {  	_ = 	snop;
	(pc) =	sbr.rel @!p1 .LBB2_28-.Ltmp11, $3  }
0x198: {  	_ =	sdelay $0x1  }
0x199: {  	s24 =	sshll.u32 s28, $0x8;
	s31 =	ssub.s32 $0xFF, s4  }
0x19a: {  	s0 =	sor.u32 s24, s31;
	s3 =	spop (v2sf)  }
0x19b: {  	s1 =	simm.s32 $0x10000  }
0x19c: {  	v12 =	vld [tilespmem:s1+$0x0]  }
.Ltmp12:
0x19d: {  	_ = 	snop;
	(pc) =	sbr.rel @p0 .LBB2_15-.Ltmp12, $3  }
0x19e: {  	_ =	sdelay $0x1  }
0x19f: {  	s24 =	simm.s32 $0x0  }
0x1a0: {  	v6 =	vmov s0;
	s12 =	sadd.s32 $0xFFFFFFFF, s29;
	s6 =	simm.s32 $0x10010;
	p2 =	por $0x0, $0x0;
	v10 =	vor.u32 s24, v3;
	v11 =	vshrl.u32 v12, $0x10  }
0x1a1: {  	v9 =	vld [tilespmem:s6+$0x0];
	vm0 =	vlt.s32 v10, v8;
	vm1 =	veq.s32 v11, v6;
	v7 =	vshrl.u32 v12, $0x4;
	p3 =	seq.s32 s12, $0x1  }
.Ltmp13:
0x1a2: {  	vm0 =	vmand vm0, vm1;
	v7 =	vand.u32 $0xFF0, v7;
	(pc) =	sbr.rel @p3 .LBB2_24-.Ltmp13, $3  }
0x1a3: {  	v7 =	vor.u32 v3, v7;
	_ =	sdelay $0x1  }
0x1a4: {  	s6 =	simm.s32 $0x10  }
0x1a5: {  	s12 =	sadd.s32 $0xFFFFFFFF, s12;
	s15 =	simm.s32 $0x10020;
	p2 =	por $0x1, $0x1;
	v10 =	vor.u32 s6, v3;
	v11 =	vshrl.u32 v9, $0x10  }
.LBB2_25:
0x1a6: {  	p3 =	seq.s32 s12, $0x1;
	s12 =	sadd.s32 $0xFFFFFFFF, s12;
	vm1 =	vlt.s32 v10, v8;
	vm2 =	veq.s32 v11, v6;
	v10 =	vshrl.u32 v9, $0x4;
	v9 =	vld [tilespmem:s15+$0x0]  }
.Ltmp14:
0x1a7: {  	v10 =	vand.u32 $0xFF0, v10;
	[tilespmem:v7+s16+$0x0] =	vst.idx.add.s32.msk vm0, v4;
	vm0 =	vmand vm1, vm2;
	(pc) =	sbr.rel @!p3 .LBB2_25-.Ltmp14, $3  }
0x1a8: {  	v7 =	vor.u32 v3, v10;
	_ =	sdelay $0x1  }
0x1a9: {  	s6 =	sadd.s32 $0x10, s6  }
0x1aa: {  	s15 =	sadd.s32 $0x10, s15;
	v10 =	vor.u32 s6, v3;
	v11 =	vshrl.u32 v9, $0x10  }
0x1ab: {  	v12 =	vmov v9  }
.LBB2_27:
0x1ac: {  	vm1 =	vlt.s32 v10, v8;
	vm2 =	veq.s32 v11, v6;
	v6 =	vshrl.u32 v12, $0x4  }
0x1ad: {  	vm1 =	vmand vm1, vm2;
	v6 =	vand.u32 $0xFF0, v6  }
0x1ae: {  	v6 =	vor.u32 v3, v6;
	_ =	sdelay $0x3  }
0x1af: {  	[tilespmem:v7+s16+$0x0] =	vst.idx.add.s32.msk @p2 vm0, v4  }
0x1b0: {  	[tilespmem:v6+s16+$0x0] =	vst.idx.add.s32.msk vm1, v4  }
.LBB2_28:
0x1b1: {  	s24 =	simm.s32 $0x19070  }
0x1b2: {  	v9 =	vld [tilespmem:s24+$0x0]  }
0x1b3: {  	v10 =	vld [tilespmem:s24+$0xFFFFFFF0]  }
0x1b4: {  	[tilespmem:s24+$0x0] =	vst v2;
	v11 =	vld [tilespmem:s24+$0xFFFFFFE0]  }
0x1b5: {  	p2 =	seq.s32 s4, $0x0;
	[tilespmem:s24+$0xFFFFFFE0] =	vst v2;
	v6 =	vld [tilespmem:s24+$0xFFFFFFD0]  }
0x1b6: {  	v7 =	vimm.s32 $0x0;
	s3 =	simm.s32 @p2 $0x0;
	[tilespmem:s24+$0xFFFFFFD0] =	vst v2  }
0x1b7: {  	[tilespmem:s24+$0xFFFFFFF0] =	vst v2;
	s30 =	ssub.s32 s30, s3;
	s3 =	simm.s32 $0x190A0;
	v7 =	vadd.s32 v7, v9  }
0x1b8: {  	[tilespmem:s3+$0xFFFFFFE0] =	vst v7;
	v7 =	vadd.s32 v7, v10  }
0x1b9: {  	s4 =	simm.s32 $0x0;
	s6 =	simm.s32 $0x19030;
	[tilespmem:s3+$0xFFFFFFF0] =	vst v7;
	v7 =	vadd.s32 v7, v11  }
.LBB2_29:
0x1ba: {  	v9 =	vld [tilespmem:s6+$0x0];
	s4 =	sadd.s32 $0x4, s4;
	[tilespmem:s3+$0x0] =	vst v7;
	v7 =	vadd.s32 v7, v6  }
0x1bb: {  	v10 =	vld [tilespmem:s6+$0xFFFFFFF0];
	p2 =	slt.u32 s4, $0xFC;
	[tilespmem:s3+$0x10] =	vst v7  }
0x1bc: {  	[tilespmem:s6+$0x0] =	vst v2;
	v11 =	vld [tilespmem:s6+$0xFFFFFFE0]  }
.Ltmp15:
0x1bd: {  	[tilespmem:s6+$0xFFFFFFE0] =	vst v2;
	v6 =	vld [tilespmem:s6+$0xFFFFFFD0];
	(pc) =	sbr.rel @p2 .LBB2_29-.Ltmp15, $4  }
0x1be: {  	[tilespmem:s6+$0xFFFFFFD0] =	vst v2  }
0x1bf: {  	s3 =	sadd.s32 $0x40, s3;
	v7 =	vadd.s32 v7, v9;
	[tilespmem:s6+$0xFFFFFFF0] =	vst v2  }
0x1c0: {  	[tilespmem:s3+$0xFFFFFFE0] =	vst v7;
	v7 =	vadd.s32 v7, v10  }
0x1c1: {  	s6 =	sadd.s32 $0xFFFFFFC0, s6;
	[tilespmem:s3+$0xFFFFFFF0] =	vst v7;
	v7 =	vadd.s32 v7, v11  }
0x1c2: {  	[tilespmem:s3+$0x0] =	vst v7;
	v6 =	vadd.s32 v7, v6  }
0x1c3: {  	[tilespmem:s3+$0x10] =	vst v6  }
0x1c4: {  	v6 =	vld [tilespmem:$0x19870];
	_ =	sdelay $0x4  }
0x1c5: {  	(xrf0) =	vadd.scan.msk.s32 $0xffff, v6;
	_ =	sdelay $0x5  }
0x1c6: {  	v6, _, _ =	vpop (xrf0)  }
0x1c7: {  	(v2sf) =	vpush v6, $0xF;
	_ =	sdelay $0xe  }
0x1c8: {  	s1 =	spop (v2sf)  }
0x1c9: {  	s3 =	simm.s32 $0x80;
	p2 =	slt.s32 s1, s30  }
0x1ca: {  	s3 =	simm.s32 @!p2 $0x0  }
0x1cb: {  	s15 =	sshll.u32 s3, $0x4  }
0x1cc: {  	v6 =	vld [tilespmem:s15+$0x19470];
	_ =	sdelay $0x4  }
0x1cd: {  	(xrf0) =	vadd.scan.msk.s32 $0xffff, v6;
	_ =	sdelay $0x5  }
0x1ce: {  	v6, _, _ =	vpop (xrf0)  }
0x1cf: {  	(v2sf) =	vpush v6, $0xF;
	_ =	sdelay $0xe  }
0x1d0: {  	s24 =	spop (v2sf)  }
0x1d1: {  	s4 =	sor.u32 $0x40, s3;
	p2 =	slt.s32 s24, s30  }
0x1d2: {  	s3 =	smov.u32 @p2 s4  }
0x1d3: {  	s6 =	sshll.u32 s3, $0x4  }
0x1d4: {  	v6 =	vld [tilespmem:s6+$0x19270];
	_ =	sdelay $0x4  }
0x1d5: {  	(xrf0) =	vadd.scan.msk.s32 $0xffff, v6;
	_ =	sdelay $0x5  }
0x1d6: {  	v6, _, _ =	vpop (xrf0)  }
0x1d7: {  	(v2sf) =	vpush v6, $0xF;
	_ =	sdelay $0xe  }
0x1d8: {  	s12 =	spop (v2sf)  }
0x1d9: {  	s4 =	sor.u32 $0x20, s3;
	p2 =	slt.s32 s12, s30  }
0x1da: {  	s3 =	smov.u32 @p2 s4  }
0x1db: {  	s15 =	sshll.u32 s3, $0x4  }
0x1dc: {  	v6 =	vld [tilespmem:s15+$0x19170];
	_ =	sdelay $0x4  }
0x1dd: {  	(xrf0) =	vadd.scan.msk.s32 $0xffff, v6;
	_ =	sdelay $0x5  }
0x1de: {  	v6, _, _ =	vpop (xrf0)  }
0x1df: {  	(v2sf) =	vpush v6, $0xF;
	_ =	sdelay $0xe  }
0x1e0: {  	s24 =	spop (v2sf)  }
0x1e1: {  	s4 =	sor.u32 $0x10, s3;
	p2 =	slt.s32 s24, s30  }
0x1e2: {  	s3 =	smov.u32 @p2 s4  }
0x1e3: {  	s6 =	sshll.u32 s3, $0x4  }
0x1e4: {  	s1 =	sand.u32 $0x3FFFFFF0, s6  }
0x1e5: {  	v6 =	vld [tilespmem:s1+$0x190F0];
	_ =	sdelay $0x4  }
0x1e6: {  	(xrf0) =	vadd.scan.msk.s32 $0xffff, v6;
	_ =	sdelay $0x5  }
0x1e7: {  	v6, _, _ =	vpop (xrf0)  }
0x1e8: {  	(v2sf) =	vpush v6, $0xF;
	_ =	sdelay $0xe  }
0x1e9: {  	s12 =	spop (v2sf)  }
0x1ea: {  	s4 =	sadd.s32 $0x8, s3;
	p2 =	slt.s32 s12, s30  }
0x1eb: {  	s3 =	smov.u32 @p2 s4  }
0x1ec: {  	s15 =	sshll.u32 s3, $0x4  }
0x1ed: {  	s1 =	sand.u32 $0x3FFFFFF0, s15  }
0x1ee: {  	v6 =	vld [tilespmem:s1+$0x190B0];
	_ =	sdelay $0x4  }
0x1ef: {  	(xrf0) =	vadd.scan.msk.s32 $0xffff, v6;
	_ =	sdelay $0x5  }
0x1f0: {  	v6, _, _ =	vpop (xrf0)  }
0x1f1: {  	(v2sf) =	vpush v6, $0xF;
	_ =	sdelay $0xe  }
0x1f2: {  	s24 =	spop (v2sf)  }
0x1f3: {  	s4 =	sadd.s32 $0x4, s3;
	p2 =	slt.s32 s24, s30  }
0x1f4: {  	s3 =	smov.u32 @p2 s4  }
0x1f5: {  	s6 =	sshll.u32 s3, $0x4  }
0x1f6: {  	s1 =	sand.u32 $0x3FFFFFF0, s6  }
0x1f7: {  	v6 =	vld [tilespmem:s1+$0x19090];
	_ =	sdelay $0x4  }
0x1f8: {  	(xrf0) =	vadd.scan.msk.s32 $0xffff, v6;
	_ =	sdelay $0x5  }
0x1f9: {  	v6, _, _ =	vpop (xrf0)  }
0x1fa: {  	(v2sf) =	vpush v6, $0xF;
	_ =	sdelay $0xe  }
0x1fb: {  	s12 =	spop (v2sf)  }
0x1fc: {  	s4 =	sadd.s32 $0x2, s3;
	p2 =	slt.s32 s12, s30  }
0x1fd: {  	s3 =	smov.u32 @p2 s4  }
0x1fe: {  	s15 =	sshll.u32 s3, $0x4  }
0x1ff: {  	s1 =	sand.u32 $0x3FFFFFF0, s15  }
0x200: {  	v6 =	vld [tilespmem:s1+$0x19080];
	_ =	sdelay $0x4  }
0x201: {  	(xrf0) =	vadd.scan.msk.s32 $0xffff, v6;
	_ =	sdelay $0x5  }
0x202: {  	v6, _, _ =	vpop (xrf0)  }
0x203: {  	(v2sf) =	vpush v6, $0xF;
	_ =	sdelay $0xe  }
0x204: {  	s24 =	spop (v2sf)  }
0x205: {  	s1 =	simm.s32 $0x1;
	p2 =	slt.s32 s24, s30  }
0x206: {  	s1 =	simm.s32 @!p2 $0x0  }
0x207: {  	s3 =	sadd.s32 s1, s3  }
0x208: {  	s1 =	smax.u32 s3, $0x1  }
0x209: {  	s1 =	sshll.u32 s1, $0x4  }
0x20a: {  	s1 =	sand.u32 $0x3FFFFFF0, s1  }
0x20b: {  	v6 =	vld [tilespmem:s1+$0x19070];
	_ =	sdelay $0x4  }
0x20c: {  	(xrf0) =	vadd.scan.msk.s32 $0xffff, v6;
	_ =	sdelay $0x5  }
0x20d: {  	v6, _, _ =	vpop (xrf0)  }
0x20e: {  	(v2sf) =	vpush v6, $0xF;
	_ =	sdelay $0xa  }
.Ltmp16:
0x20f: {  	_ = 	snop;
	(pc) =	sbr.rel @!p1 .LBB2_31-.Ltmp16, $2  }
0x210: {  	_ =	sdelay $0x2  }
0x211: {  	s4 =	ssub.s32 $0xFF, s3;
	s6 =	spop (v2sf)  }
0x212: {  	s1 =	simm.s32 $0x10000  }
0x213: {  	v12 =	vld [tilespmem:s1+$0x0]  }
.Ltmp17:
0x214: {  	_ = 	snop;
	(pc) =	sbr.rel @p0 .LBB2_37-.Ltmp17, $4  }
0x215: {  	_ = 	snop  }
0x216: {  	s0 =	sshll.u32 s0, $0x8  }
0x217: {  	s24 =	simm.s32 $0x0;
	s0 =	sor.u32 s0, s4  }
0x218: {  	s12 =	sadd.s32 $0xFFFFFFFF, s29;
	p1 =	por $0x0, $0x0;
	v10 =	vor.u32 s24, v3;
	v6 =	vmov s0;
	s0 =	simm.s32 $0x10010;
	v11 =	vshrl.u32 v12, $0x8  }
0x219: {  	v9 =	vld [tilespmem:s0+$0x0];
	vm0 =	vlt.s32 v10, v8;
	vm1 =	veq.s32 v11, v6;
	v7 =	vshll.u32 v12, $0x4;
	p2 =	seq.s32 s12, $0x1  }
.Ltmp18:
0x21a: {  	vm0 =	vmand vm0, vm1;
	v7 =	vor.u32 v3, v7;
	(pc) =	sbr.rel @p2 .LBB2_39-.Ltmp18, $3  }
0x21b: {  	v7 =	vand.u32 $0xFFF, v7;
	_ =	sdelay $0x1  }
0x21c: {  	s0 =	simm.s32 $0x10  }
0x21d: {  	s12 =	sadd.s32 $0xFFFFFFFF, s12;
	s15 =	simm.s32 $0x10020;
	p1 =	por $0x1, $0x1;
	v10 =	vor.u32 s0, v3;
	v11 =	vshrl.u32 v9, $0x8  }
.LBB2_40:
0x21e: {  	p2 =	seq.s32 s12, $0x1;
	s12 =	sadd.s32 $0xFFFFFFFF, s12;
	vm1 =	vlt.s32 v10, v8;
	vm2 =	veq.s32 v11, v6;
	v10 =	vshll.u32 v9, $0x4;
	v9 =	vld [tilespmem:s15+$0x0]  }
.Ltmp19:
0x21f: {  	v10 =	vor.u32 v3, v10;
	[tilespmem:v7+s16+$0x0] =	vst.idx.add.s32.msk vm0, v4;
	vm0 =	vmand vm1, vm2;
	(pc) =	sbr.rel @!p2 .LBB2_40-.Ltmp19, $3  }
0x220: {  	v7 =	vand.u32 $0xFFF, v10;
	_ =	sdelay $0x1  }
0x221: {  	s0 =	sadd.s32 $0x10, s0  }
0x222: {  	s15 =	sadd.s32 $0x10, s15;
	v10 =	vor.u32 s0, v3;
	v11 =	vshrl.u32 v9, $0x8  }
0x223: {  	v12 =	vmov v9  }
.LBB2_42:
0x224: {  	vm1 =	vlt.s32 v10, v8;
	vm2 =	veq.s32 v11, v6;
	v6 =	vshll.u32 v12, $0x4  }
0x225: {  	vm1 =	vmand vm1, vm2;
	v6 =	vor.u32 v3, v6  }
0x226: {  	v6 =	vand.u32 $0xFFF, v6;
	_ =	sdelay $0x3  }
0x227: {  	[tilespmem:v7+s16+$0x0] =	vst.idx.add.s32.msk @p1 vm0, v4  }
0x228: {  	[tilespmem:v6+s16+$0x0] =	vst.idx.add.s32.msk vm1, v4  }
.LBB2_31:
0x229: {  	s24 =	simm.s32 $0x19070  }
0x22a: {  	v9 =	vld [tilespmem:s24+$0x0]  }
0x22b: {  	v10 =	vld [tilespmem:s24+$0xFFFFFFF0]  }
0x22c: {  	[tilespmem:s24+$0x0] =	vst v2;
	v11 =	vld [tilespmem:s24+$0xFFFFFFE0]  }
0x22d: {  	[tilespmem:s24+$0xFFFFFFE0] =	vst v2;
	v6 =	vld [tilespmem:s24+$0xFFFFFFD0]  }
0x22e: {  	v7 =	vimm.s32 $0x0;
	[tilespmem:s24+$0xFFFFFFD0] =	vst v2  }
0x22f: {  	p1 =	seq.s32 s3, $0x0;
	s3 =	simm.s32 $0x190A0;
	[tilespmem:s24+$0xFFFFFFF0] =	vst v2;
	v7 =	vadd.s32 v7, v9  }
0x230: {  	s6 =	simm.s32 @p1 $0x0;
	[tilespmem:s3+$0xFFFFFFE0] =	vst v7;
	v7 =	vadd.s32 v7, v10  }
0x231: {  	s0 =	ssub.s32 s30, s6;
	s6 =	simm.s32 $0x0;
	s30 =	simm.s32 $0x19030;
	[tilespmem:s3+$0xFFFFFFF0] =	vst v7;
	v7 =	vadd.s32 v7, v11  }
.LBB2_32:
0x232: {  	v9 =	vld [tilespmem:s30+$0x0];
	s6 =	sadd.s32 $0x4, s6;
	[tilespmem:s3+$0x0] =	vst v7;
	v7 =	vadd.s32 v7, v6  }
0x233: {  	v10 =	vld [tilespmem:s30+$0xFFFFFFF0];
	p1 =	slt.u32 s6, $0xFC;
	[tilespmem:s3+$0x10] =	vst v7  }
0x234: {  	[tilespmem:s30+$0x0] =	vst v2;
	v11 =	vld [tilespmem:s30+$0xFFFFFFE0]  }
.Ltmp20:
0x235: {  	[tilespmem:s30+$0xFFFFFFE0] =	vst v2;
	v6 =	vld [tilespmem:s30+$0xFFFFFFD0];
	(pc) =	sbr.rel @p1 .LBB2_32-.Ltmp20, $4  }
0x236: {  	[tilespmem:s30+$0xFFFFFFD0] =	vst v2  }
0x237: {  	s3 =	sadd.s32 $0x40, s3;
	v7 =	vadd.s32 v7, v9;
	[tilespmem:s30+$0xFFFFFFF0] =	vst v2  }
0x238: {  	[tilespmem:s3+$0xFFFFFFE0] =	vst v7;
	v7 =	vadd.s32 v7, v10  }
0x239: {  	s30 =	sadd.s32 $0xFFFFFFC0, s30;
	[tilespmem:s3+$0xFFFFFFF0] =	vst v7;
	v7 =	vadd.s32 v7, v11  }
0x23a: {  	[tilespmem:s3+$0x0] =	vst v7;
	v6 =	vadd.s32 v7, v6  }
0x23b: {  	[tilespmem:s3+$0x10] =	vst v6  }
0x23c: {  	v6 =	vld [tilespmem:$0x19870];
	_ =	sdelay $0x4  }
0x23d: {  	(xrf0) =	vadd.scan.msk.s32 $0xffff, v6;
	_ =	sdelay $0x5  }
0x23e: {  	v6, _, _ =	vpop (xrf0)  }
0x23f: {  	(v2sf) =	vpush v6, $0xF;
	_ =	sdelay $0xe  }
0x240: {  	s1 =	spop (v2sf)  }
0x241: {  	s3 =	simm.s32 $0x80;
	p1 =	slt.s32 s1, s0  }
0x242: {  	s3 =	simm.s32 @!p1 $0x0  }
0x243: {  	s24 =	sshll.u32 s3, $0x4  }
0x244: {  	v6 =	vld [tilespmem:s24+$0x19470];
	_ =	sdelay $0x4  }
0x245: {  	(xrf0) =	vadd.scan.msk.s32 $0xffff, v6;
	_ =	sdelay $0x5  }
0x246: {  	v6, _, _ =	vpop (xrf0)  }
0x247: {  	(v2sf) =	vpush v6, $0xF;
	_ =	sdelay $0xe  }
0x248: {  	s30 =	spop (v2sf)  }
0x249: {  	s6 =	sor.u32 $0x40, s3;
	p1 =	slt.s32 s30, s0  }
0x24a: {  	s3 =	smov.u32 @p1 s6  }
0x24b: {  	s12 =	sshll.u32 s3, $0x4  }
0x24c: {  	v6 =	vld [tilespmem:s12+$0x19270];
	_ =	sdelay $0x4  }
0x24d: {  	(xrf0) =	vadd.scan.msk.s32 $0xffff, v6;
	_ =	sdelay $0x5  }
0x24e: {  	v6, _, _ =	vpop (xrf0)  }
0x24f: {  	(v2sf) =	vpush v6, $0xF;
	_ =	sdelay $0xe  }
0x250: {  	s15 =	spop (v2sf)  }
0x251: {  	s6 =	sor.u32 $0x20, s3;
	p1 =	slt.s32 s15, s0  }
0x252: {  	s3 =	smov.u32 @p1 s6  }
0x253: {  	s24 =	sshll.u32 s3, $0x4  }
0x254: {  	v6 =	vld [tilespmem:s24+$0x19170];
	_ =	sdelay $0x4  }
0x255: {  	(xrf0) =	vadd.scan.msk.s32 $0xffff, v6;
	_ =	sdelay $0x5  }
0x256: {  	v6, _, _ =	vpop (xrf0)  }
0x257: {  	(v2sf) =	vpush v6, $0xF;
	_ =	sdelay $0xe  }
0x258: {  	s30 =	spop (v2sf)  }
0x259: {  	s6 =	sor.u32 $0x10, s3;
	p1 =	slt.s32 s30, s0  }
0x25a: {  	s3 =	smov.u32 @p1 s6  }
0x25b: {  	s12 =	sshll.u32 s3, $0x4  }
0x25c: {  	s1 =	sand.u32 $0x3FFFFFF0, s12  }
0x25d: {  	v6 =	vld [tilespmem:s1+$0x190F0];
	_ =	sdelay $0x4  }
0x25e: {  	(xrf0) =	vadd.scan.msk.s32 $0xffff, v6;
	_ =	sdelay $0x5  }
0x25f: {  	v6, _, _ =	vpop (xrf0)  }
0x260: {  	(v2sf) =	vpush v6, $0xF;
	_ =	sdelay $0xe  }
0x261: {  	s15 =	spop (v2sf)  }
0x262: {  	s6 =	sadd.s32 $0x8, s3;
	p1 =	slt.s32 s15, s0  }
0x263: {  	s3 =	smov.u32 @p1 s6  }
0x264: {  	s24 =	sshll.u32 s3, $0x4  }
0x265: {  	s1 =	sand.u32 $0x3FFFFFF0, s24  }
0x266: {  	v6 =	vld [tilespmem:s1+$0x190B0];
	_ =	sdelay $0x4  }
0x267: {  	(xrf0) =	vadd.scan.msk.s32 $0xffff, v6;
	_ =	sdelay $0x5  }
0x268: {  	v6, _, _ =	vpop (xrf0)  }
0x269: {  	(v2sf) =	vpush v6, $0xF;
	_ =	sdelay $0xe  }
0x26a: {  	s30 =	spop (v2sf)  }
0x26b: {  	s6 =	sadd.s32 $0x4, s3;
	p1 =	slt.s32 s30, s0  }
0x26c: {  	s3 =	smov.u32 @p1 s6  }
0x26d: {  	s6 =	sshll.u32 s3, $0x4  }
0x26e: {  	s1 =	sand.u32 $0x3FFFFFF0, s6  }
0x26f: {  	v6 =	vld [tilespmem:s1+$0x19090];
	_ =	sdelay $0x4  }
0x270: {  	(xrf0) =	vadd.scan.msk.s32 $0xffff, v6;
	_ =	sdelay $0x5  }
0x271: {  	v6, _, _ =	vpop (xrf0)  }
0x272: {  	(v2sf) =	vpush v6, $0xF;
	_ =	sdelay $0xe  }
0x273: {  	s12 =	spop (v2sf)  }
0x274: {  	s6 =	sadd.s32 $0x2, s3;
	p1 =	slt.s32 s12, s0  }
0x275: {  	s3 =	smov.u32 @p1 s6  }
0x276: {  	s15 =	sshll.u32 s3, $0x4  }
0x277: {  	s1 =	sand.u32 $0x3FFFFFF0, s15  }
0x278: {  	v6 =	vld [tilespmem:s1+$0x19080];
	_ =	sdelay $0x4  }
0x279: {  	(xrf0) =	vadd.scan.msk.s32 $0xffff, v6;
	_ =	sdelay $0x5  }
0x27a: {  	v6, _, _ =	vpop (xrf0)  }
0x27b: {  	(v2sf) =	vpush v6, $0xF;
	_ =	sdelay $0xe  }
0x27c: {  	s24 =	spop (v2sf)  }
0x27d: {  	p1 =	slt.s32 s24, s0;
	s0 =	simm.s32 $0xFE  }
0x27e: {  	s0 =	simm.s32 @!p1 $0xFF;
	p1 =	slt.s32 s29, $0x1  }
.Ltmp21:
0x27f: {  	s31 =	sshll.u32 s31, $0x10;
	s30 =	sshll.u32 s28, $0x18;
	(pc) =	sbr.rel @p1 .LBB2_49-.Ltmp21, $4  }
0x280: {  	s4 =	sshll.u32 s4, $0x8;
	s1 =	sor.u32 s30, s31  }
0x281: {  	s1 =	sor.u32 s4, s1;
	s0 =	ssub.s32 s0, s3  }
0x282: {  	s0 =	sor.u32 s0, s1  }
0x283: {  	s0 =	sxor.u32 $0x80000000, s0  }
0x284: {  	s3 =	simm.s32 $0x10000  }
0x285: {  	p2 =	sne.s32 s29, $0x1;
	v9 =	vld [tilespmem:s3+$0x0]  }
.Ltmp22:
0x286: {  	_ = 	snop;
	(pc) =	sbr.rel @!p2 .LBB2_35-.Ltmp22, $3  }
0x287: {  	_ =	sdelay $0x1  }
0x288: {  	s4 =	simm.s32 $0x0  }
0x289: {  	v6 =	vimm.f32 $-Inf;
	s6 =	simm.s32 $0x10010;
	p1 =	por $0x0, $0x0;
	s3 =	sadd.s32 $0xFFFFFFFF, s29;
	vm0 =	vgt.s32 v9, $0xFFFFFFFF  }
0x28a: {  	v7 =	vld [tilespmem:s6+$0x0];
	p2 =	sne.s32 s3, $0x1  }
.Ltmp23:
0x28b: {  	_ = 	snop;
	(pc) =	sbr.rel @!p2 .LBB2_44-.Ltmp23, $4  }
0x28c: {  	v10 =	vsel vm0, $0xFFFFFFFF, v5  }
0x28d: {  	v11 =	vor.u32 s4, v3;
	v9 =	vxor.u32 v9, v10  }
0x28e: {  	s28 =	sadd.s32 $0xFFFFFFFF, s3;
	vm0 =	vlt.s32 v11, v8;
	v9 =	vmax.f32 v6, v9  }
0x28f: {  	s12 =	simm.s32 $0x10020;
	p1 =	por $0x1, $0x1;
	s6 =	simm.s32 $0x0;
	v6 =	vsel vm0, v9, v6;
	vm0 =	vgt.s32 v7, $0xFFFFFFFF  }
.LBB2_45:
0x290: {  	v9 =	vld [tilespmem:s12+$0x0];
	p2 =	sne.s32 s28, $0x1;
	s28 =	sadd.s32 $0xFFFFFFFF, s28;
	v10 =	vsel vm0, $0xFFFFFFFF, v5;
	s6 =	sadd.s32 $0x10, s6  }
.Ltmp24:
0x291: {  	v11 =	vor.u32 s6, v3;
	v7 =	vxor.u32 v7, v10;
	(pc) =	sbr.rel @p2 .LBB2_45-.Ltmp24, $3  }
0x292: {  	vm0 =	vlt.s32 v11, v8;
	v7 =	vmax.f32 v6, v7  }
0x293: {  	v6 =	vsel vm0, v7, v6;
	_ =	sdelay $0x1  }
0x294: {  	s12 =	sadd.s32 $0x10, s12;
	vm0 =	vgt.s32 v9, $0xFFFFFFFF;
	v7 =	vmov v9  }
0x295: {  	v9 =	vmov v7  }
.LBB2_47:
0x296: {  	s1 =	sadd.s32 @p1 $0x10, s6  }
0x297: {  	v7 =	vsel vm0, $0xFFFFFFFF, v5;
	s4 =	smov.u32 @p1 s1  }
0x298: {  	v7 =	vxor.u32 v9, v7;
	v10 =	vor.u32 s4, v3  }
0x299: {  	v7 =	vmax.f32 v6, v7;
	vm15 =	vlt.s32 v10, v8  }
0x29a: {  	v6 =	vsel vm15, v7, v6  }
0x29b: {  	(xrf0) =	vmax.scan.msk.f32 $0xffff, v6  }
0x29c: {  	s31 =	simm.s32 $0x10000  }
0x29d: {  	v16 =	vld [tilespmem:s31+$0x0]  }
.Ltmp25:
0x29e: {  	_ = 	snop;
	(pc) =	sbr.rel @p0 .LBB2_48-.Ltmp25, $3  }
0x29f: {  	_ =	sdelay $0x1  }
0x2a0: {  	p2 =	por $0x0, $0x0;
	p3 =	por $0x0, $0x0;
	v9 =	vimm.f32 $0.0e+00;
	v7, _, _ =	vpop (xrf0)  }
0x2a1: {  	p1 =	por $0x0, $0x0;
	s4 =	simm.s32 $0x10010;
	v6 =	vmov s0;
	s0 =	simm.s32 $0x0;
	v10 =	vxor.u32 $0x80000000, v16;
	v7 =	vbroadcast v7, $0xF  }
0x2a2: {  	v14 =	vld [tilespmem:s4+$0x0];
	p0 =	seq.s32 s3, $0x1  }
.Ltmp26:
0x2a3: {  	vm0 =	vlt.s32 v16, $0x0;
	v11 =	vxor.u32 $0xFFFFFFFF, v16;
	(pc) =	sbr.rel @p0 .LBB2_66-.Ltmp26, $3  }
0x2a4: {  	v11 =	vsel vm0, v10, v11  }
0x2a5: {  	v11 =	vsub.f32 v11, v7;
	_ =	sdelay $0x1  }
0x2a6: {  	s3 =	sadd.s32 $0xFFFFFFFF, s3;
	s4 =	simm.s32 $0x10020;
	p1 =	por $0x1, $0x1;
	v13 =	vmul.f32 $1.442695020e+00, v11;
	v11 =	vxor.u32 $0x80000000, v14  }
0x2a7: {  	v16 =	vld [tilespmem:s4+$0x0];
	p0 =	seq.s32 s3, $0x1  }
.Ltmp27:
0x2a8: {  	vm0 =	vlt.s32 v14, $0x0;
	v12 =	vxor.u32 $0xFFFFFFFF, v14;
	(pc) =	sbr.rel @p0 .LBB2_68-.Ltmp27, $3  }
0x2a9: {  	v12 =	vsel vm0, v11, v12  }
0x2aa: {  	v12 =	vsub.f32 v12, v7;
	_ =	sdelay $0x1  }
0x2ab: {  	s3 =	sadd.s32 $0xFFFFFFFF, s3;
	s4 =	simm.s32 $0x10030;
	p2 =	por $0x1, $0x1;
	(erf) = vpow2.f32 v13;
	v13 =	vmul.f32 $1.442695020e+00, v12;
	v15 =	vxor.u32 $0x80000000, v16  }
0x2ac: {  	_ =	sdelay $0x4  }
0x2ad: {  	v14 =	vor.u32 s0, v3;
	_ =	sdelay $0x1  }
0x2ae: {  	vm0 =	vlt.s32 v16, $0x0  }
0x2af: {  	v17 =	vld [tilespmem:s4+$0x0];
	v12 =	vxor.u32 $0xFFFFFFFF, v16;
	p0 =	seq.s32 s3, $0x1;
	vm15 =	vlt.s32 v14, v8;
	v14 =	vpop (erf);
	(erf) = vpow2.f32 v13  }
.Ltmp28:
0x2b0: {  	v12 =	vsel vm0, v15, v12;
	(pc) =	sbr.rel @p0 .LBB2_70-.Ltmp28, $4  }
0x2b1: {  	vm1 =	vge.s32 v10, v6;
	v12 =	vsub.f32 v12, v7  }
0x2b2: {  	vm0 =	vmand vm15, vm1  }
0x2b3: {  	s4 =	sadd.s32 $0xFFFFFFFF, s3;
	v13 =	vmul.f32 $1.442695020e+00, v12;
	v14 =	vnsel vm0, $0x0, v14  }
0x2b4: {  	s6 =	simm.s32 $0x10040;
	p3 =	por $0x1, $0x1;
	s3 =	simm.s32 $0x0;
	v12 =	vxor.u32 $0x80000000, v17;
	v14 =	vadd.f32 v14, v9  }
.LBB2_71:
0x2b5: {  	vm0 =	vlt.s32 v17, $0x0;
	v16 =	vxor.u32 $0xFFFFFFFF, v17;
	v17 =	vld [tilespmem:s6+$0x0];
	(erf) = vpow2.f32 v13;
	s3 =	sadd.s32 $0x10, s3;
	p0 =	seq.s32 s4, $0x1  }
.Ltmp29:
0x2b6: {  	s4 =	sadd.s32 $0xFFFFFFFF, s4;
	v13 =	vsel vm0, v12, v16;
	v18 =	vor.u32 s3, v3;
	(pc) =	sbr.rel @!p0 .LBB2_71-.Ltmp29, $4  }
0x2b7: {  	vm1 =	vge.s32 v11, v6;
	v11 =	vmovc v15;
	v13 =	vsub.f32 v13, v7;
	vm0 =	vlt.s32 v18, v8  }
0x2b8: {  	v15 =	vmov v12;
	vm0 =	vmand vm0, vm1;
	v16 =	vpop (erf)  }
0x2b9: {  	v13 =	vmul.f32 $1.442695020e+00, v13;
	v16 =	vnsel vm0, $0x0, v16  }
0x2ba: {  	s6 =	sadd.s32 $0x10, s6;
	v12 =	vxor.u32 $0x80000000, v17;
	v14 =	vadd.f32 v16, v14  }
0x2bb: {  	v18 =	vmov v11;
	v16 =	vmov v17;
	v11 =	vmov v15  }
.LBB2_73:
0x2bc: {  	vm0 =	vlt.s32 v16, $0x0;
	v15 =	vxor.u32 $0xFFFFFFFF, v16  }
0x2bd: {  	v15 =	vsel vm0, v12, v15  }
0x2be: {  	v15 =	vsub.f32 v15, v7  }
0x2bf: {  	(erf) = vpow2.f32 @p1 v13  }
0x2c0: {  	s1 =	sadd.s32 @p3 $0x10, s3;
	s3 =	simm.s32 $0x0;
	v62 =	vmul.f32 $1.442695020e+00, v15  }
0x2c1: {  	s3 =	smov.u32 @p3 s1  }
0x2c2: {  	v13 =	vor.u32 @p2 s3, v3;
	(erf) = vpow2.f32 v62;
	_ =	sdelay $0x1  }
0x2c3: {  	vm1 =	vge.s32 @p2 v18, v6;
	s1 =	sadd.s32 @p2 $0x10, s3;
	s3 =	simm.s32 $0x0;
	vm0 =	vlt.s32 @p2 v13, v8  }
0x2c4: {  	v10 =	vpsel p1, v11, v10;
	s3 =	smov.u32 @p2 s1;
	vm0 =	vmand @p2 vm0, vm1;
	v13 =	vpop @p2 (erf)  }
0x2c5: {  	v11 =	vor.u32 @p1 s3, v3;
	v13 =	vnsel @p2 vm0, $0x0, v13  }
0x2c6: {  	vm1 =	vge.s32 @p1 v10, v6;
	s1 =	sadd.s32 @p1 $0x10, s3;
	vm0 =	vlt.s32 @p1 v11, v8;
	v13 =	vadd.f32 @p2 v13, v14  }
0x2c7: {  	s0 =	smov.u32 @p1 s1;
	vm0 =	vmand @p1 vm0, vm1;
	v10 =	vpop @p1 (erf)  }
.Ltmp30:
0x2c8: {  	v63 =	vor.u32 s0, v3;
	v11 =	vpsel p2, v13, v9;
	v10 =	vnsel @p1 vm0, $0x0, v10;
	(pc) =	sbr.rel .LBB2_50-.Ltmp30, $4  }
0x2c9: {  	vm15 =	vge.s32 v12, v6;
	vm14 =	vlt.s32 v63, v8;
	v10 =	vadd.f32 @p1 v10, v11  }
0x2ca: {  	vm0 =	vmand vm14, vm15;
	v8 =	vpop (erf)  }
0x2cb: {  	v9 =	vpsel p1, v10, v9;
	v8 =	vnsel vm0, $0x0, v8  }
0x2cc: {  	v8 =	vadd.f32 v8, v9  }
.LBB2_49:
0x2cd: {  	v6 =	vmov s0;
	v8 =	vimm.f32 $0.0e+00;
	v7 =	vmov v1  }
.LBB2_50:
0x2ce: {  	_ = 	snop  }
0x2cf: {  	(xrf2) =	vadd.scan.msk.f32 $0xffff, v8;
	_ =	sdelay $0x9  }
0x2d0: {  	v8, _, _ =	vpop (xrf2)  }
0x2d1: {  	v8 =	vbroadcast v8, $0xF;
	_ =	sdelay $0x1  }
0x2d2: {  	(erf) = vrcp.f32 v8;
	_ =	sdelay $0x8  }
0x2d3: {  	v8 =	vpop (erf)  }
0x2d4: {  	_ =	swait.ge [sflag:s18], $0x8000  }
0x2d5: {  	[sflag:s18] =	ssyncset.done $0x0  }
0x2d6: {  	s3 =	simm.s32 $0x40;
	[sflag:s18] =	ssyncadd.s32 $0xFFFF8000  }
0x2d7: {  	v9 =	vld [tilespmem:s3+$0x30]  }
0x2d8: {  	v10 =	vld [tilespmem:s3+$0xFFFFFFD0]  }
0x2d9: {  	v11 =	vld [tilespmem:s3+$0xFFFFFFE0]  }
0x2da: {  	v12 =	vld [tilespmem:s3+$0xFFFFFFF0]  }
0x2db: {  	v13 =	vld [tilespmem:s3+$0x0]  }
0x2dc: {  	v15 =	vld [tilespmem:s3+$0x10]  }
0x2dd: {  	v17 =	vld [tilespmem:s3+$0x20]  }
0x2de: {  	s1 =	simm.s32 $0xC0;
	v19 =	vld [tilespmem:s3+$0xFFFFFFC0];
	v14 =	vsub.f32 v9, v7  }
0x2df: {  	v39 =	vld [tilespmem:s1+$0x0]  }
0x2e0: {  	v43 =	vld [tilespmem:s1+$0x10];
	v14 =	vmul.f32 $1.442695020e+00, v14  }
0x2e1: {  	v46 =	vld [tilespmem:s1+$0x20];
	v16 =	vsub.f32 v10, v7  }
0x2e2: {  	v18 =	vsub.f32 v11, v7;
	v20 =	vsub.f32 v12, v7;
	(erf) = vpow2.f32 v14  }
0x2e3: {  	v29 =	vld [tilespmem:s1+$0xFFFFFFC0];
	v21 =	vsub.f32 v19, v7;
	v22 =	vshra.s32 v13, $0x1F;
	v23 =	vshra.s32 v15, $0x1F  }
0x2e4: {  	v25 =	vshra.s32 v17, $0x1F;
	v26 =	vshra.s32 v9, $0x1F;
	v16 =	vmul.f32 $1.442695020e+00, v16  }
0x2e5: {  	v31 =	vsub.f32 v39, v7;
	v49 =	vsub.f32 v43, v7;
	v18 =	vmul.f32 $1.442695020e+00, v18  }
0x2e6: {  	v32 =	vsub.f32 v46, v7;
	v14 =	vsub.f32 v13, v7;
	(erf) = vpow2.f32 v16  }
0x2e7: {  	v16 =	vmul.f32 $1.442695020e+00, v20;
	v20 =	vsub.f32 v15, v7;
	(erf) = vpow2.f32 v18  }
0x2e8: {  	v50 =	vshra.s32 v39, $0x1F;
	v51 =	vsub.f32 v29, v7;
	v18 =	vsub.f32 v17, v7  }
0x2e9: {  	v26 =	vand.u32 $0x7FFFFFFF, v26;
	v14 =	vmul.f32 $1.442695020e+00, v14;
	v20 =	vmul.f32 $1.442695020e+00, v20  }
0x2ea: {  	v9 =	vxor.u32 v9, v26;
	(erf) = vpow2.f32 v16;
	v16 =	vmul.f32 $1.442695020e+00, v18  }
0x2eb: {  	vm0 =	vlt.s32 v9, v6;
	(erf) = vpow2.f32 v14;
	v14 =	vmul.f32 $1.442695020e+00, v21;
	v36 =	vpop (erf)  }
0x2ec: {  	(erf) = vpow2.f32 v20;
	v20 =	vshra.s32 v19, $0x1F;
	v21 =	vmul.f32 v36, v8  }
0x2ed: {  	(erf) = vpow2.f32 v16;
	v16 =	vshra.s32 v10, $0x1F;
	v20 =	vand.u32 $0x7FFFFFFF, v20  }
0x2ee: {  	s4 =	simm.s32 $0x10040;
	(erf) = vpow2.f32 v14;
	v14 =	vshra.s32 v11, $0x1F;
	v21 =	vsel vm0, $0x0, v21  }
0x2ef: {  	s0 =	simm.s32 $0x8040;
	v16 =	vand.u32 $0x7FFFFFFF, v16;
	v19 =	vxor.u32 v19, v20;
	v14 =	vand.u32 $0x7FFFFFFF, v14;
	v24 =	vpop (erf);
	[tilespmem:s4+$0x30] =	vst v21  }
0x2f0: {  	v10 =	vxor.u32 v10, v16;
	v11 =	vxor.u32 v11, v14;
	v27 =	vpop (erf);
	v20 =	vmul.f32 v24, v8;
	v14 =	vld [tilespmem:s0+$0x30]  }
0x2f1: {  	v22 =	vand.u32 $0x7FFFFFFF, v22;
	vm6 =	vlt.s32 v10, v6;
	v16 =	vmul.f32 v27, v8  }
0x2f2: {  	v23 =	vand.u32 $0x7FFFFFFF, v23;
	vm1 =	vlt.s32 v11, v6;
	v11 =	vsel vm6, $0x0, v20  }
0x2f3: {  	v25 =	vand.u32 $0x7FFFFFFF, v25;
	v18 =	vshra.s32 v12, $0x1F;
	[tilespmem:s4+$0xFFFFFFD0] =	vst v11;
	v11 =	vsel vm1, $0x0, v16  }
0x2f4: {  	v13 =	vxor.u32 v13, v22;
	v18 =	vand.u32 $0x7FFFFFFF, v18;
	v28 =	vpop (erf);
	[tilespmem:s4+$0xFFFFFFE0] =	vst v11;
	v11 =	vxor.u32 v17, v25  }
0x2f5: {  	v12 =	vxor.u32 v12, v18;
	v37 =	vpop (erf);
	vm3 =	vlt.s32 v11, v6;
	v11 =	vshrl.u32 v14, $0x14;
	v14 =	vld [tilespmem:s1+$0x30]  }
0x2f6: {  	vm7 =	vlt.s32 v19, v6;
	v19 =	vld [tilespmem:s1+$0xFFFFFFE0];
	v16 =	vmul.f32 v28, v8;
	v17 =	vmul.f32 v37, v8  }
0x2f7: {  	v15 =	vxor.u32 v15, v23;
	vm9 =	vlt.s32 v13, v6;
	vm8 =	vlt.s32 v12, v6  }
0x2f8: {  	vm2 =	vlt.s32 v15, v6;
	v15 =	vsel vm8, $0x0, v16;
	v16 =	vsel vm9, $0x0, v17;
	v17 =	vld [tilespmem:s1+$0xFFFFFFD0]  }
0x2f9: {  	v52 =	vshra.s32 v29, $0x1F;
	v53 =	vshra.s32 v43, $0x1F;
	v54 =	vshra.s32 v46, $0x1F;
	v9 =	vpop (erf)  }
0x2fa: {  	v56 =	vand.u32 $0x7FFFFFFF, v53;
	v31 =	vmul.f32 $1.442695020e+00, v31;
	v20 =	vld [tilespmem:s1+$0xFFFFFFF0];
	v38 =	vpop (erf);
	v40 =	vsub.f32 v14, v7  }
0x2fb: {  	v32 =	vmul.f32 $1.442695020e+00, v32;
	v44 =	vshra.s32 v19, $0x1F;
	v45 =	vsub.f32 v19, v7;
	v10 =	vpop (erf)  }
0x2fc: {  	v26 =	vand.u32 $0x7FFFFFFF, v44;
	v10 =	vmul.f32 v10, v8;
	v22 =	vmul.f32 $1.442695020e+00, v40  }
0x2fd: {  	v18 =	vld [tilespmem:s0+$0xFFFFFFD0];
	v9 =	vmul.f32 v9, v8;
	v27 =	vmul.f32 $1.442695020e+00, v45;
	v42 =	vsub.f32 v17, v7  }
0x2fe: {  	v13 =	vmul.f32 v38, v8;
	v10 =	vsel vm7, $0x0, v10;
	(erf) = vpow2.f32 v22  }
0x2ff: {  	v19 =	vxor.u32 v19, v26;
	v30 =	vsub.f32 v20, v7;
	[tilespmem:s4+$0xFFFFFFC0] =	vst v10;
	v24 =	vmul.f32 $1.442695020e+00, v42  }
0x300: {  	vm13 =	vlt.s32 v19, v6;
	v9 =	vsel vm2, $0x0, v9;
	v13 =	vsel vm3, $0x0, v13;
	v12 =	vld [tilespmem:s0+$0xFFFFFFC0]  }
0x301: {  	v47 =	vshra.s32 v20, $0x1F;
	v48 =	vmul.f32 $1.442695020e+00, v30;
	(erf) = vpow2.f32 v24  }
0x302: {  	v11 =	vand.u32 $0xFF0, v11;
	v18 =	vshrl.u32 v18, $0x14;
	(erf) = vpow2.f32 v27  }
0x303: {  	v30 =	vmul.f32 $1.442695020e+00, v49;
	v18 =	vand.u32 $0xFF0, v18;
	(erf) = vpow2.f32 v48  }
0x304: {  	v10 =	vld [tilespmem:s0+$0xFFFFFFE0];
	v11 =	vor.u32 v3, v11;
	v18 =	vor.u32 v3, v18;
	(erf) = vpow2.f32 v31  }
0x305: {  	v12 =	vshrl.u32 v12, $0x14;
	v24 =	vmul.f32 $1.442695020e+00, v51;
	(erf) = vpow2.f32 v30  }
0x306: {  	[tilespmem:s4+$0xFFFFFFF0] =	vst v15;
	v55 =	vshra.s32 v14, $0x1F;
	v12 =	vand.u32 $0xFF0, v12;
	(erf) = vpow2.f32 v32  }
0x307: {  	v62 =	vld [tilespmem:s0+$0xFFFFFFF0];
	v12 =	vor.u32 v3, v12;
	(erf) = vpow2.f32 v24;
	v24 =	vand.u32 $0x7FFFFFFF, v55;
	v57 =	vpop (erf)  }
0x308: {  	v41 =	vshra.s32 v17, $0x1F;
	v14 =	vxor.u32 v14, v24;
	v58 =	vmul.f32 v57, v8  }
0x309: {  	v23 =	vand.u32 $0x7FFFFFFF, v41;
	v10 =	vshrl.u32 v10, $0x14;
	vm10 =	vlt.s32 v14, v6  }
0x30a: {  	v17 =	vxor.u32 v17, v23;
	v10 =	vand.u32 $0xFF0, v10;
	[tilespmem:v18+s16+$0x0] =	vst.idx.add.s32.msk $0xffff, v4;
	v18 =	vsel vm10, $0x0, v58  }
0x30b: {  	[tilespmem:v11+s16+$0x0] =	vst.idx.add.s32.msk $0xffff, v4;
	v11 =	vand.u32 $0x7FFFFFFF, v50;
	v10 =	vor.u32 v3, v10;
	v22 =	vand.u32 $0x7FFFFFFF, v47;
	v59 =	vpop (erf)  }
0x30c: {  	s28 =	simm.s32 $0x100C0;
	v19 =	vshrl.u32 v62, $0x14;
	v11 =	vxor.u32 v39, v11;
	v20 =	vxor.u32 v20, v22;
	[tilespmem:v12+s16+$0x0] =	vst.idx.add.s32.msk $0xffff, v4;
	v14 =	vpop (erf)  }
0x30d: {  	s29 =	simm.s32 $0x80C0;
	vm12 =	vlt.s32 v17, v6;
	vm4 =	vlt.s32 v11, v6;
	vm14 =	vlt.s32 v20, v6;
	[tilespmem:s28+$0x30] =	vst v18;
	v18 =	vpop (erf)  }
0x30e: {  	[tilespmem:s4+$0x0] =	vst v16;
	v31 =	vand.u32 $0x7FFFFFFF, v52;
	v12 =	vand.u32 $0x7FFFFFFF, v54;
	v30 =	vmul.f32 v59, v8;
	v60 =	vld [tilespmem:s29+$0x30];
	v61 =	vpop (erf)  }
0x30f: {  	[tilespmem:s4+$0x10] =	vst v9;
	v63 =	vld [tilespmem:s0+$0x0];
	v29 =	vxor.u32 v29, v31;
	v12 =	vxor.u32 v46, v12;
	v14 =	vmul.f32 v14, v8;
	v17 =	vpop (erf)  }
0x310: {  	[tilespmem:s4+$0x20] =	vst v13;
	v20 =	vld [tilespmem:s0+$0x10];
	vm11 =	vlt.s32 v29, v6;
	vm15 =	vlt.s32 v12, v6;
	v11 =	vsel vm12, $0x0, v30;
	v9 =	vpop (erf)  }
0x311: {  	[tilespmem:v10+s16+$0x0] =	vst.idx.add.s32.msk $0xffff, v4;
	v12 =	vsel vm13, $0x0, v14;
	v15 =	vmul.f32 v18, v8;
	v13 =	vmul.f32 v9, v8;
	v9 =	vpop (erf)  }
0x312: {  	[tilespmem:s28+$0xFFFFFFD0] =	vst v11;
	v18 =	vxor.u32 v43, v56;
	v16 =	vmul.f32 v61, v8;
	v10 =	vmul.f32 v9, v8;
	v9 =	vld [tilespmem:s0+$0x20]  }
0x313: {  	[tilespmem:s28+$0xFFFFFFE0] =	vst v12;
	vm5 =	vlt.s32 v18, v6;
	v18 =	vsel vm14, $0x0, v15;
	v14 =	vshrl.u32 v60, $0x14  }
0x314: {  	v11 =	vld [tilespmem:s29+$0xFFFFFFD0];
	v17 =	vmul.f32 v17, v8;
	[tilespmem:s28+$0xFFFFFFF0] =	vst v18;
	v14 =	vand.u32 $0xFF0, v14;
	v10 =	vsel vm11, $0x0, v10  }
0x315: {  	v12 =	vld [tilespmem:s29+$0xFFFFFFE0];
	v16 =	vsel vm4, $0x0, v16;
	v18 =	vshrl.u32 v63, $0x14;
	[tilespmem:s28+$0xFFFFFFC0] =	vst v10;
	v10 =	vor.u32 v3, v14  }
0x316: {  	s4 =	simm.s32 $0x140;
	v15 =	vsel vm5, $0x0, v17;
	s0 =	simm.s32 $0x8;
	v17 =	vshrl.u32 v20, $0x14;
	v13 =	vsel vm15, $0x0, v13;
	v14 =	vld [tilespmem:s29+$0xFFFFFFC0]  }
.LBB2_51:
0x317: {  	v20 =	vld [tilespmem:s4+$0x30];
	s0 =	sadd.s32 $0x8, s0;
	[tilespmem:s28+$0x0] =	vst v16;
	v16 =	vand.u32 $0xFF0, v19;
	v18 =	vand.u32 $0xFF0, v18;
	v9 =	vshrl.u32 v9, $0x14  }
0x318: {  	v19 =	vld [tilespmem:s4+$0xFFFFFFD0];
	p0 =	slt.u32 s0, $0x1F8;
	[tilespmem:s28+$0x10] =	vst v15;
	v15 =	vor.u32 v3, v16;
	v16 =	vand.u32 $0xFF0, v17;
	v9 =	vand.u32 $0xFF0, v9  }
0x319: {  	v17 =	vld [tilespmem:s4+$0xFFFFFFE0];
	v11 =	vshrl.u32 v11, $0x14;
	[tilespmem:s28+$0x20] =	vst v13;
	v13 =	vor.u32 v3, v18;
	v16 =	vor.u32 v3, v16  }
0x31a: {  	v11 =	vand.u32 $0xFF0, v11;
	v12 =	vshrl.u32 v12, $0x14;
	[tilespmem:v10+s16+$0x0] =	vst.idx.add.s32.msk $0xffff, v4;
	v10 =	vor.u32 v3, v9  }
0x31b: {  	v18 =	vld [tilespmem:s4+$0xFFFFFFF0];
	v9 =	vshrl.u32 v14, $0x14;
	v11 =	vor.u32 v3, v11;
	v12 =	vand.u32 $0xFF0, v12  }
0x31c: {  	v14 =	vld [tilespmem:s4+$0x0];
	v21 =	vsub.f32 v20, v7;
	v9 =	vand.u32 $0xFF0, v9;
	v12 =	vor.u32 v3, v12  }
0x31d: {  	v22 =	vshra.s32 v19, $0x1F;
	v23 =	vsub.f32 v19, v7;
	v24 =	vld [tilespmem:s4+$0x10];
	v25 =	vor.u32 v3, v9  }
0x31e: {  	v9 =	vshra.s32 v17, $0x1F;
	v26 =	vsub.f32 v17, v7;
	v27 =	vld [tilespmem:s4+$0x20];
	v21 =	vmul.f32 $1.442695020e+00, v21  }
0x31f: {  	v22 =	vand.u32 $0x7FFFFFFF, v22;
	v28 =	vld [tilespmem:s4+$0xFFFFFFC0];
	v23 =	vmul.f32 $1.442695020e+00, v23;
	v29 =	vand.u32 $0x7FFFFFFF, v9  }
0x320: {  	v9 =	vmul.f32 $1.442695020e+00, v26;
	v26 =	vsub.f32 v18, v7;
	(erf) = vpow2.f32 v21;
	v21 =	vld [tilespmem:s29+$0xFFFFFFF0]  }
0x321: {  	v30 =	vshra.s32 v18, $0x1F;
	v31 =	vsub.f32 v14, v7;
	(erf) = vpow2.f32 v23;
	v23 =	vld [tilespmem:s29+$0x0]  }
0x322: {  	v26 =	vmul.f32 $1.442695020e+00, v26;
	v32 =	vsub.f32 v24, v7;
	(erf) = vpow2.f32 v9;
	v33 =	vld [tilespmem:s29+$0x10]  }
0x323: {  	v34 =	vshra.s32 v14, $0x1F;
	v31 =	vmul.f32 $1.442695020e+00, v31;
	v35 =	vsub.f32 v27, v7;
	v9 =	vld [tilespmem:s29+$0x20]  }
0x324: {  	v36 =	vsub.f32 v28, v7;
	v32 =	vmul.f32 $1.442695020e+00, v32;
	(erf) = vpow2.f32 v26;
	[tilespmem:v25+s16+$0x0] =	vst.idx.add.s32.msk $0xffff, v4  }
0x325: {  	v25 =	vshra.s32 v28, $0x1F;
	v26 =	vmul.f32 $1.442695020e+00, v35;
	(erf) = vpow2.f32 v31;
	[tilespmem:v11+s16+$0x0] =	vst.idx.add.s32.msk $0xffff, v4  }
0x326: {  	v31 =	vshra.s32 v24, $0x1F;
	v11 =	vmul.f32 $1.442695020e+00, v36;
	(erf) = vpow2.f32 v32;
	[tilespmem:v12+s16+$0x0] =	vst.idx.add.s32.msk $0xffff, v4  }
0x327: {  	v12 =	vand.u32 $0x7FFFFFFF, v25;
	v25 =	vshra.s32 v27, $0x1F;
	(erf) = vpow2.f32 v26;
	[tilespmem:v15+s16+$0x0] =	vst.idx.add.s32.msk $0xffff, v4  }
0x328: {  	v32 =	vshra.s32 v20, $0x1F;
	v15 =	vand.u32 $0x7FFFFFFF, v30;
	(erf) = vpow2.f32 v11;
	[tilespmem:v13+s16+$0x0] =	vst.idx.add.s32.msk $0xffff, v4  }
0x329: {  	v11 =	vand.u32 $0x7FFFFFFF, v34;
	v13 =	vand.u32 $0x7FFFFFFF, v31;
	v31 =	vand.u32 $0x7FFFFFFF, v32;
	v30 =	vpop (erf);
	[tilespmem:v16+s16+$0x0] =	vst.idx.add.s32.msk $0xffff, v4  }
0x32a: {  	v16 =	vand.u32 $0x7FFFFFFF, v25;
	v31 =	vxor.u32 v20, v31;
	v25 =	vmul.f32 v30, v8;
	v26 =	vpop (erf);
	[tilespmem:v10+s16+$0x0] =	vst.idx.add.s32.msk $0xffff, v4  }
0x32b: {  	v10 =	vxor.u32 v28, v12;
	vm0 =	vlt.s32 v31, v6;
	v12 =	vmul.f32 v26, v8;
	v20 =	vpop (erf)  }
0x32c: {  	s28 =	sadd.s32 $0x80, s28;
	v19 =	vxor.u32 v19, v22;
	v20 =	vmul.f32 v20, v8;
	v25 =	vsel vm0, $0x0, v25  }
0x32d: {  	v17 =	vxor.u32 v17, v29;
	s29 =	sadd.s32 $0x80, s29;
	v15 =	vxor.u32 v18, v15;
	v11 =	vxor.u32 v14, v11;
	[tilespmem:s28+$0x30] =	vst v25;
	v14 =	vpop (erf)  }
0x32e: {  	v13 =	vxor.u32 v24, v13;
	v16 =	vxor.u32 v27, v16;
	v14 =	vmul.f32 v14, v8;
	v18 =	vld [tilespmem:s29+$0x30];
	v22 =	vpop (erf)  }
0x32f: {  	vm1 =	vlt.s32 v19, v6;
	vm0 =	vlt.s32 v10, v6;
	v10 =	vmul.f32 v22, v8;
	v19 =	vpop (erf)  }
0x330: {  	vm2 =	vlt.s32 v17, v6;
	vm3 =	vlt.s32 v15, v6;
	v15 =	vmul.f32 v19, v8;
	v17 =	vpop (erf)  }
0x331: {  	vm4 =	vlt.s32 v11, v6;
	vm5 =	vlt.s32 v13, v6;
	v13 =	vmul.f32 v17, v8;
	v11 =	vpop (erf)  }
.Ltmp31:
0x332: {  	v12 =	vsel vm1, $0x0, v12;
	vm1 =	vlt.s32 v16, v6;
	v11 =	vmul.f32 v11, v8;
	(pc) =	sbr.rel @p0 .LBB2_51-.Ltmp31, $4  }
0x333: {  	v17 =	vsel vm3, $0x0, v14;
	[tilespmem:s28+$0xFFFFFFD0] =	vst v12;
	v12 =	vsel vm2, $0x0, v20;
	v14 =	vshrl.u32 v18, $0x14  }
0x334: {  	v16 =	vsel vm4, $0x0, v10;
	v18 =	vsel vm0, $0x0, v11;
	v11 =	vld [tilespmem:s29+$0xFFFFFFD0];
	[tilespmem:s28+$0xFFFFFFE0] =	vst v12;
	v10 =	vand.u32 $0xFF0, v14  }
0x335: {  	v15 =	vsel vm5, $0x0, v15;
	v13 =	vsel vm1, $0x0, v13;
	[tilespmem:s28+$0xFFFFFFC0] =	vst v18;
	v12 =	vld [tilespmem:s29+$0xFFFFFFE0];
	v10 =	vor.u32 v3, v10  }
0x336: {  	s4 =	sadd.s32 $0x80, s4;
	v19 =	vshrl.u32 v21, $0x14;
	v18 =	vshrl.u32 v23, $0x14;
	v14 =	vld [tilespmem:s29+$0xFFFFFFC0];
	[tilespmem:s28+$0xFFFFFFF0] =	vst v17;
	v17 =	vshrl.u32 v33, $0x14  }
0x337: {  	_ =	sdelay $0x1  }
0x338: {  	v11 =	vshrl.u32 v11, $0x14  }
0x339: {  	v11 =	vand.u32 $0xFF0, v11;
	v12 =	vshrl.u32 v12, $0x14  }
0x33a: {  	[tilespmem:s28+$0x0] =	vst v16;
	v16 =	vld [tilespmem:s29+$0xFFFFFFF0];
	v14 =	vshrl.u32 v14, $0x14;
	v11 =	vor.u32 v3, v11;
	v12 =	vand.u32 $0xFF0, v12  }
0x33b: {  	[tilespmem:s28+$0x10] =	vst v15;
	v15 =	vld [tilespmem:s29+$0x0];
	v14 =	vand.u32 $0xFF0, v14;
	v12 =	vor.u32 v3, v12  }
0x33c: {  	[tilespmem:s28+$0x20] =	vst v13;
	v13 =	vld [tilespmem:s29+$0x10];
	v14 =	vor.u32 v3, v14  }
0x33d: {  	v19 =	vand.u32 $0xFF0, v19;
	[tilespmem:v10+s16+$0x0] =	vst.idx.add.s32.msk $0xffff, v4  }
0x33e: {  	v18 =	vand.u32 $0xFF0, v18;
	v9 =	vshrl.u32 v9, $0x14;
	v19 =	vor.u32 v3, v19;
	v20 =	vld [tilespmem:s29+$0x20]  }
0x33f: {  	v17 =	vand.u32 $0xFF0, v17;
	v18 =	vor.u32 v3, v18;
	v9 =	vand.u32 $0xFF0, v9;
	[tilespmem:v11+s16+$0x0] =	vst.idx.add.s32.msk $0xffff, v4  }
0x340: {  	v10 =	vor.u32 v3, v17;
	v9 =	vor.u32 v3, v9;
	v11 =	vshrl.u32 v15, $0x14;
	[tilespmem:v12+s16+$0x0] =	vst.idx.add.s32.msk $0xffff, v4  }
0x341: {  	v12 =	vshrl.u32 v13, $0x14;
	v11 =	vand.u32 $0xFF0, v11;
	[tilespmem:v14+s16+$0x0] =	vst.idx.add.s32.msk $0xffff, v4;
	v14 =	vshrl.u32 v16, $0x14  }
0x342: {  	v12 =	vand.u32 $0xFF0, v12;
	v11 =	vor.u32 v3, v11;
	v14 =	vand.u32 $0xFF0, v14  }
0x343: {  	[tilespmem:v19+s16+$0x0] =	vst.idx.add.s32.msk $0xffff, v4;
	v12 =	vor.u32 v3, v12;
	v13 =	vor.u32 v3, v14;
	v14 =	vshrl.u32 v20, $0x14  }
0x344: {  	[tilespmem:v18+s16+$0x0] =	vst.idx.add.s32.msk $0xffff, v4;
	v14 =	vand.u32 $0xFF0, v14  }
0x345: {  	s0 =	sshll.u32 s26, $0xF;
	[tilespmem:v10+s16+$0x0] =	vst.idx.add.s32.msk $0xffff, v4;
	v10 =	vor.u32 v3, v14  }
0x346: {  	s1 =	sshll.u32 s25, $0x8;
	s0 =	sand.u32 $0x1E0000, s0;
	[tilespmem:v9+s16+$0x0] =	vst.idx.add.s32.msk $0xffff, v4  }
0x347: {  	s1 =	sand.u32 $0x100, s1;
	s0 =	sor.u32 s8, s0;
	[tilespmem:v11+s16+$0x0] =	vst.idx.add.s32.msk $0xffff, v4  }
0x348: {  	s0 =	sor.u32 s1, s0;
	[tilespmem:v12+s16+$0x0] =	vst.idx.add.s32.msk $0xffff, v4  }
0x349: {  	s28 =	sshrl.u32 s0, $0x3;
	[tilespmem:v13+s16+$0x0] =	vst.idx.add.s32.msk $0xffff, v4  }
0x34a: {  	s15 =	simm.s32 $0x2070;
	s0 =	sadd.s32 s2, s28;
	[tilespmem:v10+s16+$0x0] =	vst.idx.add.s32.msk $0xffff, v4  }
0x34b: {  	[hbm4b:s0+s13] =	stream.strided.scatter [tilespmem:s19], [sflag:$0x3], $0x2000, s14, s13, $0x38;
	[tilespmem:$0x1A080] =	vst v63  }
0x34c: {  	v9 =	vld [tilespmem:s15+$0x0]  }
0x34d: {  	v10 =	vld [tilespmem:s15+$0xFFFFFFA0]  }
0x34e: {  	v11 =	vld [tilespmem:s15+$0xFFFFFFB0]  }
0x34f: {  	v12 =	vld [tilespmem:s15+$0xFFFFFFC0]  }
0x350: {  	v13 =	vld [tilespmem:s15+$0xFFFFFFD0]  }
0x351: {  	v15 =	vld [tilespmem:s15+$0xFFFFFFE0]  }
0x352: {  	v17 =	vld [tilespmem:s15+$0xFFFFFFF0]  }
0x353: {  	s31 =	simm.s32 $0x20F0;
	v19 =	vld [tilespmem:s15+$0xFFFFFF90];
	v14 =	vsub.f32 v9, v7  }
0x354: {  	v39 =	vld [tilespmem:s31+$0xFFFFFFD0]  }
0x355: {  	v43 =	vld [tilespmem:s31+$0xFFFFFFE0];
	v14 =	vmul.f32 $1.442695020e+00, v14  }
0x356: {  	v46 =	vld [tilespmem:s31+$0xFFFFFFF0];
	v16 =	vsub.f32 v10, v7  }
0x357: {  	v18 =	vsub.f32 v11, v7;
	v20 =	vsub.f32 v12, v7;
	(erf) = vpow2.f32 v14  }
0x358: {  	v29 =	vld [tilespmem:s31+$0xFFFFFF90];
	v21 =	vsub.f32 v19, v7;
	v22 =	vshra.s32 v13, $0x1F;
	v23 =	vshra.s32 v15, $0x1F  }
0x359: {  	v25 =	vshra.s32 v17, $0x1F;
	v26 =	vshra.s32 v9, $0x1F;
	v16 =	vmul.f32 $1.442695020e+00, v16  }
0x35a: {  	v31 =	vsub.f32 v39, v7;
	v49 =	vsub.f32 v43, v7;
	v18 =	vmul.f32 $1.442695020e+00, v18  }
0x35b: {  	v32 =	vsub.f32 v46, v7;
	v14 =	vsub.f32 v13, v7;
	(erf) = vpow2.f32 v16  }
0x35c: {  	v16 =	vmul.f32 $1.442695020e+00, v20;
	v20 =	vsub.f32 v15, v7;
	(erf) = vpow2.f32 v18  }
0x35d: {  	v50 =	vshra.s32 v39, $0x1F;
	v51 =	vsub.f32 v29, v7;
	v18 =	vsub.f32 v17, v7  }
0x35e: {  	v26 =	vand.u32 $0x7FFFFFFF, v26;
	v14 =	vmul.f32 $1.442695020e+00, v14;
	v20 =	vmul.f32 $1.442695020e+00, v20  }
0x35f: {  	v9 =	vxor.u32 v9, v26;
	(erf) = vpow2.f32 v16;
	v16 =	vmul.f32 $1.442695020e+00, v18  }
0x360: {  	vm0 =	vlt.s32 v9, v6;
	(erf) = vpow2.f32 v14;
	v14 =	vmul.f32 $1.442695020e+00, v21;
	v36 =	vpop (erf)  }
0x361: {  	(erf) = vpow2.f32 v20;
	v20 =	vshra.s32 v19, $0x1F;
	v21 =	vmul.f32 v36, v8  }
0x362: {  	(erf) = vpow2.f32 v16;
	v16 =	vshra.s32 v10, $0x1F;
	v20 =	vand.u32 $0x7FFFFFFF, v20  }
0x363: {  	s4 =	simm.s32 $0x12070;
	(erf) = vpow2.f32 v14;
	v14 =	vshra.s32 v11, $0x1F;
	v21 =	vsel vm0, $0x0, v21  }
0x364: {  	s24 =	simm.s32 $0xA070;
	v16 =	vand.u32 $0x7FFFFFFF, v16;
	v19 =	vxor.u32 v19, v20;
	v14 =	vand.u32 $0x7FFFFFFF, v14;
	v24 =	vpop (erf);
	[tilespmem:s4+$0x0] =	vst v21  }
0x365: {  	v10 =	vxor.u32 v10, v16;
	v11 =	vxor.u32 v11, v14;
	v27 =	vpop (erf);
	v20 =	vmul.f32 v24, v8;
	v14 =	vld [tilespmem:s24+$0x0]  }
0x366: {  	v22 =	vand.u32 $0x7FFFFFFF, v22;
	vm6 =	vlt.s32 v10, v6;
	v16 =	vmul.f32 v27, v8  }
0x367: {  	v23 =	vand.u32 $0x7FFFFFFF, v23;
	vm1 =	vlt.s32 v11, v6;
	v11 =	vsel vm6, $0x0, v20  }
0x368: {  	v25 =	vand.u32 $0x7FFFFFFF, v25;
	v18 =	vshra.s32 v12, $0x1F;
	[tilespmem:s4+$0xFFFFFFA0] =	vst v11;
	v11 =	vsel vm1, $0x0, v16  }
0x369: {  	v13 =	vxor.u32 v13, v22;
	v18 =	vand.u32 $0x7FFFFFFF, v18;
	v28 =	vpop (erf);
	[tilespmem:s4+$0xFFFFFFB0] =	vst v11;
	v11 =	vxor.u32 v17, v25  }
0x36a: {  	v12 =	vxor.u32 v12, v18;
	v37 =	vpop (erf);
	vm3 =	vlt.s32 v11, v6;
	v11 =	vshrl.u32 v14, $0x14;
	v14 =	vld [tilespmem:s31+$0x0]  }
0x36b: {  	vm7 =	vlt.s32 v19, v6;
	v19 =	vld [tilespmem:s31+$0xFFFFFFB0];
	v16 =	vmul.f32 v28, v8;
	v17 =	vmul.f32 v37, v8  }
0x36c: {  	v15 =	vxor.u32 v15, v23;
	vm9 =	vlt.s32 v13, v6;
	vm8 =	vlt.s32 v12, v6  }
0x36d: {  	vm2 =	vlt.s32 v15, v6;
	v15 =	vsel vm8, $0x0, v16;
	v16 =	vsel vm9, $0x0, v17;
	v17 =	vld [tilespmem:s31+$0xFFFFFFA0]  }
0x36e: {  	v52 =	vshra.s32 v29, $0x1F;
	v53 =	vshra.s32 v43, $0x1F;
	v54 =	vshra.s32 v46, $0x1F;
	v9 =	vpop (erf)  }
0x36f: {  	v56 =	vand.u32 $0x7FFFFFFF, v53;
	v31 =	vmul.f32 $1.442695020e+00, v31;
	v20 =	vld [tilespmem:s31+$0xFFFFFFC0];
	v38 =	vpop (erf);
	v40 =	vsub.f32 v14, v7  }
0x370: {  	v32 =	vmul.f32 $1.442695020e+00, v32;
	v44 =	vshra.s32 v19, $0x1F;
	v45 =	vsub.f32 v19, v7;
	v10 =	vpop (erf)  }
0x371: {  	v26 =	vand.u32 $0x7FFFFFFF, v44;
	v10 =	vmul.f32 v10, v8;
	v22 =	vmul.f32 $1.442695020e+00, v40  }
0x372: {  	v18 =	vld [tilespmem:s24+$0xFFFFFFA0];
	v9 =	vmul.f32 v9, v8;
	v27 =	vmul.f32 $1.442695020e+00, v45;
	v42 =	vsub.f32 v17, v7  }
0x373: {  	v13 =	vmul.f32 v38, v8;
	v10 =	vsel vm7, $0x0, v10;
	(erf) = vpow2.f32 v22  }
0x374: {  	v19 =	vxor.u32 v19, v26;
	v30 =	vsub.f32 v20, v7;
	[tilespmem:s4+$0xFFFFFF90] =	vst v10;
	v24 =	vmul.f32 $1.442695020e+00, v42  }
0x375: {  	vm13 =	vlt.s32 v19, v6;
	v9 =	vsel vm2, $0x0, v9;
	v13 =	vsel vm3, $0x0, v13;
	v12 =	vld [tilespmem:s24+$0xFFFFFF90]  }
0x376: {  	v47 =	vshra.s32 v20, $0x1F;
	v48 =	vmul.f32 $1.442695020e+00, v30;
	(erf) = vpow2.f32 v24  }
0x377: {  	v11 =	vand.u32 $0xFF0, v11;
	v18 =	vshrl.u32 v18, $0x14;
	(erf) = vpow2.f32 v27  }
0x378: {  	v30 =	vmul.f32 $1.442695020e+00, v49;
	v18 =	vand.u32 $0xFF0, v18;
	(erf) = vpow2.f32 v48  }
0x379: {  	v10 =	vld [tilespmem:s24+$0xFFFFFFB0];
	v11 =	vor.u32 v3, v11;
	v18 =	vor.u32 v3, v18;
	(erf) = vpow2.f32 v31  }
0x37a: {  	v12 =	vshrl.u32 v12, $0x14;
	v24 =	vmul.f32 $1.442695020e+00, v51;
	(erf) = vpow2.f32 v30  }
0x37b: {  	[tilespmem:s4+$0xFFFFFFC0] =	vst v15;
	v55 =	vshra.s32 v14, $0x1F;
	v12 =	vand.u32 $0xFF0, v12;
	(erf) = vpow2.f32 v32  }
0x37c: {  	v62 =	vld [tilespmem:s24+$0xFFFFFFC0];
	v12 =	vor.u32 v3, v12;
	(erf) = vpow2.f32 v24;
	v24 =	vand.u32 $0x7FFFFFFF, v55;
	v57 =	vpop (erf)  }
0x37d: {  	v41 =	vshra.s32 v17, $0x1F;
	v14 =	vxor.u32 v14, v24;
	v58 =	vmul.f32 v57, v8  }
0x37e: {  	v23 =	vand.u32 $0x7FFFFFFF, v41;
	v10 =	vshrl.u32 v10, $0x14;
	vm10 =	vlt.s32 v14, v6  }
0x37f: {  	v17 =	vxor.u32 v17, v23;
	v10 =	vand.u32 $0xFF0, v10;
	[tilespmem:v18+s16+$0x0] =	vst.idx.add.s32.msk $0xffff, v4;
	v18 =	vsel vm10, $0x0, v58  }
0x380: {  	[tilespmem:v11+s16+$0x0] =	vst.idx.add.s32.msk $0xffff, v4;
	v11 =	vand.u32 $0x7FFFFFFF, v50;
	v10 =	vor.u32 v3, v10;
	v22 =	vand.u32 $0x7FFFFFFF, v47;
	v59 =	vpop (erf)  }
0x381: {  	s29 =	simm.s32 $0x120F0;
	v19 =	vshrl.u32 v62, $0x14;
	v11 =	vxor.u32 v39, v11;
	v20 =	vxor.u32 v20, v22;
	[tilespmem:v12+s16+$0x0] =	vst.idx.add.s32.msk $0xffff, v4;
	v14 =	vpop (erf)  }
0x382: {  	s30 =	simm.s32 $0xA0F0;
	vm12 =	vlt.s32 v17, v6;
	vm4 =	vlt.s32 v11, v6;
	vm14 =	vlt.s32 v20, v6;
	[tilespmem:s29+$0x0] =	vst v18;
	v18 =	vpop (erf)  }
0x383: {  	[tilespmem:s4+$0xFFFFFFD0] =	vst v16;
	v31 =	vand.u32 $0x7FFFFFFF, v52;
	v12 =	vand.u32 $0x7FFFFFFF, v54;
	v30 =	vmul.f32 v59, v8;
	v60 =	vld [tilespmem:s30+$0x0];
	v61 =	vpop (erf)  }
0x384: {  	[tilespmem:s4+$0xFFFFFFE0] =	vst v9;
	v63 =	vld [tilespmem:s24+$0xFFFFFFD0];
	v29 =	vxor.u32 v29, v31;
	v12 =	vxor.u32 v46, v12;
	v14 =	vmul.f32 v14, v8;
	v17 =	vpop (erf)  }
0x385: {  	[tilespmem:s4+$0xFFFFFFF0] =	vst v13;
	v20 =	vld [tilespmem:s24+$0xFFFFFFE0];
	vm11 =	vlt.s32 v29, v6;
	vm15 =	vlt.s32 v12, v6;
	v11 =	vsel vm12, $0x0, v30;
	v9 =	vpop (erf)  }
0x386: {  	[tilespmem:v10+s16+$0x0] =	vst.idx.add.s32.msk $0xffff, v4;
	v12 =	vsel vm13, $0x0, v14;
	v15 =	vmul.f32 v18, v8;
	v13 =	vmul.f32 v9, v8;
	v9 =	vpop (erf)  }
0x387: {  	[tilespmem:s29+$0xFFFFFFA0] =	vst v11;
	v18 =	vxor.u32 v43, v56;
	v16 =	vmul.f32 v61, v8;
	v10 =	vmul.f32 v9, v8;
	v9 =	vld [tilespmem:s24+$0xFFFFFFF0]  }
0x388: {  	[tilespmem:s29+$0xFFFFFFB0] =	vst v12;
	vm5 =	vlt.s32 v18, v6;
	v18 =	vsel vm14, $0x0, v15;
	v14 =	vshrl.u32 v60, $0x14  }
0x389: {  	v11 =	vld [tilespmem:s30+$0xFFFFFFA0];
	v17 =	vmul.f32 v17, v8;
	[tilespmem:s29+$0xFFFFFFC0] =	vst v18;
	v14 =	vand.u32 $0xFF0, v14;
	v10 =	vsel vm11, $0x0, v10  }
0x38a: {  	v12 =	vld [tilespmem:s30+$0xFFFFFFB0];
	v16 =	vsel vm4, $0x0, v16;
	v18 =	vshrl.u32 v63, $0x14;
	[tilespmem:s29+$0xFFFFFF90] =	vst v10;
	v10 =	vor.u32 v3, v14  }
0x38b: {  	s0 =	simm.s32 $0x208;
	s4 =	simm.s32 $0x2170;
	v15 =	vsel vm5, $0x0, v17;
	v17 =	vshrl.u32 v20, $0x14;
	v13 =	vsel vm15, $0x0, v13;
	v14 =	vld [tilespmem:s30+$0xFFFFFF90]  }
.LBB2_53:
0x38c: {  	v20 =	vld [tilespmem:s4+$0x0];
	s0 =	sadd.s32 $0x8, s0;
	[tilespmem:s29+$0xFFFFFFD0] =	vst v16;
	v16 =	vand.u32 $0xFF0, v19;
	v18 =	vand.u32 $0xFF0, v18;
	v9 =	vshrl.u32 v9, $0x14  }
0x38d: {  	v19 =	vld [tilespmem:s4+$0xFFFFFFA0];
	p0 =	slt.u32 s0, $0x3F8;
	[tilespmem:s29+$0xFFFFFFE0] =	vst v15;
	v15 =	vor.u32 v3, v16;
	v16 =	vand.u32 $0xFF0, v17;
	v9 =	vand.u32 $0xFF0, v9  }
0x38e: {  	v17 =	vld [tilespmem:s4+$0xFFFFFFB0];
	v11 =	vshrl.u32 v11, $0x14;
	[tilespmem:s29+$0xFFFFFFF0] =	vst v13;
	v13 =	vor.u32 v3, v18;
	v16 =	vor.u32 v3, v16  }
0x38f: {  	v11 =	vand.u32 $0xFF0, v11;
	v12 =	vshrl.u32 v12, $0x14;
	[tilespmem:v10+s16+$0x0] =	vst.idx.add.s32.msk $0xffff, v4;
	v10 =	vor.u32 v3, v9  }
0x390: {  	v18 =	vld [tilespmem:s4+$0xFFFFFFC0];
	v9 =	vshrl.u32 v14, $0x14;
	v11 =	vor.u32 v3, v11;
	v12 =	vand.u32 $0xFF0, v12  }
0x391: {  	v14 =	vld [tilespmem:s4+$0xFFFFFFD0];
	v21 =	vsub.f32 v20, v7;
	v9 =	vand.u32 $0xFF0, v9;
	v12 =	vor.u32 v3, v12  }
0x392: {  	v22 =	vshra.s32 v19, $0x1F;
	v23 =	vsub.f32 v19, v7;
	v24 =	vld [tilespmem:s4+$0xFFFFFFE0];
	v25 =	vor.u32 v3, v9  }
0x393: {  	v9 =	vshra.s32 v17, $0x1F;
	v26 =	vsub.f32 v17, v7;
	v27 =	vld [tilespmem:s4+$0xFFFFFFF0];
	v21 =	vmul.f32 $1.442695020e+00, v21  }
0x394: {  	v22 =	vand.u32 $0x7FFFFFFF, v22;
	v28 =	vld [tilespmem:s4+$0xFFFFFF90];
	v23 =	vmul.f32 $1.442695020e+00, v23;
	v29 =	vand.u32 $0x7FFFFFFF, v9  }
0x395: {  	v9 =	vmul.f32 $1.442695020e+00, v26;
	v26 =	vsub.f32 v18, v7;
	(erf) = vpow2.f32 v21;
	v21 =	vld [tilespmem:s30+$0xFFFFFFC0]  }
0x396: {  	v30 =	vshra.s32 v18, $0x1F;
	v31 =	vsub.f32 v14, v7;
	(erf) = vpow2.f32 v23;
	v23 =	vld [tilespmem:s30+$0xFFFFFFD0]  }
0x397: {  	v26 =	vmul.f32 $1.442695020e+00, v26;
	v32 =	vsub.f32 v24, v7;
	(erf) = vpow2.f32 v9;
	v33 =	vld [tilespmem:s30+$0xFFFFFFE0]  }
0x398: {  	v34 =	vshra.s32 v14, $0x1F;
	v31 =	vmul.f32 $1.442695020e+00, v31;
	v35 =	vsub.f32 v27, v7;
	v9 =	vld [tilespmem:s30+$0xFFFFFFF0]  }
0x399: {  	v36 =	vsub.f32 v28, v7;
	v32 =	vmul.f32 $1.442695020e+00, v32;
	(erf) = vpow2.f32 v26;
	[tilespmem:v25+s16+$0x0] =	vst.idx.add.s32.msk $0xffff, v4  }
0x39a: {  	v25 =	vshra.s32 v28, $0x1F;
	v26 =	vmul.f32 $1.442695020e+00, v35;
	(erf) = vpow2.f32 v31;
	[tilespmem:v11+s16+$0x0] =	vst.idx.add.s32.msk $0xffff, v4  }
0x39b: {  	v31 =	vshra.s32 v24, $0x1F;
	v11 =	vmul.f32 $1.442695020e+00, v36;
	(erf) = vpow2.f32 v32;
	[tilespmem:v12+s16+$0x0] =	vst.idx.add.s32.msk $0xffff, v4  }
0x39c: {  	v12 =	vand.u32 $0x7FFFFFFF, v25;
	v25 =	vshra.s32 v27, $0x1F;
	(erf) = vpow2.f32 v26;
	[tilespmem:v15+s16+$0x0] =	vst.idx.add.s32.msk $0xffff, v4  }
0x39d: {  	v32 =	vshra.s32 v20, $0x1F;
	v15 =	vand.u32 $0x7FFFFFFF, v30;
	(erf) = vpow2.f32 v11;
	[tilespmem:v13+s16+$0x0] =	vst.idx.add.s32.msk $0xffff, v4  }
0x39e: {  	v11 =	vand.u32 $0x7FFFFFFF, v34;
	v13 =	vand.u32 $0x7FFFFFFF, v31;
	v31 =	vand.u32 $0x7FFFFFFF, v32;
	v30 =	vpop (erf);
	[tilespmem:v16+s16+$0x0] =	vst.idx.add.s32.msk $0xffff, v4  }
0x39f: {  	v16 =	vand.u32 $0x7FFFFFFF, v25;
	v31 =	vxor.u32 v20, v31;
	v25 =	vmul.f32 v30, v8;
	v26 =	vpop (erf);
	[tilespmem:v10+s16+$0x0] =	vst.idx.add.s32.msk $0xffff, v4  }
0x3a0: {  	v10 =	vxor.u32 v28, v12;
	vm0 =	vlt.s32 v31, v6;
	v12 =	vmul.f32 v26, v8;
	v20 =	vpop (erf)  }
0x3a1: {  	s29 =	sadd.s32 $0x80, s29;
	v19 =	vxor.u32 v19, v22;
	v20 =	vmul.f32 v20, v8;
	v25 =	vsel vm0, $0x0, v25  }
0x3a2: {  	v17 =	vxor.u32 v17, v29;
	s30 =	sadd.s32 $0x80, s30;
	v15 =	vxor.u32 v18, v15;
	v11 =	vxor.u32 v14, v11;
	[tilespmem:s29+$0x0] =	vst v25;
	v14 =	vpop (erf)  }
0x3a3: {  	v13 =	vxor.u32 v24, v13;
	v16 =	vxor.u32 v27, v16;
	v14 =	vmul.f32 v14, v8;
	v18 =	vld [tilespmem:s30+$0x0];
	v22 =	vpop (erf)  }
0x3a4: {  	vm1 =	vlt.s32 v19, v6;
	vm0 =	vlt.s32 v10, v6;
	v10 =	vmul.f32 v22, v8;
	v19 =	vpop (erf)  }
0x3a5: {  	vm2 =	vlt.s32 v17, v6;
	vm3 =	vlt.s32 v15, v6;
	v15 =	vmul.f32 v19, v8;
	v17 =	vpop (erf)  }
0x3a6: {  	vm4 =	vlt.s32 v11, v6;
	vm5 =	vlt.s32 v13, v6;
	v13 =	vmul.f32 v17, v8;
	v11 =	vpop (erf)  }
.Ltmp32:
0x3a7: {  	v12 =	vsel vm1, $0x0, v12;
	vm1 =	vlt.s32 v16, v6;
	v11 =	vmul.f32 v11, v8;
	(pc) =	sbr.rel @p0 .LBB2_53-.Ltmp32, $4  }
0x3a8: {  	v17 =	vsel vm3, $0x0, v14;
	[tilespmem:s29+$0xFFFFFFA0] =	vst v12;
	v12 =	vsel vm2, $0x0, v20;
	v14 =	vshrl.u32 v18, $0x14  }
0x3a9: {  	v16 =	vsel vm4, $0x0, v10;
	v18 =	vsel vm0, $0x0, v11;
	v11 =	vld [tilespmem:s30+$0xFFFFFFA0];
	[tilespmem:s29+$0xFFFFFFB0] =	vst v12;
	v10 =	vand.u32 $0xFF0, v14  }
0x3aa: {  	v15 =	vsel vm5, $0x0, v15;
	v13 =	vsel vm1, $0x0, v13;
	[tilespmem:s29+$0xFFFFFF90] =	vst v18;
	v12 =	vld [tilespmem:s30+$0xFFFFFFB0];
	v10 =	vor.u32 v3, v10  }
0x3ab: {  	s4 =	sadd.s32 $0x80, s4;
	v19 =	vshrl.u32 v21, $0x14;
	v18 =	vshrl.u32 v23, $0x14;
	v14 =	vld [tilespmem:s30+$0xFFFFFF90];
	[tilespmem:s29+$0xFFFFFFC0] =	vst v17;
	v17 =	vshrl.u32 v33, $0x14  }
0x3ac: {  	_ =	sdelay $0x1  }
0x3ad: {  	v11 =	vshrl.u32 v11, $0x14  }
0x3ae: {  	v11 =	vand.u32 $0xFF0, v11;
	v12 =	vshrl.u32 v12, $0x14  }
0x3af: {  	[tilespmem:s29+$0xFFFFFFD0] =	vst v16;
	v16 =	vld [tilespmem:s30+$0xFFFFFFC0];
	v14 =	vshrl.u32 v14, $0x14;
	v11 =	vor.u32 v3, v11;
	v12 =	vand.u32 $0xFF0, v12  }
0x3b0: {  	[tilespmem:s29+$0xFFFFFFE0] =	vst v15;
	v15 =	vld [tilespmem:s30+$0xFFFFFFD0];
	v14 =	vand.u32 $0xFF0, v14;
	v12 =	vor.u32 v3, v12  }
0x3b1: {  	[tilespmem:s29+$0xFFFFFFF0] =	vst v13;
	v13 =	vld [tilespmem:s30+$0xFFFFFFE0];
	v14 =	vor.u32 v3, v14  }
0x3b2: {  	v19 =	vand.u32 $0xFF0, v19;
	[tilespmem:v10+s16+$0x0] =	vst.idx.add.s32.msk $0xffff, v4  }
0x3b3: {  	v18 =	vand.u32 $0xFF0, v18;
	v9 =	vshrl.u32 v9, $0x14;
	v19 =	vor.u32 v3, v19;
	v20 =	vld [tilespmem:s30+$0xFFFFFFF0]  }
0x3b4: {  	v17 =	vand.u32 $0xFF0, v17;
	v18 =	vor.u32 v3, v18;
	v9 =	vand.u32 $0xFF0, v9;
	[tilespmem:v11+s16+$0x0] =	vst.idx.add.s32.msk $0xffff, v4  }
0x3b5: {  	v10 =	vor.u32 v3, v17;
	v9 =	vor.u32 v3, v9;
	v11 =	vshrl.u32 v15, $0x14;
	[tilespmem:v12+s16+$0x0] =	vst.idx.add.s32.msk $0xffff, v4  }
0x3b6: {  	v12 =	vshrl.u32 v13, $0x14;
	v11 =	vand.u32 $0xFF0, v11;
	[tilespmem:v14+s16+$0x0] =	vst.idx.add.s32.msk $0xffff, v4;
	v14 =	vshrl.u32 v16, $0x14  }
0x3b7: {  	v12 =	vand.u32 $0xFF0, v12;
	v11 =	vor.u32 v3, v11;
	v14 =	vand.u32 $0xFF0, v14  }
0x3b8: {  	[tilespmem:v19+s16+$0x0] =	vst.idx.add.s32.msk $0xffff, v4;
	v12 =	vor.u32 v3, v12;
	v13 =	vor.u32 v3, v14;
	v14 =	vshrl.u32 v20, $0x14  }
0x3b9: {  	[tilespmem:v18+s16+$0x0] =	vst.idx.add.s32.msk $0xffff, v4;
	v14 =	vand.u32 $0xFF0, v14  }
0x3ba: {  	[tilespmem:v10+s16+$0x0] =	vst.idx.add.s32.msk $0xffff, v4;
	v10 =	vor.u32 v3, v14  }
0x3bb: {  	[tilespmem:v9+s16+$0x0] =	vst.idx.add.s32.msk $0xffff, v4  }
0x3bc: {  	[tilespmem:v11+s16+$0x0] =	vst.idx.add.s32.msk $0xffff, v4  }
0x3bd: {  	[tilespmem:v12+s16+$0x0] =	vst.idx.add.s32.msk $0xffff, v4  }
0x3be: {  	[tilespmem:v13+s16+$0x0] =	vst.idx.add.s32.msk $0xffff, v4  }
0x3bf: {  	s0 =	sadd.s32 s28, s9;
	s29 =	simm.s32 $0x0;
	[tilespmem:v10+s16+$0x0] =	vst.idx.add.s32.msk $0xffff, v4  }
0x3c0: {  	[hbm4b:s0+s13] =	stream.strided.scatter [tilespmem:s20], [sflag:$0x3], $0x2000, s14, s13, $0x38;
	[tilespmem:$0x1A080] =	vst v63  }
0x3c1: {  	v9 =	vld [tilespmem:s29+$0x4070]  }
0x3c2: {  	v10 =	vld [tilespmem:s29+$0x4000]  }
0x3c3: {  	v11 =	vld [tilespmem:s29+$0x4010]  }
0x3c4: {  	v19 =	vld [tilespmem:s29+$0x4020]  }
0x3c5: {  	v20 =	vld [tilespmem:s29+$0x4030]  }
0x3c6: {  	v22 =	vld [tilespmem:s29+$0x4050]  }
0x3c7: {  	v23 =	vld [tilespmem:s29+$0x4060]  }
0x3c8: {  	v29 =	vld [tilespmem:s29+$0xC030]  }
0x3c9: {  	v33 =	vld [tilespmem:s29+$0xC050]  }
0x3ca: {  	v35 =	vld [tilespmem:s29+$0xC060]  }
0x3cb: {  	v25 =	vld [tilespmem:s29+$0xC070];
	v12 =	vsub.f32 v9, v7;
	v13 =	vshra.s32 v10, $0x1F;
	v14 =	vsub.f32 v10, v7  }
0x3cc: {  	v15 =	vshra.s32 v11, $0x1F;
	v16 =	vsub.f32 v11, v7;
	v17 =	vshra.s32 v19, $0x1F  }
0x3cd: {  	v18 =	vsub.f32 v19, v7;
	v24 =	vsub.f32 v20, v7;
	v26 =	vshra.s32 v22, $0x1F  }
0x3ce: {  	v21 =	vld [tilespmem:s29+$0x4040];
	v27 =	vshra.s32 v23, $0x1F;
	v40 =	vshrl.u32 v29, $0x14;
	v12 =	vmul.f32 $1.442695020e+00, v12  }
0x3cf: {  	v33 =	vshrl.u32 v33, $0x14;
	v35 =	vshrl.u32 v35, $0x14;
	v28 =	vand.u32 $0x7FFFFFFF, v13  }
0x3d0: {  	v13 =	vshrl.u32 v25, $0x14;
	v25 =	vand.u32 $0x7FFFFFFF, v15;
	(erf) = vpow2.f32 v12  }
0x3d1: {  	v15 =	vshra.s32 v9, $0x1F;
	v30 =	vand.u32 $0x7FFFFFFF, v17;
	v14 =	vmul.f32 $1.442695020e+00, v14  }
0x3d2: {  	v26 =	vand.u32 $0x7FFFFFFF, v26;
	v36 =	vand.u32 $0x7FFFFFFF, v27;
	v16 =	vmul.f32 $1.442695020e+00, v16  }
0x3d3: {  	v12 =	vmul.f32 $1.442695020e+00, v18;
	v18 =	vsub.f32 v21, v7;
	(erf) = vpow2.f32 v14  }
0x3d4: {  	v14 =	vmul.f32 $1.442695020e+00, v24;
	v24 =	vsub.f32 v22, v7;
	(erf) = vpow2.f32 v16  }
0x3d5: {  	v16 =	vmul.f32 $1.442695020e+00, v18;
	v18 =	vsub.f32 v23, v7;
	(erf) = vpow2.f32 v12  }
0x3d6: {  	v13 =	vand.u32 $0xFF0, v13;
	v24 =	vmul.f32 $1.442695020e+00, v24;
	(erf) = vpow2.f32 v14  }
0x3d7: {  	v17 =	vld [tilespmem:s29+$0xC040];
	v15 =	vand.u32 $0x7FFFFFFF, v15;
	v18 =	vmul.f32 $1.442695020e+00, v18;
	(erf) = vpow2.f32 v16  }
0x3d8: {  	v27 =	vxor.u32 v11, v25;
	v29 =	vxor.u32 v19, v30;
	(erf) = vpow2.f32 v24  }
0x3d9: {  	v31 =	vor.u32 v3, v13;
	v12 =	vshra.s32 v20, $0x1F;
	v16 =	vld [tilespmem:s29+$0xC000];
	(erf) = vpow2.f32 v18;
	v13 =	vpop (erf)  }
0x3da: {  	v26 =	vxor.u32 v22, v26;
	v9 =	vxor.u32 v9, v15;
	v24 =	vld [tilespmem:s29+$0xC010];
	v13 =	vmul.f32 v13, v8  }
0x3db: {  	v19 =	vand.u32 $0xFF0, v35;
	vm0 =	vlt.s32 v9, v6;
	v14 =	vshra.s32 v21, $0x1F;
	v18 =	vld [tilespmem:s29+$0xC020]  }
0x3dc: {  	v41 =	vshrl.u32 v17, $0x14;
	v32 =	vand.u32 $0x7FFFFFFF, v12;
	v34 =	vand.u32 $0x7FFFFFFF, v14;
	v12 =	vpop (erf)  }
0x3dd: {  	v22 =	vand.u32 $0xFF0, v40;
	v11 =	vxor.u32 v21, v34;
	v21 =	vand.u32 $0xFF0, v41;
	v9 =	vpop (erf)  }
0x3de: {  	v38 =	vshrl.u32 v16, $0x14;
	v12 =	vmul.f32 v12, v8;
	v37 =	vsel vm0, $0x0, v13;
	v13 =	vpop (erf)  }
0x3df: {  	v24 =	vshrl.u32 v24, $0x14;
	v25 =	vand.u32 $0xFF0, v38;
	v14 =	vmul.f32 v9, v8;
	v9 =	vpop (erf)  }
0x3e0: {  	v39 =	vshrl.u32 v18, $0x14;
	v24 =	vand.u32 $0xFF0, v24;
	v15 =	vmul.f32 v9, v8;
	v9 =	vpop (erf)  }
0x3e1: {  	v13 =	vmul.f32 v13, v8;
	v16 =	vmul.f32 v9, v8;
	v9 =	vxor.u32 v10, v28;
	v10 =	vpop (erf)  }
0x3e2: {  	[tilespmem:s29+$0x14070] =	vst v37;
	v28 =	vxor.u32 v20, v32;
	v20 =	vand.u32 $0xFF0, v33;
	v17 =	vmul.f32 v10, v8;
	v10 =	vpop (erf)  }
0x3e3: {  	s4 =	simm.s32 $0x200;
	s0 =	simm.s32 $0x400;
	[tilespmem:v31+s16+$0x0] =	vst.idx.add.s32.msk $0xffff, v4;
	v18 =	vmul.f32 v10, v8;
	v10 =	vxor.u32 v23, v36;
	v23 =	vand.u32 $0xFF0, v39  }
.LBB2_55:
0x3e4: {  	s1 =	sshra.s32 s4, $0x2;
	vm0 =	vlt.s32 v9, v6;
	vm1 =	vlt.s32 v27, v6;
	vm2 =	vlt.s32 v29, v6  }
0x3e5: {  	s0 =	sadd.s32 $0x8, s0;
	vm3 =	vlt.s32 v28, v6;
	vm4 =	vlt.s32 v11, v6;
	vm5 =	vlt.s32 v26, v6;
	v27 =	vld [tilespmem:s1+$0x4070]  }
0x3e6: {  	p0 =	slt.u32 s0, $0x5F8;
	v11 =	vsel vm0, $0x0, v12;
	v12 =	vsel vm1, $0x0, v14;
	vm0 =	vlt.s32 v10, v6;
	v9 =	vld [tilespmem:s1+$0x4000]  }
0x3e7: {  	v13 =	vsel vm2, $0x0, v13;
	v14 =	vsel vm3, $0x0, v15;
	v15 =	vsel vm4, $0x0, v16;
	v10 =	vld [tilespmem:s1+$0x4010];
	[tilespmem:s29+$0x14000] =	vst v11  }
0x3e8: {  	v16 =	vor.u32 v3, v25;
	v11 =	vld [tilespmem:s1+$0x4020];
	[tilespmem:s29+$0x14010] =	vst v12;
	v12 =	vsel vm5, $0x0, v17;
	v17 =	vsel vm0, $0x0, v18  }
0x3e9: {  	v22 =	vor.u32 v3, v22;
	v18 =	vor.u32 v3, v24;
	v25 =	vld [tilespmem:s1+$0x4030];
	[tilespmem:s29+$0x14020] =	vst v13;
	v13 =	vor.u32 v3, v23  }
0x3ea: {  	v20 =	vor.u32 v3, v20;
	v23 =	vld [tilespmem:s1+$0x4040];
	v24 =	vsub.f32 v27, v7;
	[tilespmem:s29+$0x14030] =	vst v14;
	v14 =	vor.u32 v3, v21  }
0x3eb: {  	v19 =	vor.u32 v3, v19;
	v21 =	vshra.s32 v9, $0x1F;
	v26 =	vsub.f32 v9, v7;
	v30 =	vld [tilespmem:s1+$0x4050];
	[tilespmem:s29+$0x14040] =	vst v15  }
0x3ec: {  	v15 =	vshra.s32 v10, $0x1F;
	v28 =	vsub.f32 v10, v7;
	v31 =	vld [tilespmem:s1+$0x4060];
	v24 =	vmul.f32 $1.442695020e+00, v24;
	[tilespmem:s29+$0x14050] =	vst v12  }
0x3ed: {  	v12 =	vmul.f32 $1.442695020e+00, v26;
	v26 =	vld [tilespmem:s1+$0xC000];
	v29 =	vshra.s32 v11, $0x1F;
	v32 =	vsub.f32 v11, v7;
	[tilespmem:s29+$0x14060] =	vst v17;
	s29 =	smov.u32 s1  }
0x3ee: {  	v17 =	vmul.f32 $1.442695020e+00, v28;
	v28 =	vld [tilespmem:s29+$0xC010];
	v33 =	vsub.f32 v25, v7;
	(erf) = vpow2.f32 v24  }
0x3ef: {  	v24 =	vmul.f32 $1.442695020e+00, v32;
	v32 =	vld [tilespmem:s29+$0xC020];
	v34 =	vsub.f32 v23, v7;
	(erf) = vpow2.f32 v12  }
0x3f0: {  	v12 =	vmul.f32 $1.442695020e+00, v33;
	v33 =	vsub.f32 v30, v7;
	v35 =	vld [tilespmem:s29+$0xC070];
	(erf) = vpow2.f32 v17  }
0x3f1: {  	v17 =	vld [tilespmem:s29+$0xC030];
	v34 =	vmul.f32 $1.442695020e+00, v34;
	v36 =	vsub.f32 v31, v7;
	(erf) = vpow2.f32 v24  }
0x3f2: {  	v24 =	vshra.s32 v25, $0x1F;
	v37 =	vld [tilespmem:s29+$0xC040];
	v33 =	vmul.f32 $1.442695020e+00, v33;
	(erf) = vpow2.f32 v12  }
0x3f3: {  	v12 =	vshra.s32 v23, $0x1F;
	v38 =	vld [tilespmem:s29+$0xC050];
	v36 =	vmul.f32 $1.442695020e+00, v36;
	(erf) = vpow2.f32 v34  }
0x3f4: {  	v39 =	vshra.s32 v31, $0x1F;
	v34 =	vshra.s32 v30, $0x1F;
	v40 =	vld [tilespmem:s29+$0xC060];
	(erf) = vpow2.f32 v33  }
0x3f5: {  	v21 =	vand.u32 $0x7FFFFFFF, v21;
	v33 =	vshrl.u32 v35, $0x14;
	(erf) = vpow2.f32 v36;
	[tilespmem:v16+s16+$0x0] =	vst.idx.add.s32.msk $0xffff, v4  }
0x3f6: {  	v35 =	vand.u32 $0x7FFFFFFF, v15;
	v15 =	vshra.s32 v27, $0x1F;
	v16 =	vand.u32 $0xFF0, v33;
	[tilespmem:v18+s16+$0x0] =	vst.idx.add.s32.msk $0xffff, v4  }
0x3f7: {  	v29 =	vand.u32 $0x7FFFFFFF, v29;
	v15 =	vand.u32 $0x7FFFFFFF, v15;
	v16 =	vor.u32 v3, v16;
	v18 =	vpop (erf);
	[tilespmem:v13+s16+$0x0] =	vst.idx.add.s32.msk $0xffff, v4  }
0x3f8: {  	v24 =	vand.u32 $0x7FFFFFFF, v24;
	v27 =	vxor.u32 v27, v15;
	v36 =	vmul.f32 v18, v8;
	v18 =	vpop (erf);
	[tilespmem:v22+s16+$0x0] =	vst.idx.add.s32.msk $0xffff, v4  }
0x3f9: {  	v33 =	vand.u32 $0x7FFFFFFF, v34;
	v22 =	vand.u32 $0x7FFFFFFF, v12;
	vm0 =	vlt.s32 v27, v6;
	v13 =	vpop (erf);
	[tilespmem:v14+s16+$0x0] =	vst.idx.add.s32.msk $0xffff, v4  }
0x3fa: {  	v34 =	vand.u32 $0x7FFFFFFF, v39;
	v12 =	vmul.f32 v18, v8;
	v27 =	vsel vm0, $0x0, v36;
	v18 =	vpop (erf);
	[tilespmem:v20+s16+$0x0] =	vst.idx.add.s32.msk $0xffff, v4  }
0x3fb: {  	v20 =	vshrl.u32 v26, $0x14;
	v14 =	vmul.f32 v13, v8;
	v13 =	vmul.f32 v18, v8;
	[tilespmem:s29+$0x14070] =	vst v27;
	v15 =	vpop (erf)  }
0x3fc: {  	v32 =	vshrl.u32 v32, $0x14;
	v36 =	vshrl.u32 v28, $0x14;
	v15 =	vmul.f32 v15, v8;
	[tilespmem:v16+s16+$0x0] =	vst.idx.add.s32.msk $0xffff, v4;
	v16 =	vpop (erf)  }
0x3fd: {  	v39 =	vshrl.u32 v17, $0x14;
	v37 =	vshrl.u32 v37, $0x14;
	v16 =	vmul.f32 v16, v8;
	v17 =	vpop (erf);
	[tilespmem:v19+s16+$0x0] =	vst.idx.add.s32.msk $0xffff, v4  }
0x3fe: {  	v19 =	vshrl.u32 v38, $0x14;
	v38 =	vshrl.u32 v40, $0x14;
	v17 =	vmul.f32 v17, v8;
	v18 =	vpop (erf)  }
.Ltmp33:
0x3ff: {  	v9 =	vxor.u32 v9, v21;
	v27 =	vxor.u32 v10, v35;
	v18 =	vmul.f32 v18, v8;
	(pc) =	sbr.rel @p0 .LBB2_55-.Ltmp33, $4  }
0x400: {  	v29 =	vxor.u32 v11, v29;
	v11 =	vxor.u32 v23, v22;
	v28 =	vxor.u32 v25, v24  }
0x401: {  	v26 =	vxor.u32 v30, v33;
	v25 =	vand.u32 $0xFF0, v20;
	v10 =	vxor.u32 v31, v34  }
0x402: {  	v23 =	vand.u32 $0xFF0, v32;
	v22 =	vand.u32 $0xFF0, v39;
	v24 =	vand.u32 $0xFF0, v36  }
0x403: {  	s4 =	sadd.s32 $0x200, s4;
	v21 =	vand.u32 $0xFF0, v37;
	v20 =	vand.u32 $0xFF0, v19;
	v19 =	vand.u32 $0xFF0, v38  }
0x404: {  	vm0 =	vlt.s32 v9, v6  }
0x405: {  	vm1 =	vlt.s32 v27, v6;
	v9 =	vsel vm0, $0x0, v12  }
0x406: {  	vm10 =	vlt.s32 v29, v6;
	vm11 =	vlt.s32 v28, v6;
	v12 =	vsel vm1, $0x0, v14;
	[tilespmem:s29+$0x14000] =	vst v9  }
0x407: {  	vm12 =	vlt.s32 v11, v6;
	vm13 =	vlt.s32 v26, v6;
	v11 =	vsel vm11, $0x0, v15;
	[tilespmem:s29+$0x14010] =	vst v12  }
0x408: {  	vm14 =	vlt.s32 v10, v6;
	v10 =	vsel vm13, $0x0, v17;
	v14 =	vor.u32 v3, v22;
	[tilespmem:s29+$0x14030] =	vst v11  }
0x409: {  	v9 =	vsel vm10, $0x0, v13;
	v12 =	vor.u32 v3, v25;
	[tilespmem:s29+$0x14050] =	vst v10  }
0x40a: {  	v13 =	vor.u32 v3, v24;
	[tilespmem:s29+$0x14020] =	vst v9;
	v9 =	vsel vm12, $0x0, v16  }
0x40b: {  	v11 =	vor.u32 v3, v23;
	[tilespmem:s29+$0x14040] =	vst v9;
	v9 =	vsel vm14, $0x0, v18  }
0x40c: {  	v10 =	vor.u32 v3, v21;
	[tilespmem:s29+$0x14060] =	vst v9  }
0x40d: {  	v9 =	vor.u32 v3, v20;
	[tilespmem:v14+s16+$0x0] =	vst.idx.add.s32.msk $0xffff, v4  }
0x40e: {  	[tilespmem:v12+s16+$0x0] =	vst.idx.add.s32.msk $0xffff, v4;
	v12 =	vor.u32 v3, v19  }
0x40f: {  	[tilespmem:v13+s16+$0x0] =	vst.idx.add.s32.msk $0xffff, v4  }
0x410: {  	[tilespmem:v11+s16+$0x0] =	vst.idx.add.s32.msk $0xffff, v4  }
0x411: {  	[tilespmem:v10+s16+$0x0] =	vst.idx.add.s32.msk $0xffff, v4  }
0x412: {  	[tilespmem:v9+s16+$0x0] =	vst.idx.add.s32.msk $0xffff, v4  }
0x413: {  	s0 =	sadd.s32 s28, s10;
	s29 =	simm.s32 $0x0;
	[tilespmem:v12+s16+$0x0] =	vst.idx.add.s32.msk $0xffff, v4  }
0x414: {  	[hbm4b:s0+s13] =	stream.strided.scatter [tilespmem:s21], [sflag:$0x3], $0x2000, s14, s13, $0x38;
	[tilespmem:$0x1A080] =	vst v63  }
0x415: {  	v9 =	vld [tilespmem:s29+$0x6070]  }
0x416: {  	v10 =	vld [tilespmem:s29+$0x6000]  }
0x417: {  	v11 =	vld [tilespmem:s29+$0x6010]  }
0x418: {  	v19 =	vld [tilespmem:s29+$0x6020]  }
0x419: {  	v20 =	vld [tilespmem:s29+$0x6030]  }
0x41a: {  	v22 =	vld [tilespmem:s29+$0x6050]  }
0x41b: {  	v23 =	vld [tilespmem:s29+$0x6060]  }
0x41c: {  	v29 =	vld [tilespmem:s29+$0xE030]  }
0x41d: {  	v33 =	vld [tilespmem:s29+$0xE050]  }
0x41e: {  	v35 =	vld [tilespmem:s29+$0xE060]  }
0x41f: {  	v25 =	vld [tilespmem:s29+$0xE070];
	v12 =	vsub.f32 v9, v7;
	v13 =	vshra.s32 v10, $0x1F;
	v14 =	vsub.f32 v10, v7  }
0x420: {  	v15 =	vshra.s32 v11, $0x1F;
	v16 =	vsub.f32 v11, v7;
	v17 =	vshra.s32 v19, $0x1F  }
0x421: {  	v18 =	vsub.f32 v19, v7;
	v24 =	vsub.f32 v20, v7;
	v26 =	vshra.s32 v22, $0x1F  }
0x422: {  	v21 =	vld [tilespmem:s29+$0x6040];
	v27 =	vshra.s32 v23, $0x1F;
	v40 =	vshrl.u32 v29, $0x14;
	v12 =	vmul.f32 $1.442695020e+00, v12  }
0x423: {  	v33 =	vshrl.u32 v33, $0x14;
	v35 =	vshrl.u32 v35, $0x14;
	v28 =	vand.u32 $0x7FFFFFFF, v13  }
0x424: {  	v13 =	vshrl.u32 v25, $0x14;
	v25 =	vand.u32 $0x7FFFFFFF, v15;
	(erf) = vpow2.f32 v12  }
0x425: {  	v15 =	vshra.s32 v9, $0x1F;
	v30 =	vand.u32 $0x7FFFFFFF, v17;
	v14 =	vmul.f32 $1.442695020e+00, v14  }
0x426: {  	v26 =	vand.u32 $0x7FFFFFFF, v26;
	v36 =	vand.u32 $0x7FFFFFFF, v27;
	v16 =	vmul.f32 $1.442695020e+00, v16  }
0x427: {  	v12 =	vmul.f32 $1.442695020e+00, v18;
	v18 =	vsub.f32 v21, v7;
	(erf) = vpow2.f32 v14  }
0x428: {  	v14 =	vmul.f32 $1.442695020e+00, v24;
	v24 =	vsub.f32 v22, v7;
	(erf) = vpow2.f32 v16  }
0x429: {  	v16 =	vmul.f32 $1.442695020e+00, v18;
	v18 =	vsub.f32 v23, v7;
	(erf) = vpow2.f32 v12  }
0x42a: {  	v13 =	vand.u32 $0xFF0, v13;
	v24 =	vmul.f32 $1.442695020e+00, v24;
	(erf) = vpow2.f32 v14  }
0x42b: {  	v17 =	vld [tilespmem:s29+$0xE040];
	v15 =	vand.u32 $0x7FFFFFFF, v15;
	v18 =	vmul.f32 $1.442695020e+00, v18;
	(erf) = vpow2.f32 v16  }
0x42c: {  	v27 =	vxor.u32 v11, v25;
	v29 =	vxor.u32 v19, v30;
	(erf) = vpow2.f32 v24  }
0x42d: {  	v31 =	vor.u32 v3, v13;
	v12 =	vshra.s32 v20, $0x1F;
	v16 =	vld [tilespmem:s29+$0xE000];
	(erf) = vpow2.f32 v18;
	v13 =	vpop (erf)  }
0x42e: {  	v26 =	vxor.u32 v22, v26;
	v9 =	vxor.u32 v9, v15;
	v24 =	vld [tilespmem:s29+$0xE010];
	v13 =	vmul.f32 v13, v8  }
0x42f: {  	v19 =	vand.u32 $0xFF0, v35;
	vm15 =	vlt.s32 v9, v6;
	v14 =	vshra.s32 v21, $0x1F;
	v18 =	vld [tilespmem:s29+$0xE020]  }
0x430: {  	v41 =	vshrl.u32 v17, $0x14;
	v32 =	vand.u32 $0x7FFFFFFF, v12;
	v34 =	vand.u32 $0x7FFFFFFF, v14;
	v12 =	vpop (erf)  }
0x431: {  	v22 =	vand.u32 $0xFF0, v40;
	v11 =	vxor.u32 v21, v34;
	v21 =	vand.u32 $0xFF0, v41;
	v9 =	vpop (erf)  }
0x432: {  	v38 =	vshrl.u32 v16, $0x14;
	v12 =	vmul.f32 v12, v8;
	v37 =	vsel vm15, $0x0, v13;
	v13 =	vpop (erf)  }
0x433: {  	v24 =	vshrl.u32 v24, $0x14;
	v25 =	vand.u32 $0xFF0, v38;
	v14 =	vmul.f32 v9, v8;
	v9 =	vpop (erf)  }
0x434: {  	v39 =	vshrl.u32 v18, $0x14;
	v24 =	vand.u32 $0xFF0, v24;
	v15 =	vmul.f32 v9, v8;
	v9 =	vpop (erf)  }
0x435: {  	v13 =	vmul.f32 v13, v8;
	v16 =	vmul.f32 v9, v8;
	v9 =	vxor.u32 v10, v28;
	v10 =	vpop (erf)  }
0x436: {  	[tilespmem:s29+$0x16070] =	vst v37;
	v28 =	vxor.u32 v20, v32;
	v20 =	vand.u32 $0xFF0, v33;
	v17 =	vmul.f32 v10, v8;
	v10 =	vpop (erf)  }
0x437: {  	s4 =	simm.s32 $0x200;
	s0 =	simm.s32 $0x600;
	[tilespmem:v31+s16+$0x0] =	vst.idx.add.s32.msk $0xffff, v4;
	v18 =	vmul.f32 v10, v8;
	v10 =	vxor.u32 v23, v36;
	v23 =	vand.u32 $0xFF0, v39  }
.LBB2_57:
0x438: {  	s1 =	sshra.s32 s4, $0x2;
	vm0 =	vlt.s32 v9, v6;
	vm1 =	vlt.s32 v27, v6;
	vm2 =	vlt.s32 v29, v6  }
0x439: {  	s0 =	sadd.s32 $0x8, s0;
	vm3 =	vlt.s32 v28, v6;
	vm4 =	vlt.s32 v11, v6;
	vm5 =	vlt.s32 v26, v6;
	v27 =	vld [tilespmem:s1+$0x6070]  }
0x43a: {  	p0 =	slt.u32 s0, $0x7F8;
	v11 =	vsel vm0, $0x0, v12;
	v12 =	vsel vm1, $0x0, v14;
	vm0 =	vlt.s32 v10, v6;
	v9 =	vld [tilespmem:s1+$0x6000]  }
0x43b: {  	v13 =	vsel vm2, $0x0, v13;
	v14 =	vsel vm3, $0x0, v15;
	v15 =	vsel vm4, $0x0, v16;
	v10 =	vld [tilespmem:s1+$0x6010];
	[tilespmem:s29+$0x16000] =	vst v11  }
0x43c: {  	v16 =	vor.u32 v3, v25;
	v11 =	vld [tilespmem:s1+$0x6020];
	[tilespmem:s29+$0x16010] =	vst v12;
	v12 =	vsel vm5, $0x0, v17;
	v17 =	vsel vm0, $0x0, v18  }
0x43d: {  	v22 =	vor.u32 v3, v22;
	v18 =	vor.u32 v3, v24;
	v25 =	vld [tilespmem:s1+$0x6030];
	[tilespmem:s29+$0x16020] =	vst v13;
	v13 =	vor.u32 v3, v23  }
0x43e: {  	v20 =	vor.u32 v3, v20;
	v23 =	vld [tilespmem:s1+$0x6040];
	v24 =	vsub.f32 v27, v7;
	[tilespmem:s29+$0x16030] =	vst v14;
	v14 =	vor.u32 v3, v21  }
0x43f: {  	v19 =	vor.u32 v3, v19;
	v21 =	vshra.s32 v9, $0x1F;
	v26 =	vsub.f32 v9, v7;
	v30 =	vld [tilespmem:s1+$0x6050];
	[tilespmem:s29+$0x16040] =	vst v15  }
0x440: {  	v15 =	vshra.s32 v10, $0x1F;
	v28 =	vsub.f32 v10, v7;
	v31 =	vld [tilespmem:s1+$0x6060];
	v24 =	vmul.f32 $1.442695020e+00, v24;
	[tilespmem:s29+$0x16050] =	vst v12  }
0x441: {  	v12 =	vmul.f32 $1.442695020e+00, v26;
	v26 =	vld [tilespmem:s1+$0xE000];
	v29 =	vshra.s32 v11, $0x1F;
	v32 =	vsub.f32 v11, v7;
	[tilespmem:s29+$0x16060] =	vst v17;
	s29 =	smov.u32 s1  }
0x442: {  	v17 =	vmul.f32 $1.442695020e+00, v28;
	v28 =	vld [tilespmem:s29+$0xE010];
	v33 =	vsub.f32 v25, v7;
	(erf) = vpow2.f32 v24  }
0x443: {  	v24 =	vmul.f32 $1.442695020e+00, v32;
	v32 =	vld [tilespmem:s29+$0xE020];
	v34 =	vsub.f32 v23, v7;
	(erf) = vpow2.f32 v12  }
0x444: {  	v12 =	vmul.f32 $1.442695020e+00, v33;
	v33 =	vsub.f32 v30, v7;
	v35 =	vld [tilespmem:s29+$0xE070];
	(erf) = vpow2.f32 v17  }
0x445: {  	v17 =	vld [tilespmem:s29+$0xE030];
	v34 =	vmul.f32 $1.442695020e+00, v34;
	v36 =	vsub.f32 v31, v7;
	(erf) = vpow2.f32 v24  }
0x446: {  	v24 =	vshra.s32 v25, $0x1F;
	v37 =	vld [tilespmem:s29+$0xE040];
	v33 =	vmul.f32 $1.442695020e+00, v33;
	(erf) = vpow2.f32 v12  }
0x447: {  	v12 =	vshra.s32 v23, $0x1F;
	v38 =	vld [tilespmem:s29+$0xE050];
	v36 =	vmul.f32 $1.442695020e+00, v36;
	(erf) = vpow2.f32 v34  }
0x448: {  	v39 =	vshra.s32 v31, $0x1F;
	v34 =	vshra.s32 v30, $0x1F;
	v40 =	vld [tilespmem:s29+$0xE060];
	(erf) = vpow2.f32 v33  }
0x449: {  	v21 =	vand.u32 $0x7FFFFFFF, v21;
	v33 =	vshrl.u32 v35, $0x14;
	(erf) = vpow2.f32 v36;
	[tilespmem:v16+s16+$0x0] =	vst.idx.add.s32.msk $0xffff, v4  }
0x44a: {  	v35 =	vand.u32 $0x7FFFFFFF, v15;
	v15 =	vshra.s32 v27, $0x1F;
	v16 =	vand.u32 $0xFF0, v33;
	[tilespmem:v18+s16+$0x0] =	vst.idx.add.s32.msk $0xffff, v4  }
0x44b: {  	v29 =	vand.u32 $0x7FFFFFFF, v29;
	v15 =	vand.u32 $0x7FFFFFFF, v15;
	v16 =	vor.u32 v3, v16;
	v18 =	vpop (erf);
	[tilespmem:v13+s16+$0x0] =	vst.idx.add.s32.msk $0xffff, v4  }
0x44c: {  	v24 =	vand.u32 $0x7FFFFFFF, v24;
	v27 =	vxor.u32 v27, v15;
	v36 =	vmul.f32 v18, v8;
	v18 =	vpop (erf);
	[tilespmem:v22+s16+$0x0] =	vst.idx.add.s32.msk $0xffff, v4  }
0x44d: {  	v33 =	vand.u32 $0x7FFFFFFF, v34;
	v22 =	vand.u32 $0x7FFFFFFF, v12;
	vm0 =	vlt.s32 v27, v6;
	v13 =	vpop (erf);
	[tilespmem:v14+s16+$0x0] =	vst.idx.add.s32.msk $0xffff, v4  }
0x44e: {  	v34 =	vand.u32 $0x7FFFFFFF, v39;
	v12 =	vmul.f32 v18, v8;
	v27 =	vsel vm0, $0x0, v36;
	v18 =	vpop (erf);
	[tilespmem:v20+s16+$0x0] =	vst.idx.add.s32.msk $0xffff, v4  }
0x44f: {  	v20 =	vshrl.u32 v26, $0x14;
	v14 =	vmul.f32 v13, v8;
	v13 =	vmul.f32 v18, v8;
	[tilespmem:s29+$0x16070] =	vst v27;
	v15 =	vpop (erf)  }
0x450: {  	v32 =	vshrl.u32 v32, $0x14;
	v36 =	vshrl.u32 v28, $0x14;
	v15 =	vmul.f32 v15, v8;
	[tilespmem:v16+s16+$0x0] =	vst.idx.add.s32.msk $0xffff, v4;
	v16 =	vpop (erf)  }
0x451: {  	v39 =	vshrl.u32 v17, $0x14;
	v37 =	vshrl.u32 v37, $0x14;
	v16 =	vmul.f32 v16, v8;
	v17 =	vpop (erf);
	[tilespmem:v19+s16+$0x0] =	vst.idx.add.s32.msk $0xffff, v4  }
0x452: {  	v19 =	vshrl.u32 v38, $0x14;
	v38 =	vshrl.u32 v40, $0x14;
	v17 =	vmul.f32 v17, v8;
	v18 =	vpop (erf)  }
.Ltmp34:
0x453: {  	v9 =	vxor.u32 v9, v21;
	v27 =	vxor.u32 v10, v35;
	v18 =	vmul.f32 v18, v8;
	(pc) =	sbr.rel @p0 .LBB2_57-.Ltmp34, $4  }
0x454: {  	v29 =	vxor.u32 v11, v29;
	v11 =	vxor.u32 v23, v22;
	v28 =	vxor.u32 v25, v24  }
0x455: {  	v26 =	vxor.u32 v30, v33;
	v25 =	vand.u32 $0xFF0, v20;
	v10 =	vxor.u32 v31, v34  }
0x456: {  	v23 =	vand.u32 $0xFF0, v32;
	v22 =	vand.u32 $0xFF0, v39;
	v24 =	vand.u32 $0xFF0, v36  }
0x457: {  	s4 =	sadd.s32 $0x200, s4;
	v21 =	vand.u32 $0xFF0, v37;
	v20 =	vand.u32 $0xFF0, v19;
	v19 =	vand.u32 $0xFF0, v38  }
0x458: {  	vm0 =	vlt.s32 v9, v6  }
0x459: {  	vm1 =	vlt.s32 v27, v6;
	vm11 =	vlt.s32 v29, v6;
	v7 =	vsel vm0, $0x0, v12  }
0x45a: {  	vm12 =	vlt.s32 v28, v6;
	vm14 =	vlt.s32 v26, v6;
	v8 =	vsel vm1, $0x0, v14;
	[tilespmem:s29+$0x16000] =	vst v7  }
0x45b: {  	vm13 =	vlt.s32 v11, v6;
	vm15 =	vlt.s32 v10, v6;
	v6 =	vsel vm14, $0x0, v17;
	[tilespmem:s29+$0x16010] =	vst v8  }
0x45c: {  	v59 =	vor.u32 v3, v25;
	v7 =	vsel vm11, $0x0, v13;
	[tilespmem:s29+$0x16050] =	vst v6  }
0x45d: {  	v60 =	vor.u32 v3, v24;
	v8 =	vsel vm12, $0x0, v15;
	[tilespmem:s29+$0x16020] =	vst v7  }
0x45e: {  	v61 =	vor.u32 v3, v22;
	v7 =	vsel vm13, $0x0, v16;
	[tilespmem:s29+$0x16030] =	vst v8  }
0x45f: {  	v62 =	vor.u32 v3, v19;
	[tilespmem:s29+$0x16040] =	vst v7;
	v7 =	vsel vm15, $0x0, v18  }
0x460: {  	v6 =	vor.u32 v3, v21;
	[tilespmem:s29+$0x16060] =	vst v7  }
0x461: {  	v8 =	vor.u32 v3, v23;
	[tilespmem:v59+s16+$0x0] =	vst.idx.add.s32.msk $0xffff, v4  }
0x462: {  	v7 =	vor.u32 v3, v20;
	[tilespmem:v60+s16+$0x0] =	vst.idx.add.s32.msk $0xffff, v4  }
0x463: {  	[tilespmem:v61+s16+$0x0] =	vst.idx.add.s32.msk $0xffff, v4  }
0x464: {  	[tilespmem:v62+s16+$0x0] =	vst.idx.add.s32.msk $0xffff, v4  }
0x465: {  	[tilespmem:v6+s16+$0x0] =	vst.idx.add.s32.msk $0xffff, v4  }
0x466: {  	[tilespmem:v8+s16+$0x0] =	vst.idx.add.s32.msk $0xffff, v4  }
0x467: {  	s0 =	sadd.s32 s28, s11;
	p0 =	seq.s32 s25, $0xF;
	[tilespmem:v7+s16+$0x0] =	vst.idx.add.s32.msk $0xffff, v4  }
0x468: {  	[hbm4b:s0+s13] =	stream.strided.scatter [tilespmem:s22], [sflag:$0x3], $0x2000, s14, s13, $0x38;
	[tilespmem:$0x1A080] =	vst v63  }
0x469: {  	s0 =	sadd.s32 @!p0 $0x2, s26  }
0x46a: {  	p1 =	por $0x1, $0x1;
	s6 =	simm.s32 $0x7F;
	s1 =	sshll.u32 @!p0 s0, $0x4  }
0x46b: {  	s12 =	simm.s32 $0x1;
	s0 =	sshll.u32 @!p0 s0, $0xC;
	s1 =	sand.u32 @!p0 $0x20, s1  }
0x46c: {  	s3 =	simm.s32 @!p0 $0x200;
	s0 =	sand.u32 @!p0 $0xFFFC000, s0;
	s1 =	sadd.s32 @!p0 s17, s1  }
0x46d: {  	s4 =	simm.s32 @!p0 $0x0;
	s0 =	sadd.s32 @!p0 s0, s1;
	s1 =	simm.s32 @!p0 $0x80  }
0x46e: {  	[tilespmem:s4], [sflag:$0x1] =	stream.strided.gather @!p0 [hbm4b:s0+s1], $0x8000, s3, s1, $0x38;
	[tilespmem:$0x1A080] =	vst v63  }
0x46f: {  	s15 =	simm.s32 $0x2;
	s0 =	simm.s32 $0x0;
	s1 =	simm.s32 $0x7C  }
0x470: {  	s3 =	simm.s32 $0x3;
	s4 =	simm.s32 $0x7E;
	s0 =	smov.u32 @p1 s6  }
0x471: {  	s12 =	smov.u32 @p1 s4;
	s4 =	simm.s32 $0x7D;
	s0 =	sshll.u32 s0, $0x6  }
0x472: {  	s26 =	sshll.u32 s12, $0x6;
	s15 =	smov.u32 @p1 s4;
	s12 =	sshra.s32 s0, $0x2  }
0x473: {  	s3 =	smov.u32 @p1 s1;
	s6 =	sshra.s32 s26, $0x2;
	s4 =	sshll.u32 s15, $0x6;
	v6 =	vld [tilespmem:s12+$0x18080]  }
0x474: {  	s24 =	simm.s32 $0x7A;
	s3 =	sshll.u32 s3, $0x6;
	s1 =	sshra.s32 s4, $0x2;
	v7 =	vld [tilespmem:s6+$0x18080]  }
0x475: {  	s30 =	simm.s32 $0x6;
	s29 =	simm.s32 $0x7B;
	s31 =	sshra.s32 s3, $0x2;
	[tilespmem:s6+$0x18080] =	vst v2;
	v8 =	vld [tilespmem:s1+$0x18080]  }
0x476: {  	p1 =	por $0x1, $0x1;
	s0 =	simm.s32 $0x190A0;
	s15 =	simm.s32 $0x4;
	v9 =	vld [tilespmem:s31+$0x18080];
	[tilespmem:s31+$0x18080] =	vst v2  }
0x477: {  	v63 =	vimm.s32 $0x0;
	s26 =	simm.s32 $0x7;
	s3 =	simm.s32 $0x78;
	s4 =	simm.s32 $0x8;
	[tilespmem:s12+$0x18080] =	vst v2  }
0x478: {  	s15 =	smov.u32 @p1 s29;
	s6 =	simm.s32 $0x79;
	[tilespmem:s1+$0x18080] =	vst v2;
	s1 =	simm.s32 $0x5;
	v6 =	vadd.s32 v63, v6  }
0x479: {  	s30 =	smov.u32 @p1 s6;
	s1 =	smov.u32 @p1 s24;
	s24 =	sshll.u32 s15, $0x6;
	[tilespmem:s0+$0xFFFFFFE0] =	vst v6;
	v6 =	vadd.s32 v6, v7  }
0x47a: {  	s31 =	sshll.u32 s30, $0x6;
	s1 =	sshll.u32 s1, $0x6;
	s6 =	sshra.s32 s24, $0x2;
	[tilespmem:s0+$0xFFFFFFF0] =	vst v6;
	v7 =	vadd.s32 v6, v8  }
0x47b: {  	s26 =	smov.u32 @p1 s3;
	s29 =	sshra.s32 s31, $0x2;
	s30 =	sshra.s32 s1, $0x2;
	v6 =	vld [tilespmem:s6+$0x18080];
	[tilespmem:s0+$0x0] =	vst v7;
	v7 =	vadd.s32 v7, v9  }
.LBB2_59:
0x47c: {  	s1 =	sshll.u32 s26, $0x6;
	[tilespmem:s0+$0x10] =	vst v7;
	s0 =	sadd.s32 $0x40, s0;
	s12 =	smov.u32 s4  }
0x47d: {  	v8 =	vld [tilespmem:s30+$0x18080];
	s15 =	sadd.s32 $0x4, s4;
	s3 =	sadd.s32 $0xFFFFFFFC, s3;
	s26 =	sadd.s32 $0x3, s12  }
0x47e: {  	[tilespmem:s30+$0x18080] =	vst v2;
	v9 =	vld [tilespmem:s29+$0x18080];
	s1 =	sshra.s32 s1, $0x2;
	s24 =	sadd.s32 $0x2, s3;
	s30 =	sadd.s32 $0x1, s12  }
0x47f: {  	s31 =	sadd.s32 $0x2, s12;
	p1 =	slt.u32 s12, $0x80;
	[tilespmem:s29+$0x18080] =	vst v2;
	v10 =	vld [tilespmem:s1+$0x18080];
	s29 =	sadd.s32 $0x3, s3  }
0x480: {  	s30 =	smov.u32 @p1 s24;
	s26 =	smov.u32 @p1 s3;
	[tilespmem:s1+$0x18080] =	vst v2;
	s1 =	sadd.s32 $0x1, s3  }
0x481: {  	s12 =	smov.u32 @p1 s29;
	s31 =	smov.u32 @p1 s1;
	p1 =	slt.u32 s4, $0xFC  }
.Ltmp35:
0x482: {  	_ = 	snop;
	(pc) =	sbr.rel @p1 .LBB2_59-.Ltmp35, $4  }
0x483: {  	v6 =	vadd.s32 v7, v6;
	[tilespmem:s6+$0x18080] =	vst v2  }
0x484: {  	s6 =	sshll.u32 s12, $0x6;
	s12 =	sshll.u32 s30, $0x6;
	[tilespmem:s0+$0xFFFFFFE0] =	vst v6;
	v6 =	vadd.s32 v6, v8  }
0x485: {  	s6 =	sshra.s32 s6, $0x2;
	s30 =	sshra.s32 s12, $0x2;
	s1 =	sshll.u32 s31, $0x6;
	[tilespmem:s0+$0xFFFFFFF0] =	vst v6;
	v7 =	vadd.s32 v6, v9  }
0x486: {  	s4 =	smov.u32 s15;
	s29 =	sshra.s32 s1, $0x2;
	v6 =	vld [tilespmem:s6+$0x18080];
	[tilespmem:s0+$0x0] =	vst v7;
	v7 =	vadd.s32 v7, v10  }
0x487: {  	v8 =	vld [tilespmem:s30+$0x18080];
	s1 =	sshll.u32 s26, $0x6;
	[tilespmem:s0+$0x10] =	vst v7  }
0x488: {  	[tilespmem:s30+$0x18080] =	vst v2;
	v9 =	vld [tilespmem:s29+$0x18080];
	s1 =	sshra.s32 s1, $0x2  }
0x489: {  	[tilespmem:s29+$0x18080] =	vst v2;
	v10 =	vld [tilespmem:s1+$0x18080]  }
0x48a: {  	[tilespmem:s6+$0x18080] =	vst v2  }
0x48b: {  	s15 =	sadd.s32 $0x40, s0;
	[tilespmem:s1+$0x18080] =	vst v2;
	v6 =	vadd.s32 v7, v6  }
0x48c: {  	[tilespmem:s15+$0xFFFFFFE0] =	vst v6;
	v6 =	vadd.s32 v6, v8  }
0x48d: {  	[tilespmem:s15+$0xFFFFFFF0] =	vst v6;
	v6 =	vadd.s32 v6, v9  }
0x48e: {  	[tilespmem:s15+$0x0] =	vst v6;
	v6 =	vadd.s32 v6, v10  }
0x48f: {  	[tilespmem:s15+$0x10] =	vst v6  }
0x490: {  	v6 =	vld [tilespmem:$0x19870];
	_ =	sdelay $0x4  }
0x491: {  	(xrf0) =	vadd.scan.msk.s32 $0xffff, v6;
	_ =	sdelay $0x5  }
0x492: {  	v6, _, _ =	vpop (xrf0)  }
0x493: {  	(v2sf) =	vpush v6, $0xF;
	_ =	sdelay $0xe  }
0x494: {  	s24 =	spop (v2sf)  }
0x495: {  	s0 =	simm.s32 $0x80;
	p1 =	slt.s32 s24, $0x40  }
0x496: {  	s0 =	simm.s32 @!p1 $0x0  }
0x497: {  	s26 =	sshll.u32 s0, $0x4  }
0x498: {  	v6 =	vld [tilespmem:s26+$0x19470];
	_ =	sdelay $0x4  }
0x499: {  	(xrf0) =	vadd.scan.msk.s32 $0xffff, v6;
	_ =	sdelay $0x5  }
0x49a: {  	v6, _, _ =	vpop (xrf0)  }
0x49b: {  	(v2sf) =	vpush v6, $0xF;
	_ =	sdelay $0xe  }
0x49c: {  	s31 =	spop (v2sf)  }
0x49d: {  	s3 =	sor.u32 $0x40, s0;
	p1 =	slt.s32 s31, $0x40  }
0x49e: {  	s0 =	smov.u32 @p1 s3  }
0x49f: {  	s3 =	sshll.u32 s0, $0x4  }
0x4a0: {  	v6 =	vld [tilespmem:s3+$0x19270];
	_ =	sdelay $0x4  }
0x4a1: {  	(xrf0) =	vadd.scan.msk.s32 $0xffff, v6;
	_ =	sdelay $0x5  }
0x4a2: {  	v6, _, _ =	vpop (xrf0)  }
0x4a3: {  	(v2sf) =	vpush v6, $0xF;
	_ =	sdelay $0xe  }
0x4a4: {  	s4 =	spop (v2sf)  }
0x4a5: {  	s3 =	sor.u32 $0x20, s0;
	p1 =	slt.s32 s4, $0x40  }
0x4a6: {  	s0 =	smov.u32 @p1 s3  }
0x4a7: {  	s6 =	sshll.u32 s0, $0x4  }
0x4a8: {  	v6 =	vld [tilespmem:s6+$0x19170];
	_ =	sdelay $0x4  }
0x4a9: {  	(xrf0) =	vadd.scan.msk.s32 $0xffff, v6;
	_ =	sdelay $0x5  }
0x4aa: {  	v6, _, _ =	vpop (xrf0)  }
0x4ab: {  	(v2sf) =	vpush v6, $0xF;
	_ =	sdelay $0xe  }
0x4ac: {  	s12 =	spop (v2sf)  }
0x4ad: {  	s3 =	sor.u32 $0x10, s0;
	p1 =	slt.s32 s12, $0x40  }
0x4ae: {  	s0 =	smov.u32 @p1 s3  }
0x4af: {  	s15 =	sshll.u32 s0, $0x4  }
0x4b0: {  	s1 =	sand.u32 $0x3FFFFFF0, s15  }
0x4b1: {  	v6 =	vld [tilespmem:s1+$0x190F0];
	_ =	sdelay $0x4  }
0x4b2: {  	(xrf0) =	vadd.scan.msk.s32 $0xffff, v6;
	_ =	sdelay $0x5  }
0x4b3: {  	v6, _, _ =	vpop (xrf0)  }
0x4b4: {  	(v2sf) =	vpush v6, $0xF;
	_ =	sdelay $0xe  }
0x4b5: {  	s24 =	spop (v2sf)  }
0x4b6: {  	s3 =	sadd.s32 $0x8, s0;
	p1 =	slt.s32 s24, $0x40  }
0x4b7: {  	s0 =	smov.u32 @p1 s3  }
0x4b8: {  	s26 =	sshll.u32 s0, $0x4  }
0x4b9: {  	s1 =	sand.u32 $0x3FFFFFF0, s26  }
0x4ba: {  	v6 =	vld [tilespmem:s1+$0x190B0];
	_ =	sdelay $0x4  }
0x4bb: {  	(xrf0) =	vadd.scan.msk.s32 $0xffff, v6;
	_ =	sdelay $0x5  }
0x4bc: {  	v6, _, _ =	vpop (xrf0)  }
0x4bd: {  	(v2sf) =	vpush v6, $0xF;
	_ =	sdelay $0xe  }
0x4be: {  	s31 =	spop (v2sf)  }
0x4bf: {  	s3 =	sadd.s32 $0x4, s0;
	p1 =	slt.s32 s31, $0x40  }
0x4c0: {  	s0 =	smov.u32 @p1 s3  }
0x4c1: {  	s4 =	sshll.u32 s0, $0x4  }
0x4c2: {  	s1 =	sand.u32 $0x3FFFFFF0, s4  }
0x4c3: {  	v6 =	vld [tilespmem:s1+$0x19090];
	_ =	sdelay $0x4  }
0x4c4: {  	(xrf0) =	vadd.scan.msk.s32 $0xffff, v6;
	_ =	sdelay $0x5  }
0x4c5: {  	v6, _, _ =	vpop (xrf0)  }
0x4c6: {  	(v2sf) =	vpush v6, $0xF;
	_ =	sdelay $0xe  }
0x4c7: {  	s6 =	spop (v2sf)  }
0x4c8: {  	s3 =	sadd.s32 $0x2, s0;
	p1 =	slt.s32 s6, $0x40  }
0x4c9: {  	s0 =	smov.u32 @p1 s3  }
0x4ca: {  	s12 =	sshll.u32 s0, $0x4  }
0x4cb: {  	s1 =	sand.u32 $0x3FFFFFF0, s12  }
0x4cc: {  	v6 =	vld [tilespmem:s1+$0x19080];
	_ =	sdelay $0x4  }
0x4cd: {  	(xrf0) =	vadd.scan.msk.s32 $0xffff, v6;
	_ =	sdelay $0x5  }
0x4ce: {  	v6, _, _ =	vpop (xrf0)  }
0x4cf: {  	(v2sf) =	vpush v6, $0xF;
	_ =	sdelay $0xe  }
0x4d0: {  	s15 =	spop (v2sf)  }
0x4d1: {  	s1 =	simm.s32 $0x1;
	p1 =	slt.s32 s15, $0x40  }
0x4d2: {  	s1 =	simm.s32 @!p1 $0x0  }
0x4d3: {  	s30 =	sadd.s32 s1, s0  }
0x4d4: {  	s0 =	smax.u32 s30, $0x1  }
0x4d5: {  	s0 =	sshll.u32 s0, $0x4  }
0x4d6: {  	s0 =	sand.u32 $0x3FFFFFF0, s0  }
0x4d7: {  	v6 =	vld [tilespmem:s0+$0x19070];
	_ =	swait.ge [sflag:s23], $0x8000  }
0x4d8: {  	[sflag:s23] =	ssyncset.done $0x0  }
0x4d9: {  	s24 =	simm.s32 $0x8040;
	[sflag:s23] =	ssyncadd.s32 $0xFFFF8000  }
0x4da: {  	v8 =	vld [tilespmem:s24+$0x30]  }
0x4db: {  	v9 =	vld [tilespmem:s24+$0x20]  }
0x4dc: {  	v10 =	vld [tilespmem:s24+$0x10]  }
0x4dd: {  	v11 =	vld [tilespmem:s24+$0x0]  }
0x4de: {  	v12 =	vld [tilespmem:s24+$0xFFFFFFF0]  }
0x4df: {  	p1 =	slt.u32 s30, $0x80;
	s1 =	ssub.s32 $0x7F, s30;
	s3 =	smov.u32 s30;
	v13 =	vld [tilespmem:s24+$0xFFFFFFE0]  }
0x4e0: {  	s3 =	smov.u32 @p1 s1;
	v14 =	vld [tilespmem:s24+$0xFFFFFFD0]  }
0x4e1: {  	p1 =	slt.s32 s3, $0x80;
	s1 =	sadd.s32 $0x80, s3;
	s26 =	ssub.s32 $0xFF, s3;
	v15 =	vld [tilespmem:s24+$0xFFFFFFC0]  }
0x4e2: {  	s26 =	smov.u32 @p1 s1  }
0x4e3: {  	v7 =	vmov s26;
	v16 =	vshra.s32 v9, $0x1F  }
0x4e4: {  	v17 =	vshra.s32 v8, $0x1F;
	v18 =	vshra.s32 v11, $0x1F;
	v19 =	vshra.s32 v10, $0x1F  }
0x4e5: {  	v20 =	vshra.s32 v14, $0x1F;
	v21 =	vshra.s32 v13, $0x1F;
	v22 =	vshra.s32 v12, $0x1F  }
0x4e6: {  	v23 =	vshra.s32 v15, $0x1F;
	v16 =	vor.u32 $0x80000000, v16;
	v17 =	vor.u32 $0x80000000, v17  }
0x4e7: {  	v22 =	vor.u32 $0x80000000, v22;
	v18 =	vor.u32 $0x80000000, v18;
	v19 =	vor.u32 $0x80000000, v19  }
0x4e8: {  	v23 =	vor.u32 $0x80000000, v23;
	v20 =	vor.u32 $0x80000000, v20;
	v21 =	vor.u32 $0x80000000, v21  }
0x4e9: {  	v10 =	vxor.u32 v10, v19;
	v9 =	vxor.u32 v9, v16;
	v8 =	vxor.u32 v8, v17  }
0x4ea: {  	v13 =	vxor.u32 v13, v21;
	v12 =	vxor.u32 v12, v22;
	v11 =	vxor.u32 v11, v18  }
0x4eb: {  	v24 =	vxor.u32 v15, v23;
	v14 =	vxor.u32 v14, v20;
	v15 =	vshrl.u32 v8, $0x18  }
0x4ec: {  	v16 =	vshrl.u32 v24, $0x18;
	v17 =	vshrl.u32 v10, $0x18;
	v18 =	vshrl.u32 v9, $0x18  }
0x4ed: {  	s31 =	simm.s32 $0x80C0;
	v19 =	vshrl.u32 v11, $0x18;
	vm7 =	vge.s32 v16, v7;
	v16 =	vshrl.u32 v14, $0x18  }
0x4ee: {  	v25 =	vld [tilespmem:s31+$0x10];
	v21 =	vmpcnt.ones.xlane vm7;
	vm0 =	vge.s32 v16, v7;
	v16 =	vshrl.u32 v13, $0x18  }
0x4ef: {  	v27 =	vld [tilespmem:s31+$0x0];
	v23 =	vmpcnt.ones.xlane vm0;
	vm1 =	vge.s32 v16, v7;
	v16 =	vshrl.u32 v12, $0x18  }
0x4f0: {  	v20 =	vld [tilespmem:s31+$0x30];
	v26 =	vmpcnt.ones.xlane vm1;
	vm2 =	vge.s32 v16, v7;
	(v2sf) =	vpush v21, $0x0  }
0x4f1: {  	v22 =	vld [tilespmem:s31+$0x20];
	vm3 =	vge.s32 v19, v7;
	v16 =	vmpcnt.ones.xlane vm2;
	(v2sf) =	vpush v23, $0x0  }
0x4f2: {  	v19 =	vld [tilespmem:s31+$0xFFFFFFE0];
	vm4 =	vge.s32 v17, v7;
	v21 =	vmpcnt.ones.xlane vm3;
	(v2sf) =	vpush v26, $0x0  }
0x4f3: {  	vm5 =	vge.s32 v18, v7;
	v18 =	vld [tilespmem:s31+$0xFFFFFFF0];
	v17 =	vmpcnt.ones.xlane vm4;
	(v2sf) =	vpush v16, $0x0  }
0x4f4: {  	vm6 =	vge.s32 v15, v7;
	v23 =	vld [tilespmem:s31+$0xFFFFFFD0];
	v16 =	vmpcnt.ones.xlane vm5;
	(v2sf) =	vpush v21, $0x0  }
0x4f5: {  	v29 =	vshra.s32 v27, $0x1F;
	v15 =	vmpcnt.ones.xlane vm6;
	v26 =	vld [tilespmem:s31+$0xFFFFFFC0];
	(v2sf) =	vpush v17, $0x0  }
0x4f6: {  	v62 =	vor.u32 $0x80000000, v29;
	(v2sf) =	vpush v16, $0x0  }
0x4f7: {  	v28 =	vshra.s32 v20, $0x1F;
	v16 =	vshra.s32 v25, $0x1F;
	(v2sf) =	vpush v15, $0x0  }
0x4f8: {  	v30 =	vshra.s32 v19, $0x1F;
	v21 =	vshra.s32 v22, $0x1F;
	v16 =	vor.u32 $0x80000000, v16  }
0x4f9: {  	v15 =	vshra.s32 v23, $0x1F;
	v17 =	vxor.u32 v25, v16;
	v25 =	vshra.s32 v18, $0x1F  }
0x4fa: {  	v16 =	vor.u32 $0x80000000, v21;
	v21 =	vshra.s32 v26, $0x1F;
	v31 =	vor.u32 $0x80000000, v15  }
0x4fb: {  	v16 =	vxor.u32 v22, v16;
	v22 =	vor.u32 $0x80000000, v28;
	v25 =	vor.u32 $0x80000000, v25  }
0x4fc: {  	v63 =	vor.u32 $0x80000000, v21;
	v21 =	vor.u32 $0x80000000, v30;
	v23 =	vxor.u32 v23, v31  }
0x4fd: {  	v15 =	vxor.u32 v20, v22;
	v21 =	vxor.u32 v19, v21;
	v20 =	vxor.u32 v18, v25  }
0x4fe: {  	s29 =	simm.s32 $0x0;
	v19 =	vxor.u32 v27, v62;
	v18 =	vxor.u32 v26, v63;
	v25 =	vshrl.u32 v17, $0x18  }
0x4ff: {  	s4 =	simm.s32 $0x8140;
	s0 =	simm.s32 $0x8;
	[tilespmem:s29+$0x10000] =	vst.msk vm7, v24;
	v24 =	vshrl.u32 v16, $0x18;
	v22 =	vshrl.u32 v15, $0x18;
	v26 =	vshrl.u32 v18, $0x18;
	s3 =	spop (v2sf)  }
.LBB2_61:
0x500: {  	v27 =	vld [tilespmem:s4+$0x30];
	vm7 =	vge.s32 v26, v7;
	v26 =	vshrl.u32 v23, $0x18;
	v28 =	vshrl.u32 v19, $0x18;
	s1 =	sadd.s32 s29, s3;
	s3 =	spop (v2sf)  }
0x501: {  	v31 =	vshrl.u32 v21, $0x18;
	v29 =	vld [tilespmem:s4+$0x20];
	v30 =	vmpcnt.ones.xlane vm7;
	[tilespmem:s1+$0x10000] =	vst.msk vm0, v14;
	vm0 =	vge.s32 v26, v7;
	s1 =	sadd.s32 s1, s3;
	s3 =	spop (v2sf);
	v14 =	vmovc v23  }
0x502: {  	v32 =	vshrl.u32 v20, $0x18;
	v23 =	vld [tilespmem:s4+$0x10];
	v26 =	vmpcnt.ones.xlane vm0;
	[tilespmem:s1+$0x10000] =	vst.msk vm1, v13;
	vm1 =	vge.s32 v31, v7;
	s1 =	sadd.s32 s1, s3;
	s3 =	spop (v2sf);
	v13 =	vmovc v21  }
0x503: {  	v31 =	vld [tilespmem:s4+$0x0];
	v21 =	vmpcnt.ones.xlane vm1;
	(v2sf) =	vpush v30, $0x0;
	[tilespmem:s1+$0x10000] =	vst.msk vm2, v12;
	vm2 =	vge.s32 v32, v7;
	s1 =	sadd.s32 s1, s3;
	s3 =	spop (v2sf);
	v12 =	vmovc v20  }
0x504: {  	v20 =	vld [tilespmem:s4+$0xFFFFFFF0];
	v30 =	vmpcnt.ones.xlane vm2;
	(v2sf) =	vpush v26, $0x0;
	[tilespmem:s1+$0x10000] =	vst.msk vm3, v11;
	vm3 =	vge.s32 v28, v7;
	s1 =	sadd.s32 s1, s3;
	s3 =	spop (v2sf);
	v11 =	vmovc v19  }
0x505: {  	v19 =	vld [tilespmem:s4+$0xFFFFFFE0];
	v26 =	vmpcnt.ones.xlane vm3;
	(v2sf) =	vpush v21, $0x0;
	[tilespmem:s1+$0x10000] =	vst.msk vm4, v10;
	vm4 =	vge.s32 v25, v7;
	s1 =	sadd.s32 s1, s3;
	s3 =	spop (v2sf);
	v10 =	vmovc v17  }
0x506: {  	v25 =	vld [tilespmem:s4+$0xFFFFFFD0];
	v17 =	vmpcnt.ones.xlane vm4;
	(v2sf) =	vpush v30, $0x0;
	[tilespmem:s1+$0x10000] =	vst.msk vm5, v9;
	vm5 =	vge.s32 v24, v7;
	s1 =	sadd.s32 s1, s3;
	s3 =	spop (v2sf);
	v9 =	vmovc v16  }
0x507: {  	v24 =	vld [tilespmem:s4+$0xFFFFFFC0];
	v16 =	vmpcnt.ones.xlane vm5;
	(v2sf) =	vpush v26, $0x0;
	[tilespmem:s1+$0x10000] =	vst.msk vm6, v8;
	vm6 =	vge.s32 v22, v7;
	s29 =	sadd.s32 s1, s3;
	v8 =	vmovc v15  }
0x508: {  	[tilespmem:s29+$0x10000] =	vst.msk vm7, v18;
	v15 =	vmpcnt.ones.xlane vm6;
	(v2sf) =	vpush v17, $0x0  }
0x509: {  	v17 =	vshra.s32 v29, $0x1F;
	v18 =	vshra.s32 v27, $0x1F;
	(v2sf) =	vpush v16, $0x0  }
0x50a: {  	s0 =	sadd.s32 $0x8, s0;
	v21 =	vshra.s32 v23, $0x1F;
	v16 =	vshra.s32 v31, $0x1F;
	(v2sf) =	vpush v15, $0x0  }
0x50b: {  	p1 =	slt.u32 s0, $0x7F8;
	v26 =	vshra.s32 v20, $0x1F;
	v22 =	vshra.s32 v19, $0x1F;
	v15 =	vshra.s32 v25, $0x1F  }
0x50c: {  	v30 =	vor.u32 $0x80000000, v17;
	v18 =	vor.u32 $0x80000000, v18;
	v28 =	vshra.s32 v24, $0x1F  }
0x50d: {  	v26 =	vor.u32 $0x80000000, v26;
	v32 =	vor.u32 $0x80000000, v16;
	v16 =	vor.u32 $0x80000000, v21  }
.Ltmp36:
0x50e: {  	v21 =	vor.u32 $0x80000000, v22;
	v33 =	vor.u32 $0x80000000, v15;
	v28 =	vor.u32 $0x80000000, v28;
	(pc) =	sbr.rel @p1 .LBB2_61-.Ltmp36, $4  }
0x50f: {  	v17 =	vxor.u32 v23, v16;
	v16 =	vxor.u32 v29, v30;
	v15 =	vxor.u32 v27, v18  }
0x510: {  	v20 =	vxor.u32 v20, v26;
	v21 =	vxor.u32 v19, v21;
	v19 =	vxor.u32 v31, v32  }
0x511: {  	v23 =	vxor.u32 v25, v33;
	v22 =	vshrl.u32 v15, $0x18;
	v18 =	vxor.u32 v24, v28  }
0x512: {  	s4 =	sadd.s32 $0x80, s4;
	v25 =	vshrl.u32 v17, $0x18;
	v24 =	vshrl.u32 v16, $0x18;
	v26 =	vshrl.u32 v18, $0x18;
	s3 =	spop (v2sf)  }
0x513: {  	vm8 =	vge.s32 v26, v7;
	v57 =	vshrl.u32 v23, $0x18;
	v58 =	vshrl.u32 v21, $0x18  }
0x514: {  	v28 =	vshrl.u32 v20, $0x18;
	v27 =	vmpcnt.ones.xlane vm8;
	vm9 =	vge.s32 v57, v7  }
0x515: {  	v60 =	vshrl.u32 v19, $0x18;
	vm10 =	vge.s32 v58, v7;
	v59 =	vmpcnt.ones.xlane vm9  }
0x516: {  	vm7 =	vge.s32 v28, v7;
	v61 =	vmpcnt.ones.xlane vm10;
	(v2sf) =	vpush v27, $0x0  }
0x517: {  	vm11 =	vge.s32 v60, v7;
	v62 =	vmpcnt.ones.xlane vm7;
	(v2sf) =	vpush v59, $0x0  }
0x518: {  	vm12 =	vge.s32 v25, v7;
	v63 =	vmpcnt.ones.xlane vm11;
	(v2sf) =	vpush v61, $0x0  }
0x519: {  	vm13 =	vge.s32 v24, v7;
	v25 =	vmpcnt.ones.xlane vm12;
	(v2sf) =	vpush v62, $0x0  }
0x51a: {  	vm14 =	vge.s32 v22, v7;
	v24 =	vmpcnt.ones.xlane vm13;
	(v2sf) =	vpush v63, $0x0  }
0x51b: {  	(xrf0) =	vadd.scan.msk.s32 $0xffff, v6;
	v6 =	vmpcnt.ones.xlane vm14;
	(v2sf) =	vpush v25, $0x0  }
0x51c: {  	(v2sf) =	vpush v24, $0x0  }
0x51d: {  	(v2sf) =	vpush v6, $0x0  }
0x51e: {  	s0 =	spop (v2sf);
	s1 =	sadd.s32 s29, s3  }
0x51f: {  	s12 =	spop (v2sf);
	s0 =	sadd.s32 s1, s0  }
0x520: {  	s4 =	spop (v2sf);
	s3 =	sadd.s32 s0, s12  }
0x521: {  	s6 =	spop (v2sf);
	s4 =	sadd.s32 s3, s4  }
0x522: {  	s6 =	sadd.s32 s4, s6;
	s12 =	spop (v2sf)  }
0x523: {  	s15 =	spop (v2sf);
	s12 =	sadd.s32 s6, s12  }
0x524: {  	[tilespmem:s1+$0x10000] =	vst.msk vm0, v14;
	s24 =	spop (v2sf);
	s1 =	sadd.s32 s12, s15  }
0x525: {  	[tilespmem:s0+$0x10000] =	vst.msk vm1, v13;
	s0 =	sadd.s32 s1, s24;
	v6, _, _ =	vpop (xrf0);
	s31 =	spop (v2sf)  }
0x526: {  	[tilespmem:s3+$0x10000] =	vst.msk vm2, v12;
	(v2sf) =	vpush v6, $0xF;
	s3 =	sadd.s32 s0, s31;
	s15 =	spop (v2sf)  }
0x527: {  	[tilespmem:s4+$0x10000] =	vst.msk vm3, v11;
	s4 =	sadd.s32 s3, s15;
	s24 =	spop (v2sf)  }
0x528: {  	[tilespmem:s6+$0x10000] =	vst.msk vm4, v10;
	s6 =	sadd.s32 s4, s24;
	s31 =	spop (v2sf)  }
0x529: {  	[tilespmem:s1+$0x10000] =	vst.msk vm6, v8;
	s1 =	sadd.s32 s6, s31;
	s15 =	spop (v2sf)  }
0x52a: {  	[tilespmem:s0+$0x10000] =	vst.msk vm8, v18;
	s0 =	sadd.s32 s1, s15;
	s24 =	spop (v2sf)  }
0x52b: {  	[tilespmem:s3+$0x10000] =	vst.msk vm9, v23;
	s3 =	sadd.s32 s0, s24;
	s31 =	spop (v2sf)  }
0x52c: {  	[tilespmem:s4+$0x10000] =	vst.msk vm10, v21;
	s4 =	sadd.s32 s3, s31;
	s15 =	spop (v2sf)  }
0x52d: {  	s24 =	sadd.s32 s4, s15  }
0x52e: {  	s31 =	sadd.s32 $0xF, s24  }
0x52f: {  	s29 =	sshra.s32 s31, $0x4  }
0x530: {  	[tilespmem:s12+$0x10000] =	vst.msk vm5, v9;
	p2 =	sgt.s32 s29, $0x0  }
.Ltmp37:
0x531: {  	[tilespmem:s6+$0x10000] =	vst.msk vm7, v20;
	(pc) =	sbr.rel @!p2 .LBB2_79-.Ltmp37, $4  }
0x532: {  	[tilespmem:s1+$0x10000] =	vst.msk vm11, v19  }
0x533: {  	[tilespmem:s0+$0x10000] =	vst.msk vm12, v17  }
0x534: {  	[tilespmem:s3+$0x10000] =	vst.msk vm13, v16  }
0x535: {  	[tilespmem:s4+$0x10000] =	vst.msk vm14, v15;
	s0 =	spop (v2sf);
	v6 =	vmov s24;
	p1 =	seq.s32 s29, $0x1  }
0x536: {  	s1 =	simm.s32 $0x10000  }
0x537: {  	v12 =	vld [tilespmem:s1+$0x0]  }
.Ltmp38:
0x538: {  	_ = 	snop;
	(pc) =	sbr.rel @p1 .LBB2_64-.Ltmp38, $3  }
0x539: {  	_ =	sdelay $0x1  }
0x53a: {  	s31 =	simm.s32 $0x0  }
0x53b: {  	s4 =	sadd.s32 $0xFFFFFFFF, s29;
	s3 =	simm.s32 $0x10010;
	p3 =	por $0x0, $0x0;
	v10 =	vor.u32 s31, v3;
	v11 =	vshrl.u32 v12, $0x18  }
0x53c: {  	v9 =	vld [tilespmem:s3+$0x0];
	vm0 =	vlt.s32 v10, v6;
	vm1 =	veq.s32 v11, v7;
	v8 =	vshrl.u32 v12, $0xC;
	p4 =	seq.s32 s4, $0x1  }
.Ltmp39:
0x53d: {  	vm0 =	vmand vm0, vm1;
	v8 =	vand.u32 $0xFF0, v8;
	(pc) =	sbr.rel @p4 .LBB2_75-.Ltmp39, $3  }
0x53e: {  	v8 =	vor.u32 v3, v8;
	_ =	sdelay $0x1  }
0x53f: {  	s3 =	simm.s32 $0x10  }
0x540: {  	s4 =	sadd.s32 $0xFFFFFFFF, s4;
	s6 =	simm.s32 $0x10020;
	p3 =	por $0x1, $0x1;
	v10 =	vor.u32 s3, v3;
	v11 =	vshrl.u32 v9, $0x18  }
.LBB2_76:
0x541: {  	p4 =	seq.s32 s4, $0x1;
	s4 =	sadd.s32 $0xFFFFFFFF, s4;
	vm1 =	vlt.s32 v10, v6;
	vm2 =	veq.s32 v11, v7;
	v10 =	vshrl.u32 v9, $0xC;
	v9 =	vld [tilespmem:s6+$0x0]  }
.Ltmp40:
0x542: {  	v10 =	vand.u32 $0xFF0, v10;
	[tilespmem:v8+s16+$0x0] =	vst.idx.add.s32.msk vm0, v4;
	vm0 =	vmand vm1, vm2;
	(pc) =	sbr.rel @!p4 .LBB2_76-.Ltmp40, $3  }
0x543: {  	v8 =	vor.u32 v3, v10;
	_ =	sdelay $0x1  }
0x544: {  	s3 =	sadd.s32 $0x10, s3  }
0x545: {  	s6 =	sadd.s32 $0x10, s6;
	v10 =	vor.u32 s3, v3;
	v11 =	vshrl.u32 v9, $0x18  }
0x546: {  	v12 =	vmov v9  }
.LBB2_78:
0x547: {  	vm1 =	vlt.s32 v10, v6;
	vm2 =	veq.s32 v11, v7;
	v7 =	vshrl.u32 v12, $0xC  }
0x548: {  	vm1 =	vmand vm1, vm2;
	v7 =	vand.u32 $0xFF0, v7  }
0x549: {  	v7 =	vor.u32 v3, v7;
	_ =	sdelay $0x3  }
0x54a: {  	[tilespmem:v8+s16+$0x0] =	vst.idx.add.s32.msk @p3 vm0, v4  }
0x54b: {  	[tilespmem:v7+s16+$0x0] =	vst.idx.add.s32.msk vm1, v4  }
.LBB2_79:
0x54c: {  	s3 =	simm.s32 $0x19070  }
0x54d: {  	v9 =	vld [tilespmem:s3+$0x0]  }
0x54e: {  	v10 =	vld [tilespmem:s3+$0xFFFFFFF0]  }
0x54f: {  	[tilespmem:s3+$0x0] =	vst v2;
	v11 =	vld [tilespmem:s3+$0xFFFFFFE0]  }
0x550: {  	[tilespmem:s3+$0xFFFFFFE0] =	vst v2;
	v7 =	vld [tilespmem:s3+$0xFFFFFFD0]  }
0x551: {  	v8 =	vimm.s32 $0x0;
	[tilespmem:s3+$0xFFFFFFD0] =	vst v2  }
0x552: {  	s31 =	ssub.s32 $0x40, s0;
	s0 =	simm.s32 $0x190A0;
	[tilespmem:s3+$0xFFFFFFF0] =	vst v2;
	v8 =	vadd.s32 v8, v9  }
0x553: {  	p3 =	seq.s32 s30, $0x0;
	[tilespmem:s0+$0xFFFFFFE0] =	vst v8;
	v8 =	vadd.s32 v8, v10  }
0x554: {  	s4 =	simm.s32 $0x19030;
	s31 =	simm.s32 @p3 $0x40;
	s3 =	simm.s32 $0x0;
	[tilespmem:s0+$0xFFFFFFF0] =	vst v8;
	v8 =	vadd.s32 v8, v11  }
.LBB2_80:
0x555: {  	v9 =	vld [tilespmem:s4+$0x0];
	s3 =	sadd.s32 $0x4, s3;
	[tilespmem:s0+$0x0] =	vst v8;
	v8 =	vadd.s32 v8, v7  }
0x556: {  	v10 =	vld [tilespmem:s4+$0xFFFFFFF0];
	p3 =	slt.u32 s3, $0xFC;
	[tilespmem:s0+$0x10] =	vst v8  }
0x557: {  	[tilespmem:s4+$0x0] =	vst v2;
	v11 =	vld [tilespmem:s4+$0xFFFFFFE0]  }
.Ltmp41:
0x558: {  	[tilespmem:s4+$0xFFFFFFE0] =	vst v2;
	v7 =	vld [tilespmem:s4+$0xFFFFFFD0];
	(pc) =	sbr.rel @p3 .LBB2_80-.Ltmp41, $4  }
0x559: {  	[tilespmem:s4+$0xFFFFFFD0] =	vst v2  }
0x55a: {  	s0 =	sadd.s32 $0x40, s0;
	v8 =	vadd.s32 v8, v9;
	[tilespmem:s4+$0xFFFFFFF0] =	vst v2  }
0x55b: {  	[tilespmem:s0+$0xFFFFFFE0] =	vst v8;
	v8 =	vadd.s32 v8, v10  }
0x55c: {  	s4 =	sadd.s32 $0xFFFFFFC0, s4;
	[tilespmem:s0+$0xFFFFFFF0] =	vst v8;
	v8 =	vadd.s32 v8, v11  }
0x55d: {  	[tilespmem:s0+$0x0] =	vst v8;
	v7 =	vadd.s32 v8, v7  }
0x55e: {  	[tilespmem:s0+$0x10] =	vst v7  }
0x55f: {  	v7 =	vld [tilespmem:$0x19870];
	_ =	sdelay $0x4  }
0x560: {  	(xrf0) =	vadd.scan.msk.s32 $0xffff, v7;
	_ =	sdelay $0x5  }
0x561: {  	v7, _, _ =	vpop (xrf0)  }
0x562: {  	(v2sf) =	vpush v7, $0xF;
	_ =	sdelay $0xe  }
0x563: {  	s6 =	spop (v2sf)  }
0x564: {  	s0 =	simm.s32 $0x80;
	p3 =	slt.s32 s6, s31  }
0x565: {  	s0 =	simm.s32 @!p3 $0x0  }
0x566: {  	s1 =	sshll.u32 s0, $0x4  }
0x567: {  	v7 =	vld [tilespmem:s1+$0x19470];
	_ =	sdelay $0x4  }
0x568: {  	(xrf0) =	vadd.scan.msk.s32 $0xffff, v7;
	_ =	sdelay $0x5  }
0x569: {  	v7, _, _ =	vpop (xrf0)  }
0x56a: {  	(v2sf) =	vpush v7, $0xF;
	_ =	sdelay $0xe  }
0x56b: {  	s12 =	spop (v2sf)  }
0x56c: {  	s3 =	sor.u32 $0x40, s0;
	p3 =	slt.s32 s12, s31  }
0x56d: {  	s0 =	smov.u32 @p3 s3  }
0x56e: {  	s15 =	sshll.u32 s0, $0x4  }
0x56f: {  	v7 =	vld [tilespmem:s15+$0x19270];
	_ =	sdelay $0x4  }
0x570: {  	(xrf0) =	vadd.scan.msk.s32 $0xffff, v7;
	_ =	sdelay $0x5  }
0x571: {  	v7, _, _ =	vpop (xrf0)  }
0x572: {  	(v2sf) =	vpush v7, $0xF;
	_ =	sdelay $0xe  }
0x573: {  	s24 =	spop (v2sf)  }
0x574: {  	s3 =	sor.u32 $0x20, s0;
	p3 =	slt.s32 s24, s31  }
0x575: {  	s0 =	smov.u32 @p3 s3  }
0x576: {  	s3 =	sshll.u32 s0, $0x4  }
0x577: {  	v7 =	vld [tilespmem:s3+$0x19170];
	_ =	sdelay $0x4  }
0x578: {  	(xrf0) =	vadd.scan.msk.s32 $0xffff, v7;
	_ =	sdelay $0x5  }
0x579: {  	v7, _, _ =	vpop (xrf0)  }
0x57a: {  	(v2sf) =	vpush v7, $0xF;
	_ =	sdelay $0xe  }
0x57b: {  	s4 =	spop (v2sf)  }
0x57c: {  	s3 =	sor.u32 $0x10, s0;
	p3 =	slt.s32 s4, s31  }
0x57d: {  	s0 =	smov.u32 @p3 s3  }
0x57e: {  	s6 =	sshll.u32 s0, $0x4  }
0x57f: {  	s1 =	sand.u32 $0x3FFFFFF0, s6  }
0x580: {  	v7 =	vld [tilespmem:s1+$0x190F0];
	_ =	sdelay $0x4  }
0x581: {  	(xrf0) =	vadd.scan.msk.s32 $0xffff, v7;
	_ =	sdelay $0x5  }
0x582: {  	v7, _, _ =	vpop (xrf0)  }
0x583: {  	(v2sf) =	vpush v7, $0xF;
	_ =	sdelay $0xe  }
0x584: {  	s12 =	spop (v2sf)  }
0x585: {  	s3 =	sadd.s32 $0x8, s0;
	p3 =	slt.s32 s12, s31  }
0x586: {  	s0 =	smov.u32 @p3 s3  }
0x587: {  	s15 =	sshll.u32 s0, $0x4  }
0x588: {  	s1 =	sand.u32 $0x3FFFFFF0, s15  }
0x589: {  	v7 =	vld [tilespmem:s1+$0x190B0];
	_ =	sdelay $0x4  }
0x58a: {  	(xrf0) =	vadd.scan.msk.s32 $0xffff, v7;
	_ =	sdelay $0x5  }
0x58b: {  	v7, _, _ =	vpop (xrf0)  }
0x58c: {  	(v2sf) =	vpush v7, $0xF;
	_ =	sdelay $0xe  }
0x58d: {  	s24 =	spop (v2sf)  }
0x58e: {  	s3 =	sadd.s32 $0x4, s0;
	p3 =	slt.s32 s24, s31  }
0x58f: {  	s0 =	smov.u32 @p3 s3  }
0x590: {  	s4 =	sshll.u32 s0, $0x4  }
0x591: {  	s1 =	sand.u32 $0x3FFFFFF0, s4  }
0x592: {  	v7 =	vld [tilespmem:s1+$0x19090];
	_ =	sdelay $0x4  }
0x593: {  	(xrf0) =	vadd.scan.msk.s32 $0xffff, v7;
	_ =	sdelay $0x5  }
0x594: {  	v7, _, _ =	vpop (xrf0)  }
0x595: {  	(v2sf) =	vpush v7, $0xF;
	_ =	sdelay $0xe  }
0x596: {  	s6 =	spop (v2sf)  }
0x597: {  	s3 =	sadd.s32 $0x2, s0;
	p3 =	slt.s32 s6, s31  }
0x598: {  	s0 =	smov.u32 @p3 s3  }
0x599: {  	s12 =	sshll.u32 s0, $0x4  }
0x59a: {  	s1 =	sand.u32 $0x3FFFFFF0, s12  }
0x59b: {  	v7 =	vld [tilespmem:s1+$0x19080];
	_ =	sdelay $0x4  }
0x59c: {  	(xrf0) =	vadd.scan.msk.s32 $0xffff, v7;
	_ =	sdelay $0x5  }
0x59d: {  	v7, _, _ =	vpop (xrf0)  }
0x59e: {  	(v2sf) =	vpush v7, $0xF;
	_ =	sdelay $0xe  }
0x59f: {  	s15 =	spop (v2sf)  }
0x5a0: {  	s1 =	simm.s32 $0x1;
	p3 =	slt.s32 s15, s31  }
0x5a1: {  	s1 =	simm.s32 @!p3 $0x0  }
0x5a2: {  	s3 =	sadd.s32 s1, s0  }
0x5a3: {  	s0 =	smax.u32 s3, $0x1  }
0x5a4: {  	s0 =	sshll.u32 s0, $0x4  }
0x5a5: {  	s0 =	sand.u32 $0x3FFFFFF0, s0  }
0x5a6: {  	v7 =	vld [tilespmem:s0+$0x19070];
	_ =	sdelay $0x4  }
0x5a7: {  	(xrf0) =	vadd.scan.msk.s32 $0xffff, v7;
	_ =	sdelay $0x5  }
0x5a8: {  	v7, _, _ =	vpop (xrf0)  }
0x5a9: {  	(v2sf) =	vpush v7, $0xF;
	_ =	sdelay $0xa  }
.Ltmp42:
0x5aa: {  	_ = 	snop;
	(pc) =	sbr.rel @!p2 .LBB2_82-.Ltmp42, $3  }
0x5ab: {  	_ =	sdelay $0x1  }
0x5ac: {  	s24 =	sshll.u32 s26, $0x8;
	s30 =	ssub.s32 $0xFF, s3  }
0x5ad: {  	s0 =	sor.u32 s24, s30;
	s4 =	spop (v2sf)  }
0x5ae: {  	s1 =	simm.s32 $0x10000  }
0x5af: {  	v12 =	vld [tilespmem:s1+$0x0]  }
.Ltmp43:
0x5b0: {  	_ = 	snop;
	(pc) =	sbr.rel @p1 .LBB2_88-.Ltmp43, $3  }
0x5b1: {  	_ =	sdelay $0x1  }
0x5b2: {  	s24 =	simm.s32 $0x0  }
0x5b3: {  	v7 =	vmov s0;
	s12 =	sadd.s32 $0xFFFFFFFF, s29;
	s6 =	simm.s32 $0x10010;
	p3 =	por $0x0, $0x0;
	v10 =	vor.u32 s24, v3;
	v11 =	vshrl.u32 v12, $0x10  }
0x5b4: {  	v9 =	vld [tilespmem:s6+$0x0];
	vm0 =	vlt.s32 v10, v6;
	vm1 =	veq.s32 v11, v7;
	v8 =	vshrl.u32 v12, $0x4;
	p4 =	seq.s32 s12, $0x1  }
.Ltmp44:
0x5b5: {  	vm0 =	vmand vm0, vm1;
	v8 =	vand.u32 $0xFF0, v8;
	(pc) =	sbr.rel @p4 .LBB2_90-.Ltmp44, $3  }
0x5b6: {  	v8 =	vor.u32 v3, v8;
	_ =	sdelay $0x1  }
0x5b7: {  	s6 =	simm.s32 $0x10  }
0x5b8: {  	s12 =	sadd.s32 $0xFFFFFFFF, s12;
	s15 =	simm.s32 $0x10020;
	p3 =	por $0x1, $0x1;
	v10 =	vor.u32 s6, v3;
	v11 =	vshrl.u32 v9, $0x10  }
.LBB2_91:
0x5b9: {  	p4 =	seq.s32 s12, $0x1;
	s12 =	sadd.s32 $0xFFFFFFFF, s12;
	vm1 =	vlt.s32 v10, v6;
	vm2 =	veq.s32 v11, v7;
	v10 =	vshrl.u32 v9, $0x4;
	v9 =	vld [tilespmem:s15+$0x0]  }
.Ltmp45:
0x5ba: {  	v10 =	vand.u32 $0xFF0, v10;
	[tilespmem:v8+s16+$0x0] =	vst.idx.add.s32.msk vm0, v4;
	vm0 =	vmand vm1, vm2;
	(pc) =	sbr.rel @!p4 .LBB2_91-.Ltmp45, $3  }
0x5bb: {  	v8 =	vor.u32 v3, v10;
	_ =	sdelay $0x1  }
0x5bc: {  	s6 =	sadd.s32 $0x10, s6  }
0x5bd: {  	s15 =	sadd.s32 $0x10, s15;
	v10 =	vor.u32 s6, v3;
	v11 =	vshrl.u32 v9, $0x10  }
0x5be: {  	v12 =	vmov v9  }
.LBB2_93:
0x5bf: {  	vm1 =	vlt.s32 v10, v6;
	vm2 =	veq.s32 v11, v7;
	v7 =	vshrl.u32 v12, $0x4  }
0x5c0: {  	vm1 =	vmand vm1, vm2;
	v7 =	vand.u32 $0xFF0, v7  }
0x5c1: {  	v7 =	vor.u32 v3, v7;
	_ =	sdelay $0x3  }
0x5c2: {  	[tilespmem:v8+s16+$0x0] =	vst.idx.add.s32.msk @p3 vm0, v4  }
0x5c3: {  	[tilespmem:v7+s16+$0x0] =	vst.idx.add.s32.msk vm1, v4  }
.LBB2_82:
0x5c4: {  	s24 =	simm.s32 $0x19070  }
0x5c5: {  	v9 =	vld [tilespmem:s24+$0x0]  }
0x5c6: {  	v10 =	vld [tilespmem:s24+$0xFFFFFFF0]  }
0x5c7: {  	[tilespmem:s24+$0x0] =	vst v2;
	v11 =	vld [tilespmem:s24+$0xFFFFFFE0]  }
0x5c8: {  	[tilespmem:s24+$0xFFFFFFE0] =	vst v2;
	v7 =	vld [tilespmem:s24+$0xFFFFFFD0]  }
0x5c9: {  	v8 =	vimm.s32 $0x0;
	[tilespmem:s24+$0xFFFFFFD0] =	vst v2  }
0x5ca: {  	p3 =	seq.s32 s3, $0x0;
	s3 =	simm.s32 $0x190A0;
	[tilespmem:s24+$0xFFFFFFF0] =	vst v2;
	v8 =	vadd.s32 v8, v9  }
0x5cb: {  	s4 =	simm.s32 @p3 $0x0;
	[tilespmem:s3+$0xFFFFFFE0] =	vst v8;
	v8 =	vadd.s32 v8, v10  }
0x5cc: {  	s6 =	simm.s32 $0x19030;
	s31 =	ssub.s32 s31, s4;
	s4 =	simm.s32 $0x0;
	[tilespmem:s3+$0xFFFFFFF0] =	vst v8;
	v8 =	vadd.s32 v8, v11  }
.LBB2_83:
0x5cd: {  	v9 =	vld [tilespmem:s6+$0x0];
	s4 =	sadd.s32 $0x4, s4;
	[tilespmem:s3+$0x0] =	vst v8;
	v8 =	vadd.s32 v8, v7  }
0x5ce: {  	v10 =	vld [tilespmem:s6+$0xFFFFFFF0];
	p3 =	slt.u32 s4, $0xFC;
	[tilespmem:s3+$0x10] =	vst v8  }
0x5cf: {  	[tilespmem:s6+$0x0] =	vst v2;
	v11 =	vld [tilespmem:s6+$0xFFFFFFE0]  }
.Ltmp46:
0x5d0: {  	[tilespmem:s6+$0xFFFFFFE0] =	vst v2;
	v7 =	vld [tilespmem:s6+$0xFFFFFFD0];
	(pc) =	sbr.rel @p3 .LBB2_83-.Ltmp46, $4  }
0x5d1: {  	[tilespmem:s6+$0xFFFFFFD0] =	vst v2  }
0x5d2: {  	s3 =	sadd.s32 $0x40, s3;
	v8 =	vadd.s32 v8, v9;
	[tilespmem:s6+$0xFFFFFFF0] =	vst v2  }
0x5d3: {  	[tilespmem:s3+$0xFFFFFFE0] =	vst v8;
	v8 =	vadd.s32 v8, v10  }
0x5d4: {  	s6 =	sadd.s32 $0xFFFFFFC0, s6;
	[tilespmem:s3+$0xFFFFFFF0] =	vst v8;
	v8 =	vadd.s32 v8, v11  }
0x5d5: {  	[tilespmem:s3+$0x0] =	vst v8;
	v7 =	vadd.s32 v8, v7  }
0x5d6: {  	[tilespmem:s3+$0x10] =	vst v7  }
0x5d7: {  	v7 =	vld [tilespmem:$0x19870];
	_ =	sdelay $0x4  }
0x5d8: {  	(xrf0) =	vadd.scan.msk.s32 $0xffff, v7;
	_ =	sdelay $0x5  }
0x5d9: {  	v7, _, _ =	vpop (xrf0)  }
0x5da: {  	(v2sf) =	vpush v7, $0xF;
	_ =	sdelay $0xe  }
0x5db: {  	s1 =	spop (v2sf)  }
0x5dc: {  	s3 =	simm.s32 $0x80;
	p3 =	slt.s32 s1, s31  }
0x5dd: {  	s3 =	simm.s32 @!p3 $0x0  }
0x5de: {  	s15 =	sshll.u32 s3, $0x4  }
0x5df: {  	v7 =	vld [tilespmem:s15+$0x19470];
	_ =	sdelay $0x4  }
0x5e0: {  	(xrf0) =	vadd.scan.msk.s32 $0xffff, v7;
	_ =	sdelay $0x5  }
0x5e1: {  	v7, _, _ =	vpop (xrf0)  }
0x5e2: {  	(v2sf) =	vpush v7, $0xF;
	_ =	sdelay $0xe  }
0x5e3: {  	s24 =	spop (v2sf)  }
0x5e4: {  	s4 =	sor.u32 $0x40, s3;
	p3 =	slt.s32 s24, s31  }
0x5e5: {  	s3 =	smov.u32 @p3 s4  }
0x5e6: {  	s6 =	sshll.u32 s3, $0x4  }
0x5e7: {  	v7 =	vld [tilespmem:s6+$0x19270];
	_ =	sdelay $0x4  }
0x5e8: {  	(xrf0) =	vadd.scan.msk.s32 $0xffff, v7;
	_ =	sdelay $0x5  }
0x5e9: {  	v7, _, _ =	vpop (xrf0)  }
0x5ea: {  	(v2sf) =	vpush v7, $0xF;
	_ =	sdelay $0xe  }
0x5eb: {  	s12 =	spop (v2sf)  }
0x5ec: {  	s4 =	sor.u32 $0x20, s3;
	p3 =	slt.s32 s12, s31  }
0x5ed: {  	s3 =	smov.u32 @p3 s4  }
0x5ee: {  	s15 =	sshll.u32 s3, $0x4  }
0x5ef: {  	v7 =	vld [tilespmem:s15+$0x19170];
	_ =	sdelay $0x4  }
0x5f0: {  	(xrf0) =	vadd.scan.msk.s32 $0xffff, v7;
	_ =	sdelay $0x5  }
0x5f1: {  	v7, _, _ =	vpop (xrf0)  }
0x5f2: {  	(v2sf) =	vpush v7, $0xF;
	_ =	sdelay $0xe  }
0x5f3: {  	s24 =	spop (v2sf)  }
0x5f4: {  	s4 =	sor.u32 $0x10, s3;
	p3 =	slt.s32 s24, s31  }
0x5f5: {  	s3 =	smov.u32 @p3 s4  }
0x5f6: {  	s6 =	sshll.u32 s3, $0x4  }
0x5f7: {  	s1 =	sand.u32 $0x3FFFFFF0, s6  }
0x5f8: {  	v7 =	vld [tilespmem:s1+$0x190F0];
	_ =	sdelay $0x4  }
0x5f9: {  	(xrf0) =	vadd.scan.msk.s32 $0xffff, v7;
	_ =	sdelay $0x5  }
0x5fa: {  	v7, _, _ =	vpop (xrf0)  }
0x5fb: {  	(v2sf) =	vpush v7, $0xF;
	_ =	sdelay $0xe  }
0x5fc: {  	s12 =	spop (v2sf)  }
0x5fd: {  	s4 =	sadd.s32 $0x8, s3;
	p3 =	slt.s32 s12, s31  }
0x5fe: {  	s3 =	smov.u32 @p3 s4  }
0x5ff: {  	s15 =	sshll.u32 s3, $0x4  }
0x600: {  	s1 =	sand.u32 $0x3FFFFFF0, s15  }
0x601: {  	v7 =	vld [tilespmem:s1+$0x190B0];
	_ =	sdelay $0x4  }
0x602: {  	(xrf0) =	vadd.scan.msk.s32 $0xffff, v7;
	_ =	sdelay $0x5  }
0x603: {  	v7, _, _ =	vpop (xrf0)  }
0x604: {  	(v2sf) =	vpush v7, $0xF;
	_ =	sdelay $0xe  }
0x605: {  	s24 =	spop (v2sf)  }
0x606: {  	s4 =	sadd.s32 $0x4, s3;
	p3 =	slt.s32 s24, s31  }
0x607: {  	s3 =	smov.u32 @p3 s4  }
0x608: {  	s6 =	sshll.u32 s3, $0x4  }
0x609: {  	s1 =	sand.u32 $0x3FFFFFF0, s6  }
0x60a: {  	v7 =	vld [tilespmem:s1+$0x19090];
	_ =	sdelay $0x4  }
0x60b: {  	(xrf0) =	vadd.scan.msk.s32 $0xffff, v7;
	_ =	sdelay $0x5  }
0x60c: {  	v7, _, _ =	vpop (xrf0)  }
0x60d: {  	(v2sf) =	vpush v7, $0xF;
	_ =	sdelay $0xe  }
0x60e: {  	s12 =	spop (v2sf)  }
0x60f: {  	s4 =	sadd.s32 $0x2, s3;
	p3 =	slt.s32 s12, s31  }
0x610: {  	s3 =	smov.u32 @p3 s4  }
0x611: {  	s15 =	sshll.u32 s3, $0x4  }
0x612: {  	s1 =	sand.u32 $0x3FFFFFF0, s15  }
0x613: {  	v7 =	vld [tilespmem:s1+$0x19080];
	_ =	sdelay $0x4  }
0x614: {  	(xrf0) =	vadd.scan.msk.s32 $0xffff, v7;
	_ =	sdelay $0x5  }
0x615: {  	v7, _, _ =	vpop (xrf0)  }
0x616: {  	(v2sf) =	vpush v7, $0xF;
	_ =	sdelay $0xe  }
0x617: {  	s24 =	spop (v2sf)  }
0x618: {  	s1 =	simm.s32 $0x1;
	p3 =	slt.s32 s24, s31  }
0x619: {  	s1 =	simm.s32 @!p3 $0x0  }
0x61a: {  	s3 =	sadd.s32 s1, s3  }
0x61b: {  	s1 =	smax.u32 s3, $0x1  }
0x61c: {  	s1 =	sshll.u32 s1, $0x4  }
0x61d: {  	s1 =	sand.u32 $0x3FFFFFF0, s1  }
0x61e: {  	v7 =	vld [tilespmem:s1+$0x19070];
	_ =	sdelay $0x4  }
0x61f: {  	(xrf0) =	vadd.scan.msk.s32 $0xffff, v7;
	_ =	sdelay $0x5  }
0x620: {  	v7, _, _ =	vpop (xrf0)  }
0x621: {  	(v2sf) =	vpush v7, $0xF;
	_ =	sdelay $0xa  }
.Ltmp47:
0x622: {  	_ = 	snop;
	(pc) =	sbr.rel @!p2 .LBB2_99-.Ltmp47, $2  }
0x623: {  	_ =	sdelay $0x2  }
0x624: {  	s4 =	ssub.s32 $0xFF, s3;
	s6 =	spop (v2sf)  }
0x625: {  	s1 =	simm.s32 $0x10000  }
0x626: {  	v12 =	vld [tilespmem:s1+$0x0]  }
.Ltmp48:
0x627: {  	_ = 	snop;
	(pc) =	sbr.rel @p1 .LBB2_86-.Ltmp48, $4  }
0x628: {  	_ = 	snop  }
0x629: {  	s0 =	sshll.u32 s0, $0x8  }
0x62a: {  	s24 =	simm.s32 $0x0;
	s0 =	sor.u32 s0, s4  }
0x62b: {  	s12 =	sadd.s32 $0xFFFFFFFF, s29;
	p2 =	por $0x0, $0x0;
	v10 =	vor.u32 s24, v3;
	v7 =	vmov s0;
	s0 =	simm.s32 $0x10010;
	v11 =	vshrl.u32 v12, $0x8  }
0x62c: {  	v9 =	vld [tilespmem:s0+$0x0];
	vm0 =	vlt.s32 v10, v6;
	vm1 =	veq.s32 v11, v7;
	v8 =	vshll.u32 v12, $0x4;
	p3 =	seq.s32 s12, $0x1  }
.Ltmp49:
0x62d: {  	vm0 =	vmand vm0, vm1;
	v8 =	vor.u32 v3, v8;
	(pc) =	sbr.rel @p3 .LBB2_95-.Ltmp49, $3  }
0x62e: {  	v8 =	vand.u32 $0xFFF, v8;
	_ =	sdelay $0x1  }
0x62f: {  	s0 =	simm.s32 $0x10  }
0x630: {  	s12 =	sadd.s32 $0xFFFFFFFF, s12;
	s15 =	simm.s32 $0x10020;
	p2 =	por $0x1, $0x1;
	v10 =	vor.u32 s0, v3;
	v11 =	vshrl.u32 v9, $0x8  }
.LBB2_96:
0x631: {  	p3 =	seq.s32 s12, $0x1;
	s12 =	sadd.s32 $0xFFFFFFFF, s12;
	vm1 =	vlt.s32 v10, v6;
	vm2 =	veq.s32 v11, v7;
	v10 =	vshll.u32 v9, $0x4;
	v9 =	vld [tilespmem:s15+$0x0]  }
.Ltmp50:
0x632: {  	v10 =	vor.u32 v3, v10;
	[tilespmem:v8+s16+$0x0] =	vst.idx.add.s32.msk vm0, v4;
	vm0 =	vmand vm1, vm2;
	(pc) =	sbr.rel @!p3 .LBB2_96-.Ltmp50, $3  }
0x633: {  	v8 =	vand.u32 $0xFFF, v10;
	_ =	sdelay $0x1  }
0x634: {  	s0 =	sadd.s32 $0x10, s0  }
0x635: {  	s15 =	sadd.s32 $0x10, s15;
	v10 =	vor.u32 s0, v3;
	v11 =	vshrl.u32 v9, $0x8  }
0x636: {  	v12 =	vmov v9  }
.LBB2_98:
0x637: {  	vm1 =	vlt.s32 v10, v6;
	vm2 =	veq.s32 v11, v7;
	v7 =	vshll.u32 v12, $0x4  }
0x638: {  	vm1 =	vmand vm1, vm2;
	v7 =	vor.u32 v3, v7  }
0x639: {  	v7 =	vand.u32 $0xFFF, v7;
	_ =	sdelay $0x3  }
0x63a: {  	[tilespmem:v8+s16+$0x0] =	vst.idx.add.s32.msk @p2 vm0, v4  }
0x63b: {  	[tilespmem:v7+s16+$0x0] =	vst.idx.add.s32.msk vm1, v4  }
.LBB2_99:
0x63c: {  	s24 =	simm.s32 $0x19070  }
0x63d: {  	v9 =	vld [tilespmem:s24+$0x0]  }
0x63e: {  	v10 =	vld [tilespmem:s24+$0xFFFFFFF0]  }
0x63f: {  	[tilespmem:s24+$0x0] =	vst v2;
	v11 =	vld [tilespmem:s24+$0xFFFFFFE0]  }
0x640: {  	[tilespmem:s24+$0xFFFFFFE0] =	vst v2;
	v7 =	vld [tilespmem:s24+$0xFFFFFFD0]  }
0x641: {  	v8 =	vimm.s32 $0x0;
	[tilespmem:s24+$0xFFFFFFD0] =	vst v2  }
0x642: {  	p2 =	seq.s32 s3, $0x0;
	s3 =	simm.s32 $0x190A0;
	[tilespmem:s24+$0xFFFFFFF0] =	vst v2;
	v8 =	vadd.s32 v8, v9  }
0x643: {  	s6 =	simm.s32 @p2 $0x0;
	[tilespmem:s3+$0xFFFFFFE0] =	vst v8;
	v8 =	vadd.s32 v8, v10  }
0x644: {  	s0 =	ssub.s32 s31, s6;
	s6 =	simm.s32 $0x0;
	s31 =	simm.s32 $0x19030;
	[tilespmem:s3+$0xFFFFFFF0] =	vst v8;
	v8 =	vadd.s32 v8, v11  }
.LBB2_100:
0x645: {  	v9 =	vld [tilespmem:s31+$0x0];
	s6 =	sadd.s32 $0x4, s6;
	[tilespmem:s3+$0x0] =	vst v8;
	v8 =	vadd.s32 v8, v7  }
0x646: {  	v10 =	vld [tilespmem:s31+$0xFFFFFFF0];
	p2 =	slt.u32 s6, $0xFC;
	[tilespmem:s3+$0x10] =	vst v8  }
0x647: {  	[tilespmem:s31+$0x0] =	vst v2;
	v11 =	vld [tilespmem:s31+$0xFFFFFFE0]  }
.Ltmp51:
0x648: {  	[tilespmem:s31+$0xFFFFFFE0] =	vst v2;
	v7 =	vld [tilespmem:s31+$0xFFFFFFD0];
	(pc) =	sbr.rel @p2 .LBB2_100-.Ltmp51, $4  }
0x649: {  	[tilespmem:s31+$0xFFFFFFD0] =	vst v2  }
0x64a: {  	s3 =	sadd.s32 $0x40, s3;
	v8 =	vadd.s32 v8, v9;
	[tilespmem:s31+$0xFFFFFFF0] =	vst v2  }
0x64b: {  	[tilespmem:s3+$0xFFFFFFE0] =	vst v8;
	v8 =	vadd.s32 v8, v10  }
0x64c: {  	s31 =	sadd.s32 $0xFFFFFFC0, s31;
	[tilespmem:s3+$0xFFFFFFF0] =	vst v8;
	v8 =	vadd.s32 v8, v11  }
0x64d: {  	[tilespmem:s3+$0x0] =	vst v8;
	v7 =	vadd.s32 v8, v7  }
0x64e: {  	[tilespmem:s3+$0x10] =	vst v7  }
0x64f: {  	v7 =	vld [tilespmem:$0x19870];
	_ =	sdelay $0x4  }
0x650: {  	(xrf0) =	vadd.scan.msk.s32 $0xffff, v7;
	_ =	sdelay $0x5  }
0x651: {  	v7, _, _ =	vpop (xrf0)  }
0x652: {  	(v2sf) =	vpush v7, $0xF;
	_ =	sdelay $0xe  }
0x653: {  	s1 =	spop (v2sf)  }
0x654: {  	s3 =	simm.s32 $0x80;
	p2 =	slt.s32 s1, s0  }
0x655: {  	s3 =	simm.s32 @!p2 $0x0  }
0x656: {  	s24 =	sshll.u32 s3, $0x4  }
0x657: {  	v7 =	vld [tilespmem:s24+$0x19470];
	_ =	sdelay $0x4  }
0x658: {  	(xrf0) =	vadd.scan.msk.s32 $0xffff, v7;
	_ =	sdelay $0x5  }
0x659: {  	v7, _, _ =	vpop (xrf0)  }
0x65a: {  	(v2sf) =	vpush v7, $0xF;
	_ =	sdelay $0xe  }
0x65b: {  	s31 =	spop (v2sf)  }
0x65c: {  	s6 =	sor.u32 $0x40, s3;
	p2 =	slt.s32 s31, s0  }
0x65d: {  	s3 =	smov.u32 @p2 s6  }
0x65e: {  	s12 =	sshll.u32 s3, $0x4  }
0x65f: {  	v7 =	vld [tilespmem:s12+$0x19270];
	_ =	sdelay $0x4  }
0x660: {  	(xrf0) =	vadd.scan.msk.s32 $0xffff, v7;
	_ =	sdelay $0x5  }
0x661: {  	v7, _, _ =	vpop (xrf0)  }
0x662: {  	(v2sf) =	vpush v7, $0xF;
	_ =	sdelay $0xe  }
0x663: {  	s15 =	spop (v2sf)  }
0x664: {  	s6 =	sor.u32 $0x20, s3;
	p2 =	slt.s32 s15, s0  }
0x665: {  	s3 =	smov.u32 @p2 s6  }
0x666: {  	s24 =	sshll.u32 s3, $0x4  }
0x667: {  	v7 =	vld [tilespmem:s24+$0x19170];
	_ =	sdelay $0x4  }
0x668: {  	(xrf0) =	vadd.scan.msk.s32 $0xffff, v7;
	_ =	sdelay $0x5  }
0x669: {  	v7, _, _ =	vpop (xrf0)  }
0x66a: {  	(v2sf) =	vpush v7, $0xF;
	_ =	sdelay $0xe  }
0x66b: {  	s31 =	spop (v2sf)  }
0x66c: {  	s6 =	sor.u32 $0x10, s3;
	p2 =	slt.s32 s31, s0  }
0x66d: {  	s3 =	smov.u32 @p2 s6  }
0x66e: {  	s12 =	sshll.u32 s3, $0x4  }
0x66f: {  	s1 =	sand.u32 $0x3FFFFFF0, s12  }
0x670: {  	v7 =	vld [tilespmem:s1+$0x190F0];
	_ =	sdelay $0x4  }
0x671: {  	(xrf0) =	vadd.scan.msk.s32 $0xffff, v7;
	_ =	sdelay $0x5  }
0x672: {  	v7, _, _ =	vpop (xrf0)  }
0x673: {  	(v2sf) =	vpush v7, $0xF;
	_ =	sdelay $0xe  }
0x674: {  	s15 =	spop (v2sf)  }
0x675: {  	s6 =	sadd.s32 $0x8, s3;
	p2 =	slt.s32 s15, s0  }
0x676: {  	s3 =	smov.u32 @p2 s6  }
0x677: {  	s24 =	sshll.u32 s3, $0x4  }
0x678: {  	s1 =	sand.u32 $0x3FFFFFF0, s24  }
0x679: {  	v7 =	vld [tilespmem:s1+$0x190B0];
	_ =	sdelay $0x4  }
0x67a: {  	(xrf0) =	vadd.scan.msk.s32 $0xffff, v7;
	_ =	sdelay $0x5  }
0x67b: {  	v7, _, _ =	vpop (xrf0)  }
0x67c: {  	(v2sf) =	vpush v7, $0xF;
	_ =	sdelay $0xe  }
0x67d: {  	s31 =	spop (v2sf)  }
0x67e: {  	s6 =	sadd.s32 $0x4, s3;
	p2 =	slt.s32 s31, s0  }
0x67f: {  	s3 =	smov.u32 @p2 s6  }
0x680: {  	s6 =	sshll.u32 s3, $0x4  }
0x681: {  	s1 =	sand.u32 $0x3FFFFFF0, s6  }
0x682: {  	v7 =	vld [tilespmem:s1+$0x19090];
	_ =	sdelay $0x4  }
0x683: {  	(xrf0) =	vadd.scan.msk.s32 $0xffff, v7;
	_ =	sdelay $0x5  }
0x684: {  	v7, _, _ =	vpop (xrf0)  }
0x685: {  	(v2sf) =	vpush v7, $0xF;
	_ =	sdelay $0xe  }
0x686: {  	s12 =	spop (v2sf)  }
0x687: {  	s6 =	sadd.s32 $0x2, s3;
	p2 =	slt.s32 s12, s0  }
0x688: {  	s3 =	smov.u32 @p2 s6  }
0x689: {  	s15 =	sshll.u32 s3, $0x4  }
0x68a: {  	s1 =	sand.u32 $0x3FFFFFF0, s15  }
0x68b: {  	v7 =	vld [tilespmem:s1+$0x19080];
	_ =	sdelay $0x4  }
0x68c: {  	(xrf0) =	vadd.scan.msk.s32 $0xffff, v7;
	_ =	sdelay $0x5  }
0x68d: {  	v7, _, _ =	vpop (xrf0)  }
0x68e: {  	(v2sf) =	vpush v7, $0xF;
	_ =	sdelay $0xe  }
0x68f: {  	s24 =	spop (v2sf)  }
0x690: {  	p2 =	slt.s32 s24, s0;
	s0 =	simm.s32 $0xFE  }
0x691: {  	s0 =	simm.s32 @!p2 $0xFF;
	p2 =	slt.s32 s29, $0x1  }
.Ltmp52:
0x692: {  	s26 =	sshll.u32 s26, $0x18;
	s31 =	sshll.u32 s30, $0x10;
	(pc) =	sbr.rel @p2 .LBB2_102-.Ltmp52, $4  }
0x693: {  	s4 =	sshll.u32 s4, $0x8;
	s1 =	sor.u32 s26, s31  }
0x694: {  	s1 =	sor.u32 s4, s1;
	s0 =	ssub.s32 s0, s3  }
0x695: {  	s0 =	sor.u32 s0, s1  }
0x696: {  	s26 =	sxor.u32 $0x80000000, s0  }
0x697: {  	s3 =	simm.s32 $0x10000  }
0x698: {  	p3 =	sne.s32 s29, $0x1;
	v9 =	vld [tilespmem:s3+$0x0]  }
.Ltmp53:
0x699: {  	_ = 	snop;
	(pc) =	sbr.rel @!p3 .LBB2_115-.Ltmp53, $3  }
0x69a: {  	_ =	sdelay $0x1  }
0x69b: {  	s30 =	simm.s32 $0x0  }
0x69c: {  	v7 =	vimm.f32 $-Inf;
	s0 =	sadd.s32 $0xFFFFFFFF, s29;
	s4 =	simm.s32 $0x10010;
	p2 =	por $0x0, $0x0;
	vm0 =	vgt.s32 v9, $0xFFFFFFFF  }
0x69d: {  	v8 =	vld [tilespmem:s4+$0x0];
	p3 =	sne.s32 s0, $0x1  }
.Ltmp54:
0x69e: {  	_ = 	snop;
	(pc) =	sbr.rel @!p3 .LBB2_117-.Ltmp54, $4  }
0x69f: {  	v10 =	vsel vm0, $0xFFFFFFFF, v5  }
0x6a0: {  	v11 =	vor.u32 s30, v3;
	v9 =	vxor.u32 v9, v10  }
0x6a1: {  	s29 =	sadd.s32 $0xFFFFFFFF, s0;
	vm0 =	vlt.s32 v11, v6;
	v9 =	vmax.f32 v7, v9  }
0x6a2: {  	s12 =	simm.s32 $0x10020;
	p2 =	por $0x1, $0x1;
	s6 =	simm.s32 $0x0;
	v7 =	vsel vm0, v9, v7;
	vm0 =	vgt.s32 v8, $0xFFFFFFFF  }
.LBB2_118:
0x6a3: {  	v9 =	vld [tilespmem:s12+$0x0];
	p3 =	sne.s32 s29, $0x1;
	s29 =	sadd.s32 $0xFFFFFFFF, s29;
	v10 =	vsel vm0, $0xFFFFFFFF, v5;
	s6 =	sadd.s32 $0x10, s6  }
.Ltmp55:
0x6a4: {  	v11 =	vor.u32 s6, v3;
	v8 =	vxor.u32 v8, v10;
	(pc) =	sbr.rel @p3 .LBB2_118-.Ltmp55, $3  }
0x6a5: {  	vm0 =	vlt.s32 v11, v6;
	v8 =	vmax.f32 v7, v8  }
0x6a6: {  	v7 =	vsel vm0, v8, v7;
	_ =	sdelay $0x1  }
0x6a7: {  	s12 =	sadd.s32 $0x10, s12;
	vm0 =	vgt.s32 v9, $0xFFFFFFFF;
	v8 =	vmov v9  }
0x6a8: {  	v9 =	vmov v8  }
.LBB2_120:
0x6a9: {  	s1 =	sadd.s32 @p2 $0x10, s6;
	s6 =	simm.s32 $0x0  }
0x6aa: {  	v8 =	vsel vm0, $0xFFFFFFFF, v5;
	s6 =	smov.u32 @p2 s1  }
0x6ab: {  	v8 =	vxor.u32 v9, v8;
	v10 =	vor.u32 s6, v3  }
0x6ac: {  	v8 =	vmax.f32 v7, v8;
	vm15 =	vlt.s32 v10, v6  }
0x6ad: {  	v7 =	vsel vm15, v8, v7  }
0x6ae: {  	(xrf0) =	vmax.scan.msk.f32 $0xffff, v7;
	_ =	sdelay $0x1  }
0x6af: {  	v17 =	vld [tilespmem:s3+$0x0]  }
.Ltmp56:
0x6b0: {  	_ = 	snop;
	(pc) =	sbr.rel @p1 .LBB2_121-.Ltmp56, $3  }
0x6b1: {  	_ =	sdelay $0x1  }
0x6b2: {  	v9 =	vmov s26;
	v7, _, _ =	vpop (xrf0)  }
0x6b3: {  	p3 =	por $0x0, $0x0;
	p4 =	por $0x0, $0x0;
	p2 =	por $0x0, $0x0;
	v8 =	vimm.f32 $0.0e+00;
	v11 =	vxor.u32 $0x80000000, v17;
	v10 =	vbroadcast v7, $0xF  }
0x6b4: {  	v15 =	vld [tilespmem:s4+$0x0];
	p1 =	seq.s32 s0, $0x1  }
.Ltmp57:
0x6b5: {  	vm0 =	vlt.s32 v17, $0x0;
	v12 =	vxor.u32 $0xFFFFFFFF, v17;
	(pc) =	sbr.rel @p1 .LBB2_123-.Ltmp57, $3  }
0x6b6: {  	v12 =	vsel vm0, v11, v12  }
0x6b7: {  	v12 =	vsub.f32 v12, v10;
	_ =	sdelay $0x1  }
0x6b8: {  	s0 =	sadd.s32 $0xFFFFFFFF, s0;
	s3 =	simm.s32 $0x10020;
	p2 =	por $0x1, $0x1;
	v14 =	vmul.f32 $1.442695020e+00, v12;
	v12 =	vxor.u32 $0x80000000, v15  }
0x6b9: {  	v17 =	vld [tilespmem:s3+$0x0];
	p1 =	seq.s32 s0, $0x1  }
.Ltmp58:
0x6ba: {  	vm0 =	vlt.s32 v15, $0x0;
	v13 =	vxor.u32 $0xFFFFFFFF, v15;
	(pc) =	sbr.rel @p1 .LBB2_125-.Ltmp58, $3  }
0x6bb: {  	v13 =	vsel vm0, v12, v13  }
0x6bc: {  	v13 =	vsub.f32 v13, v10;
	_ =	sdelay $0x1  }
0x6bd: {  	s0 =	sadd.s32 $0xFFFFFFFF, s0;
	s3 =	simm.s32 $0x10030;
	p3 =	por $0x1, $0x1;
	(erf) = vpow2.f32 v14;
	v14 =	vmul.f32 $1.442695020e+00, v13;
	v16 =	vxor.u32 $0x80000000, v17  }
0x6be: {  	_ =	sdelay $0x4  }
0x6bf: {  	v15 =	vor.u32 s30, v3;
	_ =	sdelay $0x1  }
0x6c0: {  	vm0 =	vlt.s32 v17, $0x0  }
0x6c1: {  	v18 =	vld [tilespmem:s3+$0x0];
	v13 =	vxor.u32 $0xFFFFFFFF, v17;
	p1 =	seq.s32 s0, $0x1;
	vm15 =	vlt.s32 v15, v6;
	v15 =	vpop (erf);
	(erf) = vpow2.f32 v14  }
.Ltmp59:
0x6c2: {  	v13 =	vsel vm0, v16, v13;
	(pc) =	sbr.rel @p1 .LBB2_127-.Ltmp59, $4  }
0x6c3: {  	vm1 =	vge.s32 v11, v9;
	v13 =	vsub.f32 v13, v10  }
0x6c4: {  	vm0 =	vmand vm15, vm1  }
0x6c5: {  	s3 =	sadd.s32 $0xFFFFFFFF, s0;
	v14 =	vmul.f32 $1.442695020e+00, v13;
	v15 =	vnsel vm0, $0x0, v15  }
0x6c6: {  	s4 =	simm.s32 $0x10040;
	p4 =	por $0x1, $0x1;
	s0 =	simm.s32 $0x0;
	v13 =	vxor.u32 $0x80000000, v18;
	v15 =	vadd.f32 v15, v8  }
.LBB2_128:
0x6c7: {  	vm0 =	vlt.s32 v18, $0x0;
	v17 =	vxor.u32 $0xFFFFFFFF, v18;
	v18 =	vld [tilespmem:s4+$0x0];
	(erf) = vpow2.f32 v14;
	s0 =	sadd.s32 $0x10, s0;
	p1 =	seq.s32 s3, $0x1  }
.Ltmp60:
0x6c8: {  	s3 =	sadd.s32 $0xFFFFFFFF, s3;
	v14 =	vsel vm0, v13, v17;
	v19 =	vor.u32 s0, v3;
	(pc) =	sbr.rel @!p1 .LBB2_128-.Ltmp60, $4  }
0x6c9: {  	vm1 =	vge.s32 v12, v9;
	v12 =	vmovc v16;
	v14 =	vsub.f32 v14, v10;
	vm0 =	vlt.s32 v19, v6  }
0x6ca: {  	v16 =	vmov v13;
	vm0 =	vmand vm0, vm1;
	v17 =	vpop (erf)  }
0x6cb: {  	v14 =	vmul.f32 $1.442695020e+00, v14;
	v17 =	vnsel vm0, $0x0, v17  }
0x6cc: {  	s4 =	sadd.s32 $0x10, s4;
	v13 =	vxor.u32 $0x80000000, v18;
	v15 =	vadd.f32 v17, v15  }
0x6cd: {  	v19 =	vmov v12;
	v17 =	vmov v18;
	v12 =	vmov v16  }
.LBB2_130:
0x6ce: {  	vm0 =	vlt.s32 v17, $0x0;
	v16 =	vxor.u32 $0xFFFFFFFF, v17  }
0x6cf: {  	v16 =	vsel vm0, v13, v16  }
0x6d0: {  	v10 =	vsub.f32 v16, v10  }
0x6d1: {  	(erf) = vpow2.f32 @p2 v14  }
0x6d2: {  	s0 =	sadd.s32 @p4 $0x10, s0;
	s1 =	simm.s32 $0x0;
	v10 =	vmul.f32 $1.442695020e+00, v10  }
0x6d3: {  	s1 =	smov.u32 @p4 s0  }
0x6d4: {  	(erf) = vpow2.f32 v10;
	v10 =	vor.u32 @p3 s1, v3;
	_ =	sdelay $0x1  }
0x6d5: {  	vm1 =	vge.s32 @p3 v19, v9;
	s0 =	sadd.s32 @p3 $0x10, s1;
	s1 =	simm.s32 $0x0;
	vm0 =	vlt.s32 @p3 v10, v6  }
0x6d6: {  	v11 =	vpsel p2, v12, v11;
	s1 =	smov.u32 @p3 s0;
	vm0 =	vmand @p3 vm0, vm1;
	v10 =	vpop @p3 (erf)  }
0x6d7: {  	v12 =	vor.u32 @p2 s1, v3;
	v10 =	vnsel @p3 vm0, $0x0, v10  }
0x6d8: {  	vm1 =	vge.s32 @p2 v11, v9;
	s0 =	sadd.s32 @p2 $0x10, s1;
	vm0 =	vlt.s32 @p2 v12, v6;
	v10 =	vadd.f32 @p3 v10, v15  }
0x6d9: {  	s30 =	smov.u32 @p2 s0;
	v11 =	vpop @p2 (erf);
	vm0 =	vmand @p2 vm0, vm1  }
.Ltmp61:
0x6da: {  	v63 =	vor.u32 s30, v3;
	v11 =	vnsel @p2 vm0, $0x0, v11;
	v10 =	vpsel p3, v10, v8;
	(pc) =	sbr.rel .LBB2_103-.Ltmp61, $4  }
0x6db: {  	vm15 =	vge.s32 v13, v9;
	vm14 =	vlt.s32 v63, v6;
	v10 =	vadd.f32 @p2 v11, v10  }
0x6dc: {  	vm0 =	vmand vm14, vm15;
	v6 =	vpop (erf)  }
0x6dd: {  	v8 =	vpsel p2, v10, v8;
	v6 =	vnsel vm0, $0x0, v6  }
0x6de: {  	v6 =	vadd.f32 v6, v8  }
.LBB2_102:
0x6df: {  	v6 =	vimm.f32 $0.0e+00;
	v7 =	vmov v0  }
.LBB2_103:
0x6e0: {  	_ = 	snop  }
0x6e1: {  	(xrf2) =	vadd.scan.msk.f32 $0xffff, v6;
	_ =	sdelay $0x9  }
0x6e2: {  	v6, _, _ =	vpop (xrf2)  }
0x6e3: {  	v6 =	vbroadcast v6, $0xF;
	_ =	sdelay $0x1  }
0x6e4: {  	(erf) = vrcp.f32 v6;
	_ =	sdelay $0x8  }
0x6e5: {  	s0 =	simm.s32 @!p0 $0x1;
	v6 =	vpop (erf)  }
0x6e6: {  	_ =	swait.ge @!p0 [sflag:s0], $0x8000  }
0x6e7: {  	[sflag:s0] =	ssyncset.done @!p0 $0x0  }
0x6e8: {  	s30 =	simm.s32 $0x8040;
	[sflag:s0] =	ssyncadd.s32 @!p0 $0xFFFF8000  }
0x6e9: {  	v9 =	vld [tilespmem:s30+$0x30]  }
0x6ea: {  	v10 =	vld [tilespmem:s30+$0xFFFFFFD0]  }
0x6eb: {  	v11 =	vld [tilespmem:s30+$0xFFFFFFE0]  }
0x6ec: {  	v12 =	vld [tilespmem:s30+$0xFFFFFFF0]  }
0x6ed: {  	v13 =	vld [tilespmem:s30+$0x0]  }
0x6ee: {  	v14 =	vld [tilespmem:s30+$0x10]  }
0x6ef: {  	v16 =	vld [tilespmem:s30+$0x20]  }
0x6f0: {  	s1 =	simm.s32 $0x80C0;
	v18 =	vld [tilespmem:s30+$0xFFFFFFC0]  }
0x6f1: {  	v39 =	vld [tilespmem:s1+$0x0]  }
0x6f2: {  	v7 =	vbroadcast v7, $0xF;
	v43 =	vld [tilespmem:s1+$0x10]  }
0x6f3: {  	v46 =	vld [tilespmem:s1+$0x20]  }
0x6f4: {  	v29 =	vld [tilespmem:s1+$0xFFFFFFC0];
	v8 =	vsub.f32 v9, v7;
	v15 =	vsub.f32 v10, v7  }
0x6f5: {  	v17 =	vsub.f32 v11, v7;
	v19 =	vsub.f32 v12, v7  }
0x6f6: {  	v20 =	vsub.f32 v18, v7;
	v22 =	vshra.s32 v13, $0x1F;
	v23 =	vshra.s32 v14, $0x1F  }
0x6f7: {  	v25 =	vshra.s32 v16, $0x1F;
	v26 =	vshra.s32 v9, $0x1F;
	v8 =	vmul.f32 $1.442695020e+00, v8  }
0x6f8: {  	v31 =	vsub.f32 v39, v7;
	v49 =	vsub.f32 v43, v7;
	v50 =	vshra.s32 v39, $0x1F  }
0x6f9: {  	v32 =	vsub.f32 v46, v7;
	v51 =	vsub.f32 v29, v7;
	(erf) = vpow2.f32 v8  }
0x6fa: {  	v52 =	vshra.s32 v29, $0x1F;
	v53 =	vshra.s32 v43, $0x1F;
	v54 =	vshra.s32 v46, $0x1F  }
0x6fb: {  	v22 =	vand.u32 $0x7FFFFFFF, v22;
	v23 =	vand.u32 $0x7FFFFFFF, v23;
	v15 =	vmul.f32 $1.442695020e+00, v15  }
0x6fc: {  	v26 =	vand.u32 $0x7FFFFFFF, v26;
	v17 =	vmul.f32 $1.442695020e+00, v17;
	v8 =	vsub.f32 v13, v7  }
0x6fd: {  	(erf) = vpow2.f32 v15;
	v15 =	vmul.f32 $1.442695020e+00, v19;
	v19 =	vsub.f32 v14, v7  }
0x6fe: {  	(erf) = vpow2.f32 v17;
	v8 =	vmul.f32 $1.442695020e+00, v8;
	v17 =	vsub.f32 v16, v7  }
0x6ff: {  	v25 =	vand.u32 $0x7FFFFFFF, v25;
	v19 =	vmul.f32 $1.442695020e+00, v19;
	(erf) = vpow2.f32 v15  }
0x700: {  	v9 =	vxor.u32 v9, v26;
	v15 =	vmul.f32 $1.442695020e+00, v17;
	(erf) = vpow2.f32 v8  }
0x701: {  	v14 =	vxor.u32 v14, v23;
	v8 =	vmul.f32 $1.442695020e+00, v20;
	(erf) = vpow2.f32 v19  }
0x702: {  	v17 =	vshra.s32 v11, $0x1F;
	v20 =	vshra.s32 v18, $0x1F;
	(erf) = vpow2.f32 v15;
	v21 =	vpop (erf)  }
0x703: {  	(erf) = vpow2.f32 v8;
	v8 =	vmov s26;
	v21 =	vmul.f32 v21, v6  }
0x704: {  	v17 =	vand.u32 $0x7FFFFFFF, v17;
	v19 =	vshra.s32 v12, $0x1F;
	vm0 =	vlt.s32 v9, v8  }
0x705: {  	s4 =	simm.s32 $0x10040;
	v20 =	vand.u32 $0x7FFFFFFF, v20;
	v15 =	vshra.s32 v10, $0x1F;
	v21 =	vsel vm0, $0x0, v21  }
0x706: {  	s31 =	simm.s32 $0x40;
	v19 =	vand.u32 $0x7FFFFFFF, v19;
	v18 =	vxor.u32 v18, v20;
	v15 =	vand.u32 $0x7FFFFFFF, v15;
	v24 =	vpop (erf);
	[tilespmem:s4+$0x30] =	vst v21  }
0x707: {  	v11 =	vxor.u32 v11, v17;
	v10 =	vxor.u32 v10, v15;
	v27 =	vpop (erf);
	v20 =	vmul.f32 v24, v6;
	v17 =	vld [tilespmem:s31+$0x30]  }
0x708: {  	v12 =	vxor.u32 v12, v19;
	v19 =	vld [tilespmem:s1+$0xFFFFFFE0];
	vm6 =	vlt.s32 v10, v8;
	v15 =	vmul.f32 v27, v6  }
0x709: {  	vm1 =	vlt.s32 v11, v8;
	vm2 =	vlt.s32 v14, v8;
	v14 =	vld [tilespmem:s1+$0x30];
	v11 =	vsel vm6, $0x0, v20  }
0x70a: {  	v56 =	vand.u32 $0x7FFFFFFF, v53;
	v31 =	vmul.f32 $1.442695020e+00, v31;
	[tilespmem:s4+$0xFFFFFFD0] =	vst v11;
	v11 =	vsel vm1, $0x0, v15  }
0x70b: {  	v32 =	vmul.f32 $1.442695020e+00, v32;
	v13 =	vxor.u32 v13, v22;
	v28 =	vpop (erf);
	[tilespmem:s4+$0xFFFFFFE0] =	vst v11;
	v11 =	vxor.u32 v16, v25  }
0x70c: {  	vm7 =	vlt.s32 v18, v8;
	v37 =	vpop (erf);
	vm3 =	vlt.s32 v11, v8;
	v11 =	vshrl.u32 v17, $0x14;
	v17 =	vld [tilespmem:s1+$0xFFFFFFD0]  }
0x70d: {  	vm8 =	vlt.s32 v12, v8;
	v44 =	vshra.s32 v19, $0x1F;
	v45 =	vsub.f32 v19, v7;
	v9 =	vpop (erf)  }
0x70e: {  	vm9 =	vlt.s32 v13, v8;
	v20 =	vld [tilespmem:s1+$0xFFFFFFF0];
	v40 =	vsub.f32 v14, v7;
	v26 =	vand.u32 $0x7FFFFFFF, v44;
	v38 =	vpop (erf)  }
0x70f: {  	v55 =	vshra.s32 v14, $0x1F;
	v15 =	vmul.f32 v28, v6;
	v27 =	vmul.f32 $1.442695020e+00, v45;
	v10 =	vpop (erf)  }
0x710: {  	v19 =	vxor.u32 v19, v26;
	v22 =	vmul.f32 $1.442695020e+00, v40;
	v10 =	vmul.f32 v10, v6  }
0x711: {  	v18 =	vld [tilespmem:s31+$0xFFFFFFD0];
	v16 =	vmul.f32 v37, v6;
	v9 =	vmul.f32 v9, v6;
	v42 =	vsub.f32 v17, v7  }
0x712: {  	vm13 =	vlt.s32 v19, v8;
	(erf) = vpow2.f32 v22;
	v10 =	vsel vm7, $0x0, v10  }
0x713: {  	v13 =	vmul.f32 v38, v6;
	v30 =	vsub.f32 v20, v7;
	[tilespmem:s4+$0xFFFFFFC0] =	vst v10;
	v24 =	vmul.f32 $1.442695020e+00, v42  }
0x714: {  	v15 =	vsel vm8, $0x0, v15;
	v16 =	vsel vm9, $0x0, v16;
	v9 =	vsel vm2, $0x0, v9;
	v12 =	vld [tilespmem:s31+$0xFFFFFFC0]  }
0x715: {  	v13 =	vsel vm3, $0x0, v13;
	v48 =	vmul.f32 $1.442695020e+00, v30;
	(erf) = vpow2.f32 v24  }
0x716: {  	v47 =	vshra.s32 v20, $0x1F;
	v18 =	vshrl.u32 v18, $0x14;
	(erf) = vpow2.f32 v27  }
0x717: {  	v30 =	vmul.f32 $1.442695020e+00, v49;
	v18 =	vand.u32 $0xFF0, v18;
	(erf) = vpow2.f32 v48  }
0x718: {  	v10 =	vld [tilespmem:s31+$0xFFFFFFE0];
	v11 =	vand.u32 $0xFF0, v11;
	v18 =	vor.u32 v3, v18;
	(erf) = vpow2.f32 v31  }
0x719: {  	v12 =	vshrl.u32 v12, $0x14;
	v24 =	vmul.f32 $1.442695020e+00, v51;
	(erf) = vpow2.f32 v30  }
0x71a: {  	[tilespmem:s4+$0xFFFFFFF0] =	vst v15;
	v11 =	vor.u32 v3, v11;
	v12 =	vand.u32 $0xFF0, v12;
	(erf) = vpow2.f32 v32  }
0x71b: {  	v62 =	vld [tilespmem:s31+$0xFFFFFFF0];
	v57 =	vpop (erf);
	v12 =	vor.u32 v3, v12;
	(erf) = vpow2.f32 v24;
	v24 =	vand.u32 $0x7FFFFFFF, v55  }
0x71c: {  	v22 =	vand.u32 $0x7FFFFFFF, v47;
	v58 =	vmul.f32 v57, v6;
	v14 =	vxor.u32 v14, v24  }
0x71d: {  	v20 =	vxor.u32 v20, v22;
	v10 =	vshrl.u32 v10, $0x14;
	vm10 =	vlt.s32 v14, v8  }
0x71e: {  	v41 =	vshra.s32 v17, $0x1F;
	v10 =	vand.u32 $0xFF0, v10;
	[tilespmem:v18+s16+$0x0] =	vst.idx.add.s32.msk $0xffff, v4;
	v18 =	vsel vm10, $0x0, v58  }
0x71f: {  	vm14 =	vlt.s32 v20, v8;
	v23 =	vand.u32 $0x7FFFFFFF, v41;
	[tilespmem:v11+s16+$0x0] =	vst.idx.add.s32.msk $0xffff, v4;
	v10 =	vor.u32 v3, v10;
	v59 =	vpop (erf)  }
0x720: {  	s26 =	simm.s32 $0x100C0;
	v19 =	vshrl.u32 v62, $0x14;
	v11 =	vand.u32 $0x7FFFFFFF, v50;
	v17 =	vxor.u32 v17, v23;
	[tilespmem:v12+s16+$0x0] =	vst.idx.add.s32.msk $0xffff, v4;
	v14 =	vpop (erf)  }
0x721: {  	s29 =	simm.s32 $0xC0;
	v11 =	vxor.u32 v39, v11;
	vm12 =	vlt.s32 v17, v8;
	v31 =	vand.u32 $0x7FFFFFFF, v52;
	[tilespmem:s26+$0x30] =	vst v18;
	v18 =	vpop (erf)  }
0x722: {  	[tilespmem:s4+$0x0] =	vst v16;
	v29 =	vxor.u32 v29, v31;
	v12 =	vand.u32 $0x7FFFFFFF, v54;
	v30 =	vmul.f32 v59, v6;
	v60 =	vld [tilespmem:s29+$0x30];
	v61 =	vpop (erf)  }
0x723: {  	[tilespmem:s4+$0x10] =	vst v9;
	v63 =	vld [tilespmem:s31+$0x0];
	vm4 =	vlt.s32 v11, v8;
	vm11 =	vlt.s32 v29, v8;
	v12 =	vxor.u32 v46, v12;
	v17 =	vpop (erf)  }
0x724: {  	[tilespmem:v10+s16+$0x0] =	vst.idx.add.s32.msk $0xffff, v4;
	vm15 =	vlt.s32 v12, v8;
	v14 =	vmul.f32 v14, v6;
	v11 =	vsel vm12, $0x0, v30;
	v9 =	vpop (erf)  }
0x725: {  	[tilespmem:s4+$0x20] =	vst v13;
	v20 =	vld [tilespmem:s31+$0x10];
	v15 =	vmul.f32 v18, v6;
	v18 =	vxor.u32 v43, v56;
	v13 =	vmul.f32 v9, v6;
	v9 =	vpop (erf)  }
0x726: {  	[tilespmem:s26+$0xFFFFFFD0] =	vst v11;
	v12 =	vsel vm13, $0x0, v14;
	v16 =	vmul.f32 v61, v6;
	v10 =	vmul.f32 v9, v6;
	v9 =	vld [tilespmem:s31+$0x20]  }
0x727: {  	vm5 =	vlt.s32 v18, v8;
	[tilespmem:s26+$0xFFFFFFE0] =	vst v12;
	v18 =	vsel vm14, $0x0, v15;
	v14 =	vshrl.u32 v60, $0x14  }
0x728: {  	v11 =	vld [tilespmem:s29+$0xFFFFFFD0];
	v17 =	vmul.f32 v17, v6;
	[tilespmem:s26+$0xFFFFFFF0] =	vst v18;
	v14 =	vand.u32 $0xFF0, v14;
	v10 =	vsel vm11, $0x0, v10  }
0x729: {  	v12 =	vld [tilespmem:s29+$0xFFFFFFE0];
	v16 =	vsel vm4, $0x0, v16;
	v18 =	vshrl.u32 v63, $0x14;
	[tilespmem:s26+$0xFFFFFFC0] =	vst v10;
	v10 =	vor.u32 v3, v14  }
0x72a: {  	s0 =	simm.s32 $0x8;
	s4 =	simm.s32 $0x8140;
	v15 =	vsel vm5, $0x0, v17;
	v17 =	vshrl.u32 v20, $0x14;
	v13 =	vsel vm15, $0x0, v13;
	v14 =	vld [tilespmem:s29+$0xFFFFFFC0]  }
.LBB2_104:
0x72b: {  	v20 =	vld [tilespmem:s4+$0x30];
	s0 =	sadd.s32 $0x8, s0;
	[tilespmem:s26+$0x0] =	vst v16;
	v16 =	vand.u32 $0xFF0, v19;
	v18 =	vand.u32 $0xFF0, v18;
	v9 =	vshrl.u32 v9, $0x14  }
0x72c: {  	v19 =	vld [tilespmem:s4+$0xFFFFFFD0];
	p0 =	slt.u32 s0, $0x1F8;
	[tilespmem:s26+$0x10] =	vst v15;
	v15 =	vor.u32 v3, v16;
	v16 =	vand.u32 $0xFF0, v17;
	v9 =	vand.u32 $0xFF0, v9  }
0x72d: {  	v17 =	vld [tilespmem:s4+$0xFFFFFFE0];
	v11 =	vshrl.u32 v11, $0x14;
	[tilespmem:s26+$0x20] =	vst v13;
	v13 =	vor.u32 v3, v18;
	v16 =	vor.u32 v3, v16  }
0x72e: {  	v11 =	vand.u32 $0xFF0, v11;
	v12 =	vshrl.u32 v12, $0x14;
	[tilespmem:v10+s16+$0x0] =	vst.idx.add.s32.msk $0xffff, v4;
	v10 =	vor.u32 v3, v9  }
0x72f: {  	v18 =	vld [tilespmem:s4+$0xFFFFFFF0];
	v9 =	vshrl.u32 v14, $0x14;
	v11 =	vor.u32 v3, v11;
	v12 =	vand.u32 $0xFF0, v12  }
0x730: {  	v14 =	vld [tilespmem:s4+$0x0];
	v21 =	vsub.f32 v20, v7;
	v9 =	vand.u32 $0xFF0, v9;
	v12 =	vor.u32 v3, v12  }
0x731: {  	v22 =	vshra.s32 v19, $0x1F;
	v23 =	vsub.f32 v19, v7;
	v24 =	vld [tilespmem:s4+$0x10];
	v25 =	vor.u32 v3, v9  }
0x732: {  	v9 =	vshra.s32 v17, $0x1F;
	v26 =	vsub.f32 v17, v7;
	v27 =	vld [tilespmem:s4+$0x20];
	v21 =	vmul.f32 $1.442695020e+00, v21  }
0x733: {  	v22 =	vand.u32 $0x7FFFFFFF, v22;
	v28 =	vld [tilespmem:s4+$0xFFFFFFC0];
	v23 =	vmul.f32 $1.442695020e+00, v23;
	v29 =	vand.u32 $0x7FFFFFFF, v9  }
0x734: {  	v9 =	vmul.f32 $1.442695020e+00, v26;
	v26 =	vsub.f32 v18, v7;
	(erf) = vpow2.f32 v21;
	v21 =	vld [tilespmem:s29+$0xFFFFFFF0]  }
0x735: {  	v30 =	vshra.s32 v18, $0x1F;
	v31 =	vsub.f32 v14, v7;
	(erf) = vpow2.f32 v23;
	v23 =	vld [tilespmem:s29+$0x0]  }
0x736: {  	v26 =	vmul.f32 $1.442695020e+00, v26;
	v32 =	vsub.f32 v24, v7;
	(erf) = vpow2.f32 v9;
	v33 =	vld [tilespmem:s29+$0x10]  }
0x737: {  	v34 =	vshra.s32 v14, $0x1F;
	v31 =	vmul.f32 $1.442695020e+00, v31;
	v35 =	vsub.f32 v27, v7;
	v9 =	vld [tilespmem:s29+$0x20]  }
0x738: {  	v36 =	vsub.f32 v28, v7;
	v32 =	vmul.f32 $1.442695020e+00, v32;
	(erf) = vpow2.f32 v26;
	[tilespmem:v25+s16+$0x0] =	vst.idx.add.s32.msk $0xffff, v4  }
0x739: {  	v25 =	vshra.s32 v28, $0x1F;
	v26 =	vmul.f32 $1.442695020e+00, v35;
	(erf) = vpow2.f32 v31;
	[tilespmem:v11+s16+$0x0] =	vst.idx.add.s32.msk $0xffff, v4  }
0x73a: {  	v31 =	vshra.s32 v24, $0x1F;
	v11 =	vmul.f32 $1.442695020e+00, v36;
	(erf) = vpow2.f32 v32;
	[tilespmem:v12+s16+$0x0] =	vst.idx.add.s32.msk $0xffff, v4  }
0x73b: {  	v12 =	vand.u32 $0x7FFFFFFF, v25;
	v25 =	vshra.s32 v27, $0x1F;
	(erf) = vpow2.f32 v26;
	[tilespmem:v15+s16+$0x0] =	vst.idx.add.s32.msk $0xffff, v4  }
0x73c: {  	v32 =	vshra.s32 v20, $0x1F;
	v15 =	vand.u32 $0x7FFFFFFF, v30;
	(erf) = vpow2.f32 v11;
	[tilespmem:v13+s16+$0x0] =	vst.idx.add.s32.msk $0xffff, v4  }
0x73d: {  	v11 =	vand.u32 $0x7FFFFFFF, v34;
	v13 =	vand.u32 $0x7FFFFFFF, v31;
	v31 =	vand.u32 $0x7FFFFFFF, v32;
	v30 =	vpop (erf);
	[tilespmem:v16+s16+$0x0] =	vst.idx.add.s32.msk $0xffff, v4  }
0x73e: {  	v16 =	vand.u32 $0x7FFFFFFF, v25;
	v31 =	vxor.u32 v20, v31;
	v25 =	vmul.f32 v30, v6;
	v26 =	vpop (erf);
	[tilespmem:v10+s16+$0x0] =	vst.idx.add.s32.msk $0xffff, v4  }
0x73f: {  	v10 =	vxor.u32 v28, v12;
	vm0 =	vlt.s32 v31, v8;
	v12 =	vmul.f32 v26, v6;
	v20 =	vpop (erf)  }
0x740: {  	s26 =	sadd.s32 $0x80, s26;
	v19 =	vxor.u32 v19, v22;
	v20 =	vmul.f32 v20, v6;
	v25 =	vsel vm0, $0x0, v25  }
0x741: {  	v17 =	vxor.u32 v17, v29;
	s29 =	sadd.s32 $0x80, s29;
	v15 =	vxor.u32 v18, v15;
	v11 =	vxor.u32 v14, v11;
	[tilespmem:s26+$0x30] =	vst v25;
	v14 =	vpop (erf)  }
0x742: {  	v13 =	vxor.u32 v24, v13;
	v16 =	vxor.u32 v27, v16;
	v14 =	vmul.f32 v14, v6;
	v18 =	vld [tilespmem:s29+$0x30];
	v22 =	vpop (erf)  }
0x743: {  	vm1 =	vlt.s32 v19, v8;
	vm0 =	vlt.s32 v10, v8;
	v10 =	vmul.f32 v22, v6;
	v19 =	vpop (erf)  }
0x744: {  	vm2 =	vlt.s32 v17, v8;
	vm3 =	vlt.s32 v15, v8;
	v15 =	vmul.f32 v19, v6;
	v17 =	vpop (erf)  }
0x745: {  	vm4 =	vlt.s32 v11, v8;
	vm5 =	vlt.s32 v13, v8;
	v13 =	vmul.f32 v17, v6;
	v11 =	vpop (erf)  }
.Ltmp62:
0x746: {  	v12 =	vsel vm1, $0x0, v12;
	vm1 =	vlt.s32 v16, v8;
	v11 =	vmul.f32 v11, v6;
	(pc) =	sbr.rel @p0 .LBB2_104-.Ltmp62, $4  }
0x747: {  	v17 =	vsel vm3, $0x0, v14;
	[tilespmem:s26+$0xFFFFFFD0] =	vst v12;
	v12 =	vsel vm2, $0x0, v20;
	v14 =	vshrl.u32 v18, $0x14  }
0x748: {  	v16 =	vsel vm4, $0x0, v10;
	v18 =	vsel vm0, $0x0, v11;
	v11 =	vld [tilespmem:s29+$0xFFFFFFD0];
	[tilespmem:s26+$0xFFFFFFE0] =	vst v12;
	v10 =	vand.u32 $0xFF0, v14  }
0x749: {  	v15 =	vsel vm5, $0x0, v15;
	v13 =	vsel vm1, $0x0, v13;
	[tilespmem:s26+$0xFFFFFFC0] =	vst v18;
	v12 =	vld [tilespmem:s29+$0xFFFFFFE0];
	v10 =	vor.u32 v3, v10  }
0x74a: {  	s4 =	sadd.s32 $0x80, s4;
	v19 =	vshrl.u32 v21, $0x14;
	v18 =	vshrl.u32 v23, $0x14;
	v14 =	vld [tilespmem:s29+$0xFFFFFFC0];
	[tilespmem:s26+$0xFFFFFFF0] =	vst v17;
	v17 =	vshrl.u32 v33, $0x14  }
0x74b: {  	_ =	sdelay $0x1  }
0x74c: {  	v11 =	vshrl.u32 v11, $0x14  }
0x74d: {  	v11 =	vand.u32 $0xFF0, v11;
	v12 =	vshrl.u32 v12, $0x14  }
0x74e: {  	[tilespmem:s26+$0x0] =	vst v16;
	v16 =	vld [tilespmem:s29+$0xFFFFFFF0];
	v14 =	vshrl.u32 v14, $0x14;
	v11 =	vor.u32 v3, v11;
	v12 =	vand.u32 $0xFF0, v12  }
0x74f: {  	[tilespmem:s26+$0x10] =	vst v15;
	v15 =	vld [tilespmem:s29+$0x0];
	v14 =	vand.u32 $0xFF0, v14;
	v12 =	vor.u32 v3, v12  }
0x750: {  	[tilespmem:s26+$0x20] =	vst v13;
	v13 =	vld [tilespmem:s29+$0x10];
	v14 =	vor.u32 v3, v14  }
0x751: {  	v19 =	vand.u32 $0xFF0, v19;
	[tilespmem:v10+s16+$0x0] =	vst.idx.add.s32.msk $0xffff, v4  }
0x752: {  	v18 =	vand.u32 $0xFF0, v18;
	v9 =	vshrl.u32 v9, $0x14;
	v19 =	vor.u32 v3, v19;
	v20 =	vld [tilespmem:s29+$0x20]  }
0x753: {  	v17 =	vand.u32 $0xFF0, v17;
	v18 =	vor.u32 v3, v18;
	v9 =	vand.u32 $0xFF0, v9;
	[tilespmem:v11+s16+$0x0] =	vst.idx.add.s32.msk $0xffff, v4  }
0x754: {  	v10 =	vor.u32 v3, v17;
	v9 =	vor.u32 v3, v9;
	v11 =	vshrl.u32 v15, $0x14;
	[tilespmem:v12+s16+$0x0] =	vst.idx.add.s32.msk $0xffff, v4  }
0x755: {  	v12 =	vshrl.u32 v13, $0x14;
	v11 =	vand.u32 $0xFF0, v11;
	[tilespmem:v14+s16+$0x0] =	vst.idx.add.s32.msk $0xffff, v4;
	v14 =	vshrl.u32 v16, $0x14  }
0x756: {  	v12 =	vand.u32 $0xFF0, v12;
	v11 =	vor.u32 v3, v11;
	v14 =	vand.u32 $0xFF0, v14  }
0x757: {  	[tilespmem:v19+s16+$0x0] =	vst.idx.add.s32.msk $0xffff, v4;
	v12 =	vor.u32 v3, v12;
	v13 =	vor.u32 v3, v14;
	v14 =	vshrl.u32 v20, $0x14  }
0x758: {  	[tilespmem:v18+s16+$0x0] =	vst.idx.add.s32.msk $0xffff, v4;
	v14 =	vand.u32 $0xFF0, v14  }
0x759: {  	[tilespmem:v10+s16+$0x0] =	vst.idx.add.s32.msk $0xffff, v4;
	v10 =	vor.u32 v3, v14  }
0x75a: {  	[tilespmem:v9+s16+$0x0] =	vst.idx.add.s32.msk $0xffff, v4  }
0x75b: {  	[tilespmem:v11+s16+$0x0] =	vst.idx.add.s32.msk $0xffff, v4  }
0x75c: {  	[tilespmem:v12+s16+$0x0] =	vst.idx.add.s32.msk $0xffff, v4  }
0x75d: {  	s26 =	sor.u32 $0x10, s28;
	[tilespmem:v13+s16+$0x0] =	vst.idx.add.s32.msk $0xffff, v4  }
0x75e: {  	s30 =	simm.s32 $0xA070;
	s0 =	sadd.s32 s2, s26;
	[tilespmem:v10+s16+$0x0] =	vst.idx.add.s32.msk $0xffff, v4  }
0x75f: {  	[hbm4b:s0+s13] =	stream.strided.scatter [tilespmem:s19], [sflag:$0x3], $0x2000, s14, s13, $0x38;
	[tilespmem:$0x1A080] =	vst v63  }
0x760: {  	v9 =	vld [tilespmem:s30+$0x0]  }
0x761: {  	v10 =	vld [tilespmem:s30+$0xFFFFFFA0]  }
0x762: {  	v11 =	vld [tilespmem:s30+$0xFFFFFFB0]  }
0x763: {  	v12 =	vld [tilespmem:s30+$0xFFFFFFC0]  }
0x764: {  	v13 =	vld [tilespmem:s30+$0xFFFFFFD0]  }
0x765: {  	v15 =	vld [tilespmem:s30+$0xFFFFFFE0]  }
0x766: {  	v17 =	vld [tilespmem:s30+$0xFFFFFFF0]  }
0x767: {  	s1 =	simm.s32 $0xA0F0;
	v19 =	vld [tilespmem:s30+$0xFFFFFF90];
	v14 =	vsub.f32 v9, v7  }
0x768: {  	v39 =	vld [tilespmem:s1+$0xFFFFFFD0]  }
0x769: {  	v43 =	vld [tilespmem:s1+$0xFFFFFFE0];
	v14 =	vmul.f32 $1.442695020e+00, v14  }
0x76a: {  	v46 =	vld [tilespmem:s1+$0xFFFFFFF0];
	v16 =	vsub.f32 v10, v7  }
0x76b: {  	v18 =	vsub.f32 v11, v7;
	v20 =	vsub.f32 v12, v7;
	(erf) = vpow2.f32 v14  }
0x76c: {  	v29 =	vld [tilespmem:s1+$0xFFFFFF90];
	v21 =	vsub.f32 v19, v7;
	v22 =	vshra.s32 v13, $0x1F;
	v23 =	vshra.s32 v15, $0x1F  }
0x76d: {  	v25 =	vshra.s32 v17, $0x1F;
	v26 =	vshra.s32 v9, $0x1F;
	v16 =	vmul.f32 $1.442695020e+00, v16  }
0x76e: {  	v31 =	vsub.f32 v39, v7;
	v49 =	vsub.f32 v43, v7;
	v18 =	vmul.f32 $1.442695020e+00, v18  }
0x76f: {  	v32 =	vsub.f32 v46, v7;
	v14 =	vsub.f32 v13, v7;
	(erf) = vpow2.f32 v16  }
0x770: {  	v16 =	vmul.f32 $1.442695020e+00, v20;
	v20 =	vsub.f32 v15, v7;
	(erf) = vpow2.f32 v18  }
0x771: {  	v50 =	vshra.s32 v39, $0x1F;
	v51 =	vsub.f32 v29, v7;
	v18 =	vsub.f32 v17, v7  }
0x772: {  	v26 =	vand.u32 $0x7FFFFFFF, v26;
	v14 =	vmul.f32 $1.442695020e+00, v14;
	v20 =	vmul.f32 $1.442695020e+00, v20  }
0x773: {  	v9 =	vxor.u32 v9, v26;
	(erf) = vpow2.f32 v16;
	v16 =	vmul.f32 $1.442695020e+00, v18  }
0x774: {  	vm0 =	vlt.s32 v9, v8;
	(erf) = vpow2.f32 v14;
	v14 =	vmul.f32 $1.442695020e+00, v21;
	v36 =	vpop (erf)  }
0x775: {  	(erf) = vpow2.f32 v20;
	v20 =	vshra.s32 v19, $0x1F;
	v21 =	vmul.f32 v36, v6  }
0x776: {  	(erf) = vpow2.f32 v16;
	v16 =	vshra.s32 v10, $0x1F;
	v20 =	vand.u32 $0x7FFFFFFF, v20  }
0x777: {  	s4 =	simm.s32 $0x12070;
	(erf) = vpow2.f32 v14;
	v14 =	vshra.s32 v11, $0x1F;
	v21 =	vsel vm0, $0x0, v21  }
0x778: {  	s31 =	simm.s32 $0x2070;
	v16 =	vand.u32 $0x7FFFFFFF, v16;
	v19 =	vxor.u32 v19, v20;
	v14 =	vand.u32 $0x7FFFFFFF, v14;
	v24 =	vpop (erf);
	[tilespmem:s4+$0x0] =	vst v21  }
0x779: {  	v10 =	vxor.u32 v10, v16;
	v11 =	vxor.u32 v11, v14;
	v27 =	vpop (erf);
	v20 =	vmul.f32 v24, v6;
	v14 =	vld [tilespmem:s31+$0x0]  }
0x77a: {  	v22 =	vand.u32 $0x7FFFFFFF, v22;
	vm6 =	vlt.s32 v10, v8;
	v16 =	vmul.f32 v27, v6  }
0x77b: {  	v23 =	vand.u32 $0x7FFFFFFF, v23;
	vm1 =	vlt.s32 v11, v8;
	v11 =	vsel vm6, $0x0, v20  }
0x77c: {  	v25 =	vand.u32 $0x7FFFFFFF, v25;
	v18 =	vshra.s32 v12, $0x1F;
	[tilespmem:s4+$0xFFFFFFA0] =	vst v11;
	v11 =	vsel vm1, $0x0, v16  }
0x77d: {  	v13 =	vxor.u32 v13, v22;
	v18 =	vand.u32 $0x7FFFFFFF, v18;
	v28 =	vpop (erf);
	[tilespmem:s4+$0xFFFFFFB0] =	vst v11;
	v11 =	vxor.u32 v17, v25  }
0x77e: {  	v12 =	vxor.u32 v12, v18;
	v37 =	vpop (erf);
	vm3 =	vlt.s32 v11, v8;
	v11 =	vshrl.u32 v14, $0x14;
	v14 =	vld [tilespmem:s1+$0x0]  }
0x77f: {  	vm7 =	vlt.s32 v19, v8;
	v19 =	vld [tilespmem:s1+$0xFFFFFFB0];
	v16 =	vmul.f32 v28, v6;
	v17 =	vmul.f32 v37, v6  }
0x780: {  	v15 =	vxor.u32 v15, v23;
	vm9 =	vlt.s32 v13, v8;
	vm8 =	vlt.s32 v12, v8  }
0x781: {  	vm2 =	vlt.s32 v15, v8;
	v15 =	vsel vm8, $0x0, v16;
	v16 =	vsel vm9, $0x0, v17;
	v17 =	vld [tilespmem:s1+$0xFFFFFFA0]  }
0x782: {  	v52 =	vshra.s32 v29, $0x1F;
	v53 =	vshra.s32 v43, $0x1F;
	v54 =	vshra.s32 v46, $0x1F;
	v9 =	vpop (erf)  }
0x783: {  	v56 =	vand.u32 $0x7FFFFFFF, v53;
	v31 =	vmul.f32 $1.442695020e+00, v31;
	v20 =	vld [tilespmem:s1+$0xFFFFFFC0];
	v38 =	vpop (erf);
	v40 =	vsub.f32 v14, v7  }
0x784: {  	v32 =	vmul.f32 $1.442695020e+00, v32;
	v44 =	vshra.s32 v19, $0x1F;
	v45 =	vsub.f32 v19, v7;
	v10 =	vpop (erf)  }
0x785: {  	v26 =	vand.u32 $0x7FFFFFFF, v44;
	v10 =	vmul.f32 v10, v6;
	v22 =	vmul.f32 $1.442695020e+00, v40  }
0x786: {  	v18 =	vld [tilespmem:s31+$0xFFFFFFA0];
	v9 =	vmul.f32 v9, v6;
	v27 =	vmul.f32 $1.442695020e+00, v45;
	v42 =	vsub.f32 v17, v7  }
0x787: {  	v13 =	vmul.f32 v38, v6;
	v10 =	vsel vm7, $0x0, v10;
	(erf) = vpow2.f32 v22  }
0x788: {  	v19 =	vxor.u32 v19, v26;
	v30 =	vsub.f32 v20, v7;
	[tilespmem:s4+$0xFFFFFF90] =	vst v10;
	v24 =	vmul.f32 $1.442695020e+00, v42  }
0x789: {  	vm13 =	vlt.s32 v19, v8;
	v9 =	vsel vm2, $0x0, v9;
	v13 =	vsel vm3, $0x0, v13;
	v12 =	vld [tilespmem:s31+$0xFFFFFF90]  }
0x78a: {  	v47 =	vshra.s32 v20, $0x1F;
	v48 =	vmul.f32 $1.442695020e+00, v30;
	(erf) = vpow2.f32 v24  }
0x78b: {  	v11 =	vand.u32 $0xFF0, v11;
	v18 =	vshrl.u32 v18, $0x14;
	(erf) = vpow2.f32 v27  }
0x78c: {  	v30 =	vmul.f32 $1.442695020e+00, v49;
	v18 =	vand.u32 $0xFF0, v18;
	(erf) = vpow2.f32 v48  }
0x78d: {  	v10 =	vld [tilespmem:s31+$0xFFFFFFB0];
	v11 =	vor.u32 v3, v11;
	v18 =	vor.u32 v3, v18;
	(erf) = vpow2.f32 v31  }
0x78e: {  	v12 =	vshrl.u32 v12, $0x14;
	v24 =	vmul.f32 $1.442695020e+00, v51;
	(erf) = vpow2.f32 v30  }
0x78f: {  	[tilespmem:s4+$0xFFFFFFC0] =	vst v15;
	v55 =	vshra.s32 v14, $0x1F;
	v12 =	vand.u32 $0xFF0, v12;
	(erf) = vpow2.f32 v32  }
0x790: {  	v62 =	vld [tilespmem:s31+$0xFFFFFFC0];
	v12 =	vor.u32 v3, v12;
	(erf) = vpow2.f32 v24;
	v24 =	vand.u32 $0x7FFFFFFF, v55;
	v57 =	vpop (erf)  }
0x791: {  	v41 =	vshra.s32 v17, $0x1F;
	v14 =	vxor.u32 v14, v24;
	v58 =	vmul.f32 v57, v6  }
0x792: {  	v23 =	vand.u32 $0x7FFFFFFF, v41;
	v10 =	vshrl.u32 v10, $0x14;
	vm10 =	vlt.s32 v14, v8  }
0x793: {  	v17 =	vxor.u32 v17, v23;
	v10 =	vand.u32 $0xFF0, v10;
	[tilespmem:v18+s16+$0x0] =	vst.idx.add.s32.msk $0xffff, v4;
	v18 =	vsel vm10, $0x0, v58  }
0x794: {  	[tilespmem:v11+s16+$0x0] =	vst.idx.add.s32.msk $0xffff, v4;
	v11 =	vand.u32 $0x7FFFFFFF, v50;
	v10 =	vor.u32 v3, v10;
	v22 =	vand.u32 $0x7FFFFFFF, v47;
	v59 =	vpop (erf)  }
0x795: {  	s28 =	simm.s32 $0x120F0;
	v19 =	vshrl.u32 v62, $0x14;
	v11 =	vxor.u32 v39, v11;
	v20 =	vxor.u32 v20, v22;
	[tilespmem:v12+s16+$0x0] =	vst.idx.add.s32.msk $0xffff, v4;
	v14 =	vpop (erf)  }
0x796: {  	s29 =	simm.s32 $0x20F0;
	vm12 =	vlt.s32 v17, v8;
	vm4 =	vlt.s32 v11, v8;
	vm14 =	vlt.s32 v20, v8;
	[tilespmem:s28+$0x0] =	vst v18;
	v18 =	vpop (erf)  }
0x797: {  	[tilespmem:s4+$0xFFFFFFD0] =	vst v16;
	v31 =	vand.u32 $0x7FFFFFFF, v52;
	v12 =	vand.u32 $0x7FFFFFFF, v54;
	v30 =	vmul.f32 v59, v6;
	v60 =	vld [tilespmem:s29+$0x0];
	v61 =	vpop (erf)  }
0x798: {  	[tilespmem:s4+$0xFFFFFFE0] =	vst v9;
	v63 =	vld [tilespmem:s31+$0xFFFFFFD0];
	v29 =	vxor.u32 v29, v31;
	v12 =	vxor.u32 v46, v12;
	v14 =	vmul.f32 v14, v6;
	v17 =	vpop (erf)  }
0x799: {  	[tilespmem:s4+$0xFFFFFFF0] =	vst v13;
	v20 =	vld [tilespmem:s31+$0xFFFFFFE0];
	vm11 =	vlt.s32 v29, v8;
	vm15 =	vlt.s32 v12, v8;
	v11 =	vsel vm12, $0x0, v30;
	v9 =	vpop (erf)  }
0x79a: {  	[tilespmem:v10+s16+$0x0] =	vst.idx.add.s32.msk $0xffff, v4;
	v12 =	vsel vm13, $0x0, v14;
	v15 =	vmul.f32 v18, v6;
	v13 =	vmul.f32 v9, v6;
	v9 =	vpop (erf)  }
0x79b: {  	[tilespmem:s28+$0xFFFFFFA0] =	vst v11;
	v18 =	vxor.u32 v43, v56;
	v16 =	vmul.f32 v61, v6;
	v10 =	vmul.f32 v9, v6;
	v9 =	vld [tilespmem:s31+$0xFFFFFFF0]  }
0x79c: {  	[tilespmem:s28+$0xFFFFFFB0] =	vst v12;
	vm5 =	vlt.s32 v18, v8;
	v18 =	vsel vm14, $0x0, v15;
	v14 =	vshrl.u32 v60, $0x14  }
0x79d: {  	v11 =	vld [tilespmem:s29+$0xFFFFFFA0];
	v17 =	vmul.f32 v17, v6;
	[tilespmem:s28+$0xFFFFFFC0] =	vst v18;
	v14 =	vand.u32 $0xFF0, v14;
	v10 =	vsel vm11, $0x0, v10  }
0x79e: {  	v12 =	vld [tilespmem:s29+$0xFFFFFFB0];
	v16 =	vsel vm4, $0x0, v16;
	v18 =	vshrl.u32 v63, $0x14;
	[tilespmem:s28+$0xFFFFFF90] =	vst v10;
	v10 =	vor.u32 v3, v14  }
0x79f: {  	s0 =	simm.s32 $0x208;
	s4 =	simm.s32 $0xA170;
	v15 =	vsel vm5, $0x0, v17;
	v17 =	vshrl.u32 v20, $0x14;
	v13 =	vsel vm15, $0x0, v13;
	v14 =	vld [tilespmem:s29+$0xFFFFFF90]  }
.LBB2_106:
0x7a0: {  	v20 =	vld [tilespmem:s4+$0x0];
	s0 =	sadd.s32 $0x8, s0;
	[tilespmem:s28+$0xFFFFFFD0] =	vst v16;
	v16 =	vand.u32 $0xFF0, v19;
	v18 =	vand.u32 $0xFF0, v18;
	v9 =	vshrl.u32 v9, $0x14  }
0x7a1: {  	v19 =	vld [tilespmem:s4+$0xFFFFFFA0];
	p0 =	slt.u32 s0, $0x3F8;
	[tilespmem:s28+$0xFFFFFFE0] =	vst v15;
	v15 =	vor.u32 v3, v16;
	v16 =	vand.u32 $0xFF0, v17;
	v9 =	vand.u32 $0xFF0, v9  }
0x7a2: {  	v17 =	vld [tilespmem:s4+$0xFFFFFFB0];
	v11 =	vshrl.u32 v11, $0x14;
	[tilespmem:s28+$0xFFFFFFF0] =	vst v13;
	v13 =	vor.u32 v3, v18;
	v16 =	vor.u32 v3, v16  }
0x7a3: {  	v11 =	vand.u32 $0xFF0, v11;
	v12 =	vshrl.u32 v12, $0x14;
	[tilespmem:v10+s16+$0x0] =	vst.idx.add.s32.msk $0xffff, v4;
	v10 =	vor.u32 v3, v9  }
0x7a4: {  	v18 =	vld [tilespmem:s4+$0xFFFFFFC0];
	v9 =	vshrl.u32 v14, $0x14;
	v11 =	vor.u32 v3, v11;
	v12 =	vand.u32 $0xFF0, v12  }
0x7a5: {  	v14 =	vld [tilespmem:s4+$0xFFFFFFD0];
	v21 =	vsub.f32 v20, v7;
	v9 =	vand.u32 $0xFF0, v9;
	v12 =	vor.u32 v3, v12  }
0x7a6: {  	v22 =	vshra.s32 v19, $0x1F;
	v23 =	vsub.f32 v19, v7;
	v24 =	vld [tilespmem:s4+$0xFFFFFFE0];
	v25 =	vor.u32 v3, v9  }
0x7a7: {  	v9 =	vshra.s32 v17, $0x1F;
	v26 =	vsub.f32 v17, v7;
	v27 =	vld [tilespmem:s4+$0xFFFFFFF0];
	v21 =	vmul.f32 $1.442695020e+00, v21  }
0x7a8: {  	v22 =	vand.u32 $0x7FFFFFFF, v22;
	v28 =	vld [tilespmem:s4+$0xFFFFFF90];
	v23 =	vmul.f32 $1.442695020e+00, v23;
	v29 =	vand.u32 $0x7FFFFFFF, v9  }
0x7a9: {  	v9 =	vmul.f32 $1.442695020e+00, v26;
	v26 =	vsub.f32 v18, v7;
	(erf) = vpow2.f32 v21;
	v21 =	vld [tilespmem:s29+$0xFFFFFFC0]  }
0x7aa: {  	v30 =	vshra.s32 v18, $0x1F;
	v31 =	vsub.f32 v14, v7;
	(erf) = vpow2.f32 v23;
	v23 =	vld [tilespmem:s29+$0xFFFFFFD0]  }
0x7ab: {  	v26 =	vmul.f32 $1.442695020e+00, v26;
	v32 =	vsub.f32 v24, v7;
	(erf) = vpow2.f32 v9;
	v33 =	vld [tilespmem:s29+$0xFFFFFFE0]  }
0x7ac: {  	v34 =	vshra.s32 v14, $0x1F;
	v31 =	vmul.f32 $1.442695020e+00, v31;
	v35 =	vsub.f32 v27, v7;
	v9 =	vld [tilespmem:s29+$0xFFFFFFF0]  }
0x7ad: {  	v36 =	vsub.f32 v28, v7;
	v32 =	vmul.f32 $1.442695020e+00, v32;
	(erf) = vpow2.f32 v26;
	[tilespmem:v25+s16+$0x0] =	vst.idx.add.s32.msk $0xffff, v4  }
0x7ae: {  	v25 =	vshra.s32 v28, $0x1F;
	v26 =	vmul.f32 $1.442695020e+00, v35;
	(erf) = vpow2.f32 v31;
	[tilespmem:v11+s16+$0x0] =	vst.idx.add.s32.msk $0xffff, v4  }
0x7af: {  	v31 =	vshra.s32 v24, $0x1F;
	v11 =	vmul.f32 $1.442695020e+00, v36;
	(erf) = vpow2.f32 v32;
	[tilespmem:v12+s16+$0x0] =	vst.idx.add.s32.msk $0xffff, v4  }
0x7b0: {  	v12 =	vand.u32 $0x7FFFFFFF, v25;
	v25 =	vshra.s32 v27, $0x1F;
	(erf) = vpow2.f32 v26;
	[tilespmem:v15+s16+$0x0] =	vst.idx.add.s32.msk $0xffff, v4  }
0x7b1: {  	v32 =	vshra.s32 v20, $0x1F;
	v15 =	vand.u32 $0x7FFFFFFF, v30;
	(erf) = vpow2.f32 v11;
	[tilespmem:v13+s16+$0x0] =	vst.idx.add.s32.msk $0xffff, v4  }
0x7b2: {  	v11 =	vand.u32 $0x7FFFFFFF, v34;
	v13 =	vand.u32 $0x7FFFFFFF, v31;
	v31 =	vand.u32 $0x7FFFFFFF, v32;
	v30 =	vpop (erf);
	[tilespmem:v16+s16+$0x0] =	vst.idx.add.s32.msk $0xffff, v4  }
0x7b3: {  	v16 =	vand.u32 $0x7FFFFFFF, v25;
	v31 =	vxor.u32 v20, v31;
	v25 =	vmul.f32 v30, v6;
	v26 =	vpop (erf);
	[tilespmem:v10+s16+$0x0] =	vst.idx.add.s32.msk $0xffff, v4  }
0x7b4: {  	v10 =	vxor.u32 v28, v12;
	vm0 =	vlt.s32 v31, v8;
	v12 =	vmul.f32 v26, v6;
	v20 =	vpop (erf)  }
0x7b5: {  	s28 =	sadd.s32 $0x80, s28;
	v19 =	vxor.u32 v19, v22;
	v20 =	vmul.f32 v20, v6;
	v25 =	vsel vm0, $0x0, v25  }
0x7b6: {  	v17 =	vxor.u32 v17, v29;
	s29 =	sadd.s32 $0x80, s29;
	v15 =	vxor.u32 v18, v15;
	v11 =	vxor.u32 v14, v11;
	[tilespmem:s28+$0x0] =	vst v25;
	v14 =	vpop (erf)  }
0x7b7: {  	v13 =	vxor.u32 v24, v13;
	v16 =	vxor.u32 v27, v16;
	v14 =	vmul.f32 v14, v6;
	v18 =	vld [tilespmem:s29+$0x0];
	v22 =	vpop (erf)  }
0x7b8: {  	vm1 =	vlt.s32 v19, v8;
	vm0 =	vlt.s32 v10, v8;
	v10 =	vmul.f32 v22, v6;
	v19 =	vpop (erf)  }
0x7b9: {  	vm2 =	vlt.s32 v17, v8;
	vm3 =	vlt.s32 v15, v8;
	v15 =	vmul.f32 v19, v6;
	v17 =	vpop (erf)  }
0x7ba: {  	vm4 =	vlt.s32 v11, v8;
	vm5 =	vlt.s32 v13, v8;
	v13 =	vmul.f32 v17, v6;
	v11 =	vpop (erf)  }
.Ltmp63:
0x7bb: {  	v12 =	vsel vm1, $0x0, v12;
	vm1 =	vlt.s32 v16, v8;
	v11 =	vmul.f32 v11, v6;
	(pc) =	sbr.rel @p0 .LBB2_106-.Ltmp63, $4  }
0x7bc: {  	v17 =	vsel vm3, $0x0, v14;
	[tilespmem:s28+$0xFFFFFFA0] =	vst v12;
	v12 =	vsel vm2, $0x0, v20;
	v14 =	vshrl.u32 v18, $0x14  }
0x7bd: {  	v16 =	vsel vm4, $0x0, v10;
	v18 =	vsel vm0, $0x0, v11;
	v11 =	vld [tilespmem:s29+$0xFFFFFFA0];
	[tilespmem:s28+$0xFFFFFFB0] =	vst v12;
	v10 =	vand.u32 $0xFF0, v14  }
0x7be: {  	v15 =	vsel vm5, $0x0, v15;
	v13 =	vsel vm1, $0x0, v13;
	[tilespmem:s28+$0xFFFFFF90] =	vst v18;
	v12 =	vld [tilespmem:s29+$0xFFFFFFB0];
	v10 =	vor.u32 v3, v10  }
0x7bf: {  	s4 =	sadd.s32 $0x80, s4;
	v19 =	vshrl.u32 v21, $0x14;
	v18 =	vshrl.u32 v23, $0x14;
	v14 =	vld [tilespmem:s29+$0xFFFFFF90];
	[tilespmem:s28+$0xFFFFFFC0] =	vst v17;
	v17 =	vshrl.u32 v33, $0x14  }
0x7c0: {  	_ =	sdelay $0x1  }
0x7c1: {  	v11 =	vshrl.u32 v11, $0x14  }
0x7c2: {  	v11 =	vand.u32 $0xFF0, v11;
	v12 =	vshrl.u32 v12, $0x14  }
0x7c3: {  	[tilespmem:s28+$0xFFFFFFD0] =	vst v16;
	v16 =	vld [tilespmem:s29+$0xFFFFFFC0];
	v14 =	vshrl.u32 v14, $0x14;
	v11 =	vor.u32 v3, v11;
	v12 =	vand.u32 $0xFF0, v12  }
0x7c4: {  	[tilespmem:s28+$0xFFFFFFE0] =	vst v15;
	v15 =	vld [tilespmem:s29+$0xFFFFFFD0];
	v14 =	vand.u32 $0xFF0, v14;
	v12 =	vor.u32 v3, v12  }
0x7c5: {  	[tilespmem:s28+$0xFFFFFFF0] =	vst v13;
	v13 =	vld [tilespmem:s29+$0xFFFFFFE0];
	v14 =	vor.u32 v3, v14  }
0x7c6: {  	v19 =	vand.u32 $0xFF0, v19;
	[tilespmem:v10+s16+$0x0] =	vst.idx.add.s32.msk $0xffff, v4  }
0x7c7: {  	v18 =	vand.u32 $0xFF0, v18;
	v9 =	vshrl.u32 v9, $0x14;
	v19 =	vor.u32 v3, v19;
	v20 =	vld [tilespmem:s29+$0xFFFFFFF0]  }
0x7c8: {  	v17 =	vand.u32 $0xFF0, v17;
	v18 =	vor.u32 v3, v18;
	v9 =	vand.u32 $0xFF0, v9;
	[tilespmem:v11+s16+$0x0] =	vst.idx.add.s32.msk $0xffff, v4  }
0x7c9: {  	v10 =	vor.u32 v3, v17;
	v9 =	vor.u32 v3, v9;
	v11 =	vshrl.u32 v15, $0x14;
	[tilespmem:v12+s16+$0x0] =	vst.idx.add.s32.msk $0xffff, v4  }
0x7ca: {  	v12 =	vshrl.u32 v13, $0x14;
	v11 =	vand.u32 $0xFF0, v11;
	[tilespmem:v14+s16+$0x0] =	vst.idx.add.s32.msk $0xffff, v4;
	v14 =	vshrl.u32 v16, $0x14  }
0x7cb: {  	v12 =	vand.u32 $0xFF0, v12;
	v11 =	vor.u32 v3, v11;
	v14 =	vand.u32 $0xFF0, v14  }
0x7cc: {  	[tilespmem:v19+s16+$0x0] =	vst.idx.add.s32.msk $0xffff, v4;
	v12 =	vor.u32 v3, v12;
	v13 =	vor.u32 v3, v14;
	v14 =	vshrl.u32 v20, $0x14  }
0x7cd: {  	[tilespmem:v18+s16+$0x0] =	vst.idx.add.s32.msk $0xffff, v4;
	v14 =	vand.u32 $0xFF0, v14  }
0x7ce: {  	[tilespmem:v10+s16+$0x0] =	vst.idx.add.s32.msk $0xffff, v4;
	v10 =	vor.u32 v3, v14  }
0x7cf: {  	[tilespmem:v9+s16+$0x0] =	vst.idx.add.s32.msk $0xffff, v4  }
0x7d0: {  	[tilespmem:v11+s16+$0x0] =	vst.idx.add.s32.msk $0xffff, v4  }
0x7d1: {  	[tilespmem:v12+s16+$0x0] =	vst.idx.add.s32.msk $0xffff, v4  }
0x7d2: {  	[tilespmem:v13+s16+$0x0] =	vst.idx.add.s32.msk $0xffff, v4  }
0x7d3: {  	s0 =	sadd.s32 s26, s9;
	s28 =	simm.s32 $0x0;
	[tilespmem:v10+s16+$0x0] =	vst.idx.add.s32.msk $0xffff, v4  }
0x7d4: {  	[hbm4b:s0+s13] =	stream.strided.scatter [tilespmem:s20], [sflag:$0x3], $0x2000, s14, s13, $0x38;
	[tilespmem:$0x1A080] =	vst v63  }
0x7d5: {  	v9 =	vld [tilespmem:s28+$0xC070]  }
0x7d6: {  	v10 =	vld [tilespmem:s28+$0xC000]  }
0x7d7: {  	v11 =	vld [tilespmem:s28+$0xC010]  }
0x7d8: {  	v19 =	vld [tilespmem:s28+$0xC020]  }
0x7d9: {  	v20 =	vld [tilespmem:s28+$0xC030]  }
0x7da: {  	v22 =	vld [tilespmem:s28+$0xC050]  }
0x7db: {  	v23 =	vld [tilespmem:s28+$0xC060]  }
0x7dc: {  	v29 =	vld [tilespmem:s28+$0x4030]  }
0x7dd: {  	v33 =	vld [tilespmem:s28+$0x4050]  }
0x7de: {  	v35 =	vld [tilespmem:s28+$0x4060]  }
0x7df: {  	v25 =	vld [tilespmem:s28+$0x4070];
	v12 =	vsub.f32 v9, v7;
	v13 =	vshra.s32 v10, $0x1F;
	v14 =	vsub.f32 v10, v7  }
0x7e0: {  	v15 =	vshra.s32 v11, $0x1F;
	v16 =	vsub.f32 v11, v7;
	v17 =	vshra.s32 v19, $0x1F  }
0x7e1: {  	v18 =	vsub.f32 v19, v7;
	v24 =	vsub.f32 v20, v7;
	v26 =	vshra.s32 v22, $0x1F  }
0x7e2: {  	v21 =	vld [tilespmem:s28+$0xC040];
	v27 =	vshra.s32 v23, $0x1F;
	v40 =	vshrl.u32 v29, $0x14;
	v12 =	vmul.f32 $1.442695020e+00, v12  }
0x7e3: {  	v33 =	vshrl.u32 v33, $0x14;
	v35 =	vshrl.u32 v35, $0x14;
	v28 =	vand.u32 $0x7FFFFFFF, v13  }
0x7e4: {  	v13 =	vshrl.u32 v25, $0x14;
	v25 =	vand.u32 $0x7FFFFFFF, v15;
	(erf) = vpow2.f32 v12  }
0x7e5: {  	v15 =	vshra.s32 v9, $0x1F;
	v30 =	vand.u32 $0x7FFFFFFF, v17;
	v14 =	vmul.f32 $1.442695020e+00, v14  }
0x7e6: {  	v26 =	vand.u32 $0x7FFFFFFF, v26;
	v36 =	vand.u32 $0x7FFFFFFF, v27;
	v16 =	vmul.f32 $1.442695020e+00, v16  }
0x7e7: {  	v12 =	vmul.f32 $1.442695020e+00, v18;
	v18 =	vsub.f32 v21, v7;
	(erf) = vpow2.f32 v14  }
0x7e8: {  	v14 =	vmul.f32 $1.442695020e+00, v24;
	v24 =	vsub.f32 v22, v7;
	(erf) = vpow2.f32 v16  }
0x7e9: {  	v16 =	vmul.f32 $1.442695020e+00, v18;
	v18 =	vsub.f32 v23, v7;
	(erf) = vpow2.f32 v12  }
0x7ea: {  	v13 =	vand.u32 $0xFF0, v13;
	v24 =	vmul.f32 $1.442695020e+00, v24;
	(erf) = vpow2.f32 v14  }
0x7eb: {  	v17 =	vld [tilespmem:s28+$0x4040];
	v15 =	vand.u32 $0x7FFFFFFF, v15;
	v18 =	vmul.f32 $1.442695020e+00, v18;
	(erf) = vpow2.f32 v16  }
0x7ec: {  	v27 =	vxor.u32 v11, v25;
	v29 =	vxor.u32 v19, v30;
	(erf) = vpow2.f32 v24  }
0x7ed: {  	v31 =	vor.u32 v3, v13;
	v12 =	vshra.s32 v20, $0x1F;
	v16 =	vld [tilespmem:s28+$0x4000];
	(erf) = vpow2.f32 v18;
	v13 =	vpop (erf)  }
0x7ee: {  	v26 =	vxor.u32 v22, v26;
	v9 =	vxor.u32 v9, v15;
	v24 =	vld [tilespmem:s28+$0x4010];
	v13 =	vmul.f32 v13, v6  }
0x7ef: {  	v19 =	vand.u32 $0xFF0, v35;
	vm0 =	vlt.s32 v9, v8;
	v14 =	vshra.s32 v21, $0x1F;
	v18 =	vld [tilespmem:s28+$0x4020]  }
0x7f0: {  	v41 =	vshrl.u32 v17, $0x14;
	v32 =	vand.u32 $0x7FFFFFFF, v12;
	v34 =	vand.u32 $0x7FFFFFFF, v14;
	v12 =	vpop (erf)  }
0x7f1: {  	v22 =	vand.u32 $0xFF0, v40;
	v11 =	vxor.u32 v21, v34;
	v21 =	vand.u32 $0xFF0, v41;
	v9 =	vpop (erf)  }
0x7f2: {  	v38 =	vshrl.u32 v16, $0x14;
	v12 =	vmul.f32 v12, v6;
	v37 =	vsel vm0, $0x0, v13;
	v13 =	vpop (erf)  }
0x7f3: {  	v24 =	vshrl.u32 v24, $0x14;
	v25 =	vand.u32 $0xFF0, v38;
	v14 =	vmul.f32 v9, v6;
	v9 =	vpop (erf)  }
0x7f4: {  	v39 =	vshrl.u32 v18, $0x14;
	v24 =	vand.u32 $0xFF0, v24;
	v15 =	vmul.f32 v9, v6;
	v9 =	vpop (erf)  }
0x7f5: {  	v13 =	vmul.f32 v13, v6;
	v16 =	vmul.f32 v9, v6;
	v9 =	vxor.u32 v10, v28;
	v10 =	vpop (erf)  }
0x7f6: {  	[tilespmem:s28+$0x14070] =	vst v37;
	v28 =	vxor.u32 v20, v32;
	v20 =	vand.u32 $0xFF0, v33;
	v17 =	vmul.f32 v10, v6;
	v10 =	vpop (erf)  }
0x7f7: {  	s4 =	simm.s32 $0x200;
	s0 =	simm.s32 $0x400;
	[tilespmem:v31+s16+$0x0] =	vst.idx.add.s32.msk $0xffff, v4;
	v18 =	vmul.f32 v10, v6;
	v10 =	vxor.u32 v23, v36;
	v23 =	vand.u32 $0xFF0, v39  }
.LBB2_108:
0x7f8: {  	s1 =	sshra.s32 s4, $0x2;
	vm0 =	vlt.s32 v9, v8;
	vm1 =	vlt.s32 v27, v8;
	vm2 =	vlt.s32 v29, v8  }
0x7f9: {  	s0 =	sadd.s32 $0x8, s0;
	vm3 =	vlt.s32 v28, v8;
	vm4 =	vlt.s32 v11, v8;
	vm5 =	vlt.s32 v26, v8;
	v27 =	vld [tilespmem:s1+$0xC070]  }
0x7fa: {  	p0 =	slt.u32 s0, $0x5F8;
	v11 =	vsel vm0, $0x0, v12;
	v12 =	vsel vm1, $0x0, v14;
	vm0 =	vlt.s32 v10, v8;
	v9 =	vld [tilespmem:s1+$0xC000]  }
0x7fb: {  	v13 =	vsel vm2, $0x0, v13;
	v14 =	vsel vm3, $0x0, v15;
	v15 =	vsel vm4, $0x0, v16;
	v10 =	vld [tilespmem:s1+$0xC010];
	[tilespmem:s28+$0x14000] =	vst v11  }
0x7fc: {  	v16 =	vor.u32 v3, v25;
	v11 =	vld [tilespmem:s1+$0xC020];
	[tilespmem:s28+$0x14010] =	vst v12;
	v12 =	vsel vm5, $0x0, v17;
	v17 =	vsel vm0, $0x0, v18  }
0x7fd: {  	v22 =	vor.u32 v3, v22;
	v18 =	vor.u32 v3, v24;
	v25 =	vld [tilespmem:s1+$0xC030];
	[tilespmem:s28+$0x14020] =	vst v13;
	v13 =	vor.u32 v3, v23  }
0x7fe: {  	v20 =	vor.u32 v3, v20;
	v23 =	vld [tilespmem:s1+$0xC040];
	v24 =	vsub.f32 v27, v7;
	[tilespmem:s28+$0x14030] =	vst v14;
	v14 =	vor.u32 v3, v21  }
0x7ff: {  	v19 =	vor.u32 v3, v19;
	v21 =	vshra.s32 v9, $0x1F;
	v26 =	vsub.f32 v9, v7;
	v30 =	vld [tilespmem:s1+$0xC050];
	[tilespmem:s28+$0x14040] =	vst v15  }
0x800: {  	v15 =	vshra.s32 v10, $0x1F;
	v28 =	vsub.f32 v10, v7;
	v31 =	vld [tilespmem:s1+$0xC060];
	v24 =	vmul.f32 $1.442695020e+00, v24;
	[tilespmem:s28+$0x14050] =	vst v12  }
0x801: {  	v12 =	vmul.f32 $1.442695020e+00, v26;
	v26 =	vld [tilespmem:s1+$0x4000];
	v29 =	vshra.s32 v11, $0x1F;
	v32 =	vsub.f32 v11, v7;
	[tilespmem:s28+$0x14060] =	vst v17;
	s28 =	smov.u32 s1  }
0x802: {  	v17 =	vmul.f32 $1.442695020e+00, v28;
	v28 =	vld [tilespmem:s28+$0x4010];
	v33 =	vsub.f32 v25, v7;
	(erf) = vpow2.f32 v24  }
0x803: {  	v24 =	vmul.f32 $1.442695020e+00, v32;
	v32 =	vld [tilespmem:s28+$0x4020];
	v34 =	vsub.f32 v23, v7;
	(erf) = vpow2.f32 v12  }
0x804: {  	v12 =	vmul.f32 $1.442695020e+00, v33;
	v33 =	vsub.f32 v30, v7;
	v35 =	vld [tilespmem:s28+$0x4070];
	(erf) = vpow2.f32 v17  }
0x805: {  	v17 =	vld [tilespmem:s28+$0x4030];
	v34 =	vmul.f32 $1.442695020e+00, v34;
	v36 =	vsub.f32 v31, v7;
	(erf) = vpow2.f32 v24  }
0x806: {  	v24 =	vshra.s32 v25, $0x1F;
	v37 =	vld [tilespmem:s28+$0x4040];
	v33 =	vmul.f32 $1.442695020e+00, v33;
	(erf) = vpow2.f32 v12  }
0x807: {  	v12 =	vshra.s32 v23, $0x1F;
	v38 =	vld [tilespmem:s28+$0x4050];
	v36 =	vmul.f32 $1.442695020e+00, v36;
	(erf) = vpow2.f32 v34  }
0x808: {  	v39 =	vshra.s32 v31, $0x1F;
	v34 =	vshra.s32 v30, $0x1F;
	v40 =	vld [tilespmem:s28+$0x4060];
	(erf) = vpow2.f32 v33  }
0x809: {  	v21 =	vand.u32 $0x7FFFFFFF, v21;
	v33 =	vshrl.u32 v35, $0x14;
	(erf) = vpow2.f32 v36;
	[tilespmem:v16+s16+$0x0] =	vst.idx.add.s32.msk $0xffff, v4  }
0x80a: {  	v35 =	vand.u32 $0x7FFFFFFF, v15;
	v15 =	vshra.s32 v27, $0x1F;
	v16 =	vand.u32 $0xFF0, v33;
	[tilespmem:v18+s16+$0x0] =	vst.idx.add.s32.msk $0xffff, v4  }
0x80b: {  	v29 =	vand.u32 $0x7FFFFFFF, v29;
	v15 =	vand.u32 $0x7FFFFFFF, v15;
	v16 =	vor.u32 v3, v16;
	v18 =	vpop (erf);
	[tilespmem:v13+s16+$0x0] =	vst.idx.add.s32.msk $0xffff, v4  }
0x80c: {  	v24 =	vand.u32 $0x7FFFFFFF, v24;
	v27 =	vxor.u32 v27, v15;
	v36 =	vmul.f32 v18, v6;
	v18 =	vpop (erf);
	[tilespmem:v22+s16+$0x0] =	vst.idx.add.s32.msk $0xffff, v4  }
0x80d: {  	v33 =	vand.u32 $0x7FFFFFFF, v34;
	v22 =	vand.u32 $0x7FFFFFFF, v12;
	vm0 =	vlt.s32 v27, v8;
	v13 =	vpop (erf);
	[tilespmem:v14+s16+$0x0] =	vst.idx.add.s32.msk $0xffff, v4  }
0x80e: {  	v34 =	vand.u32 $0x7FFFFFFF, v39;
	v12 =	vmul.f32 v18, v6;
	v27 =	vsel vm0, $0x0, v36;
	v18 =	vpop (erf);
	[tilespmem:v20+s16+$0x0] =	vst.idx.add.s32.msk $0xffff, v4  }
0x80f: {  	v20 =	vshrl.u32 v26, $0x14;
	v14 =	vmul.f32 v13, v6;
	v13 =	vmul.f32 v18, v6;
	[tilespmem:s28+$0x14070] =	vst v27;
	v15 =	vpop (erf)  }
0x810: {  	v32 =	vshrl.u32 v32, $0x14;
	v36 =	vshrl.u32 v28, $0x14;
	v15 =	vmul.f32 v15, v6;
	[tilespmem:v16+s16+$0x0] =	vst.idx.add.s32.msk $0xffff, v4;
	v16 =	vpop (erf)  }
0x811: {  	v39 =	vshrl.u32 v17, $0x14;
	v37 =	vshrl.u32 v37, $0x14;
	v16 =	vmul.f32 v16, v6;
	v17 =	vpop (erf);
	[tilespmem:v19+s16+$0x0] =	vst.idx.add.s32.msk $0xffff, v4  }
0x812: {  	v19 =	vshrl.u32 v38, $0x14;
	v38 =	vshrl.u32 v40, $0x14;
	v17 =	vmul.f32 v17, v6;
	v18 =	vpop (erf)  }
.Ltmp64:
0x813: {  	v9 =	vxor.u32 v9, v21;
	v27 =	vxor.u32 v10, v35;
	v18 =	vmul.f32 v18, v6;
	(pc) =	sbr.rel @p0 .LBB2_108-.Ltmp64, $4  }
0x814: {  	v29 =	vxor.u32 v11, v29;
	v11 =	vxor.u32 v23, v22;
	v28 =	vxor.u32 v25, v24  }
0x815: {  	v26 =	vxor.u32 v30, v33;
	v25 =	vand.u32 $0xFF0, v20;
	v10 =	vxor.u32 v31, v34  }
0x816: {  	v23 =	vand.u32 $0xFF0, v32;
	v22 =	vand.u32 $0xFF0, v39;
	v24 =	vand.u32 $0xFF0, v36  }
0x817: {  	s4 =	sadd.s32 $0x200, s4;
	v21 =	vand.u32 $0xFF0, v37;
	v20 =	vand.u32 $0xFF0, v19;
	v19 =	vand.u32 $0xFF0, v38  }
0x818: {  	vm0 =	vlt.s32 v9, v8  }
0x819: {  	vm1 =	vlt.s32 v27, v8;
	v9 =	vsel vm0, $0x0, v12  }
0x81a: {  	vm10 =	vlt.s32 v29, v8;
	vm11 =	vlt.s32 v28, v8;
	v12 =	vsel vm1, $0x0, v14;
	[tilespmem:s28+$0x14000] =	vst v9  }
0x81b: {  	vm12 =	vlt.s32 v11, v8;
	vm13 =	vlt.s32 v26, v8;
	v11 =	vsel vm11, $0x0, v15;
	[tilespmem:s28+$0x14010] =	vst v12  }
0x81c: {  	vm14 =	vlt.s32 v10, v8;
	v10 =	vsel vm13, $0x0, v17;
	v14 =	vor.u32 v3, v22;
	[tilespmem:s28+$0x14030] =	vst v11  }
0x81d: {  	v9 =	vsel vm10, $0x0, v13;
	v12 =	vor.u32 v3, v25;
	[tilespmem:s28+$0x14050] =	vst v10  }
0x81e: {  	v13 =	vor.u32 v3, v24;
	[tilespmem:s28+$0x14020] =	vst v9;
	v9 =	vsel vm12, $0x0, v16  }
0x81f: {  	v11 =	vor.u32 v3, v23;
	[tilespmem:s28+$0x14040] =	vst v9;
	v9 =	vsel vm14, $0x0, v18  }
0x820: {  	v10 =	vor.u32 v3, v21;
	[tilespmem:s28+$0x14060] =	vst v9  }
0x821: {  	v9 =	vor.u32 v3, v20;
	[tilespmem:v14+s16+$0x0] =	vst.idx.add.s32.msk $0xffff, v4  }
0x822: {  	[tilespmem:v12+s16+$0x0] =	vst.idx.add.s32.msk $0xffff, v4;
	v12 =	vor.u32 v3, v19  }
0x823: {  	[tilespmem:v13+s16+$0x0] =	vst.idx.add.s32.msk $0xffff, v4  }
0x824: {  	[tilespmem:v11+s16+$0x0] =	vst.idx.add.s32.msk $0xffff, v4  }
0x825: {  	[tilespmem:v10+s16+$0x0] =	vst.idx.add.s32.msk $0xffff, v4  }
0x826: {  	[tilespmem:v9+s16+$0x0] =	vst.idx.add.s32.msk $0xffff, v4  }
0x827: {  	s0 =	sadd.s32 s26, s10;
	s28 =	simm.s32 $0x0;
	[tilespmem:v12+s16+$0x0] =	vst.idx.add.s32.msk $0xffff, v4  }
0x828: {  	[hbm4b:s0+s13] =	stream.strided.scatter [tilespmem:s21], [sflag:$0x3], $0x2000, s14, s13, $0x38;
	[tilespmem:$0x1A080] =	vst v63  }
0x829: {  	v9 =	vld [tilespmem:s28+$0xE070]  }
0x82a: {  	v10 =	vld [tilespmem:s28+$0xE000]  }
0x82b: {  	v11 =	vld [tilespmem:s28+$0xE010]  }
0x82c: {  	v19 =	vld [tilespmem:s28+$0xE020]  }
0x82d: {  	v20 =	vld [tilespmem:s28+$0xE030]  }
0x82e: {  	v22 =	vld [tilespmem:s28+$0xE050]  }
0x82f: {  	v23 =	vld [tilespmem:s28+$0xE060]  }
0x830: {  	v29 =	vld [tilespmem:s28+$0x6030]  }
0x831: {  	v33 =	vld [tilespmem:s28+$0x6050]  }
0x832: {  	v35 =	vld [tilespmem:s28+$0x6060]  }
0x833: {  	v25 =	vld [tilespmem:s28+$0x6070];
	v12 =	vsub.f32 v9, v7;
	v13 =	vshra.s32 v10, $0x1F;
	v14 =	vsub.f32 v10, v7  }
0x834: {  	v15 =	vshra.s32 v11, $0x1F;
	v16 =	vsub.f32 v11, v7;
	v17 =	vshra.s32 v19, $0x1F  }
0x835: {  	v18 =	vsub.f32 v19, v7;
	v24 =	vsub.f32 v20, v7;
	v26 =	vshra.s32 v22, $0x1F  }
0x836: {  	v21 =	vld [tilespmem:s28+$0xE040];
	v27 =	vshra.s32 v23, $0x1F;
	v40 =	vshrl.u32 v29, $0x14;
	v12 =	vmul.f32 $1.442695020e+00, v12  }
0x837: {  	v33 =	vshrl.u32 v33, $0x14;
	v35 =	vshrl.u32 v35, $0x14;
	v28 =	vand.u32 $0x7FFFFFFF, v13  }
0x838: {  	v13 =	vshrl.u32 v25, $0x14;
	v25 =	vand.u32 $0x7FFFFFFF, v15;
	(erf) = vpow2.f32 v12  }
0x839: {  	v15 =	vshra.s32 v9, $0x1F;
	v30 =	vand.u32 $0x7FFFFFFF, v17;
	v14 =	vmul.f32 $1.442695020e+00, v14  }
0x83a: {  	v26 =	vand.u32 $0x7FFFFFFF, v26;
	v36 =	vand.u32 $0x7FFFFFFF, v27;
	v16 =	vmul.f32 $1.442695020e+00, v16  }
0x83b: {  	v12 =	vmul.f32 $1.442695020e+00, v18;
	v18 =	vsub.f32 v21, v7;
	(erf) = vpow2.f32 v14  }
0x83c: {  	v14 =	vmul.f32 $1.442695020e+00, v24;
	v24 =	vsub.f32 v22, v7;
	(erf) = vpow2.f32 v16  }
0x83d: {  	v16 =	vmul.f32 $1.442695020e+00, v18;
	v18 =	vsub.f32 v23, v7;
	(erf) = vpow2.f32 v12  }
0x83e: {  	v13 =	vand.u32 $0xFF0, v13;
	v24 =	vmul.f32 $1.442695020e+00, v24;
	(erf) = vpow2.f32 v14  }
0x83f: {  	v17 =	vld [tilespmem:s28+$0x6040];
	v15 =	vand.u32 $0x7FFFFFFF, v15;
	v18 =	vmul.f32 $1.442695020e+00, v18;
	(erf) = vpow2.f32 v16  }
0x840: {  	v27 =	vxor.u32 v11, v25;
	v29 =	vxor.u32 v19, v30;
	(erf) = vpow2.f32 v24  }
0x841: {  	v31 =	vor.u32 v3, v13;
	v12 =	vshra.s32 v20, $0x1F;
	v16 =	vld [tilespmem:s28+$0x6000];
	(erf) = vpow2.f32 v18;
	v13 =	vpop (erf)  }
0x842: {  	v26 =	vxor.u32 v22, v26;
	v9 =	vxor.u32 v9, v15;
	v24 =	vld [tilespmem:s28+$0x6010];
	v13 =	vmul.f32 v13, v6  }
0x843: {  	v19 =	vand.u32 $0xFF0, v35;
	vm15 =	vlt.s32 v9, v8;
	v14 =	vshra.s32 v21, $0x1F;
	v18 =	vld [tilespmem:s28+$0x6020]  }
0x844: {  	v41 =	vshrl.u32 v17, $0x14;
	v32 =	vand.u32 $0x7FFFFFFF, v12;
	v34 =	vand.u32 $0x7FFFFFFF, v14;
	v12 =	vpop (erf)  }
0x845: {  	v22 =	vand.u32 $0xFF0, v40;
	v11 =	vxor.u32 v21, v34;
	v21 =	vand.u32 $0xFF0, v41;
	v9 =	vpop (erf)  }
0x846: {  	v38 =	vshrl.u32 v16, $0x14;
	v12 =	vmul.f32 v12, v6;
	v37 =	vsel vm15, $0x0, v13;
	v13 =	vpop (erf)  }
0x847: {  	v24 =	vshrl.u32 v24, $0x14;
	v25 =	vand.u32 $0xFF0, v38;
	v14 =	vmul.f32 v9, v6;
	v9 =	vpop (erf)  }
0x848: {  	v39 =	vshrl.u32 v18, $0x14;
	v24 =	vand.u32 $0xFF0, v24;
	v15 =	vmul.f32 v9, v6;
	v9 =	vpop (erf)  }
0x849: {  	v13 =	vmul.f32 v13, v6;
	v16 =	vmul.f32 v9, v6;
	v9 =	vxor.u32 v10, v28;
	v10 =	vpop (erf)  }
0x84a: {  	[tilespmem:s28+$0x16070] =	vst v37;
	v28 =	vxor.u32 v20, v32;
	v20 =	vand.u32 $0xFF0, v33;
	v17 =	vmul.f32 v10, v6;
	v10 =	vpop (erf)  }
0x84b: {  	s4 =	simm.s32 $0x200;
	s0 =	simm.s32 $0x600;
	[tilespmem:v31+s16+$0x0] =	vst.idx.add.s32.msk $0xffff, v4;
	v18 =	vmul.f32 v10, v6;
	v10 =	vxor.u32 v23, v36;
	v23 =	vand.u32 $0xFF0, v39  }
.LBB2_110:
0x84c: {  	s1 =	sshra.s32 s4, $0x2;
	vm0 =	vlt.s32 v9, v8;
	vm1 =	vlt.s32 v27, v8;
	vm2 =	vlt.s32 v29, v8  }
0x84d: {  	s0 =	sadd.s32 $0x8, s0;
	vm3 =	vlt.s32 v28, v8;
	vm4 =	vlt.s32 v11, v8;
	vm5 =	vlt.s32 v26, v8;
	v27 =	vld [tilespmem:s1+$0xE070]  }
0x84e: {  	p0 =	slt.u32 s0, $0x7F8;
	v11 =	vsel vm0, $0x0, v12;
	v12 =	vsel vm1, $0x0, v14;
	vm0 =	vlt.s32 v10, v8;
	v9 =	vld [tilespmem:s1+$0xE000]  }
0x84f: {  	v13 =	vsel vm2, $0x0, v13;
	v14 =	vsel vm3, $0x0, v15;
	v15 =	vsel vm4, $0x0, v16;
	v10 =	vld [tilespmem:s1+$0xE010];
	[tilespmem:s28+$0x16000] =	vst v11  }
0x850: {  	v16 =	vor.u32 v3, v25;
	v11 =	vld [tilespmem:s1+$0xE020];
	[tilespmem:s28+$0x16010] =	vst v12;
	v12 =	vsel vm5, $0x0, v17;
	v17 =	vsel vm0, $0x0, v18  }
0x851: {  	v22 =	vor.u32 v3, v22;
	v18 =	vor.u32 v3, v24;
	v25 =	vld [tilespmem:s1+$0xE030];
	[tilespmem:s28+$0x16020] =	vst v13;
	v13 =	vor.u32 v3, v23  }
0x852: {  	v20 =	vor.u32 v3, v20;
	v23 =	vld [tilespmem:s1+$0xE040];
	v24 =	vsub.f32 v27, v7;
	[tilespmem:s28+$0x16030] =	vst v14;
	v14 =	vor.u32 v3, v21  }
0x853: {  	v19 =	vor.u32 v3, v19;
	v21 =	vshra.s32 v9, $0x1F;
	v26 =	vsub.f32 v9, v7;
	v30 =	vld [tilespmem:s1+$0xE050];
	[tilespmem:s28+$0x16040] =	vst v15  }
0x854: {  	v15 =	vshra.s32 v10, $0x1F;
	v28 =	vsub.f32 v10, v7;
	v31 =	vld [tilespmem:s1+$0xE060];
	v24 =	vmul.f32 $1.442695020e+00, v24;
	[tilespmem:s28+$0x16050] =	vst v12  }
0x855: {  	v12 =	vmul.f32 $1.442695020e+00, v26;
	v26 =	vld [tilespmem:s1+$0x6000];
	v29 =	vshra.s32 v11, $0x1F;
	v32 =	vsub.f32 v11, v7;
	[tilespmem:s28+$0x16060] =	vst v17;
	s28 =	smov.u32 s1  }
0x856: {  	v17 =	vmul.f32 $1.442695020e+00, v28;
	v28 =	vld [tilespmem:s28+$0x6010];
	v33 =	vsub.f32 v25, v7;
	(erf) = vpow2.f32 v24  }
0x857: {  	v24 =	vmul.f32 $1.442695020e+00, v32;
	v32 =	vld [tilespmem:s28+$0x6020];
	v34 =	vsub.f32 v23, v7;
	(erf) = vpow2.f32 v12  }
0x858: {  	v12 =	vmul.f32 $1.442695020e+00, v33;
	v33 =	vsub.f32 v30, v7;
	v35 =	vld [tilespmem:s28+$0x6070];
	(erf) = vpow2.f32 v17  }
0x859: {  	v17 =	vld [tilespmem:s28+$0x6030];
	v34 =	vmul.f32 $1.442695020e+00, v34;
	v36 =	vsub.f32 v31, v7;
	(erf) = vpow2.f32 v24  }
0x85a: {  	v24 =	vshra.s32 v25, $0x1F;
	v37 =	vld [tilespmem:s28+$0x6040];
	v33 =	vmul.f32 $1.442695020e+00, v33;
	(erf) = vpow2.f32 v12  }
0x85b: {  	v12 =	vshra.s32 v23, $0x1F;
	v38 =	vld [tilespmem:s28+$0x6050];
	v36 =	vmul.f32 $1.442695020e+00, v36;
	(erf) = vpow2.f32 v34  }
0x85c: {  	v39 =	vshra.s32 v31, $0x1F;
	v34 =	vshra.s32 v30, $0x1F;
	v40 =	vld [tilespmem:s28+$0x6060];
	(erf) = vpow2.f32 v33  }
0x85d: {  	v21 =	vand.u32 $0x7FFFFFFF, v21;
	v33 =	vshrl.u32 v35, $0x14;
	(erf) = vpow2.f32 v36;
	[tilespmem:v16+s16+$0x0] =	vst.idx.add.s32.msk $0xffff, v4  }
0x85e: {  	v35 =	vand.u32 $0x7FFFFFFF, v15;
	v15 =	vshra.s32 v27, $0x1F;
	v16 =	vand.u32 $0xFF0, v33;
	[tilespmem:v18+s16+$0x0] =	vst.idx.add.s32.msk $0xffff, v4  }
0x85f: {  	v29 =	vand.u32 $0x7FFFFFFF, v29;
	v15 =	vand.u32 $0x7FFFFFFF, v15;
	v16 =	vor.u32 v3, v16;
	v18 =	vpop (erf);
	[tilespmem:v13+s16+$0x0] =	vst.idx.add.s32.msk $0xffff, v4  }
0x860: {  	v24 =	vand.u32 $0x7FFFFFFF, v24;
	v27 =	vxor.u32 v27, v15;
	v36 =	vmul.f32 v18, v6;
	v18 =	vpop (erf);
	[tilespmem:v22+s16+$0x0] =	vst.idx.add.s32.msk $0xffff, v4  }
0x861: {  	v33 =	vand.u32 $0x7FFFFFFF, v34;
	v22 =	vand.u32 $0x7FFFFFFF, v12;
	vm0 =	vlt.s32 v27, v8;
	v13 =	vpop (erf);
	[tilespmem:v14+s16+$0x0] =	vst.idx.add.s32.msk $0xffff, v4  }
0x862: {  	v34 =	vand.u32 $0x7FFFFFFF, v39;
	v12 =	vmul.f32 v18, v6;
	v27 =	vsel vm0, $0x0, v36;
	v18 =	vpop (erf);
	[tilespmem:v20+s16+$0x0] =	vst.idx.add.s32.msk $0xffff, v4  }
0x863: {  	v20 =	vshrl.u32 v26, $0x14;
	v14 =	vmul.f32 v13, v6;
	v13 =	vmul.f32 v18, v6;
	[tilespmem:s28+$0x16070] =	vst v27;
	v15 =	vpop (erf)  }
0x864: {  	v32 =	vshrl.u32 v32, $0x14;
	v36 =	vshrl.u32 v28, $0x14;
	v15 =	vmul.f32 v15, v6;
	[tilespmem:v16+s16+$0x0] =	vst.idx.add.s32.msk $0xffff, v4;
	v16 =	vpop (erf)  }
0x865: {  	v39 =	vshrl.u32 v17, $0x14;
	v37 =	vshrl.u32 v37, $0x14;
	v16 =	vmul.f32 v16, v6;
	v17 =	vpop (erf);
	[tilespmem:v19+s16+$0x0] =	vst.idx.add.s32.msk $0xffff, v4  }
0x866: {  	v19 =	vshrl.u32 v38, $0x14;
	v38 =	vshrl.u32 v40, $0x14;
	v17 =	vmul.f32 v17, v6;
	v18 =	vpop (erf)  }
.Ltmp65:
0x867: {  	v9 =	vxor.u32 v9, v21;
	v27 =	vxor.u32 v10, v35;
	v18 =	vmul.f32 v18, v6;
	(pc) =	sbr.rel @p0 .LBB2_110-.Ltmp65, $4  }
0x868: {  	v29 =	vxor.u32 v11, v29;
	v11 =	vxor.u32 v23, v22;
	v28 =	vxor.u32 v25, v24  }
0x869: {  	v26 =	vxor.u32 v30, v33;
	v25 =	vand.u32 $0xFF0, v20;
	v10 =	vxor.u32 v31, v34  }
0x86a: {  	v23 =	vand.u32 $0xFF0, v32;
	v22 =	vand.u32 $0xFF0, v39;
	v24 =	vand.u32 $0xFF0, v36  }
0x86b: {  	s4 =	sadd.s32 $0x200, s4;
	v21 =	vand.u32 $0xFF0, v37;
	v20 =	vand.u32 $0xFF0, v19;
	v19 =	vand.u32 $0xFF0, v38  }
0x86c: {  	vm0 =	vlt.s32 v9, v8  }
0x86d: {  	vm1 =	vlt.s32 v27, v8;
	v6 =	vsel vm0, $0x0, v12  }
0x86e: {  	vm11 =	vlt.s32 v29, v8;
	v7 =	vsel vm1, $0x0, v14;
	[tilespmem:s28+$0x16000] =	vst v6  }
0x86f: {  	vm12 =	vlt.s32 v28, v8;
	v6 =	vsel vm11, $0x0, v13;
	[tilespmem:s28+$0x16010] =	vst v7  }
0x870: {  	vm13 =	vlt.s32 v11, v8;
	v59 =	vor.u32 v3, v25;
	v7 =	vsel vm12, $0x0, v15;
	[tilespmem:s28+$0x16020] =	vst v6  }
0x871: {  	vm14 =	vlt.s32 v26, v8;
	v60 =	vor.u32 v3, v24;
	v6 =	vsel vm13, $0x0, v16;
	[tilespmem:s28+$0x16030] =	vst v7  }
0x872: {  	vm15 =	vlt.s32 v10, v8;
	v61 =	vor.u32 v3, v23;
	v7 =	vsel vm14, $0x0, v17;
	[tilespmem:s28+$0x16040] =	vst v6  }
0x873: {  	v62 =	vor.u32 v3, v22;
	v6 =	vsel vm15, $0x0, v18;
	[tilespmem:s28+$0x16050] =	vst v7  }
0x874: {  	v63 =	vor.u32 v3, v19;
	[tilespmem:s28+$0x16060] =	vst v6  }
0x875: {  	v7 =	vor.u32 v3, v21;
	[tilespmem:v59+s16+$0x0] =	vst.idx.add.s32.msk $0xffff, v4  }
0x876: {  	s25 =	sadd.s32 $0x1, s25;
	v6 =	vor.u32 v3, v20;
	[tilespmem:v60+s16+$0x0] =	vst.idx.add.s32.msk $0xffff, v4  }
0x877: {  	p0 =	sne.s32 s25, $0x10;
	[tilespmem:v61+s16+$0x0] =	vst.idx.add.s32.msk $0xffff, v4  }
.Ltmp66:
0x878: {  	[tilespmem:v62+s16+$0x0] =	vst.idx.add.s32.msk $0xffff, v4;
	(pc) =	sbr.rel @p0 .LBB2_6-.Ltmp66, $4  }
.Ltmp67:
0x879: {  	[tilespmem:v63+s16+$0x0] =	vst.idx.add.s32.msk $0xffff, v4;
	(pc) =	sbr.rel @!p0 .LBB2_112-.Ltmp67, $4  }
0x87a: {  	[tilespmem:v7+s16+$0x0] =	vst.idx.add.s32.msk $0xffff, v4  }
0x87b: {  	s0 =	sadd.s32 s26, s11;
	[tilespmem:v6+s16+$0x0] =	vst.idx.add.s32.msk $0xffff, v4  }
0x87c: {  	[hbm4b:s0+s13] =	stream.strided.scatter [tilespmem:s22], [sflag:$0x3], $0x2000, s14, s13, $0x38;
	[tilespmem:$0x1A080] =	vst v63  }
0x87d: {  	_ = 	snop  }
.LBB2_17:
.Ltmp68:
0x87e: {  	(pc) =	sbr.rel .LBB2_22-.Ltmp68, $2  }
0x87f: {  	_ =	sdelay $0x2  }
0x880: {  	_ = 	snop  }
.LBB2_15:
.Ltmp69:
0x881: {  	(pc) =	sbr.rel .LBB2_27-.Ltmp69, $2  }
0x882: {  	_ =	sdelay $0x2  }
0x883: {  	_ = 	snop  }
.LBB2_37:
.Ltmp70:
0x884: {  	(pc) =	sbr.rel .LBB2_42-.Ltmp70, $2  }
0x885: {  	_ =	sdelay $0x2  }
0x886: {  	_ = 	snop  }
.LBB2_35:
.Ltmp71:
0x887: {  	(pc) =	sbr.rel .LBB2_47-.Ltmp71, $2  }
0x888: {  	_ =	sdelay $0x2  }
0x889: {  	s6 =	simm.s32 $0x0  }
.LBB2_48:
.Ltmp72:
0x88a: {  	(pc) =	sbr.rel .LBB2_73-.Ltmp72, $2  }
0x88b: {  	_ =	sdelay $0x2  }
0x88c: {  	v12 =	vmov v10;
	s3 =	simm.s32 $0x0;
	v14 =	vimm.f32 $0.0e+00  }
.LBB2_64:
.Ltmp73:
0x88d: {  	(pc) =	sbr.rel .LBB2_78-.Ltmp73, $2  }
0x88e: {  	_ =	sdelay $0x2  }
0x88f: {  	_ = 	snop  }
.LBB2_88:
.Ltmp74:
0x890: {  	(pc) =	sbr.rel .LBB2_93-.Ltmp74, $2  }
0x891: {  	_ =	sdelay $0x2  }
0x892: {  	_ = 	snop  }
.LBB2_86:
.Ltmp75:
0x893: {  	(pc) =	sbr.rel .LBB2_98-.Ltmp75, $2  }
0x894: {  	_ =	sdelay $0x2  }
0x895: {  	_ = 	snop  }
.LBB2_115:
.Ltmp76:
0x896: {  	(pc) =	sbr.rel .LBB2_120-.Ltmp76, $2  }
0x897: {  	_ =	sdelay $0x2  }
0x898: {  	s6 =	simm.s32 $0x0  }
.LBB2_121:
.Ltmp77:
0x899: {  	(pc) =	sbr.rel .LBB2_130-.Ltmp77, $2  }
0x89a: {  	_ =	sdelay $0x2  }
0x89b: {  	v13 =	vmov v11;
	s0 =	simm.s32 $0x0;
	v15 =	vimm.f32 $0.0e+00  }
.LBB2_19:
.Ltmp78:
0x89c: {  	(pc) =	sbr.rel .LBB2_22-.Ltmp78, $2  }
0x89d: {  	_ =	sdelay $0x2  }
0x89e: {  	v12 =	vmov v9  }
.LBB2_24:
.Ltmp79:
0x89f: {  	(pc) =	sbr.rel .LBB2_27-.Ltmp79, $2  }
0x8a0: {  	_ =	sdelay $0x2  }
0x8a1: {  	v12 =	vmov v9  }
.LBB2_39:
.Ltmp80:
0x8a2: {  	(pc) =	sbr.rel .LBB2_42-.Ltmp80, $2  }
0x8a3: {  	_ =	sdelay $0x2  }
0x8a4: {  	v12 =	vmov v9  }
.LBB2_44:
.Ltmp81:
0x8a5: {  	(pc) =	sbr.rel .LBB2_47-.Ltmp81, $2  }
0x8a6: {  	_ =	sdelay $0x2  }
0x8a7: {  	s6 =	simm.s32 $0x0;
	v9 =	vmov v7  }
.LBB2_66:
.Ltmp82:
0x8a8: {  	(pc) =	sbr.rel .LBB2_73-.Ltmp82, $2  }
0x8a9: {  	_ =	sdelay $0x2  }
0x8aa: {  	v12 =	vmovc v11;
	v11 =	vmov v10;
	v16 =	vmov v14;
	s3 =	simm.s32 $0x0;
	v14 =	vimm.f32 $0.0e+00  }
.LBB2_75:
.Ltmp83:
0x8ab: {  	(pc) =	sbr.rel .LBB2_78-.Ltmp83, $2  }
0x8ac: {  	_ =	sdelay $0x2  }
0x8ad: {  	v12 =	vmov v9  }
.LBB2_90:
.Ltmp84:
0x8ae: {  	(pc) =	sbr.rel .LBB2_93-.Ltmp84, $2  }
0x8af: {  	_ =	sdelay $0x2  }
0x8b0: {  	v12 =	vmov v9  }
.LBB2_95:
.Ltmp85:
0x8b1: {  	(pc) =	sbr.rel .LBB2_98-.Ltmp85, $2  }
0x8b2: {  	_ =	sdelay $0x2  }
0x8b3: {  	v12 =	vmov v9  }
.LBB2_117:
.Ltmp86:
0x8b4: {  	(pc) =	sbr.rel .LBB2_120-.Ltmp86, $2  }
0x8b5: {  	_ =	sdelay $0x2  }
0x8b6: {  	s6 =	simm.s32 $0x0;
	v9 =	vmov v8  }
.LBB2_123:
.Ltmp87:
0x8b7: {  	(pc) =	sbr.rel .LBB2_130-.Ltmp87, $2  }
0x8b8: {  	_ =	sdelay $0x2  }
0x8b9: {  	v13 =	vmovc v12;
	v12 =	vmov v11;
	v17 =	vmov v15;
	s0 =	simm.s32 $0x0;
	v15 =	vimm.f32 $0.0e+00  }
.LBB2_68:
.Ltmp88:
0x8ba: {  	(pc) =	sbr.rel .LBB2_73-.Ltmp88, $2  }
0x8bb: {  	_ =	sdelay $0x2  }
0x8bc: {  	s3 =	simm.s32 $0x0;
	v12 =	vmov v15;
	v18 =	vmov v10;
	v14 =	vimm.f32 $0.0e+00  }
.LBB2_125:
.Ltmp89:
0x8bd: {  	(pc) =	sbr.rel .LBB2_130-.Ltmp89, $2  }
0x8be: {  	_ =	sdelay $0x2  }
0x8bf: {  	s0 =	simm.s32 $0x0;
	v13 =	vmov v16;
	v19 =	vmov v11;
	v15 =	vimm.f32 $0.0e+00  }
.LBB2_70:
.Ltmp90:
0x8c0: {  	(pc) =	sbr.rel .LBB2_73-.Ltmp90, $2  }
0x8c1: {  	_ =	sdelay $0x2  }
0x8c2: {  	v18 =	vmov v11;
	v16 =	vmov v17;
	s3 =	simm.s32 $0x0;
	v11 =	vmov v15  }
.LBB2_127:
.Ltmp91:
0x8c3: {  	(pc) =	sbr.rel .LBB2_130-.Ltmp91, $2  }
0x8c4: {  	_ =	sdelay $0x2  }
0x8c5: {  	v19 =	vmov v12;
	v17 =	vmov v18;
	s0 =	simm.s32 $0x0;
	v12 =	vmov v16  }
.LBB2_113:
0x8c6: {  	_ =	sfence.sel $0x180000  }
0x8c7: {  	[bflag:$0x0] =	sbarrier.arrive $0xFFFF  }
0x8c8: {  	_ =	strace $0x90000047  }
0x8c9: {  	s0 =	stileid.u32;
	[bflag:$0x2] =	sbarrier.arrive $0xFFFF  }
0x8ca: {  	p0 =	sne.s32 s0, $0x0;
	s0 =	rddreg [dreg:$0x2]  }
0x8cb: {  	s0 =	sadd.s32 @!p0 $0x100000, s0  }
0x8cc: {  	[sflag:s0] =	ssyncadd.tile.s32 @!p0 $0x1;
	_ =	shalt  }
.Lfunc_end2:
_tile_overlayer_lowered:
.L_overlay_start_2:
0x8cd: {  	(tag) =	ssettag $0x2  }
0x8ce: {  	s0 =	rddreg [dreg:$0x0];
	s2 =	stileid.u32  }
0x8cf: {  	s1 =	rddreg [dreg:$0x1];
	p0 =	sne.s32 s2, $0x0  }
0x8d0: {  	s3 =	rddreg [dreg:$0x2];
	[bflag:$0x3] =	sbarrier.arrive $0xFFFF;
	s2 =	simm.s32 @!p0 $0x1C04  }
0x8d1: {  	[timem:s3], [sflag:s2] =	dma.local @!p0 [hbm:s0], s1  }
0x8d2: {  	s0 =	simm.s32 @!p0 $0x4  }
0x8d3: {  	_ =	swait.ge @!p0 [sflag:s0], s1  }
0x8d4: {  	s1 =	ssub.s32 @!p0 $0x0, s1;
	[sflag:s0] =	ssyncset.done @!p0 $0x0  }
0x8d5: {  	[sflag:s0] =	ssyncadd.s32 @!p0 s1  }
0x8d6: {  	[bflag:$0x3] =	sbarrier.arrive $0xFFFF  }
0x8d7: {  	_ =	shalt  }

</sc_bundles>
